<compile_context>
chip_gen: v7x
topology: tpu7x:2x2x1
jax: 0.10.2.dev20260603
libtpu: 0.0.44.dev20260713+nightly
codegen_flags: <defaults>
</compile_context>

<pallas_src>
import functools

import jax
import jax.numpy as jnp
from jax import lax
from jax.experimental import pallas as pl
from jax.experimental.pallas import tpu as pltpu
from jax.experimental.pallas import tpu_sc as plsc

_DIM = 64
_NC, _NS, _L = 2, 16, 16
_NW = _NC * _NS
_C = 64
_NSL = 8
_ZB = 2048
_LR = 8
_LT = 4


def _body(idx_hbm, map_hbm, table_hbm, out_hbm, idx_v, smap, row_sl, rbuf,
          msem, gsem, wsem, *, nch, nrows, vocab):
    sid = lax.axis_index("s")
    wid = sid * _NC + lax.axis_index("c")

    @pl.when(sid == 0)
    def _stage_map():
        pltpu.sync_copy(map_hbm, smap)

    pltpu.sync_copy(idx_hbm.at[wid], idx_v)
    plsc.subcore_barrier()

    lanes = lax.iota(jnp.int32, _L)

    def remap_fire(j, slot):
        for k in range(_C // _L):
            v = idx_v[j, pl.ds(k * _L, _L)]
            idx_v[j, pl.ds(k * _L, _L)] = jnp.minimum(
                jnp.maximum(v, 0), vocab)
        pltpu.make_async_copy(
            smap.at[idx_v.at[j]], row_sl.at[slot], msem.at[slot]).start()

    def remap_wait(j, slot):
        pltpu.make_async_copy(
            smap.at[idx_v.at[j]], row_sl.at[slot], msem.at[slot]).wait()
        for k in range(_C // _L):
            r = row_sl[slot, pl.ds(k * _L, _L)]
            spread = jnp.bitwise_and(
                j * _C + k * _L + lanes + wid * 997, _ZB - 1)
            row_sl[slot, pl.ds(k * _L, _L)] = jnp.where(
                r == nrows, nrows + 1 + spread, r)

    def g_copy(slot):
        return pltpu.make_async_copy(
            table_hbm.at[row_sl.at[slot]], rbuf.at[slot], gsem.at[slot])

    def w_copy(j, slot):
        return pltpu.make_async_copy(
            rbuf.at[slot], out_hbm.at[pl.ds((wid * nch + j) * _C, _C)],
            wsem.at[slot])

    for c in range(_LR):
        remap_fire(c, c % _NSL)
    for c in range(_LT):
        remap_wait(c, c % _NSL)
        g_copy(c % _NSL).start()

    def main(g, carry):
        j0 = g * _NSL
        for b in range(_NSL):
            j = j0 + b
            g_copy(b).wait()
            w_copy(j, b).start()

            jt = j + _LT

            @pl.when(jt < nch)
            def _advance():
                remap_wait(jt, (b + _LT) % _NSL)

                @pl.when(j >= _LT)
                def _retire():
                    w_copy(j - _LT, (b - _LT) % _NSL).wait()

                g_copy((b + _LT) % _NSL).start()

            jr = j + _LR

            @pl.when(jr < nch)
            def _refire():
                remap_fire(jr, (b + _LR) % _NSL)

        return carry

    lax.fori_loop(0, nch // _NSL, main, 0)

    for i in range(2 * _LT):
        j = nch - 2 * _LT + i
        w_copy(j, j % _NSL).wait()


@functools.partial(jax.jit, static_argnames=("nch", "nrows", "vocab"))
def _lookup(idx, map1, table, *, nch, nrows, vocab):
    n = _NW * nch * _C
    body = functools.partial(_body, nch=nch, nrows=nrows, vocab=vocab)
    return pl.kernel(
        body,
        out_type=jax.ShapeDtypeStruct((n, _DIM), jnp.float32),
        mesh=plsc.VectorSubcoreMesh(
            core_axis_name="c", subcore_axis_name="s",
            num_cores=_NC, num_subcores=_NS),
        scratch_types=[
            pltpu.VMEM((nch, _C), jnp.int32),
            pltpu.VMEM_SHARED(map1.shape, jnp.int32),
            pltpu.VMEM((_NSL, _C), jnp.int32),
            pltpu.VMEM((_NSL, _C, _DIM), jnp.float32),
            pltpu.SemaphoreType.DMA((_NSL,)),
            pltpu.SemaphoreType.DMA((_NSL,)),
            pltpu.SemaphoreType.DMA((_NSL,)),
        ],
        compiler_params=pltpu.CompilerParams(
            use_tc_tiling_on_sc=False, needs_layout_passes=False),
    )(idx, map1, table)


def kernel(index, table, index_map):
    b, f = index.shape
    n = b * f
    nch = n // (_NW * _C)
    assert nch * _NW * _C == n and nch % _NSL == 0
    idx = index.reshape(_NW, nch, _C)
    map1 = index_map
    tab = jnp.concatenate([table, jnp.zeros((_ZB, table.shape[1]),
                                            table.dtype)])
    out = _lookup(idx, map1, tab, nch=nch, nrows=table.shape[0] - 1,
                  vocab=index_map.shape[0] - 1)
    return out.reshape(b, f, _DIM)

# --- scband reference (transcript-rebuilt; emitter-appended) ---
"""Pipeline reference for scband-sparse-embedding-6305011990813 (READ-ONLY COPY).

The authoritative reference and input builder live on the scoring server;
editing this copy changes nothing except your own understanding.
"""

import jax, jax.numpy as jnp
import numpy as np

VOCAB_EXT = 1000000   # external id space; keys 0..VOCAB_EXT-1, so max_index = VOCAB_EXT
NUM_ROWS = 100000     # rows in the pretrained embedding table (before zero-row append)
DIM = 64
BATCH = 16384
FIELDS = 26
DEFAULT_ROW = NUM_ROWS  # appended all-zero row used for unmapped / out-of-range ids


def setup_inputs(seed: int = 0) -> dict:
    key = jax.random.key(seed)
    k1, k2, k3, k4 = jax.random.split(key, 4)
    # pretrained embeddings + appended zero row (matches torch.cat([emb, zeros(1, D)]))
    table = jax.random.normal(k1, (NUM_ROWS, DIM), dtype=jnp.float32) * 0.02
    table = jnp.concatenate([table, jnp.zeros((1, DIM), dtype=jnp.float32)], axis=0)
    # index_map: length max_index + 1 = VOCAB_EXT + 1; ~90% of keys mapped to a real
    # row, the rest point at the default (zero) row, mimicking the sparse dict init.
    rows = jax.random.randint(k2, (VOCAB_EXT + 1,), 0, NUM_ROWS, dtype=jnp.int32)
    unmapped = jax.random.uniform(k3, (VOCAB_EXT + 1,)) < 0.1
    index_map = jnp.where(unmapped, jnp.int32(DEFAULT_ROW), rows).astype(jnp.int32)
    # forward arg: raw external ids (may exceed max_index; clip handles it)
    index = jax.random.randint(k4, (BATCH, FIELDS), 0, VOCAB_EXT + 1, dtype=jnp.int32)
    return {"index": index, "table": table, "index_map": index_map}


def reference(index, table, index_map):
    # new_index = torch.clip(index, 0, self.max_index)
    new_index = jnp.clip(index, 0, VOCAB_EXT)
    # new_index = self.index_map[new_index]   (gather #1: id remap)
    new_index = jnp.take(index_map, new_index, axis=0)
    # return self.embeddings(new_index)       (gather #2: table lookup)
    return jnp.take(table, new_index, axis=0)

if __name__ == "__main__":
    import jax
    _d = setup_inputs()
    print(jax.jit(kernel)(*tuple(_d.values())))

</pallas_src>

<mosaic_0001>
#map = affine_map<(d0, d1) -> (0, 0, 0)>
#map1 = affine_map<(d0, d1) -> (0)>
#map2 = affine_map<(d0, d1) -> (0, 0)>
module attributes {stable_mosaic.version = 14 : i64} {
  func.func @_body(%arg0: i32, %arg1: i32, %arg2: memref<32x208x64xi32, #tpu.memory_space<hbm>>, %arg3: memref<1000001xi32, #tpu.memory_space<hbm>>, %arg4: memref<102049x64xf32, #tpu.memory_space<hbm>>, %arg5: memref<425984x64xf32, #tpu.memory_space<hbm>>, %arg6: memref<208x64xi32, #tpu.memory_space<vmem>>, %arg7: memref<1000001xi32, #tpu.memory_space<vmem_shared>>, %arg8: memref<8x64xi32, #tpu.memory_space<vmem>>, %arg9: memref<8x64x64xf32, #tpu.memory_space<vmem>>, %arg10: memref<8x!tpu.dma_semaphore, #tpu.memory_space<semaphore_mem>>, %arg11: memref<8x!tpu.dma_semaphore, #tpu.memory_space<semaphore_mem>>, %arg12: memref<8x!tpu.dma_semaphore, #tpu.memory_space<semaphore_mem>>) attributes {dimension_semantics = [#tpu.dimension_semantics<core_parallel>, #tpu.dimension_semantics<subcore_parallel>], iteration_bounds = array<i64: 2, 16>, scalar_prefetch = 0 : i64, scratch_operands = 7 : i64, tpu.core_type = #tpu.core_type<sc_vector_subcore>, window_params = [{transform_indices = #map}, {transform_indices = #map1}, {transform_indices = #map2}, {transform_indices = #map2}]} {
    %mul3A = arith.constant 2 : i32
    %mul3A_0 = arith.muli %arg1, %mul3A : i32
    %add3A = arith.addi %mul3A_0, %arg0 : i32
    %eq3A = arith.constant 0 : i32
    %eq3A_1 = arith.cmpi eq, %arg1, %eq3A : i32
    %convert_element_type3A = arith.extui %eq3A_1 : i1 to i32
    %cond3A = arith.constant 0 : i32
    %cond3A_2 = arith.cmpi ne, %convert_element_type3A, %cond3A : i32
    scf.if %cond3A_2 {
      "tpu.region"() ({
        %run_scoped3A = tpu.sem_alloc : memref<!tpu.dma_semaphore, #tpu.memory_space<semaphore_mem>>
        tpu.enqueue_dma source(%arg3 : memref<1000001xi32, #tpu.memory_space<hbm>>) target(%arg7 : memref<1000001xi32, #tpu.memory_space<vmem_shared>>) target_semaphore(%run_scoped3A : memref<!tpu.dma_semaphore, #tpu.memory_space<semaphore_mem>>)
        tpu.wait_dma2 semaphore(%run_scoped3A : memref<!tpu.dma_semaphore, #tpu.memory_space<semaphore_mem>>) src(%arg3 : memref<1000001xi32, #tpu.memory_space<hbm>>) dst(%arg7 : memref<1000001xi32, #tpu.memory_space<vmem_shared>>)
        tpu.yield
      }) : () -> ()
    } else {
    }
    "tpu.region"() ({
      %run_scoped3A = tpu.sem_alloc : memref<!tpu.dma_semaphore, #tpu.memory_space<semaphore_mem>>
      %dma_start3A_1240 = arith.constant 0 : i32
      %dma_start3A_1241 = arith.constant 0 : i32
      %dma_start3A_1242 = tpu.memref_slice %arg2[%add3A, %dma_start3A_1240, %dma_start3A_1241] : memref<32x208x64xi32, #tpu.memory_space<hbm>> -> memref<1x208x64xi32, #tpu.memory_space<hbm>>
      %dma_start3A_1243 = tpu.memref_squeeze %dma_start3A_1242 : memref<1x208x64xi32, #tpu.memory_space<hbm>> -> memref<208x64xi32, #tpu.memory_space<hbm>>
      %dma_start3A_1244 = arith.constant 0 : i32
      %dma_start3A_1245 = arith.constant 0 : i32
      %dma_start3A_1246 = tpu.memref_slice %arg2[%add3A, %dma_start3A_1244, %dma_start3A_1245] : memref<32x208x64xi32, #tpu.memory_space<hbm>> -> memref<1x208x64xi32, #tpu.memory_space<hbm>>
      %dma_start3A_1247 = tpu.memref_squeeze %dma_start3A_1246 : memref<1x208x64xi32, #tpu.memory_space<hbm>> -> memref<208x64xi32, #tpu.memory_space<hbm>>
      tpu.enqueue_dma source(%dma_start3A_1247 : memref<208x64xi32, #tpu.memory_space<hbm>>) target(%arg6 : memref<208x64xi32, #tpu.memory_space<vmem>>) target_semaphore(%run_scoped3A : memref<!tpu.dma_semaphore, #tpu.memory_space<semaphore_mem>>)
      %dma_wait3A_1248 = arith.constant 0 : i32
      %dma_wait3A_1249 = arith.constant 0 : i32
      %dma_wait3A_1250 = tpu.memref_slice %arg2[%add3A, %dma_wait3A_1248, %dma_wait3A_1249] : memref<32x208x64xi32, #tpu.memory_space<hbm>> -> memref<1x208x64xi32, #tpu.memory_space<hbm>>
      %dma_wait3A_1251 = tpu.memref_squeeze %dma_wait3A_1250 : memref<1x208x64xi32, #tpu.memory_space<hbm>> -> memref<208x64xi32, #tpu.memory_space<hbm>>
      %dma_wait3A_1252 = arith.constant 0 : i32
      %dma_wait3A_1253 = arith.constant 0 : i32
      %dma_wait3A_1254 = tpu.memref_slice %arg2[%add3A, %dma_wait3A_1252, %dma_wait3A_1253] : memref<32x208x64xi32, #tpu.memory_space<hbm>> -> memref<1x208x64xi32, #tpu.memory_space<hbm>>
      %dma_wait3A_1255 = tpu.memref_squeeze %dma_wait3A_1254 : memref<1x208x64xi32, #tpu.memory_space<hbm>> -> memref<208x64xi32, #tpu.memory_space<hbm>>
      tpu.wait_dma2 semaphore(%run_scoped3A : memref<!tpu.dma_semaphore, #tpu.memory_space<semaphore_mem>>) src(%dma_wait3A_1255 : memref<208x64xi32, #tpu.memory_space<hbm>>) dst(%arg6 : memref<208x64xi32, #tpu.memory_space<vmem>>)
      tpu.yield
    }) : () -> ()
    %barrier3A = arith.constant 0 : index
    tpu.barrier barrier_id(%barrier3A)
    %iota3A = tpu.iota {dimensions = array<i32: 0>} : vector<16xi32>
    %get3A = arith.constant 0 : i32
    %get3A_3 = arith.index_cast %get3A : i32 to index
    %get3A_4 = arith.constant 0 : index
    %get3A_5 = tpu.vector_load %arg6[%get3A_3, %get3A_4] {strides = array<i32>} : memref<208x64xi32, #tpu.memory_space<vmem>>, vector<16xi32>,
    %max3A = arith.constant 0 : i32
    %max3A_6 = vector.broadcast %max3A : i32 to vector<16xi32>
    %max3A_7 = arith.maxsi %get3A_5, %max3A_6 : vector<16xi32>
    %min3A = arith.constant 1000000 : i32
    %min3A_8 = vector.broadcast %min3A : i32 to vector<16xi32>
    %min3A_9 = arith.minsi %max3A_7, %min3A_8 : vector<16xi32>
    %swap3A = arith.constant 0 : i32
    %swap3A_10 = arith.index_cast %swap3A : i32 to index
    %swap3A_11 = arith.constant 0 : index
    %swap3A_12 = tpu.vector_load %arg6[%swap3A_10, %swap3A_11] {strides = array<i32>} : memref<208x64xi32, #tpu.memory_space<vmem>>, vector<16xi32>,
    tpu.vector_store %arg6[%swap3A_10, %swap3A_11], %min3A_9 {strides = array<i32>} : memref<208x64xi32, #tpu.memory_space<vmem>>, vector<16xi32>,
    %get3A_13 = arith.constant 0 : i32
    %get3A_14 = arith.index_cast %get3A_13 : i32 to index
    %get3A_15 = arith.constant 16 : index
    %get3A_16 = tpu.vector_load %arg6[%get3A_14, %get3A_15] {strides = array<i32>} : memref<208x64xi32, #tpu.memory_space<vmem>>, vector<16xi32>,
    %max3A_17 = arith.constant 0 : i32
    %max3A_18 = vector.broadcast %max3A_17 : i32 to vector<16xi32>
    %max3A_19 = arith.maxsi %get3A_16, %max3A_18 : vector<16xi32>
    %min3A_20 = arith.constant 1000000 : i32
    %min3A_21 = vector.broadcast %min3A_20 : i32 to vector<16xi32>
    %min3A_22 = arith.minsi %max3A_19, %min3A_21 : vector<16xi32>
    %swap3A_23 = arith.constant 0 : i32
    %swap3A_24 = arith.index_cast %swap3A_23 : i32 to index
    %swap3A_25 = arith.constant 16 : index
    %swap3A_26 = tpu.vector_load %arg6[%swap3A_24, %swap3A_25] {strides = array<i32>} : memref<208x64xi32, #tpu.memory_space<vmem>>, vector<16xi32>,
    tpu.vector_store %arg6[%swap3A_24, %swap3A_25], %min3A_22 {strides = array<i32>} : memref<208x64xi32, #tpu.memory_space<vmem>>, vector<16xi32>,
    %get3A_27 = arith.constant 0 : i32
    %get3A_28 = arith.index_cast %get3A_27 : i32 to index
    %get3A_29 = arith.constant 32 : index
    %get3A_30 = tpu.vector_load %arg6[%get3A_28, %get3A_29] {strides = array<i32>} : memref<208x64xi32, #tpu.memory_space<vmem>>, vector<16xi32>,
    %max3A_31 = arith.constant 0 : i32
    %max3A_32 = vector.broadcast %max3A_31 : i32 to vector<16xi32>
    %max3A_33 = arith.maxsi %get3A_30, %max3A_32 : vector<16xi32>
    %min3A_34 = arith.constant 1000000 : i32
    %min3A_35 = vector.broadcast %min3A_34 : i32 to vector<16xi32>
    %min3A_36 = arith.minsi %max3A_33, %min3A_35 : vector<16xi32>
    %swap3A_37 = arith.constant 0 : i32
    %swap3A_38 = arith.index_cast %swap3A_37 : i32 to index
    %swap3A_39 = arith.constant 32 : index
    %swap3A_40 = tpu.vector_load %arg6[%swap3A_38, %swap3A_39] {strides = array<i32>} : memref<208x64xi32, #tpu.memory_space<vmem>>, vector<16xi32>,
    tpu.vector_store %arg6[%swap3A_38, %swap3A_39], %min3A_36 {strides = array<i32>} : memref<208x64xi32, #tpu.memory_space<vmem>>, vector<16xi32>,
    %get3A_41 = arith.constant 0 : i32
    %get3A_42 = arith.index_cast %get3A_41 : i32 to index
    %get3A_43 = arith.constant 48 : index
    %get3A_44 = tpu.vector_load %arg6[%get3A_42, %get3A_43] {strides = array<i32>} : memref<208x64xi32, #tpu.memory_space<vmem>>, vector<16xi32>,
    %max3A_45 = arith.constant 0 : i32
    %max3A_46 = vector.broadcast %max3A_45 : i32 to vector<16xi32>
    %max3A_47 = arith.maxsi %get3A_44, %max3A_46 : vector<16xi32>
    %min3A_48 = arith.constant 1000000 : i32
    %min3A_49 = vector.broadcast %min3A_48 : i32 to vector<16xi32>
    %min3A_50 = arith.minsi %max3A_47, %min3A_49 : vector<16xi32>
    %swap3A_51 = arith.constant 0 : i32
    %swap3A_52 = arith.index_cast %swap3A_51 : i32 to index
    %swap3A_53 = arith.constant 48 : index
    %swap3A_54 = tpu.vector_load %arg6[%swap3A_52, %swap3A_53] {strides = array<i32>} : memref<208x64xi32, #tpu.memory_space<vmem>>, vector<16xi32>,
    tpu.vector_store %arg6[%swap3A_52, %swap3A_53], %min3A_50 {strides = array<i32>} : memref<208x64xi32, #tpu.memory_space<vmem>>, vector<16xi32>,
    %dma_start3A = arith.constant 0 : i32
    %dma_start3A_55 = arith.constant 0 : i32
    %dma_start3A_56 = arith.constant 0 : i32
    %dma_start3A_57 = arith.constant 0 : i32
    %dma_start3A_58 = tpu.memref_slice %arg8[%dma_start3A_55, %dma_start3A_57] : memref<8x64xi32, #tpu.memory_space<vmem>> -> memref<1x64xi32, #tpu.memory_space<vmem>>
    %dma_start3A_59 = tpu.memref_squeeze %dma_start3A_58 : memref<1x64xi32, #tpu.memory_space<vmem>> -> memref<64xi32, #tpu.memory_space<vmem>>
    %dma_start3A_60 = arith.constant 0 : i32
    %dma_start3A_61 = tpu.memref_slice %arg6[%dma_start3A, %dma_start3A_60] : memref<208x64xi32, #tpu.memory_space<vmem>> -> memref<1x64xi32, #tpu.memory_space<vmem>>
    %dma_start3A_62 = tpu.memref_squeeze %dma_start3A_61 : memref<1x64xi32, #tpu.memory_space<vmem>> -> memref<64xi32, #tpu.memory_space<vmem>>
    %dma_start3A_63 = arith.constant 0 : i32
    %dma_start3A_64 = tpu.memref_slice %arg7[%dma_start3A_63] : memref<1000001xi32, #tpu.memory_space<vmem_shared>> -> memref<1000001xi32, #tpu.memory_space<vmem_shared>>
    %dma_start3A_65 = tpu.memref_slice %arg10[%dma_start3A_56] : memref<8x!tpu.dma_semaphore, #tpu.memory_space<semaphore_mem>> -> memref<1x!tpu.dma_semaphore, #tpu.memory_space<semaphore_mem>>
    %dma_start3A_66 = tpu.memref_squeeze %dma_start3A_65 : memref<1x!tpu.dma_semaphore, #tpu.memory_space<semaphore_mem>> -> memref<!tpu.dma_semaphore, #tpu.memory_space<semaphore_mem>>
    tpu.enqueue_indirect_dma source(%dma_start3A_64 : memref<1000001xi32, #tpu.memory_space<vmem_shared>>) target(%dma_start3A_59 : memref<64xi32, #tpu.memory_space<vmem>>) offsets(%dma_start3A_62 : memref<64xi32, #tpu.memory_space<vmem>>) semaphore(%dma_start3A_66 : memref<!tpu.dma_semaphore, #tpu.memory_space<semaphore_mem>>)
    %get3A_67 = arith.constant 1 : i32
    %get3A_68 = arith.index_cast %get3A_67 : i32 to index
    %get3A_69 = arith.constant 0 : index
    %get3A_70 = tpu.vector_load %arg6[%get3A_68, %get3A_69] {strides = array<i32>} : memref<208x64xi32, #tpu.memory_space<vmem>>, vector<16xi32>,
    %max3A_71 = arith.constant 0 : i32
    %max3A_72 = vector.broadcast %max3A_71 : i32 to vector<16xi32>
    %max3A_73 = arith.maxsi %get3A_70, %max3A_72 : vector<16xi32>
    %min3A_74 = arith.constant 1000000 : i32
    %min3A_75 = vector.broadcast %min3A_74 : i32 to vector<16xi32>
    %min3A_76 = arith.minsi %max3A_73, %min3A_75 : vector<16xi32>
    %swap3A_77 = arith.constant 1 : i32
    %swap3A_78 = arith.index_cast %swap3A_77 : i32 to index
    %swap3A_79 = arith.constant 0 : index
    %swap3A_80 = tpu.vector_load %arg6[%swap3A_78, %swap3A_79] {strides = array<i32>} : memref<208x64xi32, #tpu.memory_space<vmem>>, vector<16xi32>,
    tpu.vector_store %arg6[%swap3A_78, %swap3A_79], %min3A_76 {strides = array<i32>} : memref<208x64xi32, #tpu.memory_space<vmem>>, vector<16xi32>,
    %get3A_81 = arith.constant 1 : i32
    %get3A_82 = arith.index_cast %get3A_81 : i32 to index
    %get3A_83 = arith.constant 16 : index
    %get3A_84 = tpu.vector_load %arg6[%get3A_82, %get3A_83] {strides = array<i32>} : memref<208x64xi32, #tpu.memory_space<vmem>>, vector<16xi32>,
    %max3A_85 = arith.constant 0 : i32
    %max3A_86 = vector.broadcast %max3A_85 : i32 to vector<16xi32>
    %max3A_87 = arith.maxsi %get3A_84, %max3A_86 : vector<16xi32>
    %min3A_88 = arith.constant 1000000 : i32
    %min3A_89 = vector.broadcast %min3A_88 : i32 to vector<16xi32>
    %min3A_90 = arith.minsi %max3A_87, %min3A_89 : vector<16xi32>
    %swap3A_91 = arith.constant 1 : i32
    %swap3A_92 = arith.index_cast %swap3A_91 : i32 to index
    %swap3A_93 = arith.constant 16 : index
    %swap3A_94 = tpu.vector_load %arg6[%swap3A_92, %swap3A_93] {strides = array<i32>} : memref<208x64xi32, #tpu.memory_space<vmem>>, vector<16xi32>,
    tpu.vector_store %arg6[%swap3A_92, %swap3A_93], %min3A_90 {strides = array<i32>} : memref<208x64xi32, #tpu.memory_space<vmem>>, vector<16xi32>,
    %get3A_95 = arith.constant 1 : i32
    %get3A_96 = arith.index_cast %get3A_95 : i32 to index
    %get3A_97 = arith.constant 32 : index
    %get3A_98 = tpu.vector_load %arg6[%get3A_96, %get3A_97] {strides = array<i32>} : memref<208x64xi32, #tpu.memory_space<vmem>>, vector<16xi32>,
    %max3A_99 = arith.constant 0 : i32
    %max3A_100 = vector.broadcast %max3A_99 : i32 to vector<16xi32>
    %max3A_101 = arith.maxsi %get3A_98, %max3A_100 : vector<16xi32>
    %min3A_102 = arith.constant 1000000 : i32
    %min3A_103 = vector.broadcast %min3A_102 : i32 to vector<16xi32>
    %min3A_104 = arith.minsi %max3A_101, %min3A_103 : vector<16xi32>
    %swap3A_105 = arith.constant 1 : i32
    %swap3A_106 = arith.index_cast %swap3A_105 : i32 to index
    %swap3A_107 = arith.constant 32 : index
    %swap3A_108 = tpu.vector_load %arg6[%swap3A_106, %swap3A_107] {strides = array<i32>} : memref<208x64xi32, #tpu.memory_space<vmem>>, vector<16xi32>,
    tpu.vector_store %arg6[%swap3A_106, %swap3A_107], %min3A_104 {strides = array<i32>} : memref<208x64xi32, #tpu.memory_space<vmem>>, vector<16xi32>,
    %get3A_109 = arith.constant 1 : i32
    %get3A_110 = arith.index_cast %get3A_109 : i32 to index
    %get3A_111 = arith.constant 48 : index
    %get3A_112 = tpu.vector_load %arg6[%get3A_110, %get3A_111] {strides = array<i32>} : memref<208x64xi32, #tpu.memory_space<vmem>>, vector<16xi32>,
    %max3A_113 = arith.constant 0 : i32
    %max3A_114 = vector.broadcast %max3A_113 : i32 to vector<16xi32>
    %max3A_115 = arith.maxsi %get3A_112, %max3A_114 : vector<16xi32>
    %min3A_116 = arith.constant 1000000 : i32
    %min3A_117 = vector.broadcast %min3A_116 : i32 to vector<16xi32>
    %min3A_118 = arith.minsi %max3A_115, %min3A_117 : vector<16xi32>
    %swap3A_119 = arith.constant 1 : i32
    %swap3A_120 = arith.index_cast %swap3A_119 : i32 to index
    %swap3A_121 = arith.constant 48 : index
    %swap3A_122 = tpu.vector_load %arg6[%swap3A_120, %swap3A_121] {strides = array<i32>} : memref<208x64xi32, #tpu.memory_space<vmem>>, vector<16xi32>,
    tpu.vector_store %arg6[%swap3A_120, %swap3A_121], %min3A_118 {strides = array<i32>} : memref<208x64xi32, #tpu.memory_space<vmem>>, vector<16xi32>,
    %dma_start3A_123 = arith.constant 1 : i32
    %dma_start3A_124 = arith.constant 1 : i32
    %dma_start3A_125 = arith.constant 1 : i32
    %dma_start3A_126 = arith.constant 0 : i32
    %dma_start3A_127 = tpu.memref_slice %arg8[%dma_start3A_124, %dma_start3A_126] : memref<8x64xi32, #tpu.memory_space<vmem>> -> memref<1x64xi32, #tpu.memory_space<vmem>>
    %dma_start3A_128 = tpu.memref_squeeze %dma_start3A_127 : memref<1x64xi32, #tpu.memory_space<vmem>> -> memref<64xi32, #tpu.memory_space<vmem>>
    %dma_start3A_129 = arith.constant 0 : i32
    %dma_start3A_130 = tpu.memref_slice %arg6[%dma_start3A_123, %dma_start3A_129] : memref<208x64xi32, #tpu.memory_space<vmem>> -> memref<1x64xi32, #tpu.memory_space<vmem>>
    %dma_start3A_131 = tpu.memref_squeeze %dma_start3A_130 : memref<1x64xi32, #tpu.memory_space<vmem>> -> memref<64xi32, #tpu.memory_space<vmem>>
    %dma_start3A_132 = arith.constant 0 : i32
    %dma_start3A_133 = tpu.memref_slice %arg7[%dma_start3A_132] : memref<1000001xi32, #tpu.memory_space<vmem_shared>> -> memref<1000001xi32, #tpu.memory_space<vmem_shared>>
    %dma_start3A_134 = tpu.memref_slice %arg10[%dma_start3A_125] : memref<8x!tpu.dma_semaphore, #tpu.memory_space<semaphore_mem>> -> memref<1x!tpu.dma_semaphore, #tpu.memory_space<semaphore_mem>>
    %dma_start3A_135 = tpu.memref_squeeze %dma_start3A_134 : memref<1x!tpu.dma_semaphore, #tpu.memory_space<semaphore_mem>> -> memref<!tpu.dma_semaphore, #tpu.memory_space<semaphore_mem>>
    tpu.enqueue_indirect_dma source(%dma_start3A_133 : memref<1000001xi32, #tpu.memory_space<vmem_shared>>) target(%dma_start3A_128 : memref<64xi32, #tpu.memory_space<vmem>>) offsets(%dma_start3A_131 : memref<64xi32, #tpu.memory_space<vmem>>) semaphore(%dma_start3A_135 : memref<!tpu.dma_semaphore, #tpu.memory_space<semaphore_mem>>)
    %get3A_136 = arith.constant 2 : i32
    %get3A_137 = arith.index_cast %get3A_136 : i32 to index
    %get3A_138 = arith.constant 0 : index
    %get3A_139 = tpu.vector_load %arg6[%get3A_137, %get3A_138] {strides = array<i32>} : memref<208x64xi32, #tpu.memory_space<vmem>>, vector<16xi32>,
    %max3A_140 = arith.constant 0 : i32
    %max3A_141 = vector.broadcast %max3A_140 : i32 to vector<16xi32>
    %max3A_142 = arith.maxsi %get3A_139, %max3A_141 : vector<16xi32>
    %min3A_143 = arith.constant 1000000 : i32
    %min3A_144 = vector.broadcast %min3A_143 : i32 to vector<16xi32>
    %min3A_145 = arith.minsi %max3A_142, %min3A_144 : vector<16xi32>
    %swap3A_146 = arith.constant 2 : i32
    %swap3A_147 = arith.index_cast %swap3A_146 : i32 to index
    %swap3A_148 = arith.constant 0 : index
    %swap3A_149 = tpu.vector_load %arg6[%swap3A_147, %swap3A_148] {strides = array<i32>} : memref<208x64xi32, #tpu.memory_space<vmem>>, vector<16xi32>,
    tpu.vector_store %arg6[%swap3A_147, %swap3A_148], %min3A_145 {strides = array<i32>} : memref<208x64xi32, #tpu.memory_space<vmem>>, vector<16xi32>,
    %get3A_150 = arith.constant 2 : i32
    %get3A_151 = arith.index_cast %get3A_150 : i32 to index
    %get3A_152 = arith.constant 16 : index
    %get3A_153 = tpu.vector_load %arg6[%get3A_151, %get3A_152] {strides = array<i32>} : memref<208x64xi32, #tpu.memory_space<vmem>>, vector<16xi32>,
    %max3A_154 = arith.constant 0 : i32
    %max3A_155 = vector.broadcast %max3A_154 : i32 to vector<16xi32>
    %max3A_156 = arith.maxsi %get3A_153, %max3A_155 : vector<16xi32>
    %min3A_157 = arith.constant 1000000 : i32
    %min3A_158 = vector.broadcast %min3A_157 : i32 to vector<16xi32>
    %min3A_159 = arith.minsi %max3A_156, %min3A_158 : vector<16xi32>
    %swap3A_160 = arith.constant 2 : i32
    %swap3A_161 = arith.index_cast %swap3A_160 : i32 to index
    %swap3A_162 = arith.constant 16 : index
    %swap3A_163 = tpu.vector_load %arg6[%swap3A_161, %swap3A_162] {strides = array<i32>} : memref<208x64xi32, #tpu.memory_space<vmem>>, vector<16xi32>,
    tpu.vector_store %arg6[%swap3A_161, %swap3A_162], %min3A_159 {strides = array<i32>} : memref<208x64xi32, #tpu.memory_space<vmem>>, vector<16xi32>,
    %get3A_164 = arith.constant 2 : i32
    %get3A_165 = arith.index_cast %get3A_164 : i32 to index
    %get3A_166 = arith.constant 32 : index
    %get3A_167 = tpu.vector_load %arg6[%get3A_165, %get3A_166] {strides = array<i32>} : memref<208x64xi32, #tpu.memory_space<vmem>>, vector<16xi32>,
    %max3A_168 = arith.constant 0 : i32
    %max3A_169 = vector.broadcast %max3A_168 : i32 to vector<16xi32>
    %max3A_170 = arith.maxsi %get3A_167, %max3A_169 : vector<16xi32>
    %min3A_171 = arith.constant 1000000 : i32
    %min3A_172 = vector.broadcast %min3A_171 : i32 to vector<16xi32>
    %min3A_173 = arith.minsi %max3A_170, %min3A_172 : vector<16xi32>
    %swap3A_174 = arith.constant 2 : i32
    %swap3A_175 = arith.index_cast %swap3A_174 : i32 to index
    %swap3A_176 = arith.constant 32 : index
    %swap3A_177 = tpu.vector_load %arg6[%swap3A_175, %swap3A_176] {strides = array<i32>} : memref<208x64xi32, #tpu.memory_space<vmem>>, vector<16xi32>,
    tpu.vector_store %arg6[%swap3A_175, %swap3A_176], %min3A_173 {strides = array<i32>} : memref<208x64xi32, #tpu.memory_space<vmem>>, vector<16xi32>,
    %get3A_178 = arith.constant 2 : i32
    %get3A_179 = arith.index_cast %get3A_178 : i32 to index
    %get3A_180 = arith.constant 48 : index
    %get3A_181 = tpu.vector_load %arg6[%get3A_179, %get3A_180] {strides = array<i32>} : memref<208x64xi32, #tpu.memory_space<vmem>>, vector<16xi32>,
    %max3A_182 = arith.constant 0 : i32
    %max3A_183 = vector.broadcast %max3A_182 : i32 to vector<16xi32>
    %max3A_184 = arith.maxsi %get3A_181, %max3A_183 : vector<16xi32>
    %min3A_185 = arith.constant 1000000 : i32
    %min3A_186 = vector.broadcast %min3A_185 : i32 to vector<16xi32>
    %min3A_187 = arith.minsi %max3A_184, %min3A_186 : vector<16xi32>
    %swap3A_188 = arith.constant 2 : i32
    %swap3A_189 = arith.index_cast %swap3A_188 : i32 to index
    %swap3A_190 = arith.constant 48 : index
    %swap3A_191 = tpu.vector_load %arg6[%swap3A_189, %swap3A_190] {strides = array<i32>} : memref<208x64xi32, #tpu.memory_space<vmem>>, vector<16xi32>,
    tpu.vector_store %arg6[%swap3A_189, %swap3A_190], %min3A_187 {strides = array<i32>} : memref<208x64xi32, #tpu.memory_space<vmem>>, vector<16xi32>,
    %dma_start3A_192 = arith.constant 2 : i32
    %dma_start3A_193 = arith.constant 2 : i32
    %dma_start3A_194 = arith.constant 2 : i32
    %dma_start3A_195 = arith.constant 0 : i32
    %dma_start3A_196 = tpu.memref_slice %arg8[%dma_start3A_193, %dma_start3A_195] : memref<8x64xi32, #tpu.memory_space<vmem>> -> memref<1x64xi32, #tpu.memory_space<vmem>>
    %dma_start3A_197 = tpu.memref_squeeze %dma_start3A_196 : memref<1x64xi32, #tpu.memory_space<vmem>> -> memref<64xi32, #tpu.memory_space<vmem>>
    %dma_start3A_198 = arith.constant 0 : i32
    %dma_start3A_199 = tpu.memref_slice %arg6[%dma_start3A_192, %dma_start3A_198] : memref<208x64xi32, #tpu.memory_space<vmem>> -> memref<1x64xi32, #tpu.memory_space<vmem>>
    %dma_start3A_200 = tpu.memref_squeeze %dma_start3A_199 : memref<1x64xi32, #tpu.memory_space<vmem>> -> memref<64xi32, #tpu.memory_space<vmem>>
    %dma_start3A_201 = arith.constant 0 : i32
    %dma_start3A_202 = tpu.memref_slice %arg7[%dma_start3A_201] : memref<1000001xi32, #tpu.memory_space<vmem_shared>> -> memref<1000001xi32, #tpu.memory_space<vmem_shared>>
    %dma_start3A_203 = tpu.memref_slice %arg10[%dma_start3A_194] : memref<8x!tpu.dma_semaphore, #tpu.memory_space<semaphore_mem>> -> memref<1x!tpu.dma_semaphore, #tpu.memory_space<semaphore_mem>>
    %dma_start3A_204 = tpu.memref_squeeze %dma_start3A_203 : memref<1x!tpu.dma_semaphore, #tpu.memory_space<semaphore_mem>> -> memref<!tpu.dma_semaphore, #tpu.memory_space<semaphore_mem>>
    tpu.enqueue_indirect_dma source(%dma_start3A_202 : memref<1000001xi32, #tpu.memory_space<vmem_shared>>) target(%dma_start3A_197 : memref<64xi32, #tpu.memory_space<vmem>>) offsets(%dma_start3A_200 : memref<64xi32, #tpu.memory_space<vmem>>) semaphore(%dma_start3A_204 : memref<!tpu.dma_semaphore, #tpu.memory_space<semaphore_mem>>)
    %get3A_205 = arith.constant 3 : i32
    %get3A_206 = arith.index_cast %get3A_205 : i32 to index
    %get3A_207 = arith.constant 0 : index
    %get3A_208 = tpu.vector_load %arg6[%get3A_206, %get3A_207] {strides = array<i32>} : memref<208x64xi32, #tpu.memory_space<vmem>>, vector<16xi32>,
    %max3A_209 = arith.constant 0 : i32
    %max3A_210 = vector.broadcast %max3A_209 : i32 to vector<16xi32>
    %max3A_211 = arith.maxsi %get3A_208, %max3A_210 : vector<16xi32>
    %min3A_212 = arith.constant 1000000 : i32
    %min3A_213 = vector.broadcast %min3A_212 : i32 to vector<16xi32>
    %min3A_214 = arith.minsi %max3A_211, %min3A_213 : vector<16xi32>
    %swap3A_215 = arith.constant 3 : i32
    %swap3A_216 = arith.index_cast %swap3A_215 : i32 to index
    %swap3A_217 = arith.constant 0 : index
    %swap3A_218 = tpu.vector_load %arg6[%swap3A_216, %swap3A_217] {strides = array<i32>} : memref<208x64xi32, #tpu.memory_space<vmem>>, vector<16xi32>,
    tpu.vector_store %arg6[%swap3A_216, %swap3A_217], %min3A_214 {strides = array<i32>} : memref<208x64xi32, #tpu.memory_space<vmem>>, vector<16xi32>,
    %get3A_219 = arith.constant 3 : i32
    %get3A_220 = arith.index_cast %get3A_219 : i32 to index
    %get3A_221 = arith.constant 16 : index
    %get3A_222 = tpu.vector_load %arg6[%get3A_220, %get3A_221] {strides = array<i32>} : memref<208x64xi32, #tpu.memory_space<vmem>>, vector<16xi32>,
    %max3A_223 = arith.constant 0 : i32
    %max3A_224 = vector.broadcast %max3A_223 : i32 to vector<16xi32>
    %max3A_225 = arith.maxsi %get3A_222, %max3A_224 : vector<16xi32>
    %min3A_226 = arith.constant 1000000 : i32
    %min3A_227 = vector.broadcast %min3A_226 : i32 to vector<16xi32>
    %min3A_228 = arith.minsi %max3A_225, %min3A_227 : vector<16xi32>
    %swap3A_229 = arith.constant 3 : i32
    %swap3A_230 = arith.index_cast %swap3A_229 : i32 to index
    %swap3A_231 = arith.constant 16 : index
    %swap3A_232 = tpu.vector_load %arg6[%swap3A_230, %swap3A_231] {strides = array<i32>} : memref<208x64xi32, #tpu.memory_space<vmem>>, vector<16xi32>,
    tpu.vector_store %arg6[%swap3A_230, %swap3A_231], %min3A_228 {strides = array<i32>} : memref<208x64xi32, #tpu.memory_space<vmem>>, vector<16xi32>,
    %get3A_233 = arith.constant 3 : i32
    %get3A_234 = arith.index_cast %get3A_233 : i32 to index
    %get3A_235 = arith.constant 32 : index
    %get3A_236 = tpu.vector_load %arg6[%get3A_234, %get3A_235] {strides = array<i32>} : memref<208x64xi32, #tpu.memory_space<vmem>>, vector<16xi32>,
    %max3A_237 = arith.constant 0 : i32
    %max3A_238 = vector.broadcast %max3A_237 : i32 to vector<16xi32>
    %max3A_239 = arith.maxsi %get3A_236, %max3A_238 : vector<16xi32>
    %min3A_240 = arith.constant 1000000 : i32
    %min3A_241 = vector.broadcast %min3A_240 : i32 to vector<16xi32>
    %min3A_242 = arith.minsi %max3A_239, %min3A_241 : vector<16xi32>
    %swap3A_243 = arith.constant 3 : i32
    %swap3A_244 = arith.index_cast %swap3A_243 : i32 to index
    %swap3A_245 = arith.constant 32 : index
    %swap3A_246 = tpu.vector_load %arg6[%swap3A_244, %swap3A_245] {strides = array<i32>} : memref<208x64xi32, #tpu.memory_space<vmem>>, vector<16xi32>,
    tpu.vector_store %arg6[%swap3A_244, %swap3A_245], %min3A_242 {strides = array<i32>} : memref<208x64xi32, #tpu.memory_space<vmem>>, vector<16xi32>,
    %get3A_247 = arith.constant 3 : i32
    %get3A_248 = arith.index_cast %get3A_247 : i32 to index
    %get3A_249 = arith.constant 48 : index
    %get3A_250 = tpu.vector_load %arg6[%get3A_248, %get3A_249] {strides = array<i32>} : memref<208x64xi32, #tpu.memory_space<vmem>>, vector<16xi32>,
    %max3A_251 = arith.constant 0 : i32
    %max3A_252 = vector.broadcast %max3A_251 : i32 to vector<16xi32>
    %max3A_253 = arith.maxsi %get3A_250, %max3A_252 : vector<16xi32>
    %min3A_254 = arith.constant 1000000 : i32
    %min3A_255 = vector.broadcast %min3A_254 : i32 to vector<16xi32>
    %min3A_256 = arith.minsi %max3A_253, %min3A_255 : vector<16xi32>
    %swap3A_257 = arith.constant 3 : i32
    %swap3A_258 = arith.index_cast %swap3A_257 : i32 to index
    %swap3A_259 = arith.constant 48 : index
    %swap3A_260 = tpu.vector_load %arg6[%swap3A_258, %swap3A_259] {strides = array<i32>} : memref<208x64xi32, #tpu.memory_space<vmem>>, vector<16xi32>,
    tpu.vector_store %arg6[%swap3A_258, %swap3A_259], %min3A_256 {strides = array<i32>} : memref<208x64xi32, #tpu.memory_space<vmem>>, vector<16xi32>,
    %dma_start3A_261 = arith.constant 3 : i32
    %dma_start3A_262 = arith.constant 3 : i32
    %dma_start3A_263 = arith.constant 3 : i32
    %dma_start3A_264 = arith.constant 0 : i32
    %dma_start3A_265 = tpu.memref_slice %arg8[%dma_start3A_262, %dma_start3A_264] : memref<8x64xi32, #tpu.memory_space<vmem>> -> memref<1x64xi32, #tpu.memory_space<vmem>>
    %dma_start3A_266 = tpu.memref_squeeze %dma_start3A_265 : memref<1x64xi32, #tpu.memory_space<vmem>> -> memref<64xi32, #tpu.memory_space<vmem>>
    %dma_start3A_267 = arith.constant 0 : i32
    %dma_start3A_268 = tpu.memref_slice %arg6[%dma_start3A_261, %dma_start3A_267] : memref<208x64xi32, #tpu.memory_space<vmem>> -> memref<1x64xi32, #tpu.memory_space<vmem>>
    %dma_start3A_269 = tpu.memref_squeeze %dma_start3A_268 : memref<1x64xi32, #tpu.memory_space<vmem>> -> memref<64xi32, #tpu.memory_space<vmem>>
    %dma_start3A_270 = arith.constant 0 : i32
    %dma_start3A_271 = tpu.memref_slice %arg7[%dma_start3A_270] : memref<1000001xi32, #tpu.memory_space<vmem_shared>> -> memref<1000001xi32, #tpu.memory_space<vmem_shared>>
    %dma_start3A_272 = tpu.memref_slice %arg10[%dma_start3A_263] : memref<8x!tpu.dma_semaphore, #tpu.memory_space<semaphore_mem>> -> memref<1x!tpu.dma_semaphore, #tpu.memory_space<semaphore_mem>>
    %dma_start3A_273 = tpu.memref_squeeze %dma_start3A_272 : memref<1x!tpu.dma_semaphore, #tpu.memory_space<semaphore_mem>> -> memref<!tpu.dma_semaphore, #tpu.memory_space<semaphore_mem>>
    tpu.enqueue_indirect_dma source(%dma_start3A_271 : memref<1000001xi32, #tpu.memory_space<vmem_shared>>) target(%dma_start3A_266 : memref<64xi32, #tpu.memory_space<vmem>>) offsets(%dma_start3A_269 : memref<64xi32, #tpu.memory_space<vmem>>) semaphore(%dma_start3A_273 : memref<!tpu.dma_semaphore, #tpu.memory_space<semaphore_mem>>)
    %get3A_274 = arith.constant 4 : i32
    %get3A_275 = arith.index_cast %get3A_274 : i32 to index
    %get3A_276 = arith.constant 0 : index
    %get3A_277 = tpu.vector_load %arg6[%get3A_275, %get3A_276] {strides = array<i32>} : memref<208x64xi32, #tpu.memory_space<vmem>>, vector<16xi32>,
    %max3A_278 = arith.constant 0 : i32
    %max3A_279 = vector.broadcast %max3A_278 : i32 to vector<16xi32>
    %max3A_280 = arith.maxsi %get3A_277, %max3A_279 : vector<16xi32>
    %min3A_281 = arith.constant 1000000 : i32
    %min3A_282 = vector.broadcast %min3A_281 : i32 to vector<16xi32>
    %min3A_283 = arith.minsi %max3A_280, %min3A_282 : vector<16xi32>
    %swap3A_284 = arith.constant 4 : i32
    %swap3A_285 = arith.index_cast %swap3A_284 : i32 to index
    %swap3A_286 = arith.constant 0 : index
    %swap3A_287 = tpu.vector_load %arg6[%swap3A_285, %swap3A_286] {strides = array<i32>} : memref<208x64xi32, #tpu.memory_space<vmem>>, vector<16xi32>,
    tpu.vector_store %arg6[%swap3A_285, %swap3A_286], %min3A_283 {strides = array<i32>} : memref<208x64xi32, #tpu.memory_space<vmem>>, vector<16xi32>,
    %get3A_288 = arith.constant 4 : i32
    %get3A_289 = arith.index_cast %get3A_288 : i32 to index
    %get3A_290 = arith.constant 16 : index
    %get3A_291 = tpu.vector_load %arg6[%get3A_289, %get3A_290] {strides = array<i32>} : memref<208x64xi32, #tpu.memory_space<vmem>>, vector<16xi32>,
    %max3A_292 = arith.constant 0 : i32
    %max3A_293 = vector.broadcast %max3A_292 : i32 to vector<16xi32>
    %max3A_294 = arith.maxsi %get3A_291, %max3A_293 : vector<16xi32>
    %min3A_295 = arith.constant 1000000 : i32
    %min3A_296 = vector.broadcast %min3A_295 : i32 to vector<16xi32>
    %min3A_297 = arith.minsi %max3A_294, %min3A_296 : vector<16xi32>
    %swap3A_298 = arith.constant 4 : i32
    %swap3A_299 = arith.index_cast %swap3A_298 : i32 to index
    %swap3A_300 = arith.constant 16 : index
    %swap3A_301 = tpu.vector_load %arg6[%swap3A_299, %swap3A_300] {strides = array<i32>} : memref<208x64xi32, #tpu.memory_space<vmem>>, vector<16xi32>,
    tpu.vector_store %arg6[%swap3A_299, %swap3A_300], %min3A_297 {strides = array<i32>} : memref<208x64xi32, #tpu.memory_space<vmem>>, vector<16xi32>,
    %get3A_302 = arith.constant 4 : i32
    %get3A_303 = arith.index_cast %get3A_302 : i32 to index
    %get3A_304 = arith.constant 32 : index
    %get3A_305 = tpu.vector_load %arg6[%get3A_303, %get3A_304] {strides = array<i32>} : memref<208x64xi32, #tpu.memory_space<vmem>>, vector<16xi32>,
    %max3A_306 = arith.constant 0 : i32
    %max3A_307 = vector.broadcast %max3A_306 : i32 to vector<16xi32>
    %max3A_308 = arith.maxsi %get3A_305, %max3A_307 : vector<16xi32>
    %min3A_309 = arith.constant 1000000 : i32
    %min3A_310 = vector.broadcast %min3A_309 : i32 to vector<16xi32>
    %min3A_311 = arith.minsi %max3A_308, %min3A_310 : vector<16xi32>
    %swap3A_312 = arith.constant 4 : i32
    %swap3A_313 = arith.index_cast %swap3A_312 : i32 to index
    %swap3A_314 = arith.constant 32 : index
    %swap3A_315 = tpu.vector_load %arg6[%swap3A_313, %swap3A_314] {strides = array<i32>} : memref<208x64xi32, #tpu.memory_space<vmem>>, vector<16xi32>,
    tpu.vector_store %arg6[%swap3A_313, %swap3A_314], %min3A_311 {strides = array<i32>} : memref<208x64xi32, #tpu.memory_space<vmem>>, vector<16xi32>,
    %get3A_316 = arith.constant 4 : i32
    %get3A_317 = arith.index_cast %get3A_316 : i32 to index
    %get3A_318 = arith.constant 48 : index
    %get3A_319 = tpu.vector_load %arg6[%get3A_317, %get3A_318] {strides = array<i32>} : memref<208x64xi32, #tpu.memory_space<vmem>>, vector<16xi32>,
    %max3A_320 = arith.constant 0 : i32
    %max3A_321 = vector.broadcast %max3A_320 : i32 to vector<16xi32>
    %max3A_322 = arith.maxsi %get3A_319, %max3A_321 : vector<16xi32>
    %min3A_323 = arith.constant 1000000 : i32
    %min3A_324 = vector.broadcast %min3A_323 : i32 to vector<16xi32>
    %min3A_325 = arith.minsi %max3A_322, %min3A_324 : vector<16xi32>
    %swap3A_326 = arith.constant 4 : i32
    %swap3A_327 = arith.index_cast %swap3A_326 : i32 to index
    %swap3A_328 = arith.constant 48 : index
    %swap3A_329 = tpu.vector_load %arg6[%swap3A_327, %swap3A_328] {strides = array<i32>} : memref<208x64xi32, #tpu.memory_space<vmem>>, vector<16xi32>,
    tpu.vector_store %arg6[%swap3A_327, %swap3A_328], %min3A_325 {strides = array<i32>} : memref<208x64xi32, #tpu.memory_space<vmem>>, vector<16xi32>,
    %dma_start3A_330 = arith.constant 4 : i32
    %dma_start3A_331 = arith.constant 4 : i32
    %dma_start3A_332 = arith.constant 4 : i32
    %dma_start3A_333 = arith.constant 0 : i32
    %dma_start3A_334 = tpu.memref_slice %arg8[%dma_start3A_331, %dma_start3A_333] : memref<8x64xi32, #tpu.memory_space<vmem>> -> memref<1x64xi32, #tpu.memory_space<vmem>>
    %dma_start3A_335 = tpu.memref_squeeze %dma_start3A_334 : memref<1x64xi32, #tpu.memory_space<vmem>> -> memref<64xi32, #tpu.memory_space<vmem>>
    %dma_start3A_336 = arith.constant 0 : i32
    %dma_start3A_337 = tpu.memref_slice %arg6[%dma_start3A_330, %dma_start3A_336] : memref<208x64xi32, #tpu.memory_space<vmem>> -> memref<1x64xi32, #tpu.memory_space<vmem>>
    %dma_start3A_338 = tpu.memref_squeeze %dma_start3A_337 : memref<1x64xi32, #tpu.memory_space<vmem>> -> memref<64xi32, #tpu.memory_space<vmem>>
    %dma_start3A_339 = arith.constant 0 : i32
    %dma_start3A_340 = tpu.memref_slice %arg7[%dma_start3A_339] : memref<1000001xi32, #tpu.memory_space<vmem_shared>> -> memref<1000001xi32, #tpu.memory_space<vmem_shared>>
    %dma_start3A_341 = tpu.memref_slice %arg10[%dma_start3A_332] : memref<8x!tpu.dma_semaphore, #tpu.memory_space<semaphore_mem>> -> memref<1x!tpu.dma_semaphore, #tpu.memory_space<semaphore_mem>>
    %dma_start3A_342 = tpu.memref_squeeze %dma_start3A_341 : memref<1x!tpu.dma_semaphore, #tpu.memory_space<semaphore_mem>> -> memref<!tpu.dma_semaphore, #tpu.memory_space<semaphore_mem>>
    tpu.enqueue_indirect_dma source(%dma_start3A_340 : memref<1000001xi32, #tpu.memory_space<vmem_shared>>) target(%dma_start3A_335 : memref<64xi32, #tpu.memory_space<vmem>>) offsets(%dma_start3A_338 : memref<64xi32, #tpu.memory_space<vmem>>) semaphore(%dma_start3A_342 : memref<!tpu.dma_semaphore, #tpu.memory_space<semaphore_mem>>)
    %get3A_343 = arith.constant 5 : i32
    %get3A_344 = arith.index_cast %get3A_343 : i32 to index
    %get3A_345 = arith.constant 0 : index
    %get3A_346 = tpu.vector_load %arg6[%get3A_344, %get3A_345] {strides = array<i32>} : memref<208x64xi32, #tpu.memory_space<vmem>>, vector<16xi32>,
    %max3A_347 = arith.constant 0 : i32
    %max3A_348 = vector.broadcast %max3A_347 : i32 to vector<16xi32>
    %max3A_349 = arith.maxsi %get3A_346, %max3A_348 : vector<16xi32>
    %min3A_350 = arith.constant 1000000 : i32
    %min3A_351 = vector.broadcast %min3A_350 : i32 to vector<16xi32>
    %min3A_352 = arith.minsi %max3A_349, %min3A_351 : vector<16xi32>
    %swap3A_353 = arith.constant 5 : i32
    %swap3A_354 = arith.index_cast %swap3A_353 : i32 to index
    %swap3A_355 = arith.constant 0 : index
    %swap3A_356 = tpu.vector_load %arg6[%swap3A_354, %swap3A_355] {strides = array<i32>} : memref<208x64xi32, #tpu.memory_space<vmem>>, vector<16xi32>,
    tpu.vector_store %arg6[%swap3A_354, %swap3A_355], %min3A_352 {strides = array<i32>} : memref<208x64xi32, #tpu.memory_space<vmem>>, vector<16xi32>,
    %get3A_357 = arith.constant 5 : i32
    %get3A_358 = arith.index_cast %get3A_357 : i32 to index
    %get3A_359 = arith.constant 16 : index
    %get3A_360 = tpu.vector_load %arg6[%get3A_358, %get3A_359] {strides = array<i32>} : memref<208x64xi32, #tpu.memory_space<vmem>>, vector<16xi32>,
    %max3A_361 = arith.constant 0 : i32
    %max3A_362 = vector.broadcast %max3A_361 : i32 to vector<16xi32>
    %max3A_363 = arith.maxsi %get3A_360, %max3A_362 : vector<16xi32>
    %min3A_364 = arith.constant 1000000 : i32
    %min3A_365 = vector.broadcast %min3A_364 : i32 to vector<16xi32>
    %min3A_366 = arith.minsi %max3A_363, %min3A_365 : vector<16xi32>
    %swap3A_367 = arith.constant 5 : i32
    %swap3A_368 = arith.index_cast %swap3A_367 : i32 to index
    %swap3A_369 = arith.constant 16 : index
    %swap3A_370 = tpu.vector_load %arg6[%swap3A_368, %swap3A_369] {strides = array<i32>} : memref<208x64xi32, #tpu.memory_space<vmem>>, vector<16xi32>,
    tpu.vector_store %arg6[%swap3A_368, %swap3A_369], %min3A_366 {strides = array<i32>} : memref<208x64xi32, #tpu.memory_space<vmem>>, vector<16xi32>,
    %get3A_371 = arith.constant 5 : i32
    %get3A_372 = arith.index_cast %get3A_371 : i32 to index
    %get3A_373 = arith.constant 32 : index
    %get3A_374 = tpu.vector_load %arg6[%get3A_372, %get3A_373] {strides = array<i32>} : memref<208x64xi32, #tpu.memory_space<vmem>>, vector<16xi32>,
    %max3A_375 = arith.constant 0 : i32
    %max3A_376 = vector.broadcast %max3A_375 : i32 to vector<16xi32>
    %max3A_377 = arith.maxsi %get3A_374, %max3A_376 : vector<16xi32>
    %min3A_378 = arith.constant 1000000 : i32
    %min3A_379 = vector.broadcast %min3A_378 : i32 to vector<16xi32>
    %min3A_380 = arith.minsi %max3A_377, %min3A_379 : vector<16xi32>
    %swap3A_381 = arith.constant 5 : i32
    %swap3A_382 = arith.index_cast %swap3A_381 : i32 to index
    %swap3A_383 = arith.constant 32 : index
    %swap3A_384 = tpu.vector_load %arg6[%swap3A_382, %swap3A_383] {strides = array<i32>} : memref<208x64xi32, #tpu.memory_space<vmem>>, vector<16xi32>,
    tpu.vector_store %arg6[%swap3A_382, %swap3A_383], %min3A_380 {strides = array<i32>} : memref<208x64xi32, #tpu.memory_space<vmem>>, vector<16xi32>,
    %get3A_385 = arith.constant 5 : i32
    %get3A_386 = arith.index_cast %get3A_385 : i32 to index
    %get3A_387 = arith.constant 48 : index
    %get3A_388 = tpu.vector_load %arg6[%get3A_386, %get3A_387] {strides = array<i32>} : memref<208x64xi32, #tpu.memory_space<vmem>>, vector<16xi32>,
    %max3A_389 = arith.constant 0 : i32
    %max3A_390 = vector.broadcast %max3A_389 : i32 to vector<16xi32>
    %max3A_391 = arith.maxsi %get3A_388, %max3A_390 : vector<16xi32>
    %min3A_392 = arith.constant 1000000 : i32
    %min3A_393 = vector.broadcast %min3A_392 : i32 to vector<16xi32>
    %min3A_394 = arith.minsi %max3A_391, %min3A_393 : vector<16xi32>
    %swap3A_395 = arith.constant 5 : i32
    %swap3A_396 = arith.index_cast %swap3A_395 : i32 to index
    %swap3A_397 = arith.constant 48 : index
    %swap3A_398 = tpu.vector_load %arg6[%swap3A_396, %swap3A_397] {strides = array<i32>} : memref<208x64xi32, #tpu.memory_space<vmem>>, vector<16xi32>,
    tpu.vector_store %arg6[%swap3A_396, %swap3A_397], %min3A_394 {strides = array<i32>} : memref<208x64xi32, #tpu.memory_space<vmem>>, vector<16xi32>,
    %dma_start3A_399 = arith.constant 5 : i32
    %dma_start3A_400 = arith.constant 5 : i32
    %dma_start3A_401 = arith.constant 5 : i32
    %dma_start3A_402 = arith.constant 0 : i32
    %dma_start3A_403 = tpu.memref_slice %arg8[%dma_start3A_400, %dma_start3A_402] : memref<8x64xi32, #tpu.memory_space<vmem>> -> memref<1x64xi32, #tpu.memory_space<vmem>>
    %dma_start3A_404 = tpu.memref_squeeze %dma_start3A_403 : memref<1x64xi32, #tpu.memory_space<vmem>> -> memref<64xi32, #tpu.memory_space<vmem>>
    %dma_start3A_405 = arith.constant 0 : i32
    %dma_start3A_406 = tpu.memref_slice %arg6[%dma_start3A_399, %dma_start3A_405] : memref<208x64xi32, #tpu.memory_space<vmem>> -> memref<1x64xi32, #tpu.memory_space<vmem>>
    %dma_start3A_407 = tpu.memref_squeeze %dma_start3A_406 : memref<1x64xi32, #tpu.memory_space<vmem>> -> memref<64xi32, #tpu.memory_space<vmem>>
    %dma_start3A_408 = arith.constant 0 : i32
    %dma_start3A_409 = tpu.memref_slice %arg7[%dma_start3A_408] : memref<1000001xi32, #tpu.memory_space<vmem_shared>> -> memref<1000001xi32, #tpu.memory_space<vmem_shared>>
    %dma_start3A_410 = tpu.memref_slice %arg10[%dma_start3A_401] : memref<8x!tpu.dma_semaphore, #tpu.memory_space<semaphore_mem>> -> memref<1x!tpu.dma_semaphore, #tpu.memory_space<semaphore_mem>>
    %dma_start3A_411 = tpu.memref_squeeze %dma_start3A_410 : memref<1x!tpu.dma_semaphore, #tpu.memory_space<semaphore_mem>> -> memref<!tpu.dma_semaphore, #tpu.memory_space<semaphore_mem>>
    tpu.enqueue_indirect_dma source(%dma_start3A_409 : memref<1000001xi32, #tpu.memory_space<vmem_shared>>) target(%dma_start3A_404 : memref<64xi32, #tpu.memory_space<vmem>>) offsets(%dma_start3A_407 : memref<64xi32, #tpu.memory_space<vmem>>) semaphore(%dma_start3A_411 : memref<!tpu.dma_semaphore, #tpu.memory_space<semaphore_mem>>)
    %get3A_412 = arith.constant 6 : i32
    %get3A_413 = arith.index_cast %get3A_412 : i32 to index
    %get3A_414 = arith.constant 0 : index
    %get3A_415 = tpu.vector_load %arg6[%get3A_413, %get3A_414] {strides = array<i32>} : memref<208x64xi32, #tpu.memory_space<vmem>>, vector<16xi32>,
    %max3A_416 = arith.constant 0 : i32
    %max3A_417 = vector.broadcast %max3A_416 : i32 to vector<16xi32>
    %max3A_418 = arith.maxsi %get3A_415, %max3A_417 : vector<16xi32>
    %min3A_419 = arith.constant 1000000 : i32
    %min3A_420 = vector.broadcast %min3A_419 : i32 to vector<16xi32>
    %min3A_421 = arith.minsi %max3A_418, %min3A_420 : vector<16xi32>
    %swap3A_422 = arith.constant 6 : i32
    %swap3A_423 = arith.index_cast %swap3A_422 : i32 to index
    %swap3A_424 = arith.constant 0 : index
    %swap3A_425 = tpu.vector_load %arg6[%swap3A_423, %swap3A_424] {strides = array<i32>} : memref<208x64xi32, #tpu.memory_space<vmem>>, vector<16xi32>,
    tpu.vector_store %arg6[%swap3A_423, %swap3A_424], %min3A_421 {strides = array<i32>} : memref<208x64xi32, #tpu.memory_space<vmem>>, vector<16xi32>,
    %get3A_426 = arith.constant 6 : i32
    %get3A_427 = arith.index_cast %get3A_426 : i32 to index
    %get3A_428 = arith.constant 16 : index
    %get3A_429 = tpu.vector_load %arg6[%get3A_427, %get3A_428] {strides = array<i32>} : memref<208x64xi32, #tpu.memory_space<vmem>>, vector<16xi32>,
    %max3A_430 = arith.constant 0 : i32
    %max3A_431 = vector.broadcast %max3A_430 : i32 to vector<16xi32>
    %max3A_432 = arith.maxsi %get3A_429, %max3A_431 : vector<16xi32>
    %min3A_433 = arith.constant 1000000 : i32
    %min3A_434 = vector.broadcast %min3A_433 : i32 to vector<16xi32>
    %min3A_435 = arith.minsi %max3A_432, %min3A_434 : vector<16xi32>
    %swap3A_436 = arith.constant 6 : i32
    %swap3A_437 = arith.index_cast %swap3A_436 : i32 to index
    %swap3A_438 = arith.constant 16 : index
    %swap3A_439 = tpu.vector_load %arg6[%swap3A_437, %swap3A_438] {strides = array<i32>} : memref<208x64xi32, #tpu.memory_space<vmem>>, vector<16xi32>,
    tpu.vector_store %arg6[%swap3A_437, %swap3A_438], %min3A_435 {strides = array<i32>} : memref<208x64xi32, #tpu.memory_space<vmem>>, vector<16xi32>,
    %get3A_440 = arith.constant 6 : i32
    %get3A_441 = arith.index_cast %get3A_440 : i32 to index
    %get3A_442 = arith.constant 32 : index
    %get3A_443 = tpu.vector_load %arg6[%get3A_441, %get3A_442] {strides = array<i32>} : memref<208x64xi32, #tpu.memory_space<vmem>>, vector<16xi32>,
    %max3A_444 = arith.constant 0 : i32
    %max3A_445 = vector.broadcast %max3A_444 : i32 to vector<16xi32>
    %max3A_446 = arith.maxsi %get3A_443, %max3A_445 : vector<16xi32>
    %min3A_447 = arith.constant 1000000 : i32
    %min3A_448 = vector.broadcast %min3A_447 : i32 to vector<16xi32>
    %min3A_449 = arith.minsi %max3A_446, %min3A_448 : vector<16xi32>
    %swap3A_450 = arith.constant 6 : i32
    %swap3A_451 = arith.index_cast %swap3A_450 : i32 to index
    %swap3A_452 = arith.constant 32 : index
    %swap3A_453 = tpu.vector_load %arg6[%swap3A_451, %swap3A_452] {strides = array<i32>} : memref<208x64xi32, #tpu.memory_space<vmem>>, vector<16xi32>,
    tpu.vector_store %arg6[%swap3A_451, %swap3A_452], %min3A_449 {strides = array<i32>} : memref<208x64xi32, #tpu.memory_space<vmem>>, vector<16xi32>,
    %get3A_454 = arith.constant 6 : i32
    %get3A_455 = arith.index_cast %get3A_454 : i32 to index
    %get3A_456 = arith.constant 48 : index
    %get3A_457 = tpu.vector_load %arg6[%get3A_455, %get3A_456] {strides = array<i32>} : memref<208x64xi32, #tpu.memory_space<vmem>>, vector<16xi32>,
    %max3A_458 = arith.constant 0 : i32
    %max3A_459 = vector.broadcast %max3A_458 : i32 to vector<16xi32>
    %max3A_460 = arith.maxsi %get3A_457, %max3A_459 : vector<16xi32>
    %min3A_461 = arith.constant 1000000 : i32
    %min3A_462 = vector.broadcast %min3A_461 : i32 to vector<16xi32>
    %min3A_463 = arith.minsi %max3A_460, %min3A_462 : vector<16xi32>
    %swap3A_464 = arith.constant 6 : i32
    %swap3A_465 = arith.index_cast %swap3A_464 : i32 to index
    %swap3A_466 = arith.constant 48 : index
    %swap3A_467 = tpu.vector_load %arg6[%swap3A_465, %swap3A_466] {strides = array<i32>} : memref<208x64xi32, #tpu.memory_space<vmem>>, vector<16xi32>,
    tpu.vector_store %arg6[%swap3A_465, %swap3A_466], %min3A_463 {strides = array<i32>} : memref<208x64xi32, #tpu.memory_space<vmem>>, vector<16xi32>,
    %dma_start3A_468 = arith.constant 6 : i32
    %dma_start3A_469 = arith.constant 6 : i32
    %dma_start3A_470 = arith.constant 6 : i32
    %dma_start3A_471 = arith.constant 0 : i32
    %dma_start3A_472 = tpu.memref_slice %arg8[%dma_start3A_469, %dma_start3A_471] : memref<8x64xi32, #tpu.memory_space<vmem>> -> memref<1x64xi32, #tpu.memory_space<vmem>>
    %dma_start3A_473 = tpu.memref_squeeze %dma_start3A_472 : memref<1x64xi32, #tpu.memory_space<vmem>> -> memref<64xi32, #tpu.memory_space<vmem>>
    %dma_start3A_474 = arith.constant 0 : i32
    %dma_start3A_475 = tpu.memref_slice %arg6[%dma_start3A_468, %dma_start3A_474] : memref<208x64xi32, #tpu.memory_space<vmem>> -> memref<1x64xi32, #tpu.memory_space<vmem>>
    %dma_start3A_476 = tpu.memref_squeeze %dma_start3A_475 : memref<1x64xi32, #tpu.memory_space<vmem>> -> memref<64xi32, #tpu.memory_space<vmem>>
    %dma_start3A_477 = arith.constant 0 : i32
    %dma_start3A_478 = tpu.memref_slice %arg7[%dma_start3A_477] : memref<1000001xi32, #tpu.memory_space<vmem_shared>> -> memref<1000001xi32, #tpu.memory_space<vmem_shared>>
    %dma_start3A_479 = tpu.memref_slice %arg10[%dma_start3A_470] : memref<8x!tpu.dma_semaphore, #tpu.memory_space<semaphore_mem>> -> memref<1x!tpu.dma_semaphore, #tpu.memory_space<semaphore_mem>>
    %dma_start3A_480 = tpu.memref_squeeze %dma_start3A_479 : memref<1x!tpu.dma_semaphore, #tpu.memory_space<semaphore_mem>> -> memref<!tpu.dma_semaphore, #tpu.memory_space<semaphore_mem>>
    tpu.enqueue_indirect_dma source(%dma_start3A_478 : memref<1000001xi32, #tpu.memory_space<vmem_shared>>) target(%dma_start3A_473 : memref<64xi32, #tpu.memory_space<vmem>>) offsets(%dma_start3A_476 : memref<64xi32, #tpu.memory_space<vmem>>) semaphore(%dma_start3A_480 : memref<!tpu.dma_semaphore, #tpu.memory_space<semaphore_mem>>)
    %get3A_481 = arith.constant 7 : i32
    %get3A_482 = arith.index_cast %get3A_481 : i32 to index
    %get3A_483 = arith.constant 0 : index
    %get3A_484 = tpu.vector_load %arg6[%get3A_482, %get3A_483] {strides = array<i32>} : memref<208x64xi32, #tpu.memory_space<vmem>>, vector<16xi32>,
    %max3A_485 = arith.constant 0 : i32
    %max3A_486 = vector.broadcast %max3A_485 : i32 to vector<16xi32>
    %max3A_487 = arith.maxsi %get3A_484, %max3A_486 : vector<16xi32>
    %min3A_488 = arith.constant 1000000 : i32
    %min3A_489 = vector.broadcast %min3A_488 : i32 to vector<16xi32>
    %min3A_490 = arith.minsi %max3A_487, %min3A_489 : vector<16xi32>
    %swap3A_491 = arith.constant 7 : i32
    %swap3A_492 = arith.index_cast %swap3A_491 : i32 to index
    %swap3A_493 = arith.constant 0 : index
    %swap3A_494 = tpu.vector_load %arg6[%swap3A_492, %swap3A_493] {strides = array<i32>} : memref<208x64xi32, #tpu.memory_space<vmem>>, vector<16xi32>,
    tpu.vector_store %arg6[%swap3A_492, %swap3A_493], %min3A_490 {strides = array<i32>} : memref<208x64xi32, #tpu.memory_space<vmem>>, vector<16xi32>,
    %get3A_495 = arith.constant 7 : i32
    %get3A_496 = arith.index_cast %get3A_495 : i32 to index
    %get3A_497 = arith.constant 16 : index
    %get3A_498 = tpu.vector_load %arg6[%get3A_496, %get3A_497] {strides = array<i32>} : memref<208x64xi32, #tpu.memory_space<vmem>>, vector<16xi32>,
    %max3A_499 = arith.constant 0 : i32
    %max3A_500 = vector.broadcast %max3A_499 : i32 to vector<16xi32>
    %max3A_501 = arith.maxsi %get3A_498, %max3A_500 : vector<16xi32>
    %min3A_502 = arith.constant 1000000 : i32
    %min3A_503 = vector.broadcast %min3A_502 : i32 to vector<16xi32>
    %min3A_504 = arith.minsi %max3A_501, %min3A_503 : vector<16xi32>
    %swap3A_505 = arith.constant 7 : i32
    %swap3A_506 = arith.index_cast %swap3A_505 : i32 to index
    %swap3A_507 = arith.constant 16 : index
    %swap3A_508 = tpu.vector_load %arg6[%swap3A_506, %swap3A_507] {strides = array<i32>} : memref<208x64xi32, #tpu.memory_space<vmem>>, vector<16xi32>,
    tpu.vector_store %arg6[%swap3A_506, %swap3A_507], %min3A_504 {strides = array<i32>} : memref<208x64xi32, #tpu.memory_space<vmem>>, vector<16xi32>,
    %get3A_509 = arith.constant 7 : i32
    %get3A_510 = arith.index_cast %get3A_509 : i32 to index
    %get3A_511 = arith.constant 32 : index
    %get3A_512 = tpu.vector_load %arg6[%get3A_510, %get3A_511] {strides = array<i32>} : memref<208x64xi32, #tpu.memory_space<vmem>>, vector<16xi32>,
    %max3A_513 = arith.constant 0 : i32
    %max3A_514 = vector.broadcast %max3A_513 : i32 to vector<16xi32>
    %max3A_515 = arith.maxsi %get3A_512, %max3A_514 : vector<16xi32>
    %min3A_516 = arith.constant 1000000 : i32
    %min3A_517 = vector.broadcast %min3A_516 : i32 to vector<16xi32>
    %min3A_518 = arith.minsi %max3A_515, %min3A_517 : vector<16xi32>
    %swap3A_519 = arith.constant 7 : i32
    %swap3A_520 = arith.index_cast %swap3A_519 : i32 to index
    %swap3A_521 = arith.constant 32 : index
    %swap3A_522 = tpu.vector_load %arg6[%swap3A_520, %swap3A_521] {strides = array<i32>} : memref<208x64xi32, #tpu.memory_space<vmem>>, vector<16xi32>,
    tpu.vector_store %arg6[%swap3A_520, %swap3A_521], %min3A_518 {strides = array<i32>} : memref<208x64xi32, #tpu.memory_space<vmem>>, vector<16xi32>,
    %get3A_523 = arith.constant 7 : i32
    %get3A_524 = arith.index_cast %get3A_523 : i32 to index
    %get3A_525 = arith.constant 48 : index
    %get3A_526 = tpu.vector_load %arg6[%get3A_524, %get3A_525] {strides = array<i32>} : memref<208x64xi32, #tpu.memory_space<vmem>>, vector<16xi32>,
    %max3A_527 = arith.constant 0 : i32
    %max3A_528 = vector.broadcast %max3A_527 : i32 to vector<16xi32>
    %max3A_529 = arith.maxsi %get3A_526, %max3A_528 : vector<16xi32>
    %min3A_530 = arith.constant 1000000 : i32
    %min3A_531 = vector.broadcast %min3A_530 : i32 to vector<16xi32>
    %min3A_532 = arith.minsi %max3A_529, %min3A_531 : vector<16xi32>
    %swap3A_533 = arith.constant 7 : i32
    %swap3A_534 = arith.index_cast %swap3A_533 : i32 to index
    %swap3A_535 = arith.constant 48 : index
    %swap3A_536 = tpu.vector_load %arg6[%swap3A_534, %swap3A_535] {strides = array<i32>} : memref<208x64xi32, #tpu.memory_space<vmem>>, vector<16xi32>,
    tpu.vector_store %arg6[%swap3A_534, %swap3A_535], %min3A_532 {strides = array<i32>} : memref<208x64xi32, #tpu.memory_space<vmem>>, vector<16xi32>,
    %dma_start3A_537 = arith.constant 7 : i32
    %dma_start3A_538 = arith.constant 7 : i32
    %dma_start3A_539 = arith.constant 7 : i32
    %dma_start3A_540 = arith.constant 0 : i32
    %dma_start3A_541 = tpu.memref_slice %arg8[%dma_start3A_538, %dma_start3A_540] : memref<8x64xi32, #tpu.memory_space<vmem>> -> memref<1x64xi32, #tpu.memory_space<vmem>>
    %dma_start3A_542 = tpu.memref_squeeze %dma_start3A_541 : memref<1x64xi32, #tpu.memory_space<vmem>> -> memref<64xi32, #tpu.memory_space<vmem>>
    %dma_start3A_543 = arith.constant 0 : i32
    %dma_start3A_544 = tpu.memref_slice %arg6[%dma_start3A_537, %dma_start3A_543] : memref<208x64xi32, #tpu.memory_space<vmem>> -> memref<1x64xi32, #tpu.memory_space<vmem>>
    %dma_start3A_545 = tpu.memref_squeeze %dma_start3A_544 : memref<1x64xi32, #tpu.memory_space<vmem>> -> memref<64xi32, #tpu.memory_space<vmem>>
    %dma_start3A_546 = arith.constant 0 : i32
    %dma_start3A_547 = tpu.memref_slice %arg7[%dma_start3A_546] : memref<1000001xi32, #tpu.memory_space<vmem_shared>> -> memref<1000001xi32, #tpu.memory_space<vmem_shared>>
    %dma_start3A_548 = tpu.memref_slice %arg10[%dma_start3A_539] : memref<8x!tpu.dma_semaphore, #tpu.memory_space<semaphore_mem>> -> memref<1x!tpu.dma_semaphore, #tpu.memory_space<semaphore_mem>>
    %dma_start3A_549 = tpu.memref_squeeze %dma_start3A_548 : memref<1x!tpu.dma_semaphore, #tpu.memory_space<semaphore_mem>> -> memref<!tpu.dma_semaphore, #tpu.memory_space<semaphore_mem>>
    tpu.enqueue_indirect_dma source(%dma_start3A_547 : memref<1000001xi32, #tpu.memory_space<vmem_shared>>) target(%dma_start3A_542 : memref<64xi32, #tpu.memory_space<vmem>>) offsets(%dma_start3A_545 : memref<64xi32, #tpu.memory_space<vmem>>) semaphore(%dma_start3A_549 : memref<!tpu.dma_semaphore, #tpu.memory_space<semaphore_mem>>)
    %dma_wait3A = arith.constant 0 : i32
    %dma_wait3A_550 = arith.constant 0 : i32
    %dma_wait3A_551 = arith.constant 0 : i32
    %dma_wait3A_552 = arith.constant 0 : i32
    %dma_wait3A_553 = tpu.memref_slice %arg8[%dma_wait3A_550, %dma_wait3A_552] : memref<8x64xi32, #tpu.memory_space<vmem>> -> memref<1x64xi32, #tpu.memory_space<vmem>>
    %dma_wait3A_554 = tpu.memref_squeeze %dma_wait3A_553 : memref<1x64xi32, #tpu.memory_space<vmem>> -> memref<64xi32, #tpu.memory_space<vmem>>
    %dma_wait3A_555 = arith.constant 0 : i32
    %dma_wait3A_556 = tpu.memref_slice %arg6[%dma_wait3A, %dma_wait3A_555] : memref<208x64xi32, #tpu.memory_space<vmem>> -> memref<1x64xi32, #tpu.memory_space<vmem>>
    %dma_wait3A_557 = tpu.memref_squeeze %dma_wait3A_556 : memref<1x64xi32, #tpu.memory_space<vmem>> -> memref<64xi32, #tpu.memory_space<vmem>>
    %dma_wait3A_558 = arith.constant 0 : i32
    %dma_wait3A_559 = tpu.memref_slice %arg7[%dma_wait3A_558] : memref<1000001xi32, #tpu.memory_space<vmem_shared>> -> memref<1000001xi32, #tpu.memory_space<vmem_shared>>
    %dma_wait3A_560 = tpu.memref_slice %arg10[%dma_wait3A_551] : memref<8x!tpu.dma_semaphore, #tpu.memory_space<semaphore_mem>> -> memref<1x!tpu.dma_semaphore, #tpu.memory_space<semaphore_mem>>
    %dma_wait3A_561 = tpu.memref_squeeze %dma_wait3A_560 : memref<1x!tpu.dma_semaphore, #tpu.memory_space<semaphore_mem>> -> memref<!tpu.dma_semaphore, #tpu.memory_space<semaphore_mem>>
    tpu.wait_indirect_dma semaphore(%dma_wait3A_561 : memref<!tpu.dma_semaphore, #tpu.memory_space<semaphore_mem>>) src(%dma_wait3A_559 : memref<1000001xi32, #tpu.memory_space<vmem_shared>>) dst(%dma_wait3A_554 : memref<64xi32, #tpu.memory_space<vmem>>)
    %get3A_562 = arith.constant 0 : i32
    %get3A_563 = arith.index_cast %get3A_562 : i32 to index
    %get3A_564 = arith.constant 0 : index
    %get3A_565 = tpu.vector_load %arg8[%get3A_563, %get3A_564] {strides = array<i32>} : memref<8x64xi32, #tpu.memory_space<vmem>>, vector<16xi32>,
    %add3A_566 = arith.constant 0 : i32
    %add3A_567 = vector.broadcast %add3A_566 : i32 to vector<16xi32>
    %add3A_568 = arith.addi %add3A_567, %iota3A : vector<16xi32>
    %mul3A_569 = arith.constant 997 : i32
    %mul3A_570 = arith.muli %add3A, %mul3A_569 : i32
    %add3A_571 = vector.broadcast %mul3A_570 : i32 to vector<16xi32>
    %add3A_572 = arith.addi %add3A_568, %add3A_571 : vector<16xi32>
    %and3A = arith.constant 2047 : i32
    %and3A_573 = vector.broadcast %and3A : i32 to vector<16xi32>
    %and3A_574 = arith.andi %add3A_572, %and3A_573 : vector<16xi32>
    %eq3A_575 = arith.constant 100000 : i32
    %eq3A_576 = vector.broadcast %eq3A_575 : i32 to vector<16xi32>
    %eq3A_577 = arith.cmpi eq, %get3A_565, %eq3A_576 : vector<16xi32>
    %add3A_578 = arith.constant 100001 : i32
    %add3A_579 = vector.broadcast %add3A_578 : i32 to vector<16xi32>
    %add3A_580 = arith.addi %add3A_579, %and3A_574 : vector<16xi32>
    %select_n3A = arith.select %eq3A_577, %add3A_580, %get3A_565 : vector<16xi1>, vector<16xi32>
    %swap3A_581 = arith.constant 0 : i32
    %swap3A_582 = arith.index_cast %swap3A_581 : i32 to index
    %swap3A_583 = arith.constant 0 : index
    %swap3A_584 = tpu.vector_load %arg8[%swap3A_582, %swap3A_583] {strides = array<i32>} : memref<8x64xi32, #tpu.memory_space<vmem>>, vector<16xi32>,
    tpu.vector_store %arg8[%swap3A_582, %swap3A_583], %select_n3A {strides = array<i32>} : memref<8x64xi32, #tpu.memory_space<vmem>>, vector<16xi32>,
    %get3A_585 = arith.constant 0 : i32
    %get3A_586 = arith.index_cast %get3A_585 : i32 to index
    %get3A_587 = arith.constant 16 : index
    %get3A_588 = tpu.vector_load %arg8[%get3A_586, %get3A_587] {strides = array<i32>} : memref<8x64xi32, #tpu.memory_space<vmem>>, vector<16xi32>,
    %add3A_589 = arith.constant 16 : i32
    %add3A_590 = vector.broadcast %add3A_589 : i32 to vector<16xi32>
    %add3A_591 = arith.addi %add3A_590, %iota3A : vector<16xi32>
    %mul3A_592 = arith.constant 997 : i32
    %mul3A_593 = arith.muli %add3A, %mul3A_592 : i32
    %add3A_594 = vector.broadcast %mul3A_593 : i32 to vector<16xi32>
    %add3A_595 = arith.addi %add3A_591, %add3A_594 : vector<16xi32>
    %and3A_596 = arith.constant 2047 : i32
    %and3A_597 = vector.broadcast %and3A_596 : i32 to vector<16xi32>
    %and3A_598 = arith.andi %add3A_595, %and3A_597 : vector<16xi32>
    %eq3A_599 = arith.constant 100000 : i32
    %eq3A_600 = vector.broadcast %eq3A_599 : i32 to vector<16xi32>
    %eq3A_601 = arith.cmpi eq, %get3A_588, %eq3A_600 : vector<16xi32>
    %add3A_602 = arith.constant 100001 : i32
    %add3A_603 = vector.broadcast %add3A_602 : i32 to vector<16xi32>
    %add3A_604 = arith.addi %add3A_603, %and3A_598 : vector<16xi32>
    %select_n3A_605 = arith.select %eq3A_601, %add3A_604, %get3A_588 : vector<16xi1>, vector<16xi32>
    %swap3A_606 = arith.constant 0 : i32
    %swap3A_607 = arith.index_cast %swap3A_606 : i32 to index
    %swap3A_608 = arith.constant 16 : index
    %swap3A_609 = tpu.vector_load %arg8[%swap3A_607, %swap3A_608] {strides = array<i32>} : memref<8x64xi32, #tpu.memory_space<vmem>>, vector<16xi32>,
    tpu.vector_store %arg8[%swap3A_607, %swap3A_608], %select_n3A_605 {strides = array<i32>} : memref<8x64xi32, #tpu.memory_space<vmem>>, vector<16xi32>,
    %get3A_610 = arith.constant 0 : i32
    %get3A_611 = arith.index_cast %get3A_610 : i32 to index
    %get3A_612 = arith.constant 32 : index
    %get3A_613 = tpu.vector_load %arg8[%get3A_611, %get3A_612] {strides = array<i32>} : memref<8x64xi32, #tpu.memory_space<vmem>>, vector<16xi32>,
    %add3A_614 = arith.constant 32 : i32
    %add3A_615 = vector.broadcast %add3A_614 : i32 to vector<16xi32>
    %add3A_616 = arith.addi %add3A_615, %iota3A : vector<16xi32>
    %mul3A_617 = arith.constant 997 : i32
    %mul3A_618 = arith.muli %add3A, %mul3A_617 : i32
    %add3A_619 = vector.broadcast %mul3A_618 : i32 to vector<16xi32>
    %add3A_620 = arith.addi %add3A_616, %add3A_619 : vector<16xi32>
    %and3A_621 = arith.constant 2047 : i32
    %and3A_622 = vector.broadcast %and3A_621 : i32 to vector<16xi32>
    %and3A_623 = arith.andi %add3A_620, %and3A_622 : vector<16xi32>
    %eq3A_624 = arith.constant 100000 : i32
    %eq3A_625 = vector.broadcast %eq3A_624 : i32 to vector<16xi32>
    %eq3A_626 = arith.cmpi eq, %get3A_613, %eq3A_625 : vector<16xi32>
    %add3A_627 = arith.constant 100001 : i32
    %add3A_628 = vector.broadcast %add3A_627 : i32 to vector<16xi32>
    %add3A_629 = arith.addi %add3A_628, %and3A_623 : vector<16xi32>
    %select_n3A_630 = arith.select %eq3A_626, %add3A_629, %get3A_613 : vector<16xi1>, vector<16xi32>
    %swap3A_631 = arith.constant 0 : i32
    %swap3A_632 = arith.index_cast %swap3A_631 : i32 to index
    %swap3A_633 = arith.constant 32 : index
    %swap3A_634 = tpu.vector_load %arg8[%swap3A_632, %swap3A_633] {strides = array<i32>} : memref<8x64xi32, #tpu.memory_space<vmem>>, vector<16xi32>,
    tpu.vector_store %arg8[%swap3A_632, %swap3A_633], %select_n3A_630 {strides = array<i32>} : memref<8x64xi32, #tpu.memory_space<vmem>>, vector<16xi32>,
    %get3A_635 = arith.constant 0 : i32
    %get3A_636 = arith.index_cast %get3A_635 : i32 to index
    %get3A_637 = arith.constant 48 : index
    %get3A_638 = tpu.vector_load %arg8[%get3A_636, %get3A_637] {strides = array<i32>} : memref<8x64xi32, #tpu.memory_space<vmem>>, vector<16xi32>,
    %add3A_639 = arith.constant 48 : i32
    %add3A_640 = vector.broadcast %add3A_639 : i32 to vector<16xi32>
    %add3A_641 = arith.addi %add3A_640, %iota3A : vector<16xi32>
    %mul3A_642 = arith.constant 997 : i32
    %mul3A_643 = arith.muli %add3A, %mul3A_642 : i32
    %add3A_644 = vector.broadcast %mul3A_643 : i32 to vector<16xi32>
    %add3A_645 = arith.addi %add3A_641, %add3A_644 : vector<16xi32>
    %and3A_646 = arith.constant 2047 : i32
    %and3A_647 = vector.broadcast %and3A_646 : i32 to vector<16xi32>
    %and3A_648 = arith.andi %add3A_645, %and3A_647 : vector<16xi32>
    %eq3A_649 = arith.constant 100000 : i32
    %eq3A_650 = vector.broadcast %eq3A_649 : i32 to vector<16xi32>
    %eq3A_651 = arith.cmpi eq, %get3A_638, %eq3A_650 : vector<16xi32>
    %add3A_652 = arith.constant 100001 : i32
    %add3A_653 = vector.broadcast %add3A_652 : i32 to vector<16xi32>
    %add3A_654 = arith.addi %add3A_653, %and3A_648 : vector<16xi32>
    %select_n3A_655 = arith.select %eq3A_651, %add3A_654, %get3A_638 : vector<16xi1>, vector<16xi32>
    %swap3A_656 = arith.constant 0 : i32
    %swap3A_657 = arith.index_cast %swap3A_656 : i32 to index
    %swap3A_658 = arith.constant 48 : index
    %swap3A_659 = tpu.vector_load %arg8[%swap3A_657, %swap3A_658] {strides = array<i32>} : memref<8x64xi32, #tpu.memory_space<vmem>>, vector<16xi32>,
    tpu.vector_store %arg8[%swap3A_657, %swap3A_658], %select_n3A_655 {strides = array<i32>} : memref<8x64xi32, #tpu.memory_space<vmem>>, vector<16xi32>,
    %dma_start3A_660 = arith.constant 0 : i32
    %dma_start3A_661 = arith.constant 0 : i32
    %dma_start3A_662 = arith.constant 0 : i32
    %dma_start3A_663 = arith.constant 0 : i32
    %dma_start3A_664 = arith.constant 0 : i32
    %dma_start3A_665 = tpu.memref_slice %arg9[%dma_start3A_661, %dma_start3A_663, %dma_start3A_664] : memref<8x64x64xf32, #tpu.memory_space<vmem>> -> memref<1x64x64xf32, #tpu.memory_space<vmem>>
    %dma_start3A_666 = tpu.memref_squeeze %dma_start3A_665 : memref<1x64x64xf32, #tpu.memory_space<vmem>> -> memref<64x64xf32, #tpu.memory_space<vmem>>
    %dma_start3A_667 = arith.constant 0 : i32
    %dma_start3A_668 = tpu.memref_slice %arg8[%dma_start3A_660, %dma_start3A_667] : memref<8x64xi32, #tpu.memory_space<vmem>> -> memref<1x64xi32, #tpu.memory_space<vmem>>
    %dma_start3A_669 = tpu.memref_squeeze %dma_start3A_668 : memref<1x64xi32, #tpu.memory_space<vmem>> -> memref<64xi32, #tpu.memory_space<vmem>>
    %dma_start3A_670 = arith.constant 0 : i32
    %dma_start3A_671 = arith.constant 0 : i32
    %dma_start3A_672 = tpu.memref_slice %arg4[%dma_start3A_670, %dma_start3A_671] : memref<102049x64xf32, #tpu.memory_space<hbm>> -> memref<102049x64xf32, #tpu.memory_space<hbm>>
    %dma_start3A_673 = tpu.memref_slice %arg11[%dma_start3A_662] : memref<8x!tpu.dma_semaphore, #tpu.memory_space<semaphore_mem>> -> memref<1x!tpu.dma_semaphore, #tpu.memory_space<semaphore_mem>>
    %dma_start3A_674 = tpu.memref_squeeze %dma_start3A_673 : memref<1x!tpu.dma_semaphore, #tpu.memory_space<semaphore_mem>> -> memref<!tpu.dma_semaphore, #tpu.memory_space<semaphore_mem>>
    tpu.enqueue_indirect_dma source(%dma_start3A_672 : memref<102049x64xf32, #tpu.memory_space<hbm>>) target(%dma_start3A_666 : memref<64x64xf32, #tpu.memory_space<vmem>>) offsets(%dma_start3A_669 : memref<64xi32, #tpu.memory_space<vmem>>) semaphore(%dma_start3A_674 : memref<!tpu.dma_semaphore, #tpu.memory_space<semaphore_mem>>)
    %dma_wait3A_675 = arith.constant 1 : i32
    %dma_wait3A_676 = arith.constant 1 : i32
    %dma_wait3A_677 = arith.constant 1 : i32
    %dma_wait3A_678 = arith.constant 0 : i32
    %dma_wait3A_679 = tpu.memref_slice %arg8[%dma_wait3A_676, %dma_wait3A_678] : memref<8x64xi32, #tpu.memory_space<vmem>> -> memref<1x64xi32, #tpu.memory_space<vmem>>
    %dma_wait3A_680 = tpu.memref_squeeze %dma_wait3A_679 : memref<1x64xi32, #tpu.memory_space<vmem>> -> memref<64xi32, #tpu.memory_space<vmem>>
    %dma_wait3A_681 = arith.constant 0 : i32
    %dma_wait3A_682 = tpu.memref_slice %arg6[%dma_wait3A_675, %dma_wait3A_681] : memref<208x64xi32, #tpu.memory_space<vmem>> -> memref<1x64xi32, #tpu.memory_space<vmem>>
    %dma_wait3A_683 = tpu.memref_squeeze %dma_wait3A_682 : memref<1x64xi32, #tpu.memory_space<vmem>> -> memref<64xi32, #tpu.memory_space<vmem>>
    %dma_wait3A_684 = arith.constant 0 : i32
    %dma_wait3A_685 = tpu.memref_slice %arg7[%dma_wait3A_684] : memref<1000001xi32, #tpu.memory_space<vmem_shared>> -> memref<1000001xi32, #tpu.memory_space<vmem_shared>>
    %dma_wait3A_686 = tpu.memref_slice %arg10[%dma_wait3A_677] : memref<8x!tpu.dma_semaphore, #tpu.memory_space<semaphore_mem>> -> memref<1x!tpu.dma_semaphore, #tpu.memory_space<semaphore_mem>>
    %dma_wait3A_687 = tpu.memref_squeeze %dma_wait3A_686 : memref<1x!tpu.dma_semaphore, #tpu.memory_space<semaphore_mem>> -> memref<!tpu.dma_semaphore, #tpu.memory_space<semaphore_mem>>
    tpu.wait_indirect_dma semaphore(%dma_wait3A_687 : memref<!tpu.dma_semaphore, #tpu.memory_space<semaphore_mem>>) src(%dma_wait3A_685 : memref<1000001xi32, #tpu.memory_space<vmem_shared>>) dst(%dma_wait3A_680 : memref<64xi32, #tpu.memory_space<vmem>>)
    %get3A_688 = arith.constant 1 : i32
    %get3A_689 = arith.index_cast %get3A_688 : i32 to index
    %get3A_690 = arith.constant 0 : index
    %get3A_691 = tpu.vector_load %arg8[%get3A_689, %get3A_690] {strides = array<i32>} : memref<8x64xi32, #tpu.memory_space<vmem>>, vector<16xi32>,
    %add3A_692 = arith.constant 64 : i32
    %add3A_693 = vector.broadcast %add3A_692 : i32 to vector<16xi32>
    %add3A_694 = arith.addi %add3A_693, %iota3A : vector<16xi32>
    %mul3A_695 = arith.constant 997 : i32
    %mul3A_696 = arith.muli %add3A, %mul3A_695 : i32
    %add3A_697 = vector.broadcast %mul3A_696 : i32 to vector<16xi32>
    %add3A_698 = arith.addi %add3A_694, %add3A_697 : vector<16xi32>
    %and3A_699 = arith.constant 2047 : i32
    %and3A_700 = vector.broadcast %and3A_699 : i32 to vector<16xi32>
    %and3A_701 = arith.andi %add3A_698, %and3A_700 : vector<16xi32>
    %eq3A_702 = arith.constant 100000 : i32
    %eq3A_703 = vector.broadcast %eq3A_702 : i32 to vector<16xi32>
    %eq3A_704 = arith.cmpi eq, %get3A_691, %eq3A_703 : vector<16xi32>
    %add3A_705 = arith.constant 100001 : i32
    %add3A_706 = vector.broadcast %add3A_705 : i32 to vector<16xi32>
    %add3A_707 = arith.addi %add3A_706, %and3A_701 : vector<16xi32>
    %select_n3A_708 = arith.select %eq3A_704, %add3A_707, %get3A_691 : vector<16xi1>, vector<16xi32>
    %swap3A_709 = arith.constant 1 : i32
    %swap3A_710 = arith.index_cast %swap3A_709 : i32 to index
    %swap3A_711 = arith.constant 0 : index
    %swap3A_712 = tpu.vector_load %arg8[%swap3A_710, %swap3A_711] {strides = array<i32>} : memref<8x64xi32, #tpu.memory_space<vmem>>, vector<16xi32>,
    tpu.vector_store %arg8[%swap3A_710, %swap3A_711], %select_n3A_708 {strides = array<i32>} : memref<8x64xi32, #tpu.memory_space<vmem>>, vector<16xi32>,
    %get3A_713 = arith.constant 1 : i32
    %get3A_714 = arith.index_cast %get3A_713 : i32 to index
    %get3A_715 = arith.constant 16 : index
    %get3A_716 = tpu.vector_load %arg8[%get3A_714, %get3A_715] {strides = array<i32>} : memref<8x64xi32, #tpu.memory_space<vmem>>, vector<16xi32>,
    %add3A_717 = arith.constant 80 : i32
    %add3A_718 = vector.broadcast %add3A_717 : i32 to vector<16xi32>
    %add3A_719 = arith.addi %add3A_718, %iota3A : vector<16xi32>
    %mul3A_720 = arith.constant 997 : i32
    %mul3A_721 = arith.muli %add3A, %mul3A_720 : i32
    %add3A_722 = vector.broadcast %mul3A_721 : i32 to vector<16xi32>
    %add3A_723 = arith.addi %add3A_719, %add3A_722 : vector<16xi32>
    %and3A_724 = arith.constant 2047 : i32
    %and3A_725 = vector.broadcast %and3A_724 : i32 to vector<16xi32>
    %and3A_726 = arith.andi %add3A_723, %and3A_725 : vector<16xi32>
    %eq3A_727 = arith.constant 100000 : i32
    %eq3A_728 = vector.broadcast %eq3A_727 : i32 to vector<16xi32>
    %eq3A_729 = arith.cmpi eq, %get3A_716, %eq3A_728 : vector<16xi32>
    %add3A_730 = arith.constant 100001 : i32
    %add3A_731 = vector.broadcast %add3A_730 : i32 to vector<16xi32>
    %add3A_732 = arith.addi %add3A_731, %and3A_726 : vector<16xi32>
    %select_n3A_733 = arith.select %eq3A_729, %add3A_732, %get3A_716 : vector<16xi1>, vector<16xi32>
    %swap3A_734 = arith.constant 1 : i32
    %swap3A_735 = arith.index_cast %swap3A_734 : i32 to index
    %swap3A_736 = arith.constant 16 : index
    %swap3A_737 = tpu.vector_load %arg8[%swap3A_735, %swap3A_736] {strides = array<i32>} : memref<8x64xi32, #tpu.memory_space<vmem>>, vector<16xi32>,
    tpu.vector_store %arg8[%swap3A_735, %swap3A_736], %select_n3A_733 {strides = array<i32>} : memref<8x64xi32, #tpu.memory_space<vmem>>, vector<16xi32>,
    %get3A_738 = arith.constant 1 : i32
    %get3A_739 = arith.index_cast %get3A_738 : i32 to index
    %get3A_740 = arith.constant 32 : index
    %get3A_741 = tpu.vector_load %arg8[%get3A_739, %get3A_740] {strides = array<i32>} : memref<8x64xi32, #tpu.memory_space<vmem>>, vector<16xi32>,
    %add3A_742 = arith.constant 96 : i32
    %add3A_743 = vector.broadcast %add3A_742 : i32 to vector<16xi32>
    %add3A_744 = arith.addi %add3A_743, %iota3A : vector<16xi32>
    %mul3A_745 = arith.constant 997 : i32
    %mul3A_746 = arith.muli %add3A, %mul3A_745 : i32
    %add3A_747 = vector.broadcast %mul3A_746 : i32 to vector<16xi32>
    %add3A_748 = arith.addi %add3A_744, %add3A_747 : vector<16xi32>
    %and3A_749 = arith.constant 2047 : i32
    %and3A_750 = vector.broadcast %and3A_749 : i32 to vector<16xi32>
    %and3A_751 = arith.andi %add3A_748, %and3A_750 : vector<16xi32>
    %eq3A_752 = arith.constant 100000 : i32
    %eq3A_753 = vector.broadcast %eq3A_752 : i32 to vector<16xi32>
    %eq3A_754 = arith.cmpi eq, %get3A_741, %eq3A_753 : vector<16xi32>
    %add3A_755 = arith.constant 100001 : i32
    %add3A_756 = vector.broadcast %add3A_755 : i32 to vector<16xi32>
    %add3A_757 = arith.addi %add3A_756, %and3A_751 : vector<16xi32>
    %select_n3A_758 = arith.select %eq3A_754, %add3A_757, %get3A_741 : vector<16xi1>, vector<16xi32>
    %swap3A_759 = arith.constant 1 : i32
    %swap3A_760 = arith.index_cast %swap3A_759 : i32 to index
    %swap3A_761 = arith.constant 32 : index
    %swap3A_762 = tpu.vector_load %arg8[%swap3A_760, %swap3A_761] {strides = array<i32>} : memref<8x64xi32, #tpu.memory_space<vmem>>, vector<16xi32>,
    tpu.vector_store %arg8[%swap3A_760, %swap3A_761], %select_n3A_758 {strides = array<i32>} : memref<8x64xi32, #tpu.memory_space<vmem>>, vector<16xi32>,
    %get3A_763 = arith.constant 1 : i32
    %get3A_764 = arith.index_cast %get3A_763 : i32 to index
    %get3A_765 = arith.constant 48 : index
    %get3A_766 = tpu.vector_load %arg8[%get3A_764, %get3A_765] {strides = array<i32>} : memref<8x64xi32, #tpu.memory_space<vmem>>, vector<16xi32>,
    %add3A_767 = arith.constant 112 : i32
    %add3A_768 = vector.broadcast %add3A_767 : i32 to vector<16xi32>
    %add3A_769 = arith.addi %add3A_768, %iota3A : vector<16xi32>
    %mul3A_770 = arith.constant 997 : i32
    %mul3A_771 = arith.muli %add3A, %mul3A_770 : i32
    %add3A_772 = vector.broadcast %mul3A_771 : i32 to vector<16xi32>
    %add3A_773 = arith.addi %add3A_769, %add3A_772 : vector<16xi32>
    %and3A_774 = arith.constant 2047 : i32
    %and3A_775 = vector.broadcast %and3A_774 : i32 to vector<16xi32>
    %and3A_776 = arith.andi %add3A_773, %and3A_775 : vector<16xi32>
    %eq3A_777 = arith.constant 100000 : i32
    %eq3A_778 = vector.broadcast %eq3A_777 : i32 to vector<16xi32>
    %eq3A_779 = arith.cmpi eq, %get3A_766, %eq3A_778 : vector<16xi32>
    %add3A_780 = arith.constant 100001 : i32
    %add3A_781 = vector.broadcast %add3A_780 : i32 to vector<16xi32>
    %add3A_782 = arith.addi %add3A_781, %and3A_776 : vector<16xi32>
    %select_n3A_783 = arith.select %eq3A_779, %add3A_782, %get3A_766 : vector<16xi1>, vector<16xi32>
    %swap3A_784 = arith.constant 1 : i32
    %swap3A_785 = arith.index_cast %swap3A_784 : i32 to index
    %swap3A_786 = arith.constant 48 : index
    %swap3A_787 = tpu.vector_load %arg8[%swap3A_785, %swap3A_786] {strides = array<i32>} : memref<8x64xi32, #tpu.memory_space<vmem>>, vector<16xi32>,
    tpu.vector_store %arg8[%swap3A_785, %swap3A_786], %select_n3A_783 {strides = array<i32>} : memref<8x64xi32, #tpu.memory_space<vmem>>, vector<16xi32>,
    %dma_start3A_788 = arith.constant 1 : i32
    %dma_start3A_789 = arith.constant 1 : i32
    %dma_start3A_790 = arith.constant 1 : i32
    %dma_start3A_791 = arith.constant 0 : i32
    %dma_start3A_792 = arith.constant 0 : i32
    %dma_start3A_793 = tpu.memref_slice %arg9[%dma_start3A_789, %dma_start3A_791, %dma_start3A_792] : memref<8x64x64xf32, #tpu.memory_space<vmem>> -> memref<1x64x64xf32, #tpu.memory_space<vmem>>
    %dma_start3A_794 = tpu.memref_squeeze %dma_start3A_793 : memref<1x64x64xf32, #tpu.memory_space<vmem>> -> memref<64x64xf32, #tpu.memory_space<vmem>>
    %dma_start3A_795 = arith.constant 0 : i32
    %dma_start3A_796 = tpu.memref_slice %arg8[%dma_start3A_788, %dma_start3A_795] : memref<8x64xi32, #tpu.memory_space<vmem>> -> memref<1x64xi32, #tpu.memory_space<vmem>>
    %dma_start3A_797 = tpu.memref_squeeze %dma_start3A_796 : memref<1x64xi32, #tpu.memory_space<vmem>> -> memref<64xi32, #tpu.memory_space<vmem>>
    %dma_start3A_798 = arith.constant 0 : i32
    %dma_start3A_799 = arith.constant 0 : i32
    %dma_start3A_800 = tpu.memref_slice %arg4[%dma_start3A_798, %dma_start3A_799] : memref<102049x64xf32, #tpu.memory_space<hbm>> -> memref<102049x64xf32, #tpu.memory_space<hbm>>
    %dma_start3A_801 = tpu.memref_slice %arg11[%dma_start3A_790] : memref<8x!tpu.dma_semaphore, #tpu.memory_space<semaphore_mem>> -> memref<1x!tpu.dma_semaphore, #tpu.memory_space<semaphore_mem>>
    %dma_start3A_802 = tpu.memref_squeeze %dma_start3A_801 : memref<1x!tpu.dma_semaphore, #tpu.memory_space<semaphore_mem>> -> memref<!tpu.dma_semaphore, #tpu.memory_space<semaphore_mem>>
    tpu.enqueue_indirect_dma source(%dma_start3A_800 : memref<102049x64xf32, #tpu.memory_space<hbm>>) target(%dma_start3A_794 : memref<64x64xf32, #tpu.memory_space<vmem>>) offsets(%dma_start3A_797 : memref<64xi32, #tpu.memory_space<vmem>>) semaphore(%dma_start3A_802 : memref<!tpu.dma_semaphore, #tpu.memory_space<semaphore_mem>>)
    %dma_wait3A_803 = arith.constant 2 : i32
    %dma_wait3A_804 = arith.constant 2 : i32
    %dma_wait3A_805 = arith.constant 2 : i32
    %dma_wait3A_806 = arith.constant 0 : i32
    %dma_wait3A_807 = tpu.memref_slice %arg8[%dma_wait3A_804, %dma_wait3A_806] : memref<8x64xi32, #tpu.memory_space<vmem>> -> memref<1x64xi32, #tpu.memory_space<vmem>>
    %dma_wait3A_808 = tpu.memref_squeeze %dma_wait3A_807 : memref<1x64xi32, #tpu.memory_space<vmem>> -> memref<64xi32, #tpu.memory_space<vmem>>
    %dma_wait3A_809 = arith.constant 0 : i32
    %dma_wait3A_810 = tpu.memref_slice %arg6[%dma_wait3A_803, %dma_wait3A_809] : memref<208x64xi32, #tpu.memory_space<vmem>> -> memref<1x64xi32, #tpu.memory_space<vmem>>
    %dma_wait3A_811 = tpu.memref_squeeze %dma_wait3A_810 : memref<1x64xi32, #tpu.memory_space<vmem>> -> memref<64xi32, #tpu.memory_space<vmem>>
    %dma_wait3A_812 = arith.constant 0 : i32
    %dma_wait3A_813 = tpu.memref_slice %arg7[%dma_wait3A_812] : memref<1000001xi32, #tpu.memory_space<vmem_shared>> -> memref<1000001xi32, #tpu.memory_space<vmem_shared>>
    %dma_wait3A_814 = tpu.memref_slice %arg10[%dma_wait3A_805] : memref<8x!tpu.dma_semaphore, #tpu.memory_space<semaphore_mem>> -> memref<1x!tpu.dma_semaphore, #tpu.memory_space<semaphore_mem>>
    %dma_wait3A_815 = tpu.memref_squeeze %dma_wait3A_814 : memref<1x!tpu.dma_semaphore, #tpu.memory_space<semaphore_mem>> -> memref<!tpu.dma_semaphore, #tpu.memory_space<semaphore_mem>>
    tpu.wait_indirect_dma semaphore(%dma_wait3A_815 : memref<!tpu.dma_semaphore, #tpu.memory_space<semaphore_mem>>) src(%dma_wait3A_813 : memref<1000001xi32, #tpu.memory_space<vmem_shared>>) dst(%dma_wait3A_808 : memref<64xi32, #tpu.memory_space<vmem>>)
    %get3A_816 = arith.constant 2 : i32
    %get3A_817 = arith.index_cast %get3A_816 : i32 to index
    %get3A_818 = arith.constant 0 : index
    %get3A_819 = tpu.vector_load %arg8[%get3A_817, %get3A_818] {strides = array<i32>} : memref<8x64xi32, #tpu.memory_space<vmem>>, vector<16xi32>,
    %add3A_820 = arith.constant 128 : i32
    %add3A_821 = vector.broadcast %add3A_820 : i32 to vector<16xi32>
    %add3A_822 = arith.addi %add3A_821, %iota3A : vector<16xi32>
    %mul3A_823 = arith.constant 997 : i32
    %mul3A_824 = arith.muli %add3A, %mul3A_823 : i32
    %add3A_825 = vector.broadcast %mul3A_824 : i32 to vector<16xi32>
    %add3A_826 = arith.addi %add3A_822, %add3A_825 : vector<16xi32>
    %and3A_827 = arith.constant 2047 : i32
    %and3A_828 = vector.broadcast %and3A_827 : i32 to vector<16xi32>
    %and3A_829 = arith.andi %add3A_826, %and3A_828 : vector<16xi32>
    %eq3A_830 = arith.constant 100000 : i32
    %eq3A_831 = vector.broadcast %eq3A_830 : i32 to vector<16xi32>
    %eq3A_832 = arith.cmpi eq, %get3A_819, %eq3A_831 : vector<16xi32>
    %add3A_833 = arith.constant 100001 : i32
    %add3A_834 = vector.broadcast %add3A_833 : i32 to vector<16xi32>
    %add3A_835 = arith.addi %add3A_834, %and3A_829 : vector<16xi32>
    %select_n3A_836 = arith.select %eq3A_832, %add3A_835, %get3A_819 : vector<16xi1>, vector<16xi32>
    %swap3A_837 = arith.constant 2 : i32
    %swap3A_838 = arith.index_cast %swap3A_837 : i32 to index
    %swap3A_839 = arith.constant 0 : index
    %swap3A_840 = tpu.vector_load %arg8[%swap3A_838, %swap3A_839] {strides = array<i32>} : memref<8x64xi32, #tpu.memory_space<vmem>>, vector<16xi32>,
    tpu.vector_store %arg8[%swap3A_838, %swap3A_839], %select_n3A_836 {strides = array<i32>} : memref<8x64xi32, #tpu.memory_space<vmem>>, vector<16xi32>,
    %get3A_841 = arith.constant 2 : i32
    %get3A_842 = arith.index_cast %get3A_841 : i32 to index
    %get3A_843 = arith.constant 16 : index
    %get3A_844 = tpu.vector_load %arg8[%get3A_842, %get3A_843] {strides = array<i32>} : memref<8x64xi32, #tpu.memory_space<vmem>>, vector<16xi32>,
    %add3A_845 = arith.constant 144 : i32
    %add3A_846 = vector.broadcast %add3A_845 : i32 to vector<16xi32>
    %add3A_847 = arith.addi %add3A_846, %iota3A : vector<16xi32>
    %mul3A_848 = arith.constant 997 : i32
    %mul3A_849 = arith.muli %add3A, %mul3A_848 : i32
    %add3A_850 = vector.broadcast %mul3A_849 : i32 to vector<16xi32>
    %add3A_851 = arith.addi %add3A_847, %add3A_850 : vector<16xi32>
    %and3A_852 = arith.constant 2047 : i32
    %and3A_853 = vector.broadcast %and3A_852 : i32 to vector<16xi32>
    %and3A_854 = arith.andi %add3A_851, %and3A_853 : vector<16xi32>
    %eq3A_855 = arith.constant 100000 : i32
    %eq3A_856 = vector.broadcast %eq3A_855 : i32 to vector<16xi32>
    %eq3A_857 = arith.cmpi eq, %get3A_844, %eq3A_856 : vector<16xi32>
    %add3A_858 = arith.constant 100001 : i32
    %add3A_859 = vector.broadcast %add3A_858 : i32 to vector<16xi32>
    %add3A_860 = arith.addi %add3A_859, %and3A_854 : vector<16xi32>
    %select_n3A_861 = arith.select %eq3A_857, %add3A_860, %get3A_844 : vector<16xi1>, vector<16xi32>
    %swap3A_862 = arith.constant 2 : i32
    %swap3A_863 = arith.index_cast %swap3A_862 : i32 to index
    %swap3A_864 = arith.constant 16 : index
    %swap3A_865 = tpu.vector_load %arg8[%swap3A_863, %swap3A_864] {strides = array<i32>} : memref<8x64xi32, #tpu.memory_space<vmem>>, vector<16xi32>,
    tpu.vector_store %arg8[%swap3A_863, %swap3A_864], %select_n3A_861 {strides = array<i32>} : memref<8x64xi32, #tpu.memory_space<vmem>>, vector<16xi32>,
    %get3A_866 = arith.constant 2 : i32
    %get3A_867 = arith.index_cast %get3A_866 : i32 to index
    %get3A_868 = arith.constant 32 : index
    %get3A_869 = tpu.vector_load %arg8[%get3A_867, %get3A_868] {strides = array<i32>} : memref<8x64xi32, #tpu.memory_space<vmem>>, vector<16xi32>,
    %add3A_870 = arith.constant 160 : i32
    %add3A_871 = vector.broadcast %add3A_870 : i32 to vector<16xi32>
    %add3A_872 = arith.addi %add3A_871, %iota3A : vector<16xi32>
    %mul3A_873 = arith.constant 997 : i32
    %mul3A_874 = arith.muli %add3A, %mul3A_873 : i32
    %add3A_875 = vector.broadcast %mul3A_874 : i32 to vector<16xi32>
    %add3A_876 = arith.addi %add3A_872, %add3A_875 : vector<16xi32>
    %and3A_877 = arith.constant 2047 : i32
    %and3A_878 = vector.broadcast %and3A_877 : i32 to vector<16xi32>
    %and3A_879 = arith.andi %add3A_876, %and3A_878 : vector<16xi32>
    %eq3A_880 = arith.constant 100000 : i32
    %eq3A_881 = vector.broadcast %eq3A_880 : i32 to vector<16xi32>
    %eq3A_882 = arith.cmpi eq, %get3A_869, %eq3A_881 : vector<16xi32>
    %add3A_883 = arith.constant 100001 : i32
    %add3A_884 = vector.broadcast %add3A_883 : i32 to vector<16xi32>
    %add3A_885 = arith.addi %add3A_884, %and3A_879 : vector<16xi32>
    %select_n3A_886 = arith.select %eq3A_882, %add3A_885, %get3A_869 : vector<16xi1>, vector<16xi32>
    %swap3A_887 = arith.constant 2 : i32
    %swap3A_888 = arith.index_cast %swap3A_887 : i32 to index
    %swap3A_889 = arith.constant 32 : index
    %swap3A_890 = tpu.vector_load %arg8[%swap3A_888, %swap3A_889] {strides = array<i32>} : memref<8x64xi32, #tpu.memory_space<vmem>>, vector<16xi32>,
    tpu.vector_store %arg8[%swap3A_888, %swap3A_889], %select_n3A_886 {strides = array<i32>} : memref<8x64xi32, #tpu.memory_space<vmem>>, vector<16xi32>,
    %get3A_891 = arith.constant 2 : i32
    %get3A_892 = arith.index_cast %get3A_891 : i32 to index
    %get3A_893 = arith.constant 48 : index
    %get3A_894 = tpu.vector_load %arg8[%get3A_892, %get3A_893] {strides = array<i32>} : memref<8x64xi32, #tpu.memory_space<vmem>>, vector<16xi32>,
    %add3A_895 = arith.constant 176 : i32
    %add3A_896 = vector.broadcast %add3A_895 : i32 to vector<16xi32>
    %add3A_897 = arith.addi %add3A_896, %iota3A : vector<16xi32>
    %mul3A_898 = arith.constant 997 : i32
    %mul3A_899 = arith.muli %add3A, %mul3A_898 : i32
    %add3A_900 = vector.broadcast %mul3A_899 : i32 to vector<16xi32>
    %add3A_901 = arith.addi %add3A_897, %add3A_900 : vector<16xi32>
    %and3A_902 = arith.constant 2047 : i32
    %and3A_903 = vector.broadcast %and3A_902 : i32 to vector<16xi32>
    %and3A_904 = arith.andi %add3A_901, %and3A_903 : vector<16xi32>
    %eq3A_905 = arith.constant 100000 : i32
    %eq3A_906 = vector.broadcast %eq3A_905 : i32 to vector<16xi32>
    %eq3A_907 = arith.cmpi eq, %get3A_894, %eq3A_906 : vector<16xi32>
    %add3A_908 = arith.constant 100001 : i32
    %add3A_909 = vector.broadcast %add3A_908 : i32 to vector<16xi32>
    %add3A_910 = arith.addi %add3A_909, %and3A_904 : vector<16xi32>
    %select_n3A_911 = arith.select %eq3A_907, %add3A_910, %get3A_894 : vector<16xi1>, vector<16xi32>
    %swap3A_912 = arith.constant 2 : i32
    %swap3A_913 = arith.index_cast %swap3A_912 : i32 to index
    %swap3A_914 = arith.constant 48 : index
    %swap3A_915 = tpu.vector_load %arg8[%swap3A_913, %swap3A_914] {strides = array<i32>} : memref<8x64xi32, #tpu.memory_space<vmem>>, vector<16xi32>,
    tpu.vector_store %arg8[%swap3A_913, %swap3A_914], %select_n3A_911 {strides = array<i32>} : memref<8x64xi32, #tpu.memory_space<vmem>>, vector<16xi32>,
    %dma_start3A_916 = arith.constant 2 : i32
    %dma_start3A_917 = arith.constant 2 : i32
    %dma_start3A_918 = arith.constant 2 : i32
    %dma_start3A_919 = arith.constant 0 : i32
    %dma_start3A_920 = arith.constant 0 : i32
    %dma_start3A_921 = tpu.memref_slice %arg9[%dma_start3A_917, %dma_start3A_919, %dma_start3A_920] : memref<8x64x64xf32, #tpu.memory_space<vmem>> -> memref<1x64x64xf32, #tpu.memory_space<vmem>>
    %dma_start3A_922 = tpu.memref_squeeze %dma_start3A_921 : memref<1x64x64xf32, #tpu.memory_space<vmem>> -> memref<64x64xf32, #tpu.memory_space<vmem>>
    %dma_start3A_923 = arith.constant 0 : i32
    %dma_start3A_924 = tpu.memref_slice %arg8[%dma_start3A_916, %dma_start3A_923] : memref<8x64xi32, #tpu.memory_space<vmem>> -> memref<1x64xi32, #tpu.memory_space<vmem>>
    %dma_start3A_925 = tpu.memref_squeeze %dma_start3A_924 : memref<1x64xi32, #tpu.memory_space<vmem>> -> memref<64xi32, #tpu.memory_space<vmem>>
    %dma_start3A_926 = arith.constant 0 : i32
    %dma_start3A_927 = arith.constant 0 : i32
    %dma_start3A_928 = tpu.memref_slice %arg4[%dma_start3A_926, %dma_start3A_927] : memref<102049x64xf32, #tpu.memory_space<hbm>> -> memref<102049x64xf32, #tpu.memory_space<hbm>>
    %dma_start3A_929 = tpu.memref_slice %arg11[%dma_start3A_918] : memref<8x!tpu.dma_semaphore, #tpu.memory_space<semaphore_mem>> -> memref<1x!tpu.dma_semaphore, #tpu.memory_space<semaphore_mem>>
    %dma_start3A_930 = tpu.memref_squeeze %dma_start3A_929 : memref<1x!tpu.dma_semaphore, #tpu.memory_space<semaphore_mem>> -> memref<!tpu.dma_semaphore, #tpu.memory_space<semaphore_mem>>
    tpu.enqueue_indirect_dma source(%dma_start3A_928 : memref<102049x64xf32, #tpu.memory_space<hbm>>) target(%dma_start3A_922 : memref<64x64xf32, #tpu.memory_space<vmem>>) offsets(%dma_start3A_925 : memref<64xi32, #tpu.memory_space<vmem>>) semaphore(%dma_start3A_930 : memref<!tpu.dma_semaphore, #tpu.memory_space<semaphore_mem>>)
    %dma_wait3A_931 = arith.constant 3 : i32
    %dma_wait3A_932 = arith.constant 3 : i32
    %dma_wait3A_933 = arith.constant 3 : i32
    %dma_wait3A_934 = arith.constant 0 : i32
    %dma_wait3A_935 = tpu.memref_slice %arg8[%dma_wait3A_932, %dma_wait3A_934] : memref<8x64xi32, #tpu.memory_space<vmem>> -> memref<1x64xi32, #tpu.memory_space<vmem>>
    %dma_wait3A_936 = tpu.memref_squeeze %dma_wait3A_935 : memref<1x64xi32, #tpu.memory_space<vmem>> -> memref<64xi32, #tpu.memory_space<vmem>>
    %dma_wait3A_937 = arith.constant 0 : i32
    %dma_wait3A_938 = tpu.memref_slice %arg6[%dma_wait3A_931, %dma_wait3A_937] : memref<208x64xi32, #tpu.memory_space<vmem>> -> memref<1x64xi32, #tpu.memory_space<vmem>>
    %dma_wait3A_939 = tpu.memref_squeeze %dma_wait3A_938 : memref<1x64xi32, #tpu.memory_space<vmem>> -> memref<64xi32, #tpu.memory_space<vmem>>
    %dma_wait3A_940 = arith.constant 0 : i32
    %dma_wait3A_941 = tpu.memref_slice %arg7[%dma_wait3A_940] : memref<1000001xi32, #tpu.memory_space<vmem_shared>> -> memref<1000001xi32, #tpu.memory_space<vmem_shared>>
    %dma_wait3A_942 = tpu.memref_slice %arg10[%dma_wait3A_933] : memref<8x!tpu.dma_semaphore, #tpu.memory_space<semaphore_mem>> -> memref<1x!tpu.dma_semaphore, #tpu.memory_space<semaphore_mem>>
    %dma_wait3A_943 = tpu.memref_squeeze %dma_wait3A_942 : memref<1x!tpu.dma_semaphore, #tpu.memory_space<semaphore_mem>> -> memref<!tpu.dma_semaphore, #tpu.memory_space<semaphore_mem>>
    tpu.wait_indirect_dma semaphore(%dma_wait3A_943 : memref<!tpu.dma_semaphore, #tpu.memory_space<semaphore_mem>>) src(%dma_wait3A_941 : memref<1000001xi32, #tpu.memory_space<vmem_shared>>) dst(%dma_wait3A_936 : memref<64xi32, #tpu.memory_space<vmem>>)
    %get3A_944 = arith.constant 3 : i32
    %get3A_945 = arith.index_cast %get3A_944 : i32 to index
    %get3A_946 = arith.constant 0 : index
    %get3A_947 = tpu.vector_load %arg8[%get3A_945, %get3A_946] {strides = array<i32>} : memref<8x64xi32, #tpu.memory_space<vmem>>, vector<16xi32>,
    %add3A_948 = arith.constant 192 : i32
    %add3A_949 = vector.broadcast %add3A_948 : i32 to vector<16xi32>
    %add3A_950 = arith.addi %add3A_949, %iota3A : vector<16xi32>
    %mul3A_951 = arith.constant 997 : i32
    %mul3A_952 = arith.muli %add3A, %mul3A_951 : i32
    %add3A_953 = vector.broadcast %mul3A_952 : i32 to vector<16xi32>
    %add3A_954 = arith.addi %add3A_950, %add3A_953 : vector<16xi32>
    %and3A_955 = arith.constant 2047 : i32
    %and3A_956 = vector.broadcast %and3A_955 : i32 to vector<16xi32>
    %and3A_957 = arith.andi %add3A_954, %and3A_956 : vector<16xi32>
    %eq3A_958 = arith.constant 100000 : i32
    %eq3A_959 = vector.broadcast %eq3A_958 : i32 to vector<16xi32>
    %eq3A_960 = arith.cmpi eq, %get3A_947, %eq3A_959 : vector<16xi32>
    %add3A_961 = arith.constant 100001 : i32
    %add3A_962 = vector.broadcast %add3A_961 : i32 to vector<16xi32>
    %add3A_963 = arith.addi %add3A_962, %and3A_957 : vector<16xi32>
    %select_n3A_964 = arith.select %eq3A_960, %add3A_963, %get3A_947 : vector<16xi1>, vector<16xi32>
    %swap3A_965 = arith.constant 3 : i32
    %swap3A_966 = arith.index_cast %swap3A_965 : i32 to index
    %swap3A_967 = arith.constant 0 : index
    %swap3A_968 = tpu.vector_load %arg8[%swap3A_966, %swap3A_967] {strides = array<i32>} : memref<8x64xi32, #tpu.memory_space<vmem>>, vector<16xi32>,
    tpu.vector_store %arg8[%swap3A_966, %swap3A_967], %select_n3A_964 {strides = array<i32>} : memref<8x64xi32, #tpu.memory_space<vmem>>, vector<16xi32>,
    %get3A_969 = arith.constant 3 : i32
    %get3A_970 = arith.index_cast %get3A_969 : i32 to index
    %get3A_971 = arith.constant 16 : index
    %get3A_972 = tpu.vector_load %arg8[%get3A_970, %get3A_971] {strides = array<i32>} : memref<8x64xi32, #tpu.memory_space<vmem>>, vector<16xi32>,
    %add3A_973 = arith.constant 208 : i32
    %add3A_974 = vector.broadcast %add3A_973 : i32 to vector<16xi32>
    %add3A_975 = arith.addi %add3A_974, %iota3A : vector<16xi32>
    %mul3A_976 = arith.constant 997 : i32
    %mul3A_977 = arith.muli %add3A, %mul3A_976 : i32
    %add3A_978 = vector.broadcast %mul3A_977 : i32 to vector<16xi32>
    %add3A_979 = arith.addi %add3A_975, %add3A_978 : vector<16xi32>
    %and3A_980 = arith.constant 2047 : i32
    %and3A_981 = vector.broadcast %and3A_980 : i32 to vector<16xi32>
    %and3A_982 = arith.andi %add3A_979, %and3A_981 : vector<16xi32>
    %eq3A_983 = arith.constant 100000 : i32
    %eq3A_984 = vector.broadcast %eq3A_983 : i32 to vector<16xi32>
    %eq3A_985 = arith.cmpi eq, %get3A_972, %eq3A_984 : vector<16xi32>
    %add3A_986 = arith.constant 100001 : i32
    %add3A_987 = vector.broadcast %add3A_986 : i32 to vector<16xi32>
    %add3A_988 = arith.addi %add3A_987, %and3A_982 : vector<16xi32>
    %select_n3A_989 = arith.select %eq3A_985, %add3A_988, %get3A_972 : vector<16xi1>, vector<16xi32>
    %swap3A_990 = arith.constant 3 : i32
    %swap3A_991 = arith.index_cast %swap3A_990 : i32 to index
    %swap3A_992 = arith.constant 16 : index
    %swap3A_993 = tpu.vector_load %arg8[%swap3A_991, %swap3A_992] {strides = array<i32>} : memref<8x64xi32, #tpu.memory_space<vmem>>, vector<16xi32>,
    tpu.vector_store %arg8[%swap3A_991, %swap3A_992], %select_n3A_989 {strides = array<i32>} : memref<8x64xi32, #tpu.memory_space<vmem>>, vector<16xi32>,
    %get3A_994 = arith.constant 3 : i32
    %get3A_995 = arith.index_cast %get3A_994 : i32 to index
    %get3A_996 = arith.constant 32 : index
    %get3A_997 = tpu.vector_load %arg8[%get3A_995, %get3A_996] {strides = array<i32>} : memref<8x64xi32, #tpu.memory_space<vmem>>, vector<16xi32>,
    %add3A_998 = arith.constant 224 : i32
    %add3A_999 = vector.broadcast %add3A_998 : i32 to vector<16xi32>
    %add3A_1000 = arith.addi %add3A_999, %iota3A : vector<16xi32>
    %mul3A_1001 = arith.constant 997 : i32
    %mul3A_1002 = arith.muli %add3A, %mul3A_1001 : i32
    %add3A_1003 = vector.broadcast %mul3A_1002 : i32 to vector<16xi32>
    %add3A_1004 = arith.addi %add3A_1000, %add3A_1003 : vector<16xi32>
    %and3A_1005 = arith.constant 2047 : i32
    %and3A_1006 = vector.broadcast %and3A_1005 : i32 to vector<16xi32>
    %and3A_1007 = arith.andi %add3A_1004, %and3A_1006 : vector<16xi32>
    %eq3A_1008 = arith.constant 100000 : i32
    %eq3A_1009 = vector.broadcast %eq3A_1008 : i32 to vector<16xi32>
    %eq3A_1010 = arith.cmpi eq, %get3A_997, %eq3A_1009 : vector<16xi32>
    %add3A_1011 = arith.constant 100001 : i32
    %add3A_1012 = vector.broadcast %add3A_1011 : i32 to vector<16xi32>
    %add3A_1013 = arith.addi %add3A_1012, %and3A_1007 : vector<16xi32>
    %select_n3A_1014 = arith.select %eq3A_1010, %add3A_1013, %get3A_997 : vector<16xi1>, vector<16xi32>
    %swap3A_1015 = arith.constant 3 : i32
    %swap3A_1016 = arith.index_cast %swap3A_1015 : i32 to index
    %swap3A_1017 = arith.constant 32 : index
    %swap3A_1018 = tpu.vector_load %arg8[%swap3A_1016, %swap3A_1017] {strides = array<i32>} : memref<8x64xi32, #tpu.memory_space<vmem>>, vector<16xi32>,
    tpu.vector_store %arg8[%swap3A_1016, %swap3A_1017], %select_n3A_1014 {strides = array<i32>} : memref<8x64xi32, #tpu.memory_space<vmem>>, vector<16xi32>,
    %get3A_1019 = arith.constant 3 : i32
    %get3A_1020 = arith.index_cast %get3A_1019 : i32 to index
    %get3A_1021 = arith.constant 48 : index
    %get3A_1022 = tpu.vector_load %arg8[%get3A_1020, %get3A_1021] {strides = array<i32>} : memref<8x64xi32, #tpu.memory_space<vmem>>, vector<16xi32>,
    %add3A_1023 = arith.constant 240 : i32
    %add3A_1024 = vector.broadcast %add3A_1023 : i32 to vector<16xi32>
    %add3A_1025 = arith.addi %add3A_1024, %iota3A : vector<16xi32>
    %mul3A_1026 = arith.constant 997 : i32
    %mul3A_1027 = arith.muli %add3A, %mul3A_1026 : i32
    %add3A_1028 = vector.broadcast %mul3A_1027 : i32 to vector<16xi32>
    %add3A_1029 = arith.addi %add3A_1025, %add3A_1028 : vector<16xi32>
    %and3A_1030 = arith.constant 2047 : i32
    %and3A_1031 = vector.broadcast %and3A_1030 : i32 to vector<16xi32>
    %and3A_1032 = arith.andi %add3A_1029, %and3A_1031 : vector<16xi32>
    %eq3A_1033 = arith.constant 100000 : i32
    %eq3A_1034 = vector.broadcast %eq3A_1033 : i32 to vector<16xi32>
    %eq3A_1035 = arith.cmpi eq, %get3A_1022, %eq3A_1034 : vector<16xi32>
    %add3A_1036 = arith.constant 100001 : i32
    %add3A_1037 = vector.broadcast %add3A_1036 : i32 to vector<16xi32>
    %add3A_1038 = arith.addi %add3A_1037, %and3A_1032 : vector<16xi32>
    %select_n3A_1039 = arith.select %eq3A_1035, %add3A_1038, %get3A_1022 : vector<16xi1>, vector<16xi32>
    %swap3A_1040 = arith.constant 3 : i32
    %swap3A_1041 = arith.index_cast %swap3A_1040 : i32 to index
    %swap3A_1042 = arith.constant 48 : index
    %swap3A_1043 = tpu.vector_load %arg8[%swap3A_1041, %swap3A_1042] {strides = array<i32>} : memref<8x64xi32, #tpu.memory_space<vmem>>, vector<16xi32>,
    tpu.vector_store %arg8[%swap3A_1041, %swap3A_1042], %select_n3A_1039 {strides = array<i32>} : memref<8x64xi32, #tpu.memory_space<vmem>>, vector<16xi32>,
    %dma_start3A_1044 = arith.constant 3 : i32
    %dma_start3A_1045 = arith.constant 3 : i32
    %dma_start3A_1046 = arith.constant 3 : i32
    %dma_start3A_1047 = arith.constant 0 : i32
    %dma_start3A_1048 = arith.constant 0 : i32
    %dma_start3A_1049 = tpu.memref_slice %arg9[%dma_start3A_1045, %dma_start3A_1047, %dma_start3A_1048] : memref<8x64x64xf32, #tpu.memory_space<vmem>> -> memref<1x64x64xf32, #tpu.memory_space<vmem>>
    %dma_start3A_1050 = tpu.memref_squeeze %dma_start3A_1049 : memref<1x64x64xf32, #tpu.memory_space<vmem>> -> memref<64x64xf32, #tpu.memory_space<vmem>>
    %dma_start3A_1051 = arith.constant 0 : i32
    %dma_start3A_1052 = tpu.memref_slice %arg8[%dma_start3A_1044, %dma_start3A_1051] : memref<8x64xi32, #tpu.memory_space<vmem>> -> memref<1x64xi32, #tpu.memory_space<vmem>>
    %dma_start3A_1053 = tpu.memref_squeeze %dma_start3A_1052 : memref<1x64xi32, #tpu.memory_space<vmem>> -> memref<64xi32, #tpu.memory_space<vmem>>
    %dma_start3A_1054 = arith.constant 0 : i32
    %dma_start3A_1055 = arith.constant 0 : i32
    %dma_start3A_1056 = tpu.memref_slice %arg4[%dma_start3A_1054, %dma_start3A_1055] : memref<102049x64xf32, #tpu.memory_space<hbm>> -> memref<102049x64xf32, #tpu.memory_space<hbm>>
    %dma_start3A_1057 = tpu.memref_slice %arg11[%dma_start3A_1046] : memref<8x!tpu.dma_semaphore, #tpu.memory_space<semaphore_mem>> -> memref<1x!tpu.dma_semaphore, #tpu.memory_space<semaphore_mem>>
    %dma_start3A_1058 = tpu.memref_squeeze %dma_start3A_1057 : memref<1x!tpu.dma_semaphore, #tpu.memory_space<semaphore_mem>> -> memref<!tpu.dma_semaphore, #tpu.memory_space<semaphore_mem>>
    tpu.enqueue_indirect_dma source(%dma_start3A_1056 : memref<102049x64xf32, #tpu.memory_space<hbm>>) target(%dma_start3A_1050 : memref<64x64xf32, #tpu.memory_space<vmem>>) offsets(%dma_start3A_1053 : memref<64xi32, #tpu.memory_space<vmem>>) semaphore(%dma_start3A_1058 : memref<!tpu.dma_semaphore, #tpu.memory_space<semaphore_mem>>)
    %scan3A = arith.constant 0 : i32
    %scan3A_1059 = arith.constant 0 : i32
    %scan3A_1060 = arith.constant 26 : i32
    %scan3A_1061 = arith.addi %scan3A_1059, %scan3A_1060 : i32
    %scan3A_1062 = arith.constant 1 : i32
    scf.for %scan3A_1240 = %scan3A_1059 to %scan3A_1061 step %scan3A_1062  : i32 {
      %mul3A_1241 = arith.constant 8 : i32
      %mul3A_1242 = arith.muli %scan3A_1240, %mul3A_1241 : i32
      %add3A_1243 = arith.constant 0 : i32
      %add3A_1244 = arith.addi %mul3A_1242, %add3A_1243 : i32
      %dma_wait3A_1245 = arith.constant 0 : i32
      %dma_wait3A_1246 = arith.constant 0 : i32
      %dma_wait3A_1247 = arith.constant 0 : i32
      %dma_wait3A_1248 = arith.constant 0 : i32
      %dma_wait3A_1249 = arith.constant 0 : i32
      %dma_wait3A_1250 = tpu.memref_slice %arg9[%dma_wait3A_1246, %dma_wait3A_1248, %dma_wait3A_1249] : memref<8x64x64xf32, #tpu.memory_space<vmem>> -> memref<1x64x64xf32, #tpu.memory_space<vmem>>
      %dma_wait3A_1251 = tpu.memref_squeeze %dma_wait3A_1250 : memref<1x64x64xf32, #tpu.memory_space<vmem>> -> memref<64x64xf32, #tpu.memory_space<vmem>>
      %dma_wait3A_1252 = arith.constant 0 : i32
      %dma_wait3A_1253 = tpu.memref_slice %arg8[%dma_wait3A_1245, %dma_wait3A_1252] : memref<8x64xi32, #tpu.memory_space<vmem>> -> memref<1x64xi32, #tpu.memory_space<vmem>>
      %dma_wait3A_1254 = tpu.memref_squeeze %dma_wait3A_1253 : memref<1x64xi32, #tpu.memory_space<vmem>> -> memref<64xi32, #tpu.memory_space<vmem>>
      %dma_wait3A_1255 = arith.constant 0 : i32
      %dma_wait3A_1256 = arith.constant 0 : i32
      %dma_wait3A_1257 = tpu.memref_slice %arg4[%dma_wait3A_1255, %dma_wait3A_1256] : memref<102049x64xf32, #tpu.memory_space<hbm>> -> memref<102049x64xf32, #tpu.memory_space<hbm>>
      %dma_wait3A_1258 = tpu.memref_slice %arg11[%dma_wait3A_1247] : memref<8x!tpu.dma_semaphore, #tpu.memory_space<semaphore_mem>> -> memref<1x!tpu.dma_semaphore, #tpu.memory_space<semaphore_mem>>
      %dma_wait3A_1259 = tpu.memref_squeeze %dma_wait3A_1258 : memref<1x!tpu.dma_semaphore, #tpu.memory_space<semaphore_mem>> -> memref<!tpu.dma_semaphore, #tpu.memory_space<semaphore_mem>>
      tpu.wait_indirect_dma semaphore(%dma_wait3A_1259 : memref<!tpu.dma_semaphore, #tpu.memory_space<semaphore_mem>>) src(%dma_wait3A_1257 : memref<102049x64xf32, #tpu.memory_space<hbm>>) dst(%dma_wait3A_1251 : memref<64x64xf32, #tpu.memory_space<vmem>>)
      %mul3A_1260 = arith.constant 208 : i32
      %mul3A_1261 = arith.muli %add3A, %mul3A_1260 : i32
      %add3A_1262 = arith.addi %mul3A_1261, %add3A_1244 : i32
      %mul3A_1263 = arith.constant 64 : i32
      %mul3A_1264 = arith.muli %add3A_1262, %mul3A_1263 : i32
      %dma_start3A_1265 = arith.constant 0 : i32
      %dma_start3A_1266 = arith.constant 0 : i32
      %dma_start3A_1267 = arith.constant 0 : i32
      %dma_start3A_1268 = arith.constant 0 : i32
      %dma_start3A_1269 = tpu.memref_slice %arg9[%dma_start3A_1265, %dma_start3A_1267, %dma_start3A_1268] : memref<8x64x64xf32, #tpu.memory_space<vmem>> -> memref<1x64x64xf32, #tpu.memory_space<vmem>>
      %dma_start3A_1270 = tpu.memref_squeeze %dma_start3A_1269 : memref<1x64x64xf32, #tpu.memory_space<vmem>> -> memref<64x64xf32, #tpu.memory_space<vmem>>
      %dma_start3A_1271 = arith.constant 0 : i32
      %dma_start3A_1272 = tpu.memref_slice %arg5[%mul3A_1264, %dma_start3A_1271] : memref<425984x64xf32, #tpu.memory_space<hbm>> -> memref<64x64xf32, #tpu.memory_space<hbm>>
      %dma_start3A_1273 = tpu.memref_slice %arg12[%dma_start3A_1266] : memref<8x!tpu.dma_semaphore, #tpu.memory_space<semaphore_mem>> -> memref<1x!tpu.dma_semaphore, #tpu.memory_space<semaphore_mem>>
      %dma_start3A_1274 = tpu.memref_squeeze %dma_start3A_1273 : memref<1x!tpu.dma_semaphore, #tpu.memory_space<semaphore_mem>> -> memref<!tpu.dma_semaphore, #tpu.memory_space<semaphore_mem>>
      %dma_start3A_1275 = arith.constant 0 : i32
      %dma_start3A_1276 = tpu.memref_slice %arg5[%mul3A_1264, %dma_start3A_1275] : memref<425984x64xf32, #tpu.memory_space<hbm>> -> memref<64x64xf32, #tpu.memory_space<hbm>>
      %dma_start3A_1277 = arith.constant 0 : i32
      %dma_start3A_1278 = arith.constant 0 : i32
      %dma_start3A_1279 = tpu.memref_slice %arg9[%dma_start3A_1265, %dma_start3A_1277, %dma_start3A_1278] : memref<8x64x64xf32, #tpu.memory_space<vmem>> -> memref<1x64x64xf32, #tpu.memory_space<vmem>>
      %dma_start3A_1280 = tpu.memref_squeeze %dma_start3A_1279 : memref<1x64x64xf32, #tpu.memory_space<vmem>> -> memref<64x64xf32, #tpu.memory_space<vmem>>
      tpu.enqueue_dma source(%dma_start3A_1280 : memref<64x64xf32, #tpu.memory_space<vmem>>) target(%dma_start3A_1276 : memref<64x64xf32, #tpu.memory_space<hbm>>) target_semaphore(%dma_start3A_1274 : memref<!tpu.dma_semaphore, #tpu.memory_space<semaphore_mem>>)
      %add3A_1281 = arith.constant 4 : i32
      %add3A_1282 = arith.addi %add3A_1244, %add3A_1281 : i32
      %lt3A = arith.constant 208 : i32
      %lt3A_1283 = arith.cmpi slt, %add3A_1282, %lt3A : i32
      %convert_element_type3A_1284 = arith.extui %lt3A_1283 : i1 to i32
      %cond3A_1285 = arith.constant 0 : i32
      %cond3A_1286 = arith.cmpi ne, %convert_element_type3A_1284, %cond3A_1285 : i32
      scf.if %cond3A_1286 {
        %dma_wait3A_1658 = arith.constant 4 : i32
        %dma_wait3A_1659 = arith.constant 4 : i32
        %dma_wait3A_1660 = arith.constant 0 : i32
        %dma_wait3A_1661 = tpu.memref_slice %arg8[%dma_wait3A_1658, %dma_wait3A_1660] : memref<8x64xi32, #tpu.memory_space<vmem>> -> memref<1x64xi32, #tpu.memory_space<vmem>>
        %dma_wait3A_1662 = tpu.memref_squeeze %dma_wait3A_1661 : memref<1x64xi32, #tpu.memory_space<vmem>> -> memref<64xi32, #tpu.memory_space<vmem>>
        %dma_wait3A_1663 = arith.constant 0 : i32
        %dma_wait3A_1664 = tpu.memref_slice %arg6[%add3A_1282, %dma_wait3A_1663] : memref<208x64xi32, #tpu.memory_space<vmem>> -> memref<1x64xi32, #tpu.memory_space<vmem>>
        %dma_wait3A_1665 = tpu.memref_squeeze %dma_wait3A_1664 : memref<1x64xi32, #tpu.memory_space<vmem>> -> memref<64xi32, #tpu.memory_space<vmem>>
        %dma_wait3A_1666 = arith.constant 0 : i32
        %dma_wait3A_1667 = tpu.memref_slice %arg7[%dma_wait3A_1666] : memref<1000001xi32, #tpu.memory_space<vmem_shared>> -> memref<1000001xi32, #tpu.memory_space<vmem_shared>>
        %dma_wait3A_1668 = tpu.memref_slice %arg10[%dma_wait3A_1659] : memref<8x!tpu.dma_semaphore, #tpu.memory_space<semaphore_mem>> -> memref<1x!tpu.dma_semaphore, #tpu.memory_space<semaphore_mem>>
        %dma_wait3A_1669 = tpu.memref_squeeze %dma_wait3A_1668 : memref<1x!tpu.dma_semaphore, #tpu.memory_space<semaphore_mem>> -> memref<!tpu.dma_semaphore, #tpu.memory_space<semaphore_mem>>
        tpu.wait_indirect_dma semaphore(%dma_wait3A_1669 : memref<!tpu.dma_semaphore, #tpu.memory_space<semaphore_mem>>) src(%dma_wait3A_1667 : memref<1000001xi32, #tpu.memory_space<vmem_shared>>) dst(%dma_wait3A_1662 : memref<64xi32, #tpu.memory_space<vmem>>)
        %get3A_1670 = arith.constant 4 : i32
        %get3A_1671 = arith.index_cast %get3A_1670 : i32 to index
        %get3A_1672 = arith.constant 0 : index
        %get3A_1673 = tpu.vector_load %arg8[%get3A_1671, %get3A_1672] {strides = array<i32>} : memref<8x64xi32, #tpu.memory_space<vmem>>, vector<16xi32>,
        %mul3A_1674 = arith.constant 64 : i32
        %mul3A_1675 = arith.muli %add3A_1282, %mul3A_1674 : i32
        %add3A_1676 = arith.constant 0 : i32
        %add3A_1677 = arith.addi %mul3A_1675, %add3A_1676 : i32
        %add3A_1678 = vector.broadcast %add3A_1677 : i32 to vector<16xi32>
        %add3A_1679 = arith.addi %add3A_1678, %iota3A : vector<16xi32>
        %mul3A_1680 = arith.constant 997 : i32
        %mul3A_1681 = arith.muli %add3A, %mul3A_1680 : i32
        %add3A_1682 = vector.broadcast %mul3A_1681 : i32 to vector<16xi32>
        %add3A_1683 = arith.addi %add3A_1679, %add3A_1682 : vector<16xi32>
        %and3A_1684 = arith.constant 2047 : i32
        %and3A_1685 = vector.broadcast %and3A_1684 : i32 to vector<16xi32>
        %and3A_1686 = arith.andi %add3A_1683, %and3A_1685 : vector<16xi32>
        %eq3A_1687 = arith.constant 100000 : i32
        %eq3A_1688 = vector.broadcast %eq3A_1687 : i32 to vector<16xi32>
        %eq3A_1689 = arith.cmpi eq, %get3A_1673, %eq3A_1688 : vector<16xi32>
        %add3A_1690 = arith.constant 100001 : i32
        %add3A_1691 = vector.broadcast %add3A_1690 : i32 to vector<16xi32>
        %add3A_1692 = arith.addi %add3A_1691, %and3A_1686 : vector<16xi32>
        %select_n3A_1693 = arith.select %eq3A_1689, %add3A_1692, %get3A_1673 : vector<16xi1>, vector<16xi32>
        %swap3A_1694 = arith.constant 4 : i32
        %swap3A_1695 = arith.index_cast %swap3A_1694 : i32 to index
        %swap3A_1696 = arith.constant 0 : index
        %swap3A_1697 = tpu.vector_load %arg8[%swap3A_1695, %swap3A_1696] {strides = array<i32>} : memref<8x64xi32, #tpu.memory_space<vmem>>, vector<16xi32>,
        tpu.vector_store %arg8[%swap3A_1695, %swap3A_1696], %select_n3A_1693 {strides = array<i32>} : memref<8x64xi32, #tpu.memory_space<vmem>>, vector<16xi32>,
        %get3A_1698 = arith.constant 4 : i32
        %get3A_1699 = arith.index_cast %get3A_1698 : i32 to index
        %get3A_1700 = arith.constant 16 : index
        %get3A_1701 = tpu.vector_load %arg8[%get3A_1699, %get3A_1700] {strides = array<i32>} : memref<8x64xi32, #tpu.memory_space<vmem>>, vector<16xi32>,
        %mul3A_1702 = arith.constant 64 : i32
        %mul3A_1703 = arith.muli %add3A_1282, %mul3A_1702 : i32
        %add3A_1704 = arith.constant 16 : i32
        %add3A_1705 = arith.addi %mul3A_1703, %add3A_1704 : i32
        %add3A_1706 = vector.broadcast %add3A_1705 : i32 to vector<16xi32>
        %add3A_1707 = arith.addi %add3A_1706, %iota3A : vector<16xi32>
        %mul3A_1708 = arith.constant 997 : i32
        %mul3A_1709 = arith.muli %add3A, %mul3A_1708 : i32
        %add3A_1710 = vector.broadcast %mul3A_1709 : i32 to vector<16xi32>
        %add3A_1711 = arith.addi %add3A_1707, %add3A_1710 : vector<16xi32>
        %and3A_1712 = arith.constant 2047 : i32
        %and3A_1713 = vector.broadcast %and3A_1712 : i32 to vector<16xi32>
        %and3A_1714 = arith.andi %add3A_1711, %and3A_1713 : vector<16xi32>
        %eq3A_1715 = arith.constant 100000 : i32
        %eq3A_1716 = vector.broadcast %eq3A_1715 : i32 to vector<16xi32>
        %eq3A_1717 = arith.cmpi eq, %get3A_1701, %eq3A_1716 : vector<16xi32>
        %add3A_1718 = arith.constant 100001 : i32
        %add3A_1719 = vector.broadcast %add3A_1718 : i32 to vector<16xi32>
        %add3A_1720 = arith.addi %add3A_1719, %and3A_1714 : vector<16xi32>
        %select_n3A_1721 = arith.select %eq3A_1717, %add3A_1720, %get3A_1701 : vector<16xi1>, vector<16xi32>
        %swap3A_1722 = arith.constant 4 : i32
        %swap3A_1723 = arith.index_cast %swap3A_1722 : i32 to index
        %swap3A_1724 = arith.constant 16 : index
        %swap3A_1725 = tpu.vector_load %arg8[%swap3A_1723, %swap3A_1724] {strides = array<i32>} : memref<8x64xi32, #tpu.memory_space<vmem>>, vector<16xi32>,
        tpu.vector_store %arg8[%swap3A_1723, %swap3A_1724], %select_n3A_1721 {strides = array<i32>} : memref<8x64xi32, #tpu.memory_space<vmem>>, vector<16xi32>,
        %get3A_1726 = arith.constant 4 : i32
        %get3A_1727 = arith.index_cast %get3A_1726 : i32 to index
        %get3A_1728 = arith.constant 32 : index
        %get3A_1729 = tpu.vector_load %arg8[%get3A_1727, %get3A_1728] {strides = array<i32>} : memref<8x64xi32, #tpu.memory_space<vmem>>, vector<16xi32>,
        %mul3A_1730 = arith.constant 64 : i32
        %mul3A_1731 = arith.muli %add3A_1282, %mul3A_1730 : i32
        %add3A_1732 = arith.constant 32 : i32
        %add3A_1733 = arith.addi %mul3A_1731, %add3A_1732 : i32
        %add3A_1734 = vector.broadcast %add3A_1733 : i32 to vector<16xi32>
        %add3A_1735 = arith.addi %add3A_1734, %iota3A : vector<16xi32>
        %mul3A_1736 = arith.constant 997 : i32
        %mul3A_1737 = arith.muli %add3A, %mul3A_1736 : i32
        %add3A_1738 = vector.broadcast %mul3A_1737 : i32 to vector<16xi32>
        %add3A_1739 = arith.addi %add3A_1735, %add3A_1738 : vector<16xi32>
        %and3A_1740 = arith.constant 2047 : i32
        %and3A_1741 = vector.broadcast %and3A_1740 : i32 to vector<16xi32>
        %and3A_1742 = arith.andi %add3A_1739, %and3A_1741 : vector<16xi32>
        %eq3A_1743 = arith.constant 100000 : i32
        %eq3A_1744 = vector.broadcast %eq3A_1743 : i32 to vector<16xi32>
        %eq3A_1745 = arith.cmpi eq, %get3A_1729, %eq3A_1744 : vector<16xi32>
        %add3A_1746 = arith.constant 100001 : i32
        %add3A_1747 = vector.broadcast %add3A_1746 : i32 to vector<16xi32>
        %add3A_1748 = arith.addi %add3A_1747, %and3A_1742 : vector<16xi32>
        %select_n3A_1749 = arith.select %eq3A_1745, %add3A_1748, %get3A_1729 : vector<16xi1>, vector<16xi32>
        %swap3A_1750 = arith.constant 4 : i32
        %swap3A_1751 = arith.index_cast %swap3A_1750 : i32 to index
        %swap3A_1752 = arith.constant 32 : index
        %swap3A_1753 = tpu.vector_load %arg8[%swap3A_1751, %swap3A_1752] {strides = array<i32>} : memref<8x64xi32, #tpu.memory_space<vmem>>, vector<16xi32>,
        tpu.vector_store %arg8[%swap3A_1751, %swap3A_1752], %select_n3A_1749 {strides = array<i32>} : memref<8x64xi32, #tpu.memory_space<vmem>>, vector<16xi32>,
        %get3A_1754 = arith.constant 4 : i32
        %get3A_1755 = arith.index_cast %get3A_1754 : i32 to index
        %get3A_1756 = arith.constant 48 : index
        %get3A_1757 = tpu.vector_load %arg8[%get3A_1755, %get3A_1756] {strides = array<i32>} : memref<8x64xi32, #tpu.memory_space<vmem>>, vector<16xi32>,
        %mul3A_1758 = arith.constant 64 : i32
        %mul3A_1759 = arith.muli %add3A_1282, %mul3A_1758 : i32
        %add3A_1760 = arith.constant 48 : i32
        %add3A_1761 = arith.addi %mul3A_1759, %add3A_1760 : i32
        %add3A_1762 = vector.broadcast %add3A_1761 : i32 to vector<16xi32>
        %add3A_1763 = arith.addi %add3A_1762, %iota3A : vector<16xi32>
        %mul3A_1764 = arith.constant 997 : i32
        %mul3A_1765 = arith.muli %add3A, %mul3A_1764 : i32
        %add3A_1766 = vector.broadcast %mul3A_1765 : i32 to vector<16xi32>
        %add3A_1767 = arith.addi %add3A_1763, %add3A_1766 : vector<16xi32>
        %and3A_1768 = arith.constant 2047 : i32
        %and3A_1769 = vector.broadcast %and3A_1768 : i32 to vector<16xi32>
        %and3A_1770 = arith.andi %add3A_1767, %and3A_1769 : vector<16xi32>
        %eq3A_1771 = arith.constant 100000 : i32
        %eq3A_1772 = vector.broadcast %eq3A_1771 : i32 to vector<16xi32>
        %eq3A_1773 = arith.cmpi eq, %get3A_1757, %eq3A_1772 : vector<16xi32>
        %add3A_1774 = arith.constant 100001 : i32
        %add3A_1775 = vector.broadcast %add3A_1774 : i32 to vector<16xi32>
        %add3A_1776 = arith.addi %add3A_1775, %and3A_1770 : vector<16xi32>
        %select_n3A_1777 = arith.select %eq3A_1773, %add3A_1776, %get3A_1757 : vector<16xi1>, vector<16xi32>
        %swap3A_1778 = arith.constant 4 : i32
        %swap3A_1779 = arith.index_cast %swap3A_1778 : i32 to index
        %swap3A_1780 = arith.constant 48 : index
        %swap3A_1781 = tpu.vector_load %arg8[%swap3A_1779, %swap3A_1780] {strides = array<i32>} : memref<8x64xi32, #tpu.memory_space<vmem>>, vector<16xi32>,
        tpu.vector_store %arg8[%swap3A_1779, %swap3A_1780], %select_n3A_1777 {strides = array<i32>} : memref<8x64xi32, #tpu.memory_space<vmem>>, vector<16xi32>,
        %ge3A = arith.constant 4 : i32
        %ge3A_1782 = arith.cmpi sge, %add3A_1244, %ge3A : i32
        %convert_element_type3A_1783 = arith.extui %ge3A_1782 : i1 to i32
        %cond3A_1784 = arith.constant 0 : i32
        %cond3A_1785 = arith.cmpi ne, %convert_element_type3A_1783, %cond3A_1784 : i32
        scf.if %cond3A_1785 {
          %sub3A = arith.constant 4 : i32
          %sub3A_1801 = arith.subi %add3A_1244, %sub3A : i32
          %mul3A_1802 = arith.constant 208 : i32
          %mul3A_1803 = arith.muli %add3A, %mul3A_1802 : i32
          %add3A_1804 = arith.addi %mul3A_1803, %sub3A_1801 : i32
          %mul3A_1805 = arith.constant 64 : i32
          %mul3A_1806 = arith.muli %add3A_1804, %mul3A_1805 : i32
          %dma_wait3A_1807 = arith.constant 4 : i32
          %dma_wait3A_1808 = arith.constant 4 : i32
          %dma_wait3A_1809 = arith.constant 0 : i32
          %dma_wait3A_1810 = arith.constant 0 : i32
          %dma_wait3A_1811 = tpu.memref_slice %arg9[%dma_wait3A_1807, %dma_wait3A_1809, %dma_wait3A_1810] : memref<8x64x64xf32, #tpu.memory_space<vmem>> -> memref<1x64x64xf32, #tpu.memory_space<vmem>>
          %dma_wait3A_1812 = tpu.memref_squeeze %dma_wait3A_1811 : memref<1x64x64xf32, #tpu.memory_space<vmem>> -> memref<64x64xf32, #tpu.memory_space<vmem>>
          %dma_wait3A_1813 = arith.constant 0 : i32
          %dma_wait3A_1814 = tpu.memref_slice %arg5[%mul3A_1806, %dma_wait3A_1813] : memref<425984x64xf32, #tpu.memory_space<hbm>> -> memref<64x64xf32, #tpu.memory_space<hbm>>
          %dma_wait3A_1815 = tpu.memref_slice %arg12[%dma_wait3A_1808] : memref<8x!tpu.dma_semaphore, #tpu.memory_space<semaphore_mem>> -> memref<1x!tpu.dma_semaphore, #tpu.memory_space<semaphore_mem>>
          %dma_wait3A_1816 = tpu.memref_squeeze %dma_wait3A_1815 : memref<1x!tpu.dma_semaphore, #tpu.memory_space<semaphore_mem>> -> memref<!tpu.dma_semaphore, #tpu.memory_space<semaphore_mem>>
          %dma_wait3A_1817 = arith.constant 0 : i32
          %dma_wait3A_1818 = tpu.memref_slice %arg5[%mul3A_1806, %dma_wait3A_1817] : memref<425984x64xf32, #tpu.memory_space<hbm>> -> memref<64x64xf32, #tpu.memory_space<hbm>>
          %dma_wait3A_1819 = arith.constant 0 : i32
          %dma_wait3A_1820 = arith.constant 0 : i32
          %dma_wait3A_1821 = tpu.memref_slice %arg9[%dma_wait3A_1807, %dma_wait3A_1819, %dma_wait3A_1820] : memref<8x64x64xf32, #tpu.memory_space<vmem>> -> memref<1x64x64xf32, #tpu.memory_space<vmem>>
          %dma_wait3A_1822 = tpu.memref_squeeze %dma_wait3A_1821 : memref<1x64x64xf32, #tpu.memory_space<vmem>> -> memref<64x64xf32, #tpu.memory_space<vmem>>
          tpu.wait_dma2 semaphore(%dma_wait3A_1816 : memref<!tpu.dma_semaphore, #tpu.memory_space<semaphore_mem>>) src(%dma_wait3A_1822 : memref<64x64xf32, #tpu.memory_space<vmem>>) dst(%dma_wait3A_1818 : memref<64x64xf32, #tpu.memory_space<hbm>>)
        } else {
        }
        %dma_start3A_1786 = arith.constant 4 : i32
        %dma_start3A_1787 = arith.constant 4 : i32
        %dma_start3A_1788 = arith.constant 4 : i32
        %dma_start3A_1789 = arith.constant 0 : i32
        %dma_start3A_1790 = arith.constant 0 : i32
        %dma_start3A_1791 = tpu.memref_slice %arg9[%dma_start3A_1787, %dma_start3A_1789, %dma_start3A_1790] : memref<8x64x64xf32, #tpu.memory_space<vmem>> -> memref<1x64x64xf32, #tpu.memory_space<vmem>>
        %dma_start3A_1792 = tpu.memref_squeeze %dma_start3A_1791 : memref<1x64x64xf32, #tpu.memory_space<vmem>> -> memref<64x64xf32, #tpu.memory_space<vmem>>
        %dma_start3A_1793 = arith.constant 0 : i32
        %dma_start3A_1794 = tpu.memref_slice %arg8[%dma_start3A_1786, %dma_start3A_1793] : memref<8x64xi32, #tpu.memory_space<vmem>> -> memref<1x64xi32, #tpu.memory_space<vmem>>
        %dma_start3A_1795 = tpu.memref_squeeze %dma_start3A_1794 : memref<1x64xi32, #tpu.memory_space<vmem>> -> memref<64xi32, #tpu.memory_space<vmem>>
        %dma_start3A_1796 = arith.constant 0 : i32
        %dma_start3A_1797 = arith.constant 0 : i32
        %dma_start3A_1798 = tpu.memref_slice %arg4[%dma_start3A_1796, %dma_start3A_1797] : memref<102049x64xf32, #tpu.memory_space<hbm>> -> memref<102049x64xf32, #tpu.memory_space<hbm>>
        %dma_start3A_1799 = tpu.memref_slice %arg11[%dma_start3A_1788] : memref<8x!tpu.dma_semaphore, #tpu.memory_space<semaphore_mem>> -> memref<1x!tpu.dma_semaphore, #tpu.memory_space<semaphore_mem>>
        %dma_start3A_1800 = tpu.memref_squeeze %dma_start3A_1799 : memref<1x!tpu.dma_semaphore, #tpu.memory_space<semaphore_mem>> -> memref<!tpu.dma_semaphore, #tpu.memory_space<semaphore_mem>>
        tpu.enqueue_indirect_dma source(%dma_start3A_1798 : memref<102049x64xf32, #tpu.memory_space<hbm>>) target(%dma_start3A_1792 : memref<64x64xf32, #tpu.memory_space<vmem>>) offsets(%dma_start3A_1795 : memref<64xi32, #tpu.memory_space<vmem>>) semaphore(%dma_start3A_1800 : memref<!tpu.dma_semaphore, #tpu.memory_space<semaphore_mem>>)
      } else {
      }
      %add3A_1287 = arith.constant 8 : i32
      %add3A_1288 = arith.addi %add3A_1244, %add3A_1287 : i32
      %lt3A_1289 = arith.constant 208 : i32
      %lt3A_1290 = arith.cmpi slt, %add3A_1288, %lt3A_1289 : i32
      %convert_element_type3A_1291 = arith.extui %lt3A_1290 : i1 to i32
      %cond3A_1292 = arith.constant 0 : i32
      %cond3A_1293 = arith.cmpi ne, %convert_element_type3A_1291, %cond3A_1292 : i32
      scf.if %cond3A_1293 {
        %get3A_1658 = arith.index_cast %add3A_1288 : i32 to index
        %get3A_1659 = arith.constant 0 : index
        %get3A_1660 = tpu.vector_load %arg6[%get3A_1658, %get3A_1659] {strides = array<i32>} : memref<208x64xi32, #tpu.memory_space<vmem>>, vector<16xi32>,
        %max3A_1661 = arith.constant 0 : i32
        %max3A_1662 = vector.broadcast %max3A_1661 : i32 to vector<16xi32>
        %max3A_1663 = arith.maxsi %get3A_1660, %max3A_1662 : vector<16xi32>
        %min3A_1664 = arith.constant 1000000 : i32
        %min3A_1665 = vector.broadcast %min3A_1664 : i32 to vector<16xi32>
        %min3A_1666 = arith.minsi %max3A_1663, %min3A_1665 : vector<16xi32>
        %swap3A_1667 = arith.index_cast %add3A_1288 : i32 to index
        %swap3A_1668 = arith.constant 0 : index
        %swap3A_1669 = tpu.vector_load %arg6[%swap3A_1667, %swap3A_1668] {strides = array<i32>} : memref<208x64xi32, #tpu.memory_space<vmem>>, vector<16xi32>,
        tpu.vector_store %arg6[%swap3A_1667, %swap3A_1668], %min3A_1666 {strides = array<i32>} : memref<208x64xi32, #tpu.memory_space<vmem>>, vector<16xi32>,
        %get3A_1670 = arith.index_cast %add3A_1288 : i32 to index
        %get3A_1671 = arith.constant 16 : index
        %get3A_1672 = tpu.vector_load %arg6[%get3A_1670, %get3A_1671] {strides = array<i32>} : memref<208x64xi32, #tpu.memory_space<vmem>>, vector<16xi32>,
        %max3A_1673 = arith.constant 0 : i32
        %max3A_1674 = vector.broadcast %max3A_1673 : i32 to vector<16xi32>
        %max3A_1675 = arith.maxsi %get3A_1672, %max3A_1674 : vector<16xi32>
        %min3A_1676 = arith.constant 1000000 : i32
        %min3A_1677 = vector.broadcast %min3A_1676 : i32 to vector<16xi32>
        %min3A_1678 = arith.minsi %max3A_1675, %min3A_1677 : vector<16xi32>
        %swap3A_1679 = arith.index_cast %add3A_1288 : i32 to index
        %swap3A_1680 = arith.constant 16 : index
        %swap3A_1681 = tpu.vector_load %arg6[%swap3A_1679, %swap3A_1680] {strides = array<i32>} : memref<208x64xi32, #tpu.memory_space<vmem>>, vector<16xi32>,
        tpu.vector_store %arg6[%swap3A_1679, %swap3A_1680], %min3A_1678 {strides = array<i32>} : memref<208x64xi32, #tpu.memory_space<vmem>>, vector<16xi32>,
        %get3A_1682 = arith.index_cast %add3A_1288 : i32 to index
        %get3A_1683 = arith.constant 32 : index
        %get3A_1684 = tpu.vector_load %arg6[%get3A_1682, %get3A_1683] {strides = array<i32>} : memref<208x64xi32, #tpu.memory_space<vmem>>, vector<16xi32>,
        %max3A_1685 = arith.constant 0 : i32
        %max3A_1686 = vector.broadcast %max3A_1685 : i32 to vector<16xi32>
        %max3A_1687 = arith.maxsi %get3A_1684, %max3A_1686 : vector<16xi32>
        %min3A_1688 = arith.constant 1000000 : i32
        %min3A_1689 = vector.broadcast %min3A_1688 : i32 to vector<16xi32>
        %min3A_1690 = arith.minsi %max3A_1687, %min3A_1689 : vector<16xi32>
        %swap3A_1691 = arith.index_cast %add3A_1288 : i32 to index
        %swap3A_1692 = arith.constant 32 : index
        %swap3A_1693 = tpu.vector_load %arg6[%swap3A_1691, %swap3A_1692] {strides = array<i32>} : memref<208x64xi32, #tpu.memory_space<vmem>>, vector<16xi32>,
        tpu.vector_store %arg6[%swap3A_1691, %swap3A_1692], %min3A_1690 {strides = array<i32>} : memref<208x64xi32, #tpu.memory_space<vmem>>, vector<16xi32>,
        %get3A_1694 = arith.index_cast %add3A_1288 : i32 to index
        %get3A_1695 = arith.constant 48 : index
        %get3A_1696 = tpu.vector_load %arg6[%get3A_1694, %get3A_1695] {strides = array<i32>} : memref<208x64xi32, #tpu.memory_space<vmem>>, vector<16xi32>,
        %max3A_1697 = arith.constant 0 : i32
        %max3A_1698 = vector.broadcast %max3A_1697 : i32 to vector<16xi32>
        %max3A_1699 = arith.maxsi %get3A_1696, %max3A_1698 : vector<16xi32>
        %min3A_1700 = arith.constant 1000000 : i32
        %min3A_1701 = vector.broadcast %min3A_1700 : i32 to vector<16xi32>
        %min3A_1702 = arith.minsi %max3A_1699, %min3A_1701 : vector<16xi32>
        %swap3A_1703 = arith.index_cast %add3A_1288 : i32 to index
        %swap3A_1704 = arith.constant 48 : index
        %swap3A_1705 = tpu.vector_load %arg6[%swap3A_1703, %swap3A_1704] {strides = array<i32>} : memref<208x64xi32, #tpu.memory_space<vmem>>, vector<16xi32>,
        tpu.vector_store %arg6[%swap3A_1703, %swap3A_1704], %min3A_1702 {strides = array<i32>} : memref<208x64xi32, #tpu.memory_space<vmem>>, vector<16xi32>,
        %dma_start3A_1706 = arith.constant 0 : i32
        %dma_start3A_1707 = arith.constant 0 : i32
        %dma_start3A_1708 = arith.constant 0 : i32
        %dma_start3A_1709 = tpu.memref_slice %arg8[%dma_start3A_1706, %dma_start3A_1708] : memref<8x64xi32, #tpu.memory_space<vmem>> -> memref<1x64xi32, #tpu.memory_space<vmem>>
        %dma_start3A_1710 = tpu.memref_squeeze %dma_start3A_1709 : memref<1x64xi32, #tpu.memory_space<vmem>> -> memref<64xi32, #tpu.memory_space<vmem>>
        %dma_start3A_1711 = arith.constant 0 : i32
        %dma_start3A_1712 = tpu.memref_slice %arg6[%add3A_1288, %dma_start3A_1711] : memref<208x64xi32, #tpu.memory_space<vmem>> -> memref<1x64xi32, #tpu.memory_space<vmem>>
        %dma_start3A_1713 = tpu.memref_squeeze %dma_start3A_1712 : memref<1x64xi32, #tpu.memory_space<vmem>> -> memref<64xi32, #tpu.memory_space<vmem>>
        %dma_start3A_1714 = arith.constant 0 : i32
        %dma_start3A_1715 = tpu.memref_slice %arg7[%dma_start3A_1714] : memref<1000001xi32, #tpu.memory_space<vmem_shared>> -> memref<1000001xi32, #tpu.memory_space<vmem_shared>>
        %dma_start3A_1716 = tpu.memref_slice %arg10[%dma_start3A_1707] : memref<8x!tpu.dma_semaphore, #tpu.memory_space<semaphore_mem>> -> memref<1x!tpu.dma_semaphore, #tpu.memory_space<semaphore_mem>>
        %dma_start3A_1717 = tpu.memref_squeeze %dma_start3A_1716 : memref<1x!tpu.dma_semaphore, #tpu.memory_space<semaphore_mem>> -> memref<!tpu.dma_semaphore, #tpu.memory_space<semaphore_mem>>
        tpu.enqueue_indirect_dma source(%dma_start3A_1715 : memref<1000001xi32, #tpu.memory_space<vmem_shared>>) target(%dma_start3A_1710 : memref<64xi32, #tpu.memory_space<vmem>>) offsets(%dma_start3A_1713 : memref<64xi32, #tpu.memory_space<vmem>>) semaphore(%dma_start3A_1717 : memref<!tpu.dma_semaphore, #tpu.memory_space<semaphore_mem>>)
      } else {
      }
      %add3A_1294 = arith.constant 1 : i32
      %add3A_1295 = arith.addi %mul3A_1242, %add3A_1294 : i32
      %dma_wait3A_1296 = arith.constant 1 : i32
      %dma_wait3A_1297 = arith.constant 1 : i32
      %dma_wait3A_1298 = arith.constant 1 : i32
      %dma_wait3A_1299 = arith.constant 0 : i32
      %dma_wait3A_1300 = arith.constant 0 : i32
      %dma_wait3A_1301 = tpu.memref_slice %arg9[%dma_wait3A_1297, %dma_wait3A_1299, %dma_wait3A_1300] : memref<8x64x64xf32, #tpu.memory_space<vmem>> -> memref<1x64x64xf32, #tpu.memory_space<vmem>>
      %dma_wait3A_1302 = tpu.memref_squeeze %dma_wait3A_1301 : memref<1x64x64xf32, #tpu.memory_space<vmem>> -> memref<64x64xf32, #tpu.memory_space<vmem>>
      %dma_wait3A_1303 = arith.constant 0 : i32
      %dma_wait3A_1304 = tpu.memref_slice %arg8[%dma_wait3A_1296, %dma_wait3A_1303] : memref<8x64xi32, #tpu.memory_space<vmem>> -> memref<1x64xi32, #tpu.memory_space<vmem>>
      %dma_wait3A_1305 = tpu.memref_squeeze %dma_wait3A_1304 : memref<1x64xi32, #tpu.memory_space<vmem>> -> memref<64xi32, #tpu.memory_space<vmem>>
      %dma_wait3A_1306 = arith.constant 0 : i32
      %dma_wait3A_1307 = arith.constant 0 : i32
      %dma_wait3A_1308 = tpu.memref_slice %arg4[%dma_wait3A_1306, %dma_wait3A_1307] : memref<102049x64xf32, #tpu.memory_space<hbm>> -> memref<102049x64xf32, #tpu.memory_space<hbm>>
      %dma_wait3A_1309 = tpu.memref_slice %arg11[%dma_wait3A_1298] : memref<8x!tpu.dma_semaphore, #tpu.memory_space<semaphore_mem>> -> memref<1x!tpu.dma_semaphore, #tpu.memory_space<semaphore_mem>>
      %dma_wait3A_1310 = tpu.memref_squeeze %dma_wait3A_1309 : memref<1x!tpu.dma_semaphore, #tpu.memory_space<semaphore_mem>> -> memref<!tpu.dma_semaphore, #tpu.memory_space<semaphore_mem>>
      tpu.wait_indirect_dma semaphore(%dma_wait3A_1310 : memref<!tpu.dma_semaphore, #tpu.memory_space<semaphore_mem>>) src(%dma_wait3A_1308 : memref<102049x64xf32, #tpu.memory_space<hbm>>) dst(%dma_wait3A_1302 : memref<64x64xf32, #tpu.memory_space<vmem>>)
      %mul3A_1311 = arith.constant 208 : i32
      %mul3A_1312 = arith.muli %add3A, %mul3A_1311 : i32
      %add3A_1313 = arith.addi %mul3A_1312, %add3A_1295 : i32
      %mul3A_1314 = arith.constant 64 : i32
      %mul3A_1315 = arith.muli %add3A_1313, %mul3A_1314 : i32
      %dma_start3A_1316 = arith.constant 1 : i32
      %dma_start3A_1317 = arith.constant 1 : i32
      %dma_start3A_1318 = arith.constant 0 : i32
      %dma_start3A_1319 = arith.constant 0 : i32
      %dma_start3A_1320 = tpu.memref_slice %arg9[%dma_start3A_1316, %dma_start3A_1318, %dma_start3A_1319] : memref<8x64x64xf32, #tpu.memory_space<vmem>> -> memref<1x64x64xf32, #tpu.memory_space<vmem>>
      %dma_start3A_1321 = tpu.memref_squeeze %dma_start3A_1320 : memref<1x64x64xf32, #tpu.memory_space<vmem>> -> memref<64x64xf32, #tpu.memory_space<vmem>>
      %dma_start3A_1322 = arith.constant 0 : i32
      %dma_start3A_1323 = tpu.memref_slice %arg5[%mul3A_1315, %dma_start3A_1322] : memref<425984x64xf32, #tpu.memory_space<hbm>> -> memref<64x64xf32, #tpu.memory_space<hbm>>
      %dma_start3A_1324 = tpu.memref_slice %arg12[%dma_start3A_1317] : memref<8x!tpu.dma_semaphore, #tpu.memory_space<semaphore_mem>> -> memref<1x!tpu.dma_semaphore, #tpu.memory_space<semaphore_mem>>
      %dma_start3A_1325 = tpu.memref_squeeze %dma_start3A_1324 : memref<1x!tpu.dma_semaphore, #tpu.memory_space<semaphore_mem>> -> memref<!tpu.dma_semaphore, #tpu.memory_space<semaphore_mem>>
      %dma_start3A_1326 = arith.constant 0 : i32
      %dma_start3A_1327 = tpu.memref_slice %arg5[%mul3A_1315, %dma_start3A_1326] : memref<425984x64xf32, #tpu.memory_space<hbm>> -> memref<64x64xf32, #tpu.memory_space<hbm>>
      %dma_start3A_1328 = arith.constant 0 : i32
      %dma_start3A_1329 = arith.constant 0 : i32
      %dma_start3A_1330 = tpu.memref_slice %arg9[%dma_start3A_1316, %dma_start3A_1328, %dma_start3A_1329] : memref<8x64x64xf32, #tpu.memory_space<vmem>> -> memref<1x64x64xf32, #tpu.memory_space<vmem>>
      %dma_start3A_1331 = tpu.memref_squeeze %dma_start3A_1330 : memref<1x64x64xf32, #tpu.memory_space<vmem>> -> memref<64x64xf32, #tpu.memory_space<vmem>>
      tpu.enqueue_dma source(%dma_start3A_1331 : memref<64x64xf32, #tpu.memory_space<vmem>>) target(%dma_start3A_1327 : memref<64x64xf32, #tpu.memory_space<hbm>>) target_semaphore(%dma_start3A_1325 : memref<!tpu.dma_semaphore, #tpu.memory_space<semaphore_mem>>)
      %add3A_1332 = arith.constant 4 : i32
      %add3A_1333 = arith.addi %add3A_1295, %add3A_1332 : i32
      %lt3A_1334 = arith.constant 208 : i32
      %lt3A_1335 = arith.cmpi slt, %add3A_1333, %lt3A_1334 : i32
      %convert_element_type3A_1336 = arith.extui %lt3A_1335 : i1 to i32
      %cond3A_1337 = arith.constant 0 : i32
      %cond3A_1338 = arith.cmpi ne, %convert_element_type3A_1336, %cond3A_1337 : i32
      scf.if %cond3A_1338 {
        %dma_wait3A_1658 = arith.constant 5 : i32
        %dma_wait3A_1659 = arith.constant 5 : i32
        %dma_wait3A_1660 = arith.constant 0 : i32
        %dma_wait3A_1661 = tpu.memref_slice %arg8[%dma_wait3A_1658, %dma_wait3A_1660] : memref<8x64xi32, #tpu.memory_space<vmem>> -> memref<1x64xi32, #tpu.memory_space<vmem>>
        %dma_wait3A_1662 = tpu.memref_squeeze %dma_wait3A_1661 : memref<1x64xi32, #tpu.memory_space<vmem>> -> memref<64xi32, #tpu.memory_space<vmem>>
        %dma_wait3A_1663 = arith.constant 0 : i32
        %dma_wait3A_1664 = tpu.memref_slice %arg6[%add3A_1333, %dma_wait3A_1663] : memref<208x64xi32, #tpu.memory_space<vmem>> -> memref<1x64xi32, #tpu.memory_space<vmem>>
        %dma_wait3A_1665 = tpu.memref_squeeze %dma_wait3A_1664 : memref<1x64xi32, #tpu.memory_space<vmem>> -> memref<64xi32, #tpu.memory_space<vmem>>
        %dma_wait3A_1666 = arith.constant 0 : i32
        %dma_wait3A_1667 = tpu.memref_slice %arg7[%dma_wait3A_1666] : memref<1000001xi32, #tpu.memory_space<vmem_shared>> -> memref<1000001xi32, #tpu.memory_space<vmem_shared>>
        %dma_wait3A_1668 = tpu.memref_slice %arg10[%dma_wait3A_1659] : memref<8x!tpu.dma_semaphore, #tpu.memory_space<semaphore_mem>> -> memref<1x!tpu.dma_semaphore, #tpu.memory_space<semaphore_mem>>
        %dma_wait3A_1669 = tpu.memref_squeeze %dma_wait3A_1668 : memref<1x!tpu.dma_semaphore, #tpu.memory_space<semaphore_mem>> -> memref<!tpu.dma_semaphore, #tpu.memory_space<semaphore_mem>>
        tpu.wait_indirect_dma semaphore(%dma_wait3A_1669 : memref<!tpu.dma_semaphore, #tpu.memory_space<semaphore_mem>>) src(%dma_wait3A_1667 : memref<1000001xi32, #tpu.memory_space<vmem_shared>>) dst(%dma_wait3A_1662 : memref<64xi32, #tpu.memory_space<vmem>>)
        %get3A_1670 = arith.constant 5 : i32
        %get3A_1671 = arith.index_cast %get3A_1670 : i32 to index
        %get3A_1672 = arith.constant 0 : index
        %get3A_1673 = tpu.vector_load %arg8[%get3A_1671, %get3A_1672] {strides = array<i32>} : memref<8x64xi32, #tpu.memory_space<vmem>>, vector<16xi32>,
        %mul3A_1674 = arith.constant 64 : i32
        %mul3A_1675 = arith.muli %add3A_1333, %mul3A_1674 : i32
        %add3A_1676 = arith.constant 0 : i32
        %add3A_1677 = arith.addi %mul3A_1675, %add3A_1676 : i32
        %add3A_1678 = vector.broadcast %add3A_1677 : i32 to vector<16xi32>
        %add3A_1679 = arith.addi %add3A_1678, %iota3A : vector<16xi32>
        %mul3A_1680 = arith.constant 997 : i32
        %mul3A_1681 = arith.muli %add3A, %mul3A_1680 : i32
        %add3A_1682 = vector.broadcast %mul3A_1681 : i32 to vector<16xi32>
        %add3A_1683 = arith.addi %add3A_1679, %add3A_1682 : vector<16xi32>
        %and3A_1684 = arith.constant 2047 : i32
        %and3A_1685 = vector.broadcast %and3A_1684 : i32 to vector<16xi32>
        %and3A_1686 = arith.andi %add3A_1683, %and3A_1685 : vector<16xi32>
        %eq3A_1687 = arith.constant 100000 : i32
        %eq3A_1688 = vector.broadcast %eq3A_1687 : i32 to vector<16xi32>
        %eq3A_1689 = arith.cmpi eq, %get3A_1673, %eq3A_1688 : vector<16xi32>
        %add3A_1690 = arith.constant 100001 : i32
        %add3A_1691 = vector.broadcast %add3A_1690 : i32 to vector<16xi32>
        %add3A_1692 = arith.addi %add3A_1691, %and3A_1686 : vector<16xi32>
        %select_n3A_1693 = arith.select %eq3A_1689, %add3A_1692, %get3A_1673 : vector<16xi1>, vector<16xi32>
        %swap3A_1694 = arith.constant 5 : i32
        %swap3A_1695 = arith.index_cast %swap3A_1694 : i32 to index
        %swap3A_1696 = arith.constant 0 : index
        %swap3A_1697 = tpu.vector_load %arg8[%swap3A_1695, %swap3A_1696] {strides = array<i32>} : memref<8x64xi32, #tpu.memory_space<vmem>>, vector<16xi32>,
        tpu.vector_store %arg8[%swap3A_1695, %swap3A_1696], %select_n3A_1693 {strides = array<i32>} : memref<8x64xi32, #tpu.memory_space<vmem>>, vector<16xi32>,
        %get3A_1698 = arith.constant 5 : i32
        %get3A_1699 = arith.index_cast %get3A_1698 : i32 to index
        %get3A_1700 = arith.constant 16 : index
        %get3A_1701 = tpu.vector_load %arg8[%get3A_1699, %get3A_1700] {strides = array<i32>} : memref<8x64xi32, #tpu.memory_space<vmem>>, vector<16xi32>,
        %mul3A_1702 = arith.constant 64 : i32
        %mul3A_1703 = arith.muli %add3A_1333, %mul3A_1702 : i32
        %add3A_1704 = arith.constant 16 : i32
        %add3A_1705 = arith.addi %mul3A_1703, %add3A_1704 : i32
        %add3A_1706 = vector.broadcast %add3A_1705 : i32 to vector<16xi32>
        %add3A_1707 = arith.addi %add3A_1706, %iota3A : vector<16xi32>
        %mul3A_1708 = arith.constant 997 : i32
        %mul3A_1709 = arith.muli %add3A, %mul3A_1708 : i32
        %add3A_1710 = vector.broadcast %mul3A_1709 : i32 to vector<16xi32>
        %add3A_1711 = arith.addi %add3A_1707, %add3A_1710 : vector<16xi32>
        %and3A_1712 = arith.constant 2047 : i32
        %and3A_1713 = vector.broadcast %and3A_1712 : i32 to vector<16xi32>
        %and3A_1714 = arith.andi %add3A_1711, %and3A_1713 : vector<16xi32>
        %eq3A_1715 = arith.constant 100000 : i32
        %eq3A_1716 = vector.broadcast %eq3A_1715 : i32 to vector<16xi32>
        %eq3A_1717 = arith.cmpi eq, %get3A_1701, %eq3A_1716 : vector<16xi32>
        %add3A_1718 = arith.constant 100001 : i32
        %add3A_1719 = vector.broadcast %add3A_1718 : i32 to vector<16xi32>
        %add3A_1720 = arith.addi %add3A_1719, %and3A_1714 : vector<16xi32>
        %select_n3A_1721 = arith.select %eq3A_1717, %add3A_1720, %get3A_1701 : vector<16xi1>, vector<16xi32>
        %swap3A_1722 = arith.constant 5 : i32
        %swap3A_1723 = arith.index_cast %swap3A_1722 : i32 to index
        %swap3A_1724 = arith.constant 16 : index
        %swap3A_1725 = tpu.vector_load %arg8[%swap3A_1723, %swap3A_1724] {strides = array<i32>} : memref<8x64xi32, #tpu.memory_space<vmem>>, vector<16xi32>,
        tpu.vector_store %arg8[%swap3A_1723, %swap3A_1724], %select_n3A_1721 {strides = array<i32>} : memref<8x64xi32, #tpu.memory_space<vmem>>, vector<16xi32>,
        %get3A_1726 = arith.constant 5 : i32
        %get3A_1727 = arith.index_cast %get3A_1726 : i32 to index
        %get3A_1728 = arith.constant 32 : index
        %get3A_1729 = tpu.vector_load %arg8[%get3A_1727, %get3A_1728] {strides = array<i32>} : memref<8x64xi32, #tpu.memory_space<vmem>>, vector<16xi32>,
        %mul3A_1730 = arith.constant 64 : i32
        %mul3A_1731 = arith.muli %add3A_1333, %mul3A_1730 : i32
        %add3A_1732 = arith.constant 32 : i32
        %add3A_1733 = arith.addi %mul3A_1731, %add3A_1732 : i32
        %add3A_1734 = vector.broadcast %add3A_1733 : i32 to vector<16xi32>
        %add3A_1735 = arith.addi %add3A_1734, %iota3A : vector<16xi32>
        %mul3A_1736 = arith.constant 997 : i32
        %mul3A_1737 = arith.muli %add3A, %mul3A_1736 : i32
        %add3A_1738 = vector.broadcast %mul3A_1737 : i32 to vector<16xi32>
        %add3A_1739 = arith.addi %add3A_1735, %add3A_1738 : vector<16xi32>
        %and3A_1740 = arith.constant 2047 : i32
        %and3A_1741 = vector.broadcast %and3A_1740 : i32 to vector<16xi32>
        %and3A_1742 = arith.andi %add3A_1739, %and3A_1741 : vector<16xi32>
        %eq3A_1743 = arith.constant 100000 : i32
        %eq3A_1744 = vector.broadcast %eq3A_1743 : i32 to vector<16xi32>
        %eq3A_1745 = arith.cmpi eq, %get3A_1729, %eq3A_1744 : vector<16xi32>
        %add3A_1746 = arith.constant 100001 : i32
        %add3A_1747 = vector.broadcast %add3A_1746 : i32 to vector<16xi32>
        %add3A_1748 = arith.addi %add3A_1747, %and3A_1742 : vector<16xi32>
        %select_n3A_1749 = arith.select %eq3A_1745, %add3A_1748, %get3A_1729 : vector<16xi1>, vector<16xi32>
        %swap3A_1750 = arith.constant 5 : i32
        %swap3A_1751 = arith.index_cast %swap3A_1750 : i32 to index
        %swap3A_1752 = arith.constant 32 : index
        %swap3A_1753 = tpu.vector_load %arg8[%swap3A_1751, %swap3A_1752] {strides = array<i32>} : memref<8x64xi32, #tpu.memory_space<vmem>>, vector<16xi32>,
        tpu.vector_store %arg8[%swap3A_1751, %swap3A_1752], %select_n3A_1749 {strides = array<i32>} : memref<8x64xi32, #tpu.memory_space<vmem>>, vector<16xi32>,
        %get3A_1754 = arith.constant 5 : i32
        %get3A_1755 = arith.index_cast %get3A_1754 : i32 to index
        %get3A_1756 = arith.constant 48 : index
        %get3A_1757 = tpu.vector_load %arg8[%get3A_1755, %get3A_1756] {strides = array<i32>} : memref<8x64xi32, #tpu.memory_space<vmem>>, vector<16xi32>,
        %mul3A_1758 = arith.constant 64 : i32
        %mul3A_1759 = arith.muli %add3A_1333, %mul3A_1758 : i32
        %add3A_1760 = arith.constant 48 : i32
        %add3A_1761 = arith.addi %mul3A_1759, %add3A_1760 : i32
        %add3A_1762 = vector.broadcast %add3A_1761 : i32 to vector<16xi32>
        %add3A_1763 = arith.addi %add3A_1762, %iota3A : vector<16xi32>
        %mul3A_1764 = arith.constant 997 : i32
        %mul3A_1765 = arith.muli %add3A, %mul3A_1764 : i32
        %add3A_1766 = vector.broadcast %mul3A_1765 : i32 to vector<16xi32>
        %add3A_1767 = arith.addi %add3A_1763, %add3A_1766 : vector<16xi32>
        %and3A_1768 = arith.constant 2047 : i32
        %and3A_1769 = vector.broadcast %and3A_1768 : i32 to vector<16xi32>
        %and3A_1770 = arith.andi %add3A_1767, %and3A_1769 : vector<16xi32>
        %eq3A_1771 = arith.constant 100000 : i32
        %eq3A_1772 = vector.broadcast %eq3A_1771 : i32 to vector<16xi32>
        %eq3A_1773 = arith.cmpi eq, %get3A_1757, %eq3A_1772 : vector<16xi32>
        %add3A_1774 = arith.constant 100001 : i32
        %add3A_1775 = vector.broadcast %add3A_1774 : i32 to vector<16xi32>
        %add3A_1776 = arith.addi %add3A_1775, %and3A_1770 : vector<16xi32>
        %select_n3A_1777 = arith.select %eq3A_1773, %add3A_1776, %get3A_1757 : vector<16xi1>, vector<16xi32>
        %swap3A_1778 = arith.constant 5 : i32
        %swap3A_1779 = arith.index_cast %swap3A_1778 : i32 to index
        %swap3A_1780 = arith.constant 48 : index
        %swap3A_1781 = tpu.vector_load %arg8[%swap3A_1779, %swap3A_1780] {strides = array<i32>} : memref<8x64xi32, #tpu.memory_space<vmem>>, vector<16xi32>,
        tpu.vector_store %arg8[%swap3A_1779, %swap3A_1780], %select_n3A_1777 {strides = array<i32>} : memref<8x64xi32, #tpu.memory_space<vmem>>, vector<16xi32>,
        %ge3A = arith.constant 4 : i32
        %ge3A_1782 = arith.cmpi sge, %add3A_1295, %ge3A : i32
        %convert_element_type3A_1783 = arith.extui %ge3A_1782 : i1 to i32
        %cond3A_1784 = arith.constant 0 : i32
        %cond3A_1785 = arith.cmpi ne, %convert_element_type3A_1783, %cond3A_1784 : i32
        scf.if %cond3A_1785 {
          %sub3A = arith.constant 4 : i32
          %sub3A_1801 = arith.subi %add3A_1295, %sub3A : i32
          %mul3A_1802 = arith.constant 208 : i32
          %mul3A_1803 = arith.muli %add3A, %mul3A_1802 : i32
          %add3A_1804 = arith.addi %mul3A_1803, %sub3A_1801 : i32
          %mul3A_1805 = arith.constant 64 : i32
          %mul3A_1806 = arith.muli %add3A_1804, %mul3A_1805 : i32
          %dma_wait3A_1807 = arith.constant 5 : i32
          %dma_wait3A_1808 = arith.constant 5 : i32
          %dma_wait3A_1809 = arith.constant 0 : i32
          %dma_wait3A_1810 = arith.constant 0 : i32
          %dma_wait3A_1811 = tpu.memref_slice %arg9[%dma_wait3A_1807, %dma_wait3A_1809, %dma_wait3A_1810] : memref<8x64x64xf32, #tpu.memory_space<vmem>> -> memref<1x64x64xf32, #tpu.memory_space<vmem>>
          %dma_wait3A_1812 = tpu.memref_squeeze %dma_wait3A_1811 : memref<1x64x64xf32, #tpu.memory_space<vmem>> -> memref<64x64xf32, #tpu.memory_space<vmem>>
          %dma_wait3A_1813 = arith.constant 0 : i32
          %dma_wait3A_1814 = tpu.memref_slice %arg5[%mul3A_1806, %dma_wait3A_1813] : memref<425984x64xf32, #tpu.memory_space<hbm>> -> memref<64x64xf32, #tpu.memory_space<hbm>>
          %dma_wait3A_1815 = tpu.memref_slice %arg12[%dma_wait3A_1808] : memref<8x!tpu.dma_semaphore, #tpu.memory_space<semaphore_mem>> -> memref<1x!tpu.dma_semaphore, #tpu.memory_space<semaphore_mem>>
          %dma_wait3A_1816 = tpu.memref_squeeze %dma_wait3A_1815 : memref<1x!tpu.dma_semaphore, #tpu.memory_space<semaphore_mem>> -> memref<!tpu.dma_semaphore, #tpu.memory_space<semaphore_mem>>
          %dma_wait3A_1817 = arith.constant 0 : i32
          %dma_wait3A_1818 = tpu.memref_slice %arg5[%mul3A_1806, %dma_wait3A_1817] : memref<425984x64xf32, #tpu.memory_space<hbm>> -> memref<64x64xf32, #tpu.memory_space<hbm>>
          %dma_wait3A_1819 = arith.constant 0 : i32
          %dma_wait3A_1820 = arith.constant 0 : i32
          %dma_wait3A_1821 = tpu.memref_slice %arg9[%dma_wait3A_1807, %dma_wait3A_1819, %dma_wait3A_1820] : memref<8x64x64xf32, #tpu.memory_space<vmem>> -> memref<1x64x64xf32, #tpu.memory_space<vmem>>
          %dma_wait3A_1822 = tpu.memref_squeeze %dma_wait3A_1821 : memref<1x64x64xf32, #tpu.memory_space<vmem>> -> memref<64x64xf32, #tpu.memory_space<vmem>>
          tpu.wait_dma2 semaphore(%dma_wait3A_1816 : memref<!tpu.dma_semaphore, #tpu.memory_space<semaphore_mem>>) src(%dma_wait3A_1822 : memref<64x64xf32, #tpu.memory_space<vmem>>) dst(%dma_wait3A_1818 : memref<64x64xf32, #tpu.memory_space<hbm>>)
        } else {
        }
        %dma_start3A_1786 = arith.constant 5 : i32
        %dma_start3A_1787 = arith.constant 5 : i32
        %dma_start3A_1788 = arith.constant 5 : i32
        %dma_start3A_1789 = arith.constant 0 : i32
        %dma_start3A_1790 = arith.constant 0 : i32
        %dma_start3A_1791 = tpu.memref_slice %arg9[%dma_start3A_1787, %dma_start3A_1789, %dma_start3A_1790] : memref<8x64x64xf32, #tpu.memory_space<vmem>> -> memref<1x64x64xf32, #tpu.memory_space<vmem>>
        %dma_start3A_1792 = tpu.memref_squeeze %dma_start3A_1791 : memref<1x64x64xf32, #tpu.memory_space<vmem>> -> memref<64x64xf32, #tpu.memory_space<vmem>>
        %dma_start3A_1793 = arith.constant 0 : i32
        %dma_start3A_1794 = tpu.memref_slice %arg8[%dma_start3A_1786, %dma_start3A_1793] : memref<8x64xi32, #tpu.memory_space<vmem>> -> memref<1x64xi32, #tpu.memory_space<vmem>>
        %dma_start3A_1795 = tpu.memref_squeeze %dma_start3A_1794 : memref<1x64xi32, #tpu.memory_space<vmem>> -> memref<64xi32, #tpu.memory_space<vmem>>
        %dma_start3A_1796 = arith.constant 0 : i32
        %dma_start3A_1797 = arith.constant 0 : i32
        %dma_start3A_1798 = tpu.memref_slice %arg4[%dma_start3A_1796, %dma_start3A_1797] : memref<102049x64xf32, #tpu.memory_space<hbm>> -> memref<102049x64xf32, #tpu.memory_space<hbm>>
        %dma_start3A_1799 = tpu.memref_slice %arg11[%dma_start3A_1788] : memref<8x!tpu.dma_semaphore, #tpu.memory_space<semaphore_mem>> -> memref<1x!tpu.dma_semaphore, #tpu.memory_space<semaphore_mem>>
        %dma_start3A_1800 = tpu.memref_squeeze %dma_start3A_1799 : memref<1x!tpu.dma_semaphore, #tpu.memory_space<semaphore_mem>> -> memref<!tpu.dma_semaphore, #tpu.memory_space<semaphore_mem>>
        tpu.enqueue_indirect_dma source(%dma_start3A_1798 : memref<102049x64xf32, #tpu.memory_space<hbm>>) target(%dma_start3A_1792 : memref<64x64xf32, #tpu.memory_space<vmem>>) offsets(%dma_start3A_1795 : memref<64xi32, #tpu.memory_space<vmem>>) semaphore(%dma_start3A_1800 : memref<!tpu.dma_semaphore, #tpu.memory_space<semaphore_mem>>)
      } else {
      }
      %add3A_1339 = arith.constant 8 : i32
      %add3A_1340 = arith.addi %add3A_1295, %add3A_1339 : i32
      %lt3A_1341 = arith.constant 208 : i32
      %lt3A_1342 = arith.cmpi slt, %add3A_1340, %lt3A_1341 : i32
      %convert_element_type3A_1343 = arith.extui %lt3A_1342 : i1 to i32
      %cond3A_1344 = arith.constant 0 : i32
      %cond3A_1345 = arith.cmpi ne, %convert_element_type3A_1343, %cond3A_1344 : i32
      scf.if %cond3A_1345 {
        %get3A_1658 = arith.index_cast %add3A_1340 : i32 to index
        %get3A_1659 = arith.constant 0 : index
        %get3A_1660 = tpu.vector_load %arg6[%get3A_1658, %get3A_1659] {strides = array<i32>} : memref<208x64xi32, #tpu.memory_space<vmem>>, vector<16xi32>,
        %max3A_1661 = arith.constant 0 : i32
        %max3A_1662 = vector.broadcast %max3A_1661 : i32 to vector<16xi32>
        %max3A_1663 = arith.maxsi %get3A_1660, %max3A_1662 : vector<16xi32>
        %min3A_1664 = arith.constant 1000000 : i32
        %min3A_1665 = vector.broadcast %min3A_1664 : i32 to vector<16xi32>
        %min3A_1666 = arith.minsi %max3A_1663, %min3A_1665 : vector<16xi32>
        %swap3A_1667 = arith.index_cast %add3A_1340 : i32 to index
        %swap3A_1668 = arith.constant 0 : index
        %swap3A_1669 = tpu.vector_load %arg6[%swap3A_1667, %swap3A_1668] {strides = array<i32>} : memref<208x64xi32, #tpu.memory_space<vmem>>, vector<16xi32>,
        tpu.vector_store %arg6[%swap3A_1667, %swap3A_1668], %min3A_1666 {strides = array<i32>} : memref<208x64xi32, #tpu.memory_space<vmem>>, vector<16xi32>,
        %get3A_1670 = arith.index_cast %add3A_1340 : i32 to index
        %get3A_1671 = arith.constant 16 : index
        %get3A_1672 = tpu.vector_load %arg6[%get3A_1670, %get3A_1671] {strides = array<i32>} : memref<208x64xi32, #tpu.memory_space<vmem>>, vector<16xi32>,
        %max3A_1673 = arith.constant 0 : i32
        %max3A_1674 = vector.broadcast %max3A_1673 : i32 to vector<16xi32>
        %max3A_1675 = arith.maxsi %get3A_1672, %max3A_1674 : vector<16xi32>
        %min3A_1676 = arith.constant 1000000 : i32
        %min3A_1677 = vector.broadcast %min3A_1676 : i32 to vector<16xi32>
        %min3A_1678 = arith.minsi %max3A_1675, %min3A_1677 : vector<16xi32>
        %swap3A_1679 = arith.index_cast %add3A_1340 : i32 to index
        %swap3A_1680 = arith.constant 16 : index
        %swap3A_1681 = tpu.vector_load %arg6[%swap3A_1679, %swap3A_1680] {strides = array<i32>} : memref<208x64xi32, #tpu.memory_space<vmem>>, vector<16xi32>,
        tpu.vector_store %arg6[%swap3A_1679, %swap3A_1680], %min3A_1678 {strides = array<i32>} : memref<208x64xi32, #tpu.memory_space<vmem>>, vector<16xi32>,
        %get3A_1682 = arith.index_cast %add3A_1340 : i32 to index
        %get3A_1683 = arith.constant 32 : index
        %get3A_1684 = tpu.vector_load %arg6[%get3A_1682, %get3A_1683] {strides = array<i32>} : memref<208x64xi32, #tpu.memory_space<vmem>>, vector<16xi32>,
        %max3A_1685 = arith.constant 0 : i32
        %max3A_1686 = vector.broadcast %max3A_1685 : i32 to vector<16xi32>
        %max3A_1687 = arith.maxsi %get3A_1684, %max3A_1686 : vector<16xi32>
        %min3A_1688 = arith.constant 1000000 : i32
        %min3A_1689 = vector.broadcast %min3A_1688 : i32 to vector<16xi32>
        %min3A_1690 = arith.minsi %max3A_1687, %min3A_1689 : vector<16xi32>
        %swap3A_1691 = arith.index_cast %add3A_1340 : i32 to index
        %swap3A_1692 = arith.constant 32 : index
        %swap3A_1693 = tpu.vector_load %arg6[%swap3A_1691, %swap3A_1692] {strides = array<i32>} : memref<208x64xi32, #tpu.memory_space<vmem>>, vector<16xi32>,
        tpu.vector_store %arg6[%swap3A_1691, %swap3A_1692], %min3A_1690 {strides = array<i32>} : memref<208x64xi32, #tpu.memory_space<vmem>>, vector<16xi32>,
        %get3A_1694 = arith.index_cast %add3A_1340 : i32 to index
        %get3A_1695 = arith.constant 48 : index
        %get3A_1696 = tpu.vector_load %arg6[%get3A_1694, %get3A_1695] {strides = array<i32>} : memref<208x64xi32, #tpu.memory_space<vmem>>, vector<16xi32>,
        %max3A_1697 = arith.constant 0 : i32
        %max3A_1698 = vector.broadcast %max3A_1697 : i32 to vector<16xi32>
        %max3A_1699 = arith.maxsi %get3A_1696, %max3A_1698 : vector<16xi32>
        %min3A_1700 = arith.constant 1000000 : i32
        %min3A_1701 = vector.broadcast %min3A_1700 : i32 to vector<16xi32>
        %min3A_1702 = arith.minsi %max3A_1699, %min3A_1701 : vector<16xi32>
        %swap3A_1703 = arith.index_cast %add3A_1340 : i32 to index
        %swap3A_1704 = arith.constant 48 : index
        %swap3A_1705 = tpu.vector_load %arg6[%swap3A_1703, %swap3A_1704] {strides = array<i32>} : memref<208x64xi32, #tpu.memory_space<vmem>>, vector<16xi32>,
        tpu.vector_store %arg6[%swap3A_1703, %swap3A_1704], %min3A_1702 {strides = array<i32>} : memref<208x64xi32, #tpu.memory_space<vmem>>, vector<16xi32>,
        %dma_start3A_1706 = arith.constant 1 : i32
        %dma_start3A_1707 = arith.constant 1 : i32
        %dma_start3A_1708 = arith.constant 0 : i32
        %dma_start3A_1709 = tpu.memref_slice %arg8[%dma_start3A_1706, %dma_start3A_1708] : memref<8x64xi32, #tpu.memory_space<vmem>> -> memref<1x64xi32, #tpu.memory_space<vmem>>
        %dma_start3A_1710 = tpu.memref_squeeze %dma_start3A_1709 : memref<1x64xi32, #tpu.memory_space<vmem>> -> memref<64xi32, #tpu.memory_space<vmem>>
        %dma_start3A_1711 = arith.constant 0 : i32
        %dma_start3A_1712 = tpu.memref_slice %arg6[%add3A_1340, %dma_start3A_1711] : memref<208x64xi32, #tpu.memory_space<vmem>> -> memref<1x64xi32, #tpu.memory_space<vmem>>
        %dma_start3A_1713 = tpu.memref_squeeze %dma_start3A_1712 : memref<1x64xi32, #tpu.memory_space<vmem>> -> memref<64xi32, #tpu.memory_space<vmem>>
        %dma_start3A_1714 = arith.constant 0 : i32
        %dma_start3A_1715 = tpu.memref_slice %arg7[%dma_start3A_1714] : memref<1000001xi32, #tpu.memory_space<vmem_shared>> -> memref<1000001xi32, #tpu.memory_space<vmem_shared>>
        %dma_start3A_1716 = tpu.memref_slice %arg10[%dma_start3A_1707] : memref<8x!tpu.dma_semaphore, #tpu.memory_space<semaphore_mem>> -> memref<1x!tpu.dma_semaphore, #tpu.memory_space<semaphore_mem>>
        %dma_start3A_1717 = tpu.memref_squeeze %dma_start3A_1716 : memref<1x!tpu.dma_semaphore, #tpu.memory_space<semaphore_mem>> -> memref<!tpu.dma_semaphore, #tpu.memory_space<semaphore_mem>>
        tpu.enqueue_indirect_dma source(%dma_start3A_1715 : memref<1000001xi32, #tpu.memory_space<vmem_shared>>) target(%dma_start3A_1710 : memref<64xi32, #tpu.memory_space<vmem>>) offsets(%dma_start3A_1713 : memref<64xi32, #tpu.memory_space<vmem>>) semaphore(%dma_start3A_1717 : memref<!tpu.dma_semaphore, #tpu.memory_space<semaphore_mem>>)
      } else {
      }
      %add3A_1346 = arith.constant 2 : i32
      %add3A_1347 = arith.addi %mul3A_1242, %add3A_1346 : i32
      %dma_wait3A_1348 = arith.constant 2 : i32
      %dma_wait3A_1349 = arith.constant 2 : i32
      %dma_wait3A_1350 = arith.constant 2 : i32
      %dma_wait3A_1351 = arith.constant 0 : i32
      %dma_wait3A_1352 = arith.constant 0 : i32
      %dma_wait3A_1353 = tpu.memref_slice %arg9[%dma_wait3A_1349, %dma_wait3A_1351, %dma_wait3A_1352] : memref<8x64x64xf32, #tpu.memory_space<vmem>> -> memref<1x64x64xf32, #tpu.memory_space<vmem>>
      %dma_wait3A_1354 = tpu.memref_squeeze %dma_wait3A_1353 : memref<1x64x64xf32, #tpu.memory_space<vmem>> -> memref<64x64xf32, #tpu.memory_space<vmem>>
      %dma_wait3A_1355 = arith.constant 0 : i32
      %dma_wait3A_1356 = tpu.memref_slice %arg8[%dma_wait3A_1348, %dma_wait3A_1355] : memref<8x64xi32, #tpu.memory_space<vmem>> -> memref<1x64xi32, #tpu.memory_space<vmem>>
      %dma_wait3A_1357 = tpu.memref_squeeze %dma_wait3A_1356 : memref<1x64xi32, #tpu.memory_space<vmem>> -> memref<64xi32, #tpu.memory_space<vmem>>
      %dma_wait3A_1358 = arith.constant 0 : i32
      %dma_wait3A_1359 = arith.constant 0 : i32
      %dma_wait3A_1360 = tpu.memref_slice %arg4[%dma_wait3A_1358, %dma_wait3A_1359] : memref<102049x64xf32, #tpu.memory_space<hbm>> -> memref<102049x64xf32, #tpu.memory_space<hbm>>
      %dma_wait3A_1361 = tpu.memref_slice %arg11[%dma_wait3A_1350] : memref<8x!tpu.dma_semaphore, #tpu.memory_space<semaphore_mem>> -> memref<1x!tpu.dma_semaphore, #tpu.memory_space<semaphore_mem>>
      %dma_wait3A_1362 = tpu.memref_squeeze %dma_wait3A_1361 : memref<1x!tpu.dma_semaphore, #tpu.memory_space<semaphore_mem>> -> memref<!tpu.dma_semaphore, #tpu.memory_space<semaphore_mem>>
      tpu.wait_indirect_dma semaphore(%dma_wait3A_1362 : memref<!tpu.dma_semaphore, #tpu.memory_space<semaphore_mem>>) src(%dma_wait3A_1360 : memref<102049x64xf32, #tpu.memory_space<hbm>>) dst(%dma_wait3A_1354 : memref<64x64xf32, #tpu.memory_space<vmem>>)
      %mul3A_1363 = arith.constant 208 : i32
      %mul3A_1364 = arith.muli %add3A, %mul3A_1363 : i32
      %add3A_1365 = arith.addi %mul3A_1364, %add3A_1347 : i32
      %mul3A_1366 = arith.constant 64 : i32
      %mul3A_1367 = arith.muli %add3A_1365, %mul3A_1366 : i32
      %dma_start3A_1368 = arith.constant 2 : i32
      %dma_start3A_1369 = arith.constant 2 : i32
      %dma_start3A_1370 = arith.constant 0 : i32
      %dma_start3A_1371 = arith.constant 0 : i32
      %dma_start3A_1372 = tpu.memref_slice %arg9[%dma_start3A_1368, %dma_start3A_1370, %dma_start3A_1371] : memref<8x64x64xf32, #tpu.memory_space<vmem>> -> memref<1x64x64xf32, #tpu.memory_space<vmem>>
      %dma_start3A_1373 = tpu.memref_squeeze %dma_start3A_1372 : memref<1x64x64xf32, #tpu.memory_space<vmem>> -> memref<64x64xf32, #tpu.memory_space<vmem>>
      %dma_start3A_1374 = arith.constant 0 : i32
      %dma_start3A_1375 = tpu.memref_slice %arg5[%mul3A_1367, %dma_start3A_1374] : memref<425984x64xf32, #tpu.memory_space<hbm>> -> memref<64x64xf32, #tpu.memory_space<hbm>>
      %dma_start3A_1376 = tpu.memref_slice %arg12[%dma_start3A_1369] : memref<8x!tpu.dma_semaphore, #tpu.memory_space<semaphore_mem>> -> memref<1x!tpu.dma_semaphore, #tpu.memory_space<semaphore_mem>>
      %dma_start3A_1377 = tpu.memref_squeeze %dma_start3A_1376 : memref<1x!tpu.dma_semaphore, #tpu.memory_space<semaphore_mem>> -> memref<!tpu.dma_semaphore, #tpu.memory_space<semaphore_mem>>
      %dma_start3A_1378 = arith.constant 0 : i32
      %dma_start3A_1379 = tpu.memref_slice %arg5[%mul3A_1367, %dma_start3A_1378] : memref<425984x64xf32, #tpu.memory_space<hbm>> -> memref<64x64xf32, #tpu.memory_space<hbm>>
      %dma_start3A_1380 = arith.constant 0 : i32
      %dma_start3A_1381 = arith.constant 0 : i32
      %dma_start3A_1382 = tpu.memref_slice %arg9[%dma_start3A_1368, %dma_start3A_1380, %dma_start3A_1381] : memref<8x64x64xf32, #tpu.memory_space<vmem>> -> memref<1x64x64xf32, #tpu.memory_space<vmem>>
      %dma_start3A_1383 = tpu.memref_squeeze %dma_start3A_1382 : memref<1x64x64xf32, #tpu.memory_space<vmem>> -> memref<64x64xf32, #tpu.memory_space<vmem>>
      tpu.enqueue_dma source(%dma_start3A_1383 : memref<64x64xf32, #tpu.memory_space<vmem>>) target(%dma_start3A_1379 : memref<64x64xf32, #tpu.memory_space<hbm>>) target_semaphore(%dma_start3A_1377 : memref<!tpu.dma_semaphore, #tpu.memory_space<semaphore_mem>>)
      %add3A_1384 = arith.constant 4 : i32
      %add3A_1385 = arith.addi %add3A_1347, %add3A_1384 : i32
      %lt3A_1386 = arith.constant 208 : i32
      %lt3A_1387 = arith.cmpi slt, %add3A_1385, %lt3A_1386 : i32
      %convert_element_type3A_1388 = arith.extui %lt3A_1387 : i1 to i32
      %cond3A_1389 = arith.constant 0 : i32
      %cond3A_1390 = arith.cmpi ne, %convert_element_type3A_1388, %cond3A_1389 : i32
      scf.if %cond3A_1390 {
        %dma_wait3A_1658 = arith.constant 6 : i32
        %dma_wait3A_1659 = arith.constant 6 : i32
        %dma_wait3A_1660 = arith.constant 0 : i32
        %dma_wait3A_1661 = tpu.memref_slice %arg8[%dma_wait3A_1658, %dma_wait3A_1660] : memref<8x64xi32, #tpu.memory_space<vmem>> -> memref<1x64xi32, #tpu.memory_space<vmem>>
        %dma_wait3A_1662 = tpu.memref_squeeze %dma_wait3A_1661 : memref<1x64xi32, #tpu.memory_space<vmem>> -> memref<64xi32, #tpu.memory_space<vmem>>
        %dma_wait3A_1663 = arith.constant 0 : i32
        %dma_wait3A_1664 = tpu.memref_slice %arg6[%add3A_1385, %dma_wait3A_1663] : memref<208x64xi32, #tpu.memory_space<vmem>> -> memref<1x64xi32, #tpu.memory_space<vmem>>
        %dma_wait3A_1665 = tpu.memref_squeeze %dma_wait3A_1664 : memref<1x64xi32, #tpu.memory_space<vmem>> -> memref<64xi32, #tpu.memory_space<vmem>>
        %dma_wait3A_1666 = arith.constant 0 : i32
        %dma_wait3A_1667 = tpu.memref_slice %arg7[%dma_wait3A_1666] : memref<1000001xi32, #tpu.memory_space<vmem_shared>> -> memref<1000001xi32, #tpu.memory_space<vmem_shared>>
        %dma_wait3A_1668 = tpu.memref_slice %arg10[%dma_wait3A_1659] : memref<8x!tpu.dma_semaphore, #tpu.memory_space<semaphore_mem>> -> memref<1x!tpu.dma_semaphore, #tpu.memory_space<semaphore_mem>>
        %dma_wait3A_1669 = tpu.memref_squeeze %dma_wait3A_1668 : memref<1x!tpu.dma_semaphore, #tpu.memory_space<semaphore_mem>> -> memref<!tpu.dma_semaphore, #tpu.memory_space<semaphore_mem>>
        tpu.wait_indirect_dma semaphore(%dma_wait3A_1669 : memref<!tpu.dma_semaphore, #tpu.memory_space<semaphore_mem>>) src(%dma_wait3A_1667 : memref<1000001xi32, #tpu.memory_space<vmem_shared>>) dst(%dma_wait3A_1662 : memref<64xi32, #tpu.memory_space<vmem>>)
        %get3A_1670 = arith.constant 6 : i32
        %get3A_1671 = arith.index_cast %get3A_1670 : i32 to index
        %get3A_1672 = arith.constant 0 : index
        %get3A_1673 = tpu.vector_load %arg8[%get3A_1671, %get3A_1672] {strides = array<i32>} : memref<8x64xi32, #tpu.memory_space<vmem>>, vector<16xi32>,
        %mul3A_1674 = arith.constant 64 : i32
        %mul3A_1675 = arith.muli %add3A_1385, %mul3A_1674 : i32
        %add3A_1676 = arith.constant 0 : i32
        %add3A_1677 = arith.addi %mul3A_1675, %add3A_1676 : i32
        %add3A_1678 = vector.broadcast %add3A_1677 : i32 to vector<16xi32>
        %add3A_1679 = arith.addi %add3A_1678, %iota3A : vector<16xi32>
        %mul3A_1680 = arith.constant 997 : i32
        %mul3A_1681 = arith.muli %add3A, %mul3A_1680 : i32
        %add3A_1682 = vector.broadcast %mul3A_1681 : i32 to vector<16xi32>
        %add3A_1683 = arith.addi %add3A_1679, %add3A_1682 : vector<16xi32>
        %and3A_1684 = arith.constant 2047 : i32
        %and3A_1685 = vector.broadcast %and3A_1684 : i32 to vector<16xi32>
        %and3A_1686 = arith.andi %add3A_1683, %and3A_1685 : vector<16xi32>
        %eq3A_1687 = arith.constant 100000 : i32
        %eq3A_1688 = vector.broadcast %eq3A_1687 : i32 to vector<16xi32>
        %eq3A_1689 = arith.cmpi eq, %get3A_1673, %eq3A_1688 : vector<16xi32>
        %add3A_1690 = arith.constant 100001 : i32
        %add3A_1691 = vector.broadcast %add3A_1690 : i32 to vector<16xi32>
        %add3A_1692 = arith.addi %add3A_1691, %and3A_1686 : vector<16xi32>
        %select_n3A_1693 = arith.select %eq3A_1689, %add3A_1692, %get3A_1673 : vector<16xi1>, vector<16xi32>
        %swap3A_1694 = arith.constant 6 : i32
        %swap3A_1695 = arith.index_cast %swap3A_1694 : i32 to index
        %swap3A_1696 = arith.constant 0 : index
        %swap3A_1697 = tpu.vector_load %arg8[%swap3A_1695, %swap3A_1696] {strides = array<i32>} : memref<8x64xi32, #tpu.memory_space<vmem>>, vector<16xi32>,
        tpu.vector_store %arg8[%swap3A_1695, %swap3A_1696], %select_n3A_1693 {strides = array<i32>} : memref<8x64xi32, #tpu.memory_space<vmem>>, vector<16xi32>,
        %get3A_1698 = arith.constant 6 : i32
        %get3A_1699 = arith.index_cast %get3A_1698 : i32 to index
        %get3A_1700 = arith.constant 16 : index
        %get3A_1701 = tpu.vector_load %arg8[%get3A_1699, %get3A_1700] {strides = array<i32>} : memref<8x64xi32, #tpu.memory_space<vmem>>, vector<16xi32>,
        %mul3A_1702 = arith.constant 64 : i32
        %mul3A_1703 = arith.muli %add3A_1385, %mul3A_1702 : i32
        %add3A_1704 = arith.constant 16 : i32
        %add3A_1705 = arith.addi %mul3A_1703, %add3A_1704 : i32
        %add3A_1706 = vector.broadcast %add3A_1705 : i32 to vector<16xi32>
        %add3A_1707 = arith.addi %add3A_1706, %iota3A : vector<16xi32>
        %mul3A_1708 = arith.constant 997 : i32
        %mul3A_1709 = arith.muli %add3A, %mul3A_1708 : i32
        %add3A_1710 = vector.broadcast %mul3A_1709 : i32 to vector<16xi32>
        %add3A_1711 = arith.addi %add3A_1707, %add3A_1710 : vector<16xi32>
        %and3A_1712 = arith.constant 2047 : i32
        %and3A_1713 = vector.broadcast %and3A_1712 : i32 to vector<16xi32>
        %and3A_1714 = arith.andi %add3A_1711, %and3A_1713 : vector<16xi32>
        %eq3A_1715 = arith.constant 100000 : i32
        %eq3A_1716 = vector.broadcast %eq3A_1715 : i32 to vector<16xi32>
        %eq3A_1717 = arith.cmpi eq, %get3A_1701, %eq3A_1716 : vector<16xi32>
        %add3A_1718 = arith.constant 100001 : i32
        %add3A_1719 = vector.broadcast %add3A_1718 : i32 to vector<16xi32>
        %add3A_1720 = arith.addi %add3A_1719, %and3A_1714 : vector<16xi32>
        %select_n3A_1721 = arith.select %eq3A_1717, %add3A_1720, %get3A_1701 : vector<16xi1>, vector<16xi32>
        %swap3A_1722 = arith.constant 6 : i32
        %swap3A_1723 = arith.index_cast %swap3A_1722 : i32 to index
        %swap3A_1724 = arith.constant 16 : index
        %swap3A_1725 = tpu.vector_load %arg8[%swap3A_1723, %swap3A_1724] {strides = array<i32>} : memref<8x64xi32, #tpu.memory_space<vmem>>, vector<16xi32>,
        tpu.vector_store %arg8[%swap3A_1723, %swap3A_1724], %select_n3A_1721 {strides = array<i32>} : memref<8x64xi32, #tpu.memory_space<vmem>>, vector<16xi32>,
        %get3A_1726 = arith.constant 6 : i32
        %get3A_1727 = arith.index_cast %get3A_1726 : i32 to index
        %get3A_1728 = arith.constant 32 : index
        %get3A_1729 = tpu.vector_load %arg8[%get3A_1727, %get3A_1728] {strides = array<i32>} : memref<8x64xi32, #tpu.memory_space<vmem>>, vector<16xi32>,
        %mul3A_1730 = arith.constant 64 : i32
        %mul3A_1731 = arith.muli %add3A_1385, %mul3A_1730 : i32
        %add3A_1732 = arith.constant 32 : i32
        %add3A_1733 = arith.addi %mul3A_1731, %add3A_1732 : i32
        %add3A_1734 = vector.broadcast %add3A_1733 : i32 to vector<16xi32>
        %add3A_1735 = arith.addi %add3A_1734, %iota3A : vector<16xi32>
        %mul3A_1736 = arith.constant 997 : i32
        %mul3A_1737 = arith.muli %add3A, %mul3A_1736 : i32
        %add3A_1738 = vector.broadcast %mul3A_1737 : i32 to vector<16xi32>
        %add3A_1739 = arith.addi %add3A_1735, %add3A_1738 : vector<16xi32>
        %and3A_1740 = arith.constant 2047 : i32
        %and3A_1741 = vector.broadcast %and3A_1740 : i32 to vector<16xi32>
        %and3A_1742 = arith.andi %add3A_1739, %and3A_1741 : vector<16xi32>
        %eq3A_1743 = arith.constant 100000 : i32
        %eq3A_1744 = vector.broadcast %eq3A_1743 : i32 to vector<16xi32>
        %eq3A_1745 = arith.cmpi eq, %get3A_1729, %eq3A_1744 : vector<16xi32>
        %add3A_1746 = arith.constant 100001 : i32
        %add3A_1747 = vector.broadcast %add3A_1746 : i32 to vector<16xi32>
        %add3A_1748 = arith.addi %add3A_1747, %and3A_1742 : vector<16xi32>
        %select_n3A_1749 = arith.select %eq3A_1745, %add3A_1748, %get3A_1729 : vector<16xi1>, vector<16xi32>
        %swap3A_1750 = arith.constant 6 : i32
        %swap3A_1751 = arith.index_cast %swap3A_1750 : i32 to index
        %swap3A_1752 = arith.constant 32 : index
        %swap3A_1753 = tpu.vector_load %arg8[%swap3A_1751, %swap3A_1752] {strides = array<i32>} : memref<8x64xi32, #tpu.memory_space<vmem>>, vector<16xi32>,
        tpu.vector_store %arg8[%swap3A_1751, %swap3A_1752], %select_n3A_1749 {strides = array<i32>} : memref<8x64xi32, #tpu.memory_space<vmem>>, vector<16xi32>,
        %get3A_1754 = arith.constant 6 : i32
        %get3A_1755 = arith.index_cast %get3A_1754 : i32 to index
        %get3A_1756 = arith.constant 48 : index
        %get3A_1757 = tpu.vector_load %arg8[%get3A_1755, %get3A_1756] {strides = array<i32>} : memref<8x64xi32, #tpu.memory_space<vmem>>, vector<16xi32>,
        %mul3A_1758 = arith.constant 64 : i32
        %mul3A_1759 = arith.muli %add3A_1385, %mul3A_1758 : i32
        %add3A_1760 = arith.constant 48 : i32
        %add3A_1761 = arith.addi %mul3A_1759, %add3A_1760 : i32
        %add3A_1762 = vector.broadcast %add3A_1761 : i32 to vector<16xi32>
        %add3A_1763 = arith.addi %add3A_1762, %iota3A : vector<16xi32>
        %mul3A_1764 = arith.constant 997 : i32
        %mul3A_1765 = arith.muli %add3A, %mul3A_1764 : i32
        %add3A_1766 = vector.broadcast %mul3A_1765 : i32 to vector<16xi32>
        %add3A_1767 = arith.addi %add3A_1763, %add3A_1766 : vector<16xi32>
        %and3A_1768 = arith.constant 2047 : i32
        %and3A_1769 = vector.broadcast %and3A_1768 : i32 to vector<16xi32>
        %and3A_1770 = arith.andi %add3A_1767, %and3A_1769 : vector<16xi32>
        %eq3A_1771 = arith.constant 100000 : i32
        %eq3A_1772 = vector.broadcast %eq3A_1771 : i32 to vector<16xi32>
        %eq3A_1773 = arith.cmpi eq, %get3A_1757, %eq3A_1772 : vector<16xi32>
        %add3A_1774 = arith.constant 100001 : i32
        %add3A_1775 = vector.broadcast %add3A_1774 : i32 to vector<16xi32>
        %add3A_1776 = arith.addi %add3A_1775, %and3A_1770 : vector<16xi32>
        %select_n3A_1777 = arith.select %eq3A_1773, %add3A_1776, %get3A_1757 : vector<16xi1>, vector<16xi32>
        %swap3A_1778 = arith.constant 6 : i32
        %swap3A_1779 = arith.index_cast %swap3A_1778 : i32 to index
        %swap3A_1780 = arith.constant 48 : index
        %swap3A_1781 = tpu.vector_load %arg8[%swap3A_1779, %swap3A_1780] {strides = array<i32>} : memref<8x64xi32, #tpu.memory_space<vmem>>, vector<16xi32>,
        tpu.vector_store %arg8[%swap3A_1779, %swap3A_1780], %select_n3A_1777 {strides = array<i32>} : memref<8x64xi32, #tpu.memory_space<vmem>>, vector<16xi32>,
        %ge3A = arith.constant 4 : i32
        %ge3A_1782 = arith.cmpi sge, %add3A_1347, %ge3A : i32
        %convert_element_type3A_1783 = arith.extui %ge3A_1782 : i1 to i32
        %cond3A_1784 = arith.constant 0 : i32
        %cond3A_1785 = arith.cmpi ne, %convert_element_type3A_1783, %cond3A_1784 : i32
        scf.if %cond3A_1785 {
          %sub3A = arith.constant 4 : i32
          %sub3A_1801 = arith.subi %add3A_1347, %sub3A : i32
          %mul3A_1802 = arith.constant 208 : i32
          %mul3A_1803 = arith.muli %add3A, %mul3A_1802 : i32
          %add3A_1804 = arith.addi %mul3A_1803, %sub3A_1801 : i32
          %mul3A_1805 = arith.constant 64 : i32
          %mul3A_1806 = arith.muli %add3A_1804, %mul3A_1805 : i32
          %dma_wait3A_1807 = arith.constant 6 : i32
          %dma_wait3A_1808 = arith.constant 6 : i32
          %dma_wait3A_1809 = arith.constant 0 : i32
          %dma_wait3A_1810 = arith.constant 0 : i32
          %dma_wait3A_1811 = tpu.memref_slice %arg9[%dma_wait3A_1807, %dma_wait3A_1809, %dma_wait3A_1810] : memref<8x64x64xf32, #tpu.memory_space<vmem>> -> memref<1x64x64xf32, #tpu.memory_space<vmem>>
          %dma_wait3A_1812 = tpu.memref_squeeze %dma_wait3A_1811 : memref<1x64x64xf32, #tpu.memory_space<vmem>> -> memref<64x64xf32, #tpu.memory_space<vmem>>
          %dma_wait3A_1813 = arith.constant 0 : i32
          %dma_wait3A_1814 = tpu.memref_slice %arg5[%mul3A_1806, %dma_wait3A_1813] : memref<425984x64xf32, #tpu.memory_space<hbm>> -> memref<64x64xf32, #tpu.memory_space<hbm>>
          %dma_wait3A_1815 = tpu.memref_slice %arg12[%dma_wait3A_1808] : memref<8x!tpu.dma_semaphore, #tpu.memory_space<semaphore_mem>> -> memref<1x!tpu.dma_semaphore, #tpu.memory_space<semaphore_mem>>
          %dma_wait3A_1816 = tpu.memref_squeeze %dma_wait3A_1815 : memref<1x!tpu.dma_semaphore, #tpu.memory_space<semaphore_mem>> -> memref<!tpu.dma_semaphore, #tpu.memory_space<semaphore_mem>>
          %dma_wait3A_1817 = arith.constant 0 : i32
          %dma_wait3A_1818 = tpu.memref_slice %arg5[%mul3A_1806, %dma_wait3A_1817] : memref<425984x64xf32, #tpu.memory_space<hbm>> -> memref<64x64xf32, #tpu.memory_space<hbm>>
          %dma_wait3A_1819 = arith.constant 0 : i32
          %dma_wait3A_1820 = arith.constant 0 : i32
          %dma_wait3A_1821 = tpu.memref_slice %arg9[%dma_wait3A_1807, %dma_wait3A_1819, %dma_wait3A_1820] : memref<8x64x64xf32, #tpu.memory_space<vmem>> -> memref<1x64x64xf32, #tpu.memory_space<vmem>>
          %dma_wait3A_1822 = tpu.memref_squeeze %dma_wait3A_1821 : memref<1x64x64xf32, #tpu.memory_space<vmem>> -> memref<64x64xf32, #tpu.memory_space<vmem>>
          tpu.wait_dma2 semaphore(%dma_wait3A_1816 : memref<!tpu.dma_semaphore, #tpu.memory_space<semaphore_mem>>) src(%dma_wait3A_1822 : memref<64x64xf32, #tpu.memory_space<vmem>>) dst(%dma_wait3A_1818 : memref<64x64xf32, #tpu.memory_space<hbm>>)
        } else {
        }
        %dma_start3A_1786 = arith.constant 6 : i32
        %dma_start3A_1787 = arith.constant 6 : i32
        %dma_start3A_1788 = arith.constant 6 : i32
        %dma_start3A_1789 = arith.constant 0 : i32
        %dma_start3A_1790 = arith.constant 0 : i32
        %dma_start3A_1791 = tpu.memref_slice %arg9[%dma_start3A_1787, %dma_start3A_1789, %dma_start3A_1790] : memref<8x64x64xf32, #tpu.memory_space<vmem>> -> memref<1x64x64xf32, #tpu.memory_space<vmem>>
        %dma_start3A_1792 = tpu.memref_squeeze %dma_start3A_1791 : memref<1x64x64xf32, #tpu.memory_space<vmem>> -> memref<64x64xf32, #tpu.memory_space<vmem>>
        %dma_start3A_1793 = arith.constant 0 : i32
        %dma_start3A_1794 = tpu.memref_slice %arg8[%dma_start3A_1786, %dma_start3A_1793] : memref<8x64xi32, #tpu.memory_space<vmem>> -> memref<1x64xi32, #tpu.memory_space<vmem>>
        %dma_start3A_1795 = tpu.memref_squeeze %dma_start3A_1794 : memref<1x64xi32, #tpu.memory_space<vmem>> -> memref<64xi32, #tpu.memory_space<vmem>>
        %dma_start3A_1796 = arith.constant 0 : i32
        %dma_start3A_1797 = arith.constant 0 : i32
        %dma_start3A_1798 = tpu.memref_slice %arg4[%dma_start3A_1796, %dma_start3A_1797] : memref<102049x64xf32, #tpu.memory_space<hbm>> -> memref<102049x64xf32, #tpu.memory_space<hbm>>
        %dma_start3A_1799 = tpu.memref_slice %arg11[%dma_start3A_1788] : memref<8x!tpu.dma_semaphore, #tpu.memory_space<semaphore_mem>> -> memref<1x!tpu.dma_semaphore, #tpu.memory_space<semaphore_mem>>
        %dma_start3A_1800 = tpu.memref_squeeze %dma_start3A_1799 : memref<1x!tpu.dma_semaphore, #tpu.memory_space<semaphore_mem>> -> memref<!tpu.dma_semaphore, #tpu.memory_space<semaphore_mem>>
        tpu.enqueue_indirect_dma source(%dma_start3A_1798 : memref<102049x64xf32, #tpu.memory_space<hbm>>) target(%dma_start3A_1792 : memref<64x64xf32, #tpu.memory_space<vmem>>) offsets(%dma_start3A_1795 : memref<64xi32, #tpu.memory_space<vmem>>) semaphore(%dma_start3A_1800 : memref<!tpu.dma_semaphore, #tpu.memory_space<semaphore_mem>>)
      } else {
      }
      %add3A_1391 = arith.constant 8 : i32
      %add3A_1392 = arith.addi %add3A_1347, %add3A_1391 : i32
      %lt3A_1393 = arith.constant 208 : i32
      %lt3A_1394 = arith.cmpi slt, %add3A_1392, %lt3A_1393 : i32
      %convert_element_type3A_1395 = arith.extui %lt3A_1394 : i1 to i32
      %cond3A_1396 = arith.constant 0 : i32
      %cond3A_1397 = arith.cmpi ne, %convert_element_type3A_1395, %cond3A_1396 : i32
      scf.if %cond3A_1397 {
        %get3A_1658 = arith.index_cast %add3A_1392 : i32 to index
        %get3A_1659 = arith.constant 0 : index
        %get3A_1660 = tpu.vector_load %arg6[%get3A_1658, %get3A_1659] {strides = array<i32>} : memref<208x64xi32, #tpu.memory_space<vmem>>, vector<16xi32>,
        %max3A_1661 = arith.constant 0 : i32
        %max3A_1662 = vector.broadcast %max3A_1661 : i32 to vector<16xi32>
        %max3A_1663 = arith.maxsi %get3A_1660, %max3A_1662 : vector<16xi32>
        %min3A_1664 = arith.constant 1000000 : i32
        %min3A_1665 = vector.broadcast %min3A_1664 : i32 to vector<16xi32>
        %min3A_1666 = arith.minsi %max3A_1663, %min3A_1665 : vector<16xi32>
        %swap3A_1667 = arith.index_cast %add3A_1392 : i32 to index
        %swap3A_1668 = arith.constant 0 : index
        %swap3A_1669 = tpu.vector_load %arg6[%swap3A_1667, %swap3A_1668] {strides = array<i32>} : memref<208x64xi32, #tpu.memory_space<vmem>>, vector<16xi32>,
        tpu.vector_store %arg6[%swap3A_1667, %swap3A_1668], %min3A_1666 {strides = array<i32>} : memref<208x64xi32, #tpu.memory_space<vmem>>, vector<16xi32>,
        %get3A_1670 = arith.index_cast %add3A_1392 : i32 to index
        %get3A_1671 = arith.constant 16 : index
        %get3A_1672 = tpu.vector_load %arg6[%get3A_1670, %get3A_1671] {strides = array<i32>} : memref<208x64xi32, #tpu.memory_space<vmem>>, vector<16xi32>,
        %max3A_1673 = arith.constant 0 : i32
        %max3A_1674 = vector.broadcast %max3A_1673 : i32 to vector<16xi32>
        %max3A_1675 = arith.maxsi %get3A_1672, %max3A_1674 : vector<16xi32>
        %min3A_1676 = arith.constant 1000000 : i32
        %min3A_1677 = vector.broadcast %min3A_1676 : i32 to vector<16xi32>
        %min3A_1678 = arith.minsi %max3A_1675, %min3A_1677 : vector<16xi32>
        %swap3A_1679 = arith.index_cast %add3A_1392 : i32 to index
        %swap3A_1680 = arith.constant 16 : index
        %swap3A_1681 = tpu.vector_load %arg6[%swap3A_1679, %swap3A_1680] {strides = array<i32>} : memref<208x64xi32, #tpu.memory_space<vmem>>, vector<16xi32>,
        tpu.vector_store %arg6[%swap3A_1679, %swap3A_1680], %min3A_1678 {strides = array<i32>} : memref<208x64xi32, #tpu.memory_space<vmem>>, vector<16xi32>,
        %get3A_1682 = arith.index_cast %add3A_1392 : i32 to index
        %get3A_1683 = arith.constant 32 : index
        %get3A_1684 = tpu.vector_load %arg6[%get3A_1682, %get3A_1683] {strides = array<i32>} : memref<208x64xi32, #tpu.memory_space<vmem>>, vector<16xi32>,
        %max3A_1685 = arith.constant 0 : i32
        %max3A_1686 = vector.broadcast %max3A_1685 : i32 to vector<16xi32>
        %max3A_1687 = arith.maxsi %get3A_1684, %max3A_1686 : vector<16xi32>
        %min3A_1688 = arith.constant 1000000 : i32
        %min3A_1689 = vector.broadcast %min3A_1688 : i32 to vector<16xi32>
        %min3A_1690 = arith.minsi %max3A_1687, %min3A_1689 : vector<16xi32>
        %swap3A_1691 = arith.index_cast %add3A_1392 : i32 to index
        %swap3A_1692 = arith.constant 32 : index
        %swap3A_1693 = tpu.vector_load %arg6[%swap3A_1691, %swap3A_1692] {strides = array<i32>} : memref<208x64xi32, #tpu.memory_space<vmem>>, vector<16xi32>,
        tpu.vector_store %arg6[%swap3A_1691, %swap3A_1692], %min3A_1690 {strides = array<i32>} : memref<208x64xi32, #tpu.memory_space<vmem>>, vector<16xi32>,
        %get3A_1694 = arith.index_cast %add3A_1392 : i32 to index
        %get3A_1695 = arith.constant 48 : index
        %get3A_1696 = tpu.vector_load %arg6[%get3A_1694, %get3A_1695] {strides = array<i32>} : memref<208x64xi32, #tpu.memory_space<vmem>>, vector<16xi32>,
        %max3A_1697 = arith.constant 0 : i32
        %max3A_1698 = vector.broadcast %max3A_1697 : i32 to vector<16xi32>
        %max3A_1699 = arith.maxsi %get3A_1696, %max3A_1698 : vector<16xi32>
        %min3A_1700 = arith.constant 1000000 : i32
        %min3A_1701 = vector.broadcast %min3A_1700 : i32 to vector<16xi32>
        %min3A_1702 = arith.minsi %max3A_1699, %min3A_1701 : vector<16xi32>
        %swap3A_1703 = arith.index_cast %add3A_1392 : i32 to index
        %swap3A_1704 = arith.constant 48 : index
        %swap3A_1705 = tpu.vector_load %arg6[%swap3A_1703, %swap3A_1704] {strides = array<i32>} : memref<208x64xi32, #tpu.memory_space<vmem>>, vector<16xi32>,
        tpu.vector_store %arg6[%swap3A_1703, %swap3A_1704], %min3A_1702 {strides = array<i32>} : memref<208x64xi32, #tpu.memory_space<vmem>>, vector<16xi32>,
        %dma_start3A_1706 = arith.constant 2 : i32
        %dma_start3A_1707 = arith.constant 2 : i32
        %dma_start3A_1708 = arith.constant 0 : i32
        %dma_start3A_1709 = tpu.memref_slice %arg8[%dma_start3A_1706, %dma_start3A_1708] : memref<8x64xi32, #tpu.memory_space<vmem>> -> memref<1x64xi32, #tpu.memory_space<vmem>>
        %dma_start3A_1710 = tpu.memref_squeeze %dma_start3A_1709 : memref<1x64xi32, #tpu.memory_space<vmem>> -> memref<64xi32, #tpu.memory_space<vmem>>
        %dma_start3A_1711 = arith.constant 0 : i32
        %dma_start3A_1712 = tpu.memref_slice %arg6[%add3A_1392, %dma_start3A_1711] : memref<208x64xi32, #tpu.memory_space<vmem>> -> memref<1x64xi32, #tpu.memory_space<vmem>>
        %dma_start3A_1713 = tpu.memref_squeeze %dma_start3A_1712 : memref<1x64xi32, #tpu.memory_space<vmem>> -> memref<64xi32, #tpu.memory_space<vmem>>
        %dma_start3A_1714 = arith.constant 0 : i32
        %dma_start3A_1715 = tpu.memref_slice %arg7[%dma_start3A_1714] : memref<1000001xi32, #tpu.memory_space<vmem_shared>> -> memref<1000001xi32, #tpu.memory_space<vmem_shared>>
        %dma_start3A_1716 = tpu.memref_slice %arg10[%dma_start3A_1707] : memref<8x!tpu.dma_semaphore, #tpu.memory_space<semaphore_mem>> -> memref<1x!tpu.dma_semaphore, #tpu.memory_space<semaphore_mem>>
        %dma_start3A_1717 = tpu.memref_squeeze %dma_start3A_1716 : memref<1x!tpu.dma_semaphore, #tpu.memory_space<semaphore_mem>> -> memref<!tpu.dma_semaphore, #tpu.memory_space<semaphore_mem>>
        tpu.enqueue_indirect_dma source(%dma_start3A_1715 : memref<1000001xi32, #tpu.memory_space<vmem_shared>>) target(%dma_start3A_1710 : memref<64xi32, #tpu.memory_space<vmem>>) offsets(%dma_start3A_1713 : memref<64xi32, #tpu.memory_space<vmem>>) semaphore(%dma_start3A_1717 : memref<!tpu.dma_semaphore, #tpu.memory_space<semaphore_mem>>)
      } else {
      }
      %add3A_1398 = arith.constant 3 : i32
      %add3A_1399 = arith.addi %mul3A_1242, %add3A_1398 : i32
      %dma_wait3A_1400 = arith.constant 3 : i32
      %dma_wait3A_1401 = arith.constant 3 : i32
      %dma_wait3A_1402 = arith.constant 3 : i32
      %dma_wait3A_1403 = arith.constant 0 : i32
      %dma_wait3A_1404 = arith.constant 0 : i32
      %dma_wait3A_1405 = tpu.memref_slice %arg9[%dma_wait3A_1401, %dma_wait3A_1403, %dma_wait3A_1404] : memref<8x64x64xf32, #tpu.memory_space<vmem>> -> memref<1x64x64xf32, #tpu.memory_space<vmem>>
      %dma_wait3A_1406 = tpu.memref_squeeze %dma_wait3A_1405 : memref<1x64x64xf32, #tpu.memory_space<vmem>> -> memref<64x64xf32, #tpu.memory_space<vmem>>
      %dma_wait3A_1407 = arith.constant 0 : i32
      %dma_wait3A_1408 = tpu.memref_slice %arg8[%dma_wait3A_1400, %dma_wait3A_1407] : memref<8x64xi32, #tpu.memory_space<vmem>> -> memref<1x64xi32, #tpu.memory_space<vmem>>
      %dma_wait3A_1409 = tpu.memref_squeeze %dma_wait3A_1408 : memref<1x64xi32, #tpu.memory_space<vmem>> -> memref<64xi32, #tpu.memory_space<vmem>>
      %dma_wait3A_1410 = arith.constant 0 : i32
      %dma_wait3A_1411 = arith.constant 0 : i32
      %dma_wait3A_1412 = tpu.memref_slice %arg4[%dma_wait3A_1410, %dma_wait3A_1411] : memref<102049x64xf32, #tpu.memory_space<hbm>> -> memref<102049x64xf32, #tpu.memory_space<hbm>>
      %dma_wait3A_1413 = tpu.memref_slice %arg11[%dma_wait3A_1402] : memref<8x!tpu.dma_semaphore, #tpu.memory_space<semaphore_mem>> -> memref<1x!tpu.dma_semaphore, #tpu.memory_space<semaphore_mem>>
      %dma_wait3A_1414 = tpu.memref_squeeze %dma_wait3A_1413 : memref<1x!tpu.dma_semaphore, #tpu.memory_space<semaphore_mem>> -> memref<!tpu.dma_semaphore, #tpu.memory_space<semaphore_mem>>
      tpu.wait_indirect_dma semaphore(%dma_wait3A_1414 : memref<!tpu.dma_semaphore, #tpu.memory_space<semaphore_mem>>) src(%dma_wait3A_1412 : memref<102049x64xf32, #tpu.memory_space<hbm>>) dst(%dma_wait3A_1406 : memref<64x64xf32, #tpu.memory_space<vmem>>)
      %mul3A_1415 = arith.constant 208 : i32
      %mul3A_1416 = arith.muli %add3A, %mul3A_1415 : i32
      %add3A_1417 = arith.addi %mul3A_1416, %add3A_1399 : i32
      %mul3A_1418 = arith.constant 64 : i32
      %mul3A_1419 = arith.muli %add3A_1417, %mul3A_1418 : i32
      %dma_start3A_1420 = arith.constant 3 : i32
      %dma_start3A_1421 = arith.constant 3 : i32
      %dma_start3A_1422 = arith.constant 0 : i32
      %dma_start3A_1423 = arith.constant 0 : i32
      %dma_start3A_1424 = tpu.memref_slice %arg9[%dma_start3A_1420, %dma_start3A_1422, %dma_start3A_1423] : memref<8x64x64xf32, #tpu.memory_space<vmem>> -> memref<1x64x64xf32, #tpu.memory_space<vmem>>
      %dma_start3A_1425 = tpu.memref_squeeze %dma_start3A_1424 : memref<1x64x64xf32, #tpu.memory_space<vmem>> -> memref<64x64xf32, #tpu.memory_space<vmem>>
      %dma_start3A_1426 = arith.constant 0 : i32
      %dma_start3A_1427 = tpu.memref_slice %arg5[%mul3A_1419, %dma_start3A_1426] : memref<425984x64xf32, #tpu.memory_space<hbm>> -> memref<64x64xf32, #tpu.memory_space<hbm>>
      %dma_start3A_1428 = tpu.memref_slice %arg12[%dma_start3A_1421] : memref<8x!tpu.dma_semaphore, #tpu.memory_space<semaphore_mem>> -> memref<1x!tpu.dma_semaphore, #tpu.memory_space<semaphore_mem>>
      %dma_start3A_1429 = tpu.memref_squeeze %dma_start3A_1428 : memref<1x!tpu.dma_semaphore, #tpu.memory_space<semaphore_mem>> -> memref<!tpu.dma_semaphore, #tpu.memory_space<semaphore_mem>>
      %dma_start3A_1430 = arith.constant 0 : i32
      %dma_start3A_1431 = tpu.memref_slice %arg5[%mul3A_1419, %dma_start3A_1430] : memref<425984x64xf32, #tpu.memory_space<hbm>> -> memref<64x64xf32, #tpu.memory_space<hbm>>
      %dma_start3A_1432 = arith.constant 0 : i32
      %dma_start3A_1433 = arith.constant 0 : i32
      %dma_start3A_1434 = tpu.memref_slice %arg9[%dma_start3A_1420, %dma_start3A_1432, %dma_start3A_1433] : memref<8x64x64xf32, #tpu.memory_space<vmem>> -> memref<1x64x64xf32, #tpu.memory_space<vmem>>
      %dma_start3A_1435 = tpu.memref_squeeze %dma_start3A_1434 : memref<1x64x64xf32, #tpu.memory_space<vmem>> -> memref<64x64xf32, #tpu.memory_space<vmem>>
      tpu.enqueue_dma source(%dma_start3A_1435 : memref<64x64xf32, #tpu.memory_space<vmem>>) target(%dma_start3A_1431 : memref<64x64xf32, #tpu.memory_space<hbm>>) target_semaphore(%dma_start3A_1429 : memref<!tpu.dma_semaphore, #tpu.memory_space<semaphore_mem>>)
      %add3A_1436 = arith.constant 4 : i32
      %add3A_1437 = arith.addi %add3A_1399, %add3A_1436 : i32
      %lt3A_1438 = arith.constant 208 : i32
      %lt3A_1439 = arith.cmpi slt, %add3A_1437, %lt3A_1438 : i32
      %convert_element_type3A_1440 = arith.extui %lt3A_1439 : i1 to i32
      %cond3A_1441 = arith.constant 0 : i32
      %cond3A_1442 = arith.cmpi ne, %convert_element_type3A_1440, %cond3A_1441 : i32
      scf.if %cond3A_1442 {
        %dma_wait3A_1658 = arith.constant 7 : i32
        %dma_wait3A_1659 = arith.constant 7 : i32
        %dma_wait3A_1660 = arith.constant 0 : i32
        %dma_wait3A_1661 = tpu.memref_slice %arg8[%dma_wait3A_1658, %dma_wait3A_1660] : memref<8x64xi32, #tpu.memory_space<vmem>> -> memref<1x64xi32, #tpu.memory_space<vmem>>
        %dma_wait3A_1662 = tpu.memref_squeeze %dma_wait3A_1661 : memref<1x64xi32, #tpu.memory_space<vmem>> -> memref<64xi32, #tpu.memory_space<vmem>>
        %dma_wait3A_1663 = arith.constant 0 : i32
        %dma_wait3A_1664 = tpu.memref_slice %arg6[%add3A_1437, %dma_wait3A_1663] : memref<208x64xi32, #tpu.memory_space<vmem>> -> memref<1x64xi32, #tpu.memory_space<vmem>>
        %dma_wait3A_1665 = tpu.memref_squeeze %dma_wait3A_1664 : memref<1x64xi32, #tpu.memory_space<vmem>> -> memref<64xi32, #tpu.memory_space<vmem>>
        %dma_wait3A_1666 = arith.constant 0 : i32
        %dma_wait3A_1667 = tpu.memref_slice %arg7[%dma_wait3A_1666] : memref<1000001xi32, #tpu.memory_space<vmem_shared>> -> memref<1000001xi32, #tpu.memory_space<vmem_shared>>
        %dma_wait3A_1668 = tpu.memref_slice %arg10[%dma_wait3A_1659] : memref<8x!tpu.dma_semaphore, #tpu.memory_space<semaphore_mem>> -> memref<1x!tpu.dma_semaphore, #tpu.memory_space<semaphore_mem>>
        %dma_wait3A_1669 = tpu.memref_squeeze %dma_wait3A_1668 : memref<1x!tpu.dma_semaphore, #tpu.memory_space<semaphore_mem>> -> memref<!tpu.dma_semaphore, #tpu.memory_space<semaphore_mem>>
        tpu.wait_indirect_dma semaphore(%dma_wait3A_1669 : memref<!tpu.dma_semaphore, #tpu.memory_space<semaphore_mem>>) src(%dma_wait3A_1667 : memref<1000001xi32, #tpu.memory_space<vmem_shared>>) dst(%dma_wait3A_1662 : memref<64xi32, #tpu.memory_space<vmem>>)
        %get3A_1670 = arith.constant 7 : i32
        %get3A_1671 = arith.index_cast %get3A_1670 : i32 to index
        %get3A_1672 = arith.constant 0 : index
        %get3A_1673 = tpu.vector_load %arg8[%get3A_1671, %get3A_1672] {strides = array<i32>} : memref<8x64xi32, #tpu.memory_space<vmem>>, vector<16xi32>,
        %mul3A_1674 = arith.constant 64 : i32
        %mul3A_1675 = arith.muli %add3A_1437, %mul3A_1674 : i32
        %add3A_1676 = arith.constant 0 : i32
        %add3A_1677 = arith.addi %mul3A_1675, %add3A_1676 : i32
        %add3A_1678 = vector.broadcast %add3A_1677 : i32 to vector<16xi32>
        %add3A_1679 = arith.addi %add3A_1678, %iota3A : vector<16xi32>
        %mul3A_1680 = arith.constant 997 : i32
        %mul3A_1681 = arith.muli %add3A, %mul3A_1680 : i32
        %add3A_1682 = vector.broadcast %mul3A_1681 : i32 to vector<16xi32>
        %add3A_1683 = arith.addi %add3A_1679, %add3A_1682 : vector<16xi32>
        %and3A_1684 = arith.constant 2047 : i32
        %and3A_1685 = vector.broadcast %and3A_1684 : i32 to vector<16xi32>
        %and3A_1686 = arith.andi %add3A_1683, %and3A_1685 : vector<16xi32>
        %eq3A_1687 = arith.constant 100000 : i32
        %eq3A_1688 = vector.broadcast %eq3A_1687 : i32 to vector<16xi32>
        %eq3A_1689 = arith.cmpi eq, %get3A_1673, %eq3A_1688 : vector<16xi32>
        %add3A_1690 = arith.constant 100001 : i32
        %add3A_1691 = vector.broadcast %add3A_1690 : i32 to vector<16xi32>
        %add3A_1692 = arith.addi %add3A_1691, %and3A_1686 : vector<16xi32>
        %select_n3A_1693 = arith.select %eq3A_1689, %add3A_1692, %get3A_1673 : vector<16xi1>, vector<16xi32>
        %swap3A_1694 = arith.constant 7 : i32
        %swap3A_1695 = arith.index_cast %swap3A_1694 : i32 to index
        %swap3A_1696 = arith.constant 0 : index
        %swap3A_1697 = tpu.vector_load %arg8[%swap3A_1695, %swap3A_1696] {strides = array<i32>} : memref<8x64xi32, #tpu.memory_space<vmem>>, vector<16xi32>,
        tpu.vector_store %arg8[%swap3A_1695, %swap3A_1696], %select_n3A_1693 {strides = array<i32>} : memref<8x64xi32, #tpu.memory_space<vmem>>, vector<16xi32>,
        %get3A_1698 = arith.constant 7 : i32
        %get3A_1699 = arith.index_cast %get3A_1698 : i32 to index
        %get3A_1700 = arith.constant 16 : index
        %get3A_1701 = tpu.vector_load %arg8[%get3A_1699, %get3A_1700] {strides = array<i32>} : memref<8x64xi32, #tpu.memory_space<vmem>>, vector<16xi32>,
        %mul3A_1702 = arith.constant 64 : i32
        %mul3A_1703 = arith.muli %add3A_1437, %mul3A_1702 : i32
        %add3A_1704 = arith.constant 16 : i32
        %add3A_1705 = arith.addi %mul3A_1703, %add3A_1704 : i32
        %add3A_1706 = vector.broadcast %add3A_1705 : i32 to vector<16xi32>
        %add3A_1707 = arith.addi %add3A_1706, %iota3A : vector<16xi32>
        %mul3A_1708 = arith.constant 997 : i32
        %mul3A_1709 = arith.muli %add3A, %mul3A_1708 : i32
        %add3A_1710 = vector.broadcast %mul3A_1709 : i32 to vector<16xi32>
        %add3A_1711 = arith.addi %add3A_1707, %add3A_1710 : vector<16xi32>
        %and3A_1712 = arith.constant 2047 : i32
        %and3A_1713 = vector.broadcast %and3A_1712 : i32 to vector<16xi32>
        %and3A_1714 = arith.andi %add3A_1711, %and3A_1713 : vector<16xi32>
        %eq3A_1715 = arith.constant 100000 : i32
        %eq3A_1716 = vector.broadcast %eq3A_1715 : i32 to vector<16xi32>
        %eq3A_1717 = arith.cmpi eq, %get3A_1701, %eq3A_1716 : vector<16xi32>
        %add3A_1718 = arith.constant 100001 : i32
        %add3A_1719 = vector.broadcast %add3A_1718 : i32 to vector<16xi32>
        %add3A_1720 = arith.addi %add3A_1719, %and3A_1714 : vector<16xi32>
        %select_n3A_1721 = arith.select %eq3A_1717, %add3A_1720, %get3A_1701 : vector<16xi1>, vector<16xi32>
        %swap3A_1722 = arith.constant 7 : i32
        %swap3A_1723 = arith.index_cast %swap3A_1722 : i32 to index
        %swap3A_1724 = arith.constant 16 : index
        %swap3A_1725 = tpu.vector_load %arg8[%swap3A_1723, %swap3A_1724] {strides = array<i32>} : memref<8x64xi32, #tpu.memory_space<vmem>>, vector<16xi32>,
        tpu.vector_store %arg8[%swap3A_1723, %swap3A_1724], %select_n3A_1721 {strides = array<i32>} : memref<8x64xi32, #tpu.memory_space<vmem>>, vector<16xi32>,
        %get3A_1726 = arith.constant 7 : i32
        %get3A_1727 = arith.index_cast %get3A_1726 : i32 to index
        %get3A_1728 = arith.constant 32 : index
        %get3A_1729 = tpu.vector_load %arg8[%get3A_1727, %get3A_1728] {strides = array<i32>} : memref<8x64xi32, #tpu.memory_space<vmem>>, vector<16xi32>,
        %mul3A_1730 = arith.constant 64 : i32
        %mul3A_1731 = arith.muli %add3A_1437, %mul3A_1730 : i32
        %add3A_1732 = arith.constant 32 : i32
        %add3A_1733 = arith.addi %mul3A_1731, %add3A_1732 : i32
        %add3A_1734 = vector.broadcast %add3A_1733 : i32 to vector<16xi32>
        %add3A_1735 = arith.addi %add3A_1734, %iota3A : vector<16xi32>
        %mul3A_1736 = arith.constant 997 : i32
        %mul3A_1737 = arith.muli %add3A, %mul3A_1736 : i32
        %add3A_1738 = vector.broadcast %mul3A_1737 : i32 to vector<16xi32>
        %add3A_1739 = arith.addi %add3A_1735, %add3A_1738 : vector<16xi32>
        %and3A_1740 = arith.constant 2047 : i32
        %and3A_1741 = vector.broadcast %and3A_1740 : i32 to vector<16xi32>
        %and3A_1742 = arith.andi %add3A_1739, %and3A_1741 : vector<16xi32>
        %eq3A_1743 = arith.constant 100000 : i32
        %eq3A_1744 = vector.broadcast %eq3A_1743 : i32 to vector<16xi32>
        %eq3A_1745 = arith.cmpi eq, %get3A_1729, %eq3A_1744 : vector<16xi32>
        %add3A_1746 = arith.constant 100001 : i32
        %add3A_1747 = vector.broadcast %add3A_1746 : i32 to vector<16xi32>
        %add3A_1748 = arith.addi %add3A_1747, %and3A_1742 : vector<16xi32>
        %select_n3A_1749 = arith.select %eq3A_1745, %add3A_1748, %get3A_1729 : vector<16xi1>, vector<16xi32>
        %swap3A_1750 = arith.constant 7 : i32
        %swap3A_1751 = arith.index_cast %swap3A_1750 : i32 to index
        %swap3A_1752 = arith.constant 32 : index
        %swap3A_1753 = tpu.vector_load %arg8[%swap3A_1751, %swap3A_1752] {strides = array<i32>} : memref<8x64xi32, #tpu.memory_space<vmem>>, vector<16xi32>,
        tpu.vector_store %arg8[%swap3A_1751, %swap3A_1752], %select_n3A_1749 {strides = array<i32>} : memref<8x64xi32, #tpu.memory_space<vmem>>, vector<16xi32>,
        %get3A_1754 = arith.constant 7 : i32
        %get3A_1755 = arith.index_cast %get3A_1754 : i32 to index
        %get3A_1756 = arith.constant 48 : index
        %get3A_1757 = tpu.vector_load %arg8[%get3A_1755, %get3A_1756] {strides = array<i32>} : memref<8x64xi32, #tpu.memory_space<vmem>>, vector<16xi32>,
        %mul3A_1758 = arith.constant 64 : i32
        %mul3A_1759 = arith.muli %add3A_1437, %mul3A_1758 : i32
        %add3A_1760 = arith.constant 48 : i32
        %add3A_1761 = arith.addi %mul3A_1759, %add3A_1760 : i32
        %add3A_1762 = vector.broadcast %add3A_1761 : i32 to vector<16xi32>
        %add3A_1763 = arith.addi %add3A_1762, %iota3A : vector<16xi32>
        %mul3A_1764 = arith.constant 997 : i32
        %mul3A_1765 = arith.muli %add3A, %mul3A_1764 : i32
        %add3A_1766 = vector.broadcast %mul3A_1765 : i32 to vector<16xi32>
        %add3A_1767 = arith.addi %add3A_1763, %add3A_1766 : vector<16xi32>
        %and3A_1768 = arith.constant 2047 : i32
        %and3A_1769 = vector.broadcast %and3A_1768 : i32 to vector<16xi32>
        %and3A_1770 = arith.andi %add3A_1767, %and3A_1769 : vector<16xi32>
        %eq3A_1771 = arith.constant 100000 : i32
        %eq3A_1772 = vector.broadcast %eq3A_1771 : i32 to vector<16xi32>
        %eq3A_1773 = arith.cmpi eq, %get3A_1757, %eq3A_1772 : vector<16xi32>
        %add3A_1774 = arith.constant 100001 : i32
        %add3A_1775 = vector.broadcast %add3A_1774 : i32 to vector<16xi32>
        %add3A_1776 = arith.addi %add3A_1775, %and3A_1770 : vector<16xi32>
        %select_n3A_1777 = arith.select %eq3A_1773, %add3A_1776, %get3A_1757 : vector<16xi1>, vector<16xi32>
        %swap3A_1778 = arith.constant 7 : i32
        %swap3A_1779 = arith.index_cast %swap3A_1778 : i32 to index
        %swap3A_1780 = arith.constant 48 : index
        %swap3A_1781 = tpu.vector_load %arg8[%swap3A_1779, %swap3A_1780] {strides = array<i32>} : memref<8x64xi32, #tpu.memory_space<vmem>>, vector<16xi32>,
        tpu.vector_store %arg8[%swap3A_1779, %swap3A_1780], %select_n3A_1777 {strides = array<i32>} : memref<8x64xi32, #tpu.memory_space<vmem>>, vector<16xi32>,
        %ge3A = arith.constant 4 : i32
        %ge3A_1782 = arith.cmpi sge, %add3A_1399, %ge3A : i32
        %convert_element_type3A_1783 = arith.extui %ge3A_1782 : i1 to i32
        %cond3A_1784 = arith.constant 0 : i32
        %cond3A_1785 = arith.cmpi ne, %convert_element_type3A_1783, %cond3A_1784 : i32
        scf.if %cond3A_1785 {
          %sub3A = arith.constant 4 : i32
          %sub3A_1801 = arith.subi %add3A_1399, %sub3A : i32
          %mul3A_1802 = arith.constant 208 : i32
          %mul3A_1803 = arith.muli %add3A, %mul3A_1802 : i32
          %add3A_1804 = arith.addi %mul3A_1803, %sub3A_1801 : i32
          %mul3A_1805 = arith.constant 64 : i32
          %mul3A_1806 = arith.muli %add3A_1804, %mul3A_1805 : i32
          %dma_wait3A_1807 = arith.constant 7 : i32
          %dma_wait3A_1808 = arith.constant 7 : i32
          %dma_wait3A_1809 = arith.constant 0 : i32
          %dma_wait3A_1810 = arith.constant 0 : i32
          %dma_wait3A_1811 = tpu.memref_slice %arg9[%dma_wait3A_1807, %dma_wait3A_1809, %dma_wait3A_1810] : memref<8x64x64xf32, #tpu.memory_space<vmem>> -> memref<1x64x64xf32, #tpu.memory_space<vmem>>
          %dma_wait3A_1812 = tpu.memref_squeeze %dma_wait3A_1811 : memref<1x64x64xf32, #tpu.memory_space<vmem>> -> memref<64x64xf32, #tpu.memory_space<vmem>>
          %dma_wait3A_1813 = arith.constant 0 : i32
          %dma_wait3A_1814 = tpu.memref_slice %arg5[%mul3A_1806, %dma_wait3A_1813] : memref<425984x64xf32, #tpu.memory_space<hbm>> -> memref<64x64xf32, #tpu.memory_space<hbm>>
          %dma_wait3A_1815 = tpu.memref_slice %arg12[%dma_wait3A_1808] : memref<8x!tpu.dma_semaphore, #tpu.memory_space<semaphore_mem>> -> memref<1x!tpu.dma_semaphore, #tpu.memory_space<semaphore_mem>>
          %dma_wait3A_1816 = tpu.memref_squeeze %dma_wait3A_1815 : memref<1x!tpu.dma_semaphore, #tpu.memory_space<semaphore_mem>> -> memref<!tpu.dma_semaphore, #tpu.memory_space<semaphore_mem>>
          %dma_wait3A_1817 = arith.constant 0 : i32
          %dma_wait3A_1818 = tpu.memref_slice %arg5[%mul3A_1806, %dma_wait3A_1817] : memref<425984x64xf32, #tpu.memory_space<hbm>> -> memref<64x64xf32, #tpu.memory_space<hbm>>
          %dma_wait3A_1819 = arith.constant 0 : i32
          %dma_wait3A_1820 = arith.constant 0 : i32
          %dma_wait3A_1821 = tpu.memref_slice %arg9[%dma_wait3A_1807, %dma_wait3A_1819, %dma_wait3A_1820] : memref<8x64x64xf32, #tpu.memory_space<vmem>> -> memref<1x64x64xf32, #tpu.memory_space<vmem>>
          %dma_wait3A_1822 = tpu.memref_squeeze %dma_wait3A_1821 : memref<1x64x64xf32, #tpu.memory_space<vmem>> -> memref<64x64xf32, #tpu.memory_space<vmem>>
          tpu.wait_dma2 semaphore(%dma_wait3A_1816 : memref<!tpu.dma_semaphore, #tpu.memory_space<semaphore_mem>>) src(%dma_wait3A_1822 : memref<64x64xf32, #tpu.memory_space<vmem>>) dst(%dma_wait3A_1818 : memref<64x64xf32, #tpu.memory_space<hbm>>)
        } else {
        }
        %dma_start3A_1786 = arith.constant 7 : i32
        %dma_start3A_1787 = arith.constant 7 : i32
        %dma_start3A_1788 = arith.constant 7 : i32
        %dma_start3A_1789 = arith.constant 0 : i32
        %dma_start3A_1790 = arith.constant 0 : i32
        %dma_start3A_1791 = tpu.memref_slice %arg9[%dma_start3A_1787, %dma_start3A_1789, %dma_start3A_1790] : memref<8x64x64xf32, #tpu.memory_space<vmem>> -> memref<1x64x64xf32, #tpu.memory_space<vmem>>
        %dma_start3A_1792 = tpu.memref_squeeze %dma_start3A_1791 : memref<1x64x64xf32, #tpu.memory_space<vmem>> -> memref<64x64xf32, #tpu.memory_space<vmem>>
        %dma_start3A_1793 = arith.constant 0 : i32
        %dma_start3A_1794 = tpu.memref_slice %arg8[%dma_start3A_1786, %dma_start3A_1793] : memref<8x64xi32, #tpu.memory_space<vmem>> -> memref<1x64xi32, #tpu.memory_space<vmem>>
        %dma_start3A_1795 = tpu.memref_squeeze %dma_start3A_1794 : memref<1x64xi32, #tpu.memory_space<vmem>> -> memref<64xi32, #tpu.memory_space<vmem>>
        %dma_start3A_1796 = arith.constant 0 : i32
        %dma_start3A_1797 = arith.constant 0 : i32
        %dma_start3A_1798 = tpu.memref_slice %arg4[%dma_start3A_1796, %dma_start3A_1797] : memref<102049x64xf32, #tpu.memory_space<hbm>> -> memref<102049x64xf32, #tpu.memory_space<hbm>>
        %dma_start3A_1799 = tpu.memref_slice %arg11[%dma_start3A_1788] : memref<8x!tpu.dma_semaphore, #tpu.memory_space<semaphore_mem>> -> memref<1x!tpu.dma_semaphore, #tpu.memory_space<semaphore_mem>>
        %dma_start3A_1800 = tpu.memref_squeeze %dma_start3A_1799 : memref<1x!tpu.dma_semaphore, #tpu.memory_space<semaphore_mem>> -> memref<!tpu.dma_semaphore, #tpu.memory_space<semaphore_mem>>
        tpu.enqueue_indirect_dma source(%dma_start3A_1798 : memref<102049x64xf32, #tpu.memory_space<hbm>>) target(%dma_start3A_1792 : memref<64x64xf32, #tpu.memory_space<vmem>>) offsets(%dma_start3A_1795 : memref<64xi32, #tpu.memory_space<vmem>>) semaphore(%dma_start3A_1800 : memref<!tpu.dma_semaphore, #tpu.memory_space<semaphore_mem>>)
      } else {
      }
      %add3A_1443 = arith.constant 8 : i32
      %add3A_1444 = arith.addi %add3A_1399, %add3A_1443 : i32
      %lt3A_1445 = arith.constant 208 : i32
      %lt3A_1446 = arith.cmpi slt, %add3A_1444, %lt3A_1445 : i32
      %convert_element_type3A_1447 = arith.extui %lt3A_1446 : i1 to i32
      %cond3A_1448 = arith.constant 0 : i32
      %cond3A_1449 = arith.cmpi ne, %convert_element_type3A_1447, %cond3A_1448 : i32
      scf.if %cond3A_1449 {
        %get3A_1658 = arith.index_cast %add3A_1444 : i32 to index
        %get3A_1659 = arith.constant 0 : index
        %get3A_1660 = tpu.vector_load %arg6[%get3A_1658, %get3A_1659] {strides = array<i32>} : memref<208x64xi32, #tpu.memory_space<vmem>>, vector<16xi32>,
        %max3A_1661 = arith.constant 0 : i32
        %max3A_1662 = vector.broadcast %max3A_1661 : i32 to vector<16xi32>
        %max3A_1663 = arith.maxsi %get3A_1660, %max3A_1662 : vector<16xi32>
        %min3A_1664 = arith.constant 1000000 : i32
        %min3A_1665 = vector.broadcast %min3A_1664 : i32 to vector<16xi32>
        %min3A_1666 = arith.minsi %max3A_1663, %min3A_1665 : vector<16xi32>
        %swap3A_1667 = arith.index_cast %add3A_1444 : i32 to index
        %swap3A_1668 = arith.constant 0 : index
        %swap3A_1669 = tpu.vector_load %arg6[%swap3A_1667, %swap3A_1668] {strides = array<i32>} : memref<208x64xi32, #tpu.memory_space<vmem>>, vector<16xi32>,
        tpu.vector_store %arg6[%swap3A_1667, %swap3A_1668], %min3A_1666 {strides = array<i32>} : memref<208x64xi32, #tpu.memory_space<vmem>>, vector<16xi32>,
        %get3A_1670 = arith.index_cast %add3A_1444 : i32 to index
        %get3A_1671 = arith.constant 16 : index
        %get3A_1672 = tpu.vector_load %arg6[%get3A_1670, %get3A_1671] {strides = array<i32>} : memref<208x64xi32, #tpu.memory_space<vmem>>, vector<16xi32>,
        %max3A_1673 = arith.constant 0 : i32
        %max3A_1674 = vector.broadcast %max3A_1673 : i32 to vector<16xi32>
        %max3A_1675 = arith.maxsi %get3A_1672, %max3A_1674 : vector<16xi32>
        %min3A_1676 = arith.constant 1000000 : i32
        %min3A_1677 = vector.broadcast %min3A_1676 : i32 to vector<16xi32>
        %min3A_1678 = arith.minsi %max3A_1675, %min3A_1677 : vector<16xi32>
        %swap3A_1679 = arith.index_cast %add3A_1444 : i32 to index
        %swap3A_1680 = arith.constant 16 : index
        %swap3A_1681 = tpu.vector_load %arg6[%swap3A_1679, %swap3A_1680] {strides = array<i32>} : memref<208x64xi32, #tpu.memory_space<vmem>>, vector<16xi32>,
        tpu.vector_store %arg6[%swap3A_1679, %swap3A_1680], %min3A_1678 {strides = array<i32>} : memref<208x64xi32, #tpu.memory_space<vmem>>, vector<16xi32>,
        %get3A_1682 = arith.index_cast %add3A_1444 : i32 to index
        %get3A_1683 = arith.constant 32 : index
        %get3A_1684 = tpu.vector_load %arg6[%get3A_1682, %get3A_1683] {strides = array<i32>} : memref<208x64xi32, #tpu.memory_space<vmem>>, vector<16xi32>,
        %max3A_1685 = arith.constant 0 : i32
        %max3A_1686 = vector.broadcast %max3A_1685 : i32 to vector<16xi32>
        %max3A_1687 = arith.maxsi %get3A_1684, %max3A_1686 : vector<16xi32>
        %min3A_1688 = arith.constant 1000000 : i32
        %min3A_1689 = vector.broadcast %min3A_1688 : i32 to vector<16xi32>
        %min3A_1690 = arith.minsi %max3A_1687, %min3A_1689 : vector<16xi32>
        %swap3A_1691 = arith.index_cast %add3A_1444 : i32 to index
        %swap3A_1692 = arith.constant 32 : index
        %swap3A_1693 = tpu.vector_load %arg6[%swap3A_1691, %swap3A_1692] {strides = array<i32>} : memref<208x64xi32, #tpu.memory_space<vmem>>, vector<16xi32>,
        tpu.vector_store %arg6[%swap3A_1691, %swap3A_1692], %min3A_1690 {strides = array<i32>} : memref<208x64xi32, #tpu.memory_space<vmem>>, vector<16xi32>,
        %get3A_1694 = arith.index_cast %add3A_1444 : i32 to index
        %get3A_1695 = arith.constant 48 : index
        %get3A_1696 = tpu.vector_load %arg6[%get3A_1694, %get3A_1695] {strides = array<i32>} : memref<208x64xi32, #tpu.memory_space<vmem>>, vector<16xi32>,
        %max3A_1697 = arith.constant 0 : i32
        %max3A_1698 = vector.broadcast %max3A_1697 : i32 to vector<16xi32>
        %max3A_1699 = arith.maxsi %get3A_1696, %max3A_1698 : vector<16xi32>
        %min3A_1700 = arith.constant 1000000 : i32
        %min3A_1701 = vector.broadcast %min3A_1700 : i32 to vector<16xi32>
        %min3A_1702 = arith.minsi %max3A_1699, %min3A_1701 : vector<16xi32>
        %swap3A_1703 = arith.index_cast %add3A_1444 : i32 to index
        %swap3A_1704 = arith.constant 48 : index
        %swap3A_1705 = tpu.vector_load %arg6[%swap3A_1703, %swap3A_1704] {strides = array<i32>} : memref<208x64xi32, #tpu.memory_space<vmem>>, vector<16xi32>,
        tpu.vector_store %arg6[%swap3A_1703, %swap3A_1704], %min3A_1702 {strides = array<i32>} : memref<208x64xi32, #tpu.memory_space<vmem>>, vector<16xi32>,
        %dma_start3A_1706 = arith.constant 3 : i32
        %dma_start3A_1707 = arith.constant 3 : i32
        %dma_start3A_1708 = arith.constant 0 : i32
        %dma_start3A_1709 = tpu.memref_slice %arg8[%dma_start3A_1706, %dma_start3A_1708] : memref<8x64xi32, #tpu.memory_space<vmem>> -> memref<1x64xi32, #tpu.memory_space<vmem>>
        %dma_start3A_1710 = tpu.memref_squeeze %dma_start3A_1709 : memref<1x64xi32, #tpu.memory_space<vmem>> -> memref<64xi32, #tpu.memory_space<vmem>>
        %dma_start3A_1711 = arith.constant 0 : i32
        %dma_start3A_1712 = tpu.memref_slice %arg6[%add3A_1444, %dma_start3A_1711] : memref<208x64xi32, #tpu.memory_space<vmem>> -> memref<1x64xi32, #tpu.memory_space<vmem>>
        %dma_start3A_1713 = tpu.memref_squeeze %dma_start3A_1712 : memref<1x64xi32, #tpu.memory_space<vmem>> -> memref<64xi32, #tpu.memory_space<vmem>>
        %dma_start3A_1714 = arith.constant 0 : i32
        %dma_start3A_1715 = tpu.memref_slice %arg7[%dma_start3A_1714] : memref<1000001xi32, #tpu.memory_space<vmem_shared>> -> memref<1000001xi32, #tpu.memory_space<vmem_shared>>
        %dma_start3A_1716 = tpu.memref_slice %arg10[%dma_start3A_1707] : memref<8x!tpu.dma_semaphore, #tpu.memory_space<semaphore_mem>> -> memref<1x!tpu.dma_semaphore, #tpu.memory_space<semaphore_mem>>
        %dma_start3A_1717 = tpu.memref_squeeze %dma_start3A_1716 : memref<1x!tpu.dma_semaphore, #tpu.memory_space<semaphore_mem>> -> memref<!tpu.dma_semaphore, #tpu.memory_space<semaphore_mem>>
        tpu.enqueue_indirect_dma source(%dma_start3A_1715 : memref<1000001xi32, #tpu.memory_space<vmem_shared>>) target(%dma_start3A_1710 : memref<64xi32, #tpu.memory_space<vmem>>) offsets(%dma_start3A_1713 : memref<64xi32, #tpu.memory_space<vmem>>) semaphore(%dma_start3A_1717 : memref<!tpu.dma_semaphore, #tpu.memory_space<semaphore_mem>>)
      } else {
      }
      %add3A_1450 = arith.constant 4 : i32
      %add3A_1451 = arith.addi %mul3A_1242, %add3A_1450 : i32
      %dma_wait3A_1452 = arith.constant 4 : i32
      %dma_wait3A_1453 = arith.constant 4 : i32
      %dma_wait3A_1454 = arith.constant 4 : i32
      %dma_wait3A_1455 = arith.constant 0 : i32
      %dma_wait3A_1456 = arith.constant 0 : i32
      %dma_wait3A_1457 = tpu.memref_slice %arg9[%dma_wait3A_1453, %dma_wait3A_1455, %dma_wait3A_1456] : memref<8x64x64xf32, #tpu.memory_space<vmem>> -> memref<1x64x64xf32, #tpu.memory_space<vmem>>
      %dma_wait3A_1458 = tpu.memref_squeeze %dma_wait3A_1457 : memref<1x64x64xf32, #tpu.memory_space<vmem>> -> memref<64x64xf32, #tpu.memory_space<vmem>>
      %dma_wait3A_1459 = arith.constant 0 : i32
      %dma_wait3A_1460 = tpu.memref_slice %arg8[%dma_wait3A_1452, %dma_wait3A_1459] : memref<8x64xi32, #tpu.memory_space<vmem>> -> memref<1x64xi32, #tpu.memory_space<vmem>>
      %dma_wait3A_1461 = tpu.memref_squeeze %dma_wait3A_1460 : memref<1x64xi32, #tpu.memory_space<vmem>> -> memref<64xi32, #tpu.memory_space<vmem>>
      %dma_wait3A_1462 = arith.constant 0 : i32
      %dma_wait3A_1463 = arith.constant 0 : i32
      %dma_wait3A_1464 = tpu.memref_slice %arg4[%dma_wait3A_1462, %dma_wait3A_1463] : memref<102049x64xf32, #tpu.memory_space<hbm>> -> memref<102049x64xf32, #tpu.memory_space<hbm>>
      %dma_wait3A_1465 = tpu.memref_slice %arg11[%dma_wait3A_1454] : memref<8x!tpu.dma_semaphore, #tpu.memory_space<semaphore_mem>> -> memref<1x!tpu.dma_semaphore, #tpu.memory_space<semaphore_mem>>
      %dma_wait3A_1466 = tpu.memref_squeeze %dma_wait3A_1465 : memref<1x!tpu.dma_semaphore, #tpu.memory_space<semaphore_mem>> -> memref<!tpu.dma_semaphore, #tpu.memory_space<semaphore_mem>>
      tpu.wait_indirect_dma semaphore(%dma_wait3A_1466 : memref<!tpu.dma_semaphore, #tpu.memory_space<semaphore_mem>>) src(%dma_wait3A_1464 : memref<102049x64xf32, #tpu.memory_space<hbm>>) dst(%dma_wait3A_1458 : memref<64x64xf32, #tpu.memory_space<vmem>>)
      %mul3A_1467 = arith.constant 208 : i32
      %mul3A_1468 = arith.muli %add3A, %mul3A_1467 : i32
      %add3A_1469 = arith.addi %mul3A_1468, %add3A_1451 : i32
      %mul3A_1470 = arith.constant 64 : i32
      %mul3A_1471 = arith.muli %add3A_1469, %mul3A_1470 : i32
      %dma_start3A_1472 = arith.constant 4 : i32
      %dma_start3A_1473 = arith.constant 4 : i32
      %dma_start3A_1474 = arith.constant 0 : i32
      %dma_start3A_1475 = arith.constant 0 : i32
      %dma_start3A_1476 = tpu.memref_slice %arg9[%dma_start3A_1472, %dma_start3A_1474, %dma_start3A_1475] : memref<8x64x64xf32, #tpu.memory_space<vmem>> -> memref<1x64x64xf32, #tpu.memory_space<vmem>>
      %dma_start3A_1477 = tpu.memref_squeeze %dma_start3A_1476 : memref<1x64x64xf32, #tpu.memory_space<vmem>> -> memref<64x64xf32, #tpu.memory_space<vmem>>
      %dma_start3A_1478 = arith.constant 0 : i32
      %dma_start3A_1479 = tpu.memref_slice %arg5[%mul3A_1471, %dma_start3A_1478] : memref<425984x64xf32, #tpu.memory_space<hbm>> -> memref<64x64xf32, #tpu.memory_space<hbm>>
      %dma_start3A_1480 = tpu.memref_slice %arg12[%dma_start3A_1473] : memref<8x!tpu.dma_semaphore, #tpu.memory_space<semaphore_mem>> -> memref<1x!tpu.dma_semaphore, #tpu.memory_space<semaphore_mem>>
      %dma_start3A_1481 = tpu.memref_squeeze %dma_start3A_1480 : memref<1x!tpu.dma_semaphore, #tpu.memory_space<semaphore_mem>> -> memref<!tpu.dma_semaphore, #tpu.memory_space<semaphore_mem>>
      %dma_start3A_1482 = arith.constant 0 : i32
      %dma_start3A_1483 = tpu.memref_slice %arg5[%mul3A_1471, %dma_start3A_1482] : memref<425984x64xf32, #tpu.memory_space<hbm>> -> memref<64x64xf32, #tpu.memory_space<hbm>>
      %dma_start3A_1484 = arith.constant 0 : i32
      %dma_start3A_1485 = arith.constant 0 : i32
      %dma_start3A_1486 = tpu.memref_slice %arg9[%dma_start3A_1472, %dma_start3A_1484, %dma_start3A_1485] : memref<8x64x64xf32, #tpu.memory_space<vmem>> -> memref<1x64x64xf32, #tpu.memory_space<vmem>>
      %dma_start3A_1487 = tpu.memref_squeeze %dma_start3A_1486 : memref<1x64x64xf32, #tpu.memory_space<vmem>> -> memref<64x64xf32, #tpu.memory_space<vmem>>
      tpu.enqueue_dma source(%dma_start3A_1487 : memref<64x64xf32, #tpu.memory_space<vmem>>) target(%dma_start3A_1483 : memref<64x64xf32, #tpu.memory_space<hbm>>) target_semaphore(%dma_start3A_1481 : memref<!tpu.dma_semaphore, #tpu.memory_space<semaphore_mem>>)
      %add3A_1488 = arith.constant 4 : i32
      %add3A_1489 = arith.addi %add3A_1451, %add3A_1488 : i32
      %lt3A_1490 = arith.constant 208 : i32
      %lt3A_1491 = arith.cmpi slt, %add3A_1489, %lt3A_1490 : i32
      %convert_element_type3A_1492 = arith.extui %lt3A_1491 : i1 to i32
      %cond3A_1493 = arith.constant 0 : i32
      %cond3A_1494 = arith.cmpi ne, %convert_element_type3A_1492, %cond3A_1493 : i32
      scf.if %cond3A_1494 {
        %dma_wait3A_1658 = arith.constant 0 : i32
        %dma_wait3A_1659 = arith.constant 0 : i32
        %dma_wait3A_1660 = arith.constant 0 : i32
        %dma_wait3A_1661 = tpu.memref_slice %arg8[%dma_wait3A_1658, %dma_wait3A_1660] : memref<8x64xi32, #tpu.memory_space<vmem>> -> memref<1x64xi32, #tpu.memory_space<vmem>>
        %dma_wait3A_1662 = tpu.memref_squeeze %dma_wait3A_1661 : memref<1x64xi32, #tpu.memory_space<vmem>> -> memref<64xi32, #tpu.memory_space<vmem>>
        %dma_wait3A_1663 = arith.constant 0 : i32
        %dma_wait3A_1664 = tpu.memref_slice %arg6[%add3A_1489, %dma_wait3A_1663] : memref<208x64xi32, #tpu.memory_space<vmem>> -> memref<1x64xi32, #tpu.memory_space<vmem>>
        %dma_wait3A_1665 = tpu.memref_squeeze %dma_wait3A_1664 : memref<1x64xi32, #tpu.memory_space<vmem>> -> memref<64xi32, #tpu.memory_space<vmem>>
        %dma_wait3A_1666 = arith.constant 0 : i32
        %dma_wait3A_1667 = tpu.memref_slice %arg7[%dma_wait3A_1666] : memref<1000001xi32, #tpu.memory_space<vmem_shared>> -> memref<1000001xi32, #tpu.memory_space<vmem_shared>>
        %dma_wait3A_1668 = tpu.memref_slice %arg10[%dma_wait3A_1659] : memref<8x!tpu.dma_semaphore, #tpu.memory_space<semaphore_mem>> -> memref<1x!tpu.dma_semaphore, #tpu.memory_space<semaphore_mem>>
        %dma_wait3A_1669 = tpu.memref_squeeze %dma_wait3A_1668 : memref<1x!tpu.dma_semaphore, #tpu.memory_space<semaphore_mem>> -> memref<!tpu.dma_semaphore, #tpu.memory_space<semaphore_mem>>
        tpu.wait_indirect_dma semaphore(%dma_wait3A_1669 : memref<!tpu.dma_semaphore, #tpu.memory_space<semaphore_mem>>) src(%dma_wait3A_1667 : memref<1000001xi32, #tpu.memory_space<vmem_shared>>) dst(%dma_wait3A_1662 : memref<64xi32, #tpu.memory_space<vmem>>)
        %get3A_1670 = arith.constant 0 : i32
        %get3A_1671 = arith.index_cast %get3A_1670 : i32 to index
        %get3A_1672 = arith.constant 0 : index
        %get3A_1673 = tpu.vector_load %arg8[%get3A_1671, %get3A_1672] {strides = array<i32>} : memref<8x64xi32, #tpu.memory_space<vmem>>, vector<16xi32>,
        %mul3A_1674 = arith.constant 64 : i32
        %mul3A_1675 = arith.muli %add3A_1489, %mul3A_1674 : i32
        %add3A_1676 = arith.constant 0 : i32
        %add3A_1677 = arith.addi %mul3A_1675, %add3A_1676 : i32
        %add3A_1678 = vector.broadcast %add3A_1677 : i32 to vector<16xi32>
        %add3A_1679 = arith.addi %add3A_1678, %iota3A : vector<16xi32>
        %mul3A_1680 = arith.constant 997 : i32
        %mul3A_1681 = arith.muli %add3A, %mul3A_1680 : i32
        %add3A_1682 = vector.broadcast %mul3A_1681 : i32 to vector<16xi32>
        %add3A_1683 = arith.addi %add3A_1679, %add3A_1682 : vector<16xi32>
        %and3A_1684 = arith.constant 2047 : i32
        %and3A_1685 = vector.broadcast %and3A_1684 : i32 to vector<16xi32>
        %and3A_1686 = arith.andi %add3A_1683, %and3A_1685 : vector<16xi32>
        %eq3A_1687 = arith.constant 100000 : i32
        %eq3A_1688 = vector.broadcast %eq3A_1687 : i32 to vector<16xi32>
        %eq3A_1689 = arith.cmpi eq, %get3A_1673, %eq3A_1688 : vector<16xi32>
        %add3A_1690 = arith.constant 100001 : i32
        %add3A_1691 = vector.broadcast %add3A_1690 : i32 to vector<16xi32>
        %add3A_1692 = arith.addi %add3A_1691, %and3A_1686 : vector<16xi32>
        %select_n3A_1693 = arith.select %eq3A_1689, %add3A_1692, %get3A_1673 : vector<16xi1>, vector<16xi32>
        %swap3A_1694 = arith.constant 0 : i32
        %swap3A_1695 = arith.index_cast %swap3A_1694 : i32 to index
        %swap3A_1696 = arith.constant 0 : index
        %swap3A_1697 = tpu.vector_load %arg8[%swap3A_1695, %swap3A_1696] {strides = array<i32>} : memref<8x64xi32, #tpu.memory_space<vmem>>, vector<16xi32>,
        tpu.vector_store %arg8[%swap3A_1695, %swap3A_1696], %select_n3A_1693 {strides = array<i32>} : memref<8x64xi32, #tpu.memory_space<vmem>>, vector<16xi32>,
        %get3A_1698 = arith.constant 0 : i32
        %get3A_1699 = arith.index_cast %get3A_1698 : i32 to index
        %get3A_1700 = arith.constant 16 : index
        %get3A_1701 = tpu.vector_load %arg8[%get3A_1699, %get3A_1700] {strides = array<i32>} : memref<8x64xi32, #tpu.memory_space<vmem>>, vector<16xi32>,
        %mul3A_1702 = arith.constant 64 : i32
        %mul3A_1703 = arith.muli %add3A_1489, %mul3A_1702 : i32
        %add3A_1704 = arith.constant 16 : i32
        %add3A_1705 = arith.addi %mul3A_1703, %add3A_1704 : i32
        %add3A_1706 = vector.broadcast %add3A_1705 : i32 to vector<16xi32>
        %add3A_1707 = arith.addi %add3A_1706, %iota3A : vector<16xi32>
        %mul3A_1708 = arith.constant 997 : i32
        %mul3A_1709 = arith.muli %add3A, %mul3A_1708 : i32
        %add3A_1710 = vector.broadcast %mul3A_1709 : i32 to vector<16xi32>
        %add3A_1711 = arith.addi %add3A_1707, %add3A_1710 : vector<16xi32>
        %and3A_1712 = arith.constant 2047 : i32
        %and3A_1713 = vector.broadcast %and3A_1712 : i32 to vector<16xi32>
        %and3A_1714 = arith.andi %add3A_1711, %and3A_1713 : vector<16xi32>
        %eq3A_1715 = arith.constant 100000 : i32
        %eq3A_1716 = vector.broadcast %eq3A_1715 : i32 to vector<16xi32>
        %eq3A_1717 = arith.cmpi eq, %get3A_1701, %eq3A_1716 : vector<16xi32>
        %add3A_1718 = arith.constant 100001 : i32
        %add3A_1719 = vector.broadcast %add3A_1718 : i32 to vector<16xi32>
        %add3A_1720 = arith.addi %add3A_1719, %and3A_1714 : vector<16xi32>
        %select_n3A_1721 = arith.select %eq3A_1717, %add3A_1720, %get3A_1701 : vector<16xi1>, vector<16xi32>
        %swap3A_1722 = arith.constant 0 : i32
        %swap3A_1723 = arith.index_cast %swap3A_1722 : i32 to index
        %swap3A_1724 = arith.constant 16 : index
        %swap3A_1725 = tpu.vector_load %arg8[%swap3A_1723, %swap3A_1724] {strides = array<i32>} : memref<8x64xi32, #tpu.memory_space<vmem>>, vector<16xi32>,
        tpu.vector_store %arg8[%swap3A_1723, %swap3A_1724], %select_n3A_1721 {strides = array<i32>} : memref<8x64xi32, #tpu.memory_space<vmem>>, vector<16xi32>,
        %get3A_1726 = arith.constant 0 : i32
        %get3A_1727 = arith.index_cast %get3A_1726 : i32 to index
        %get3A_1728 = arith.constant 32 : index
        %get3A_1729 = tpu.vector_load %arg8[%get3A_1727, %get3A_1728] {strides = array<i32>} : memref<8x64xi32, #tpu.memory_space<vmem>>, vector<16xi32>,
        %mul3A_1730 = arith.constant 64 : i32
        %mul3A_1731 = arith.muli %add3A_1489, %mul3A_1730 : i32
        %add3A_1732 = arith.constant 32 : i32
        %add3A_1733 = arith.addi %mul3A_1731, %add3A_1732 : i32
        %add3A_1734 = vector.broadcast %add3A_1733 : i32 to vector<16xi32>
        %add3A_1735 = arith.addi %add3A_1734, %iota3A : vector<16xi32>
        %mul3A_1736 = arith.constant 997 : i32
        %mul3A_1737 = arith.muli %add3A, %mul3A_1736 : i32
        %add3A_1738 = vector.broadcast %mul3A_1737 : i32 to vector<16xi32>
        %add3A_1739 = arith.addi %add3A_1735, %add3A_1738 : vector<16xi32>
        %and3A_1740 = arith.constant 2047 : i32
        %and3A_1741 = vector.broadcast %and3A_1740 : i32 to vector<16xi32>
        %and3A_1742 = arith.andi %add3A_1739, %and3A_1741 : vector<16xi32>
        %eq3A_1743 = arith.constant 100000 : i32
        %eq3A_1744 = vector.broadcast %eq3A_1743 : i32 to vector<16xi32>
        %eq3A_1745 = arith.cmpi eq, %get3A_1729, %eq3A_1744 : vector<16xi32>
        %add3A_1746 = arith.constant 100001 : i32
        %add3A_1747 = vector.broadcast %add3A_1746 : i32 to vector<16xi32>
        %add3A_1748 = arith.addi %add3A_1747, %and3A_1742 : vector<16xi32>
        %select_n3A_1749 = arith.select %eq3A_1745, %add3A_1748, %get3A_1729 : vector<16xi1>, vector<16xi32>
        %swap3A_1750 = arith.constant 0 : i32
        %swap3A_1751 = arith.index_cast %swap3A_1750 : i32 to index
        %swap3A_1752 = arith.constant 32 : index
        %swap3A_1753 = tpu.vector_load %arg8[%swap3A_1751, %swap3A_1752] {strides = array<i32>} : memref<8x64xi32, #tpu.memory_space<vmem>>, vector<16xi32>,
        tpu.vector_store %arg8[%swap3A_1751, %swap3A_1752], %select_n3A_1749 {strides = array<i32>} : memref<8x64xi32, #tpu.memory_space<vmem>>, vector<16xi32>,
        %get3A_1754 = arith.constant 0 : i32
        %get3A_1755 = arith.index_cast %get3A_1754 : i32 to index
        %get3A_1756 = arith.constant 48 : index
        %get3A_1757 = tpu.vector_load %arg8[%get3A_1755, %get3A_1756] {strides = array<i32>} : memref<8x64xi32, #tpu.memory_space<vmem>>, vector<16xi32>,
        %mul3A_1758 = arith.constant 64 : i32
        %mul3A_1759 = arith.muli %add3A_1489, %mul3A_1758 : i32
        %add3A_1760 = arith.constant 48 : i32
        %add3A_1761 = arith.addi %mul3A_1759, %add3A_1760 : i32
        %add3A_1762 = vector.broadcast %add3A_1761 : i32 to vector<16xi32>
        %add3A_1763 = arith.addi %add3A_1762, %iota3A : vector<16xi32>
        %mul3A_1764 = arith.constant 997 : i32
        %mul3A_1765 = arith.muli %add3A, %mul3A_1764 : i32
        %add3A_1766 = vector.broadcast %mul3A_1765 : i32 to vector<16xi32>
        %add3A_1767 = arith.addi %add3A_1763, %add3A_1766 : vector<16xi32>
        %and3A_1768 = arith.constant 2047 : i32
        %and3A_1769 = vector.broadcast %and3A_1768 : i32 to vector<16xi32>
        %and3A_1770 = arith.andi %add3A_1767, %and3A_1769 : vector<16xi32>
        %eq3A_1771 = arith.constant 100000 : i32
        %eq3A_1772 = vector.broadcast %eq3A_1771 : i32 to vector<16xi32>
        %eq3A_1773 = arith.cmpi eq, %get3A_1757, %eq3A_1772 : vector<16xi32>
        %add3A_1774 = arith.constant 100001 : i32
        %add3A_1775 = vector.broadcast %add3A_1774 : i32 to vector<16xi32>
        %add3A_1776 = arith.addi %add3A_1775, %and3A_1770 : vector<16xi32>
        %select_n3A_1777 = arith.select %eq3A_1773, %add3A_1776, %get3A_1757 : vector<16xi1>, vector<16xi32>
        %swap3A_1778 = arith.constant 0 : i32
        %swap3A_1779 = arith.index_cast %swap3A_1778 : i32 to index
        %swap3A_1780 = arith.constant 48 : index
        %swap3A_1781 = tpu.vector_load %arg8[%swap3A_1779, %swap3A_1780] {strides = array<i32>} : memref<8x64xi32, #tpu.memory_space<vmem>>, vector<16xi32>,
        tpu.vector_store %arg8[%swap3A_1779, %swap3A_1780], %select_n3A_1777 {strides = array<i32>} : memref<8x64xi32, #tpu.memory_space<vmem>>, vector<16xi32>,
        %ge3A = arith.constant 4 : i32
        %ge3A_1782 = arith.cmpi sge, %add3A_1451, %ge3A : i32
        %convert_element_type3A_1783 = arith.extui %ge3A_1782 : i1 to i32
        %cond3A_1784 = arith.constant 0 : i32
        %cond3A_1785 = arith.cmpi ne, %convert_element_type3A_1783, %cond3A_1784 : i32
        scf.if %cond3A_1785 {
          %sub3A = arith.constant 4 : i32
          %sub3A_1801 = arith.subi %add3A_1451, %sub3A : i32
          %mul3A_1802 = arith.constant 208 : i32
          %mul3A_1803 = arith.muli %add3A, %mul3A_1802 : i32
          %add3A_1804 = arith.addi %mul3A_1803, %sub3A_1801 : i32
          %mul3A_1805 = arith.constant 64 : i32
          %mul3A_1806 = arith.muli %add3A_1804, %mul3A_1805 : i32
          %dma_wait3A_1807 = arith.constant 0 : i32
          %dma_wait3A_1808 = arith.constant 0 : i32
          %dma_wait3A_1809 = arith.constant 0 : i32
          %dma_wait3A_1810 = arith.constant 0 : i32
          %dma_wait3A_1811 = tpu.memref_slice %arg9[%dma_wait3A_1807, %dma_wait3A_1809, %dma_wait3A_1810] : memref<8x64x64xf32, #tpu.memory_space<vmem>> -> memref<1x64x64xf32, #tpu.memory_space<vmem>>
          %dma_wait3A_1812 = tpu.memref_squeeze %dma_wait3A_1811 : memref<1x64x64xf32, #tpu.memory_space<vmem>> -> memref<64x64xf32, #tpu.memory_space<vmem>>
          %dma_wait3A_1813 = arith.constant 0 : i32
          %dma_wait3A_1814 = tpu.memref_slice %arg5[%mul3A_1806, %dma_wait3A_1813] : memref<425984x64xf32, #tpu.memory_space<hbm>> -> memref<64x64xf32, #tpu.memory_space<hbm>>
          %dma_wait3A_1815 = tpu.memref_slice %arg12[%dma_wait3A_1808] : memref<8x!tpu.dma_semaphore, #tpu.memory_space<semaphore_mem>> -> memref<1x!tpu.dma_semaphore, #tpu.memory_space<semaphore_mem>>
          %dma_wait3A_1816 = tpu.memref_squeeze %dma_wait3A_1815 : memref<1x!tpu.dma_semaphore, #tpu.memory_space<semaphore_mem>> -> memref<!tpu.dma_semaphore, #tpu.memory_space<semaphore_mem>>
          %dma_wait3A_1817 = arith.constant 0 : i32
          %dma_wait3A_1818 = tpu.memref_slice %arg5[%mul3A_1806, %dma_wait3A_1817] : memref<425984x64xf32, #tpu.memory_space<hbm>> -> memref<64x64xf32, #tpu.memory_space<hbm>>
          %dma_wait3A_1819 = arith.constant 0 : i32
          %dma_wait3A_1820 = arith.constant 0 : i32
          %dma_wait3A_1821 = tpu.memref_slice %arg9[%dma_wait3A_1807, %dma_wait3A_1819, %dma_wait3A_1820] : memref<8x64x64xf32, #tpu.memory_space<vmem>> -> memref<1x64x64xf32, #tpu.memory_space<vmem>>
          %dma_wait3A_1822 = tpu.memref_squeeze %dma_wait3A_1821 : memref<1x64x64xf32, #tpu.memory_space<vmem>> -> memref<64x64xf32, #tpu.memory_space<vmem>>
          tpu.wait_dma2 semaphore(%dma_wait3A_1816 : memref<!tpu.dma_semaphore, #tpu.memory_space<semaphore_mem>>) src(%dma_wait3A_1822 : memref<64x64xf32, #tpu.memory_space<vmem>>) dst(%dma_wait3A_1818 : memref<64x64xf32, #tpu.memory_space<hbm>>)
        } else {
        }
        %dma_start3A_1786 = arith.constant 0 : i32
        %dma_start3A_1787 = arith.constant 0 : i32
        %dma_start3A_1788 = arith.constant 0 : i32
        %dma_start3A_1789 = arith.constant 0 : i32
        %dma_start3A_1790 = arith.constant 0 : i32
        %dma_start3A_1791 = tpu.memref_slice %arg9[%dma_start3A_1787, %dma_start3A_1789, %dma_start3A_1790] : memref<8x64x64xf32, #tpu.memory_space<vmem>> -> memref<1x64x64xf32, #tpu.memory_space<vmem>>
        %dma_start3A_1792 = tpu.memref_squeeze %dma_start3A_1791 : memref<1x64x64xf32, #tpu.memory_space<vmem>> -> memref<64x64xf32, #tpu.memory_space<vmem>>
        %dma_start3A_1793 = arith.constant 0 : i32
        %dma_start3A_1794 = tpu.memref_slice %arg8[%dma_start3A_1786, %dma_start3A_1793] : memref<8x64xi32, #tpu.memory_space<vmem>> -> memref<1x64xi32, #tpu.memory_space<vmem>>
        %dma_start3A_1795 = tpu.memref_squeeze %dma_start3A_1794 : memref<1x64xi32, #tpu.memory_space<vmem>> -> memref<64xi32, #tpu.memory_space<vmem>>
        %dma_start3A_1796 = arith.constant 0 : i32
        %dma_start3A_1797 = arith.constant 0 : i32
        %dma_start3A_1798 = tpu.memref_slice %arg4[%dma_start3A_1796, %dma_start3A_1797] : memref<102049x64xf32, #tpu.memory_space<hbm>> -> memref<102049x64xf32, #tpu.memory_space<hbm>>
        %dma_start3A_1799 = tpu.memref_slice %arg11[%dma_start3A_1788] : memref<8x!tpu.dma_semaphore, #tpu.memory_space<semaphore_mem>> -> memref<1x!tpu.dma_semaphore, #tpu.memory_space<semaphore_mem>>
        %dma_start3A_1800 = tpu.memref_squeeze %dma_start3A_1799 : memref<1x!tpu.dma_semaphore, #tpu.memory_space<semaphore_mem>> -> memref<!tpu.dma_semaphore, #tpu.memory_space<semaphore_mem>>
        tpu.enqueue_indirect_dma source(%dma_start3A_1798 : memref<102049x64xf32, #tpu.memory_space<hbm>>) target(%dma_start3A_1792 : memref<64x64xf32, #tpu.memory_space<vmem>>) offsets(%dma_start3A_1795 : memref<64xi32, #tpu.memory_space<vmem>>) semaphore(%dma_start3A_1800 : memref<!tpu.dma_semaphore, #tpu.memory_space<semaphore_mem>>)
      } else {
      }
      %add3A_1495 = arith.constant 8 : i32
      %add3A_1496 = arith.addi %add3A_1451, %add3A_1495 : i32
      %lt3A_1497 = arith.constant 208 : i32
      %lt3A_1498 = arith.cmpi slt, %add3A_1496, %lt3A_1497 : i32
      %convert_element_type3A_1499 = arith.extui %lt3A_1498 : i1 to i32
      %cond3A_1500 = arith.constant 0 : i32
      %cond3A_1501 = arith.cmpi ne, %convert_element_type3A_1499, %cond3A_1500 : i32
      scf.if %cond3A_1501 {
        %get3A_1658 = arith.index_cast %add3A_1496 : i32 to index
        %get3A_1659 = arith.constant 0 : index
        %get3A_1660 = tpu.vector_load %arg6[%get3A_1658, %get3A_1659] {strides = array<i32>} : memref<208x64xi32, #tpu.memory_space<vmem>>, vector<16xi32>,
        %max3A_1661 = arith.constant 0 : i32
        %max3A_1662 = vector.broadcast %max3A_1661 : i32 to vector<16xi32>
        %max3A_1663 = arith.maxsi %get3A_1660, %max3A_1662 : vector<16xi32>
        %min3A_1664 = arith.constant 1000000 : i32
        %min3A_1665 = vector.broadcast %min3A_1664 : i32 to vector<16xi32>
        %min3A_1666 = arith.minsi %max3A_1663, %min3A_1665 : vector<16xi32>
        %swap3A_1667 = arith.index_cast %add3A_1496 : i32 to index
        %swap3A_1668 = arith.constant 0 : index
        %swap3A_1669 = tpu.vector_load %arg6[%swap3A_1667, %swap3A_1668] {strides = array<i32>} : memref<208x64xi32, #tpu.memory_space<vmem>>, vector<16xi32>,
        tpu.vector_store %arg6[%swap3A_1667, %swap3A_1668], %min3A_1666 {strides = array<i32>} : memref<208x64xi32, #tpu.memory_space<vmem>>, vector<16xi32>,
        %get3A_1670 = arith.index_cast %add3A_1496 : i32 to index
        %get3A_1671 = arith.constant 16 : index
        %get3A_1672 = tpu.vector_load %arg6[%get3A_1670, %get3A_1671] {strides = array<i32>} : memref<208x64xi32, #tpu.memory_space<vmem>>, vector<16xi32>,
        %max3A_1673 = arith.constant 0 : i32
        %max3A_1674 = vector.broadcast %max3A_1673 : i32 to vector<16xi32>
        %max3A_1675 = arith.maxsi %get3A_1672, %max3A_1674 : vector<16xi32>
        %min3A_1676 = arith.constant 1000000 : i32
        %min3A_1677 = vector.broadcast %min3A_1676 : i32 to vector<16xi32>
        %min3A_1678 = arith.minsi %max3A_1675, %min3A_1677 : vector<16xi32>
        %swap3A_1679 = arith.index_cast %add3A_1496 : i32 to index
        %swap3A_1680 = arith.constant 16 : index
        %swap3A_1681 = tpu.vector_load %arg6[%swap3A_1679, %swap3A_1680] {strides = array<i32>} : memref<208x64xi32, #tpu.memory_space<vmem>>, vector<16xi32>,
        tpu.vector_store %arg6[%swap3A_1679, %swap3A_1680], %min3A_1678 {strides = array<i32>} : memref<208x64xi32, #tpu.memory_space<vmem>>, vector<16xi32>,
        %get3A_1682 = arith.index_cast %add3A_1496 : i32 to index
        %get3A_1683 = arith.constant 32 : index
        %get3A_1684 = tpu.vector_load %arg6[%get3A_1682, %get3A_1683] {strides = array<i32>} : memref<208x64xi32, #tpu.memory_space<vmem>>, vector<16xi32>,
        %max3A_1685 = arith.constant 0 : i32
        %max3A_1686 = vector.broadcast %max3A_1685 : i32 to vector<16xi32>
        %max3A_1687 = arith.maxsi %get3A_1684, %max3A_1686 : vector<16xi32>
        %min3A_1688 = arith.constant 1000000 : i32
        %min3A_1689 = vector.broadcast %min3A_1688 : i32 to vector<16xi32>
        %min3A_1690 = arith.minsi %max3A_1687, %min3A_1689 : vector<16xi32>
        %swap3A_1691 = arith.index_cast %add3A_1496 : i32 to index
        %swap3A_1692 = arith.constant 32 : index
        %swap3A_1693 = tpu.vector_load %arg6[%swap3A_1691, %swap3A_1692] {strides = array<i32>} : memref<208x64xi32, #tpu.memory_space<vmem>>, vector<16xi32>,
        tpu.vector_store %arg6[%swap3A_1691, %swap3A_1692], %min3A_1690 {strides = array<i32>} : memref<208x64xi32, #tpu.memory_space<vmem>>, vector<16xi32>,
        %get3A_1694 = arith.index_cast %add3A_1496 : i32 to index
        %get3A_1695 = arith.constant 48 : index
        %get3A_1696 = tpu.vector_load %arg6[%get3A_1694, %get3A_1695] {strides = array<i32>} : memref<208x64xi32, #tpu.memory_space<vmem>>, vector<16xi32>,
        %max3A_1697 = arith.constant 0 : i32
        %max3A_1698 = vector.broadcast %max3A_1697 : i32 to vector<16xi32>
        %max3A_1699 = arith.maxsi %get3A_1696, %max3A_1698 : vector<16xi32>
        %min3A_1700 = arith.constant 1000000 : i32
        %min3A_1701 = vector.broadcast %min3A_1700 : i32 to vector<16xi32>
        %min3A_1702 = arith.minsi %max3A_1699, %min3A_1701 : vector<16xi32>
        %swap3A_1703 = arith.index_cast %add3A_1496 : i32 to index
        %swap3A_1704 = arith.constant 48 : index
        %swap3A_1705 = tpu.vector_load %arg6[%swap3A_1703, %swap3A_1704] {strides = array<i32>} : memref<208x64xi32, #tpu.memory_space<vmem>>, vector<16xi32>,
        tpu.vector_store %arg6[%swap3A_1703, %swap3A_1704], %min3A_1702 {strides = array<i32>} : memref<208x64xi32, #tpu.memory_space<vmem>>, vector<16xi32>,
        %dma_start3A_1706 = arith.constant 4 : i32
        %dma_start3A_1707 = arith.constant 4 : i32
        %dma_start3A_1708 = arith.constant 0 : i32
        %dma_start3A_1709 = tpu.memref_slice %arg8[%dma_start3A_1706, %dma_start3A_1708] : memref<8x64xi32, #tpu.memory_space<vmem>> -> memref<1x64xi32, #tpu.memory_space<vmem>>
        %dma_start3A_1710 = tpu.memref_squeeze %dma_start3A_1709 : memref<1x64xi32, #tpu.memory_space<vmem>> -> memref<64xi32, #tpu.memory_space<vmem>>
        %dma_start3A_1711 = arith.constant 0 : i32
        %dma_start3A_1712 = tpu.memref_slice %arg6[%add3A_1496, %dma_start3A_1711] : memref<208x64xi32, #tpu.memory_space<vmem>> -> memref<1x64xi32, #tpu.memory_space<vmem>>
        %dma_start3A_1713 = tpu.memref_squeeze %dma_start3A_1712 : memref<1x64xi32, #tpu.memory_space<vmem>> -> memref<64xi32, #tpu.memory_space<vmem>>
        %dma_start3A_1714 = arith.constant 0 : i32
        %dma_start3A_1715 = tpu.memref_slice %arg7[%dma_start3A_1714] : memref<1000001xi32, #tpu.memory_space<vmem_shared>> -> memref<1000001xi32, #tpu.memory_space<vmem_shared>>
        %dma_start3A_1716 = tpu.memref_slice %arg10[%dma_start3A_1707] : memref<8x!tpu.dma_semaphore, #tpu.memory_space<semaphore_mem>> -> memref<1x!tpu.dma_semaphore, #tpu.memory_space<semaphore_mem>>
        %dma_start3A_1717 = tpu.memref_squeeze %dma_start3A_1716 : memref<1x!tpu.dma_semaphore, #tpu.memory_space<semaphore_mem>> -> memref<!tpu.dma_semaphore, #tpu.memory_space<semaphore_mem>>
        tpu.enqueue_indirect_dma source(%dma_start3A_1715 : memref<1000001xi32, #tpu.memory_space<vmem_shared>>) target(%dma_start3A_1710 : memref<64xi32, #tpu.memory_space<vmem>>) offsets(%dma_start3A_1713 : memref<64xi32, #tpu.memory_space<vmem>>) semaphore(%dma_start3A_1717 : memref<!tpu.dma_semaphore, #tpu.memory_space<semaphore_mem>>)
      } else {
      }
      %add3A_1502 = arith.constant 5 : i32
      %add3A_1503 = arith.addi %mul3A_1242, %add3A_1502 : i32
      %dma_wait3A_1504 = arith.constant 5 : i32
      %dma_wait3A_1505 = arith.constant 5 : i32
      %dma_wait3A_1506 = arith.constant 5 : i32
      %dma_wait3A_1507 = arith.constant 0 : i32
      %dma_wait3A_1508 = arith.constant 0 : i32
      %dma_wait3A_1509 = tpu.memref_slice %arg9[%dma_wait3A_1505, %dma_wait3A_1507, %dma_wait3A_1508] : memref<8x64x64xf32, #tpu.memory_space<vmem>> -> memref<1x64x64xf32, #tpu.memory_space<vmem>>
      %dma_wait3A_1510 = tpu.memref_squeeze %dma_wait3A_1509 : memref<1x64x64xf32, #tpu.memory_space<vmem>> -> memref<64x64xf32, #tpu.memory_space<vmem>>
      %dma_wait3A_1511 = arith.constant 0 : i32
      %dma_wait3A_1512 = tpu.memref_slice %arg8[%dma_wait3A_1504, %dma_wait3A_1511] : memref<8x64xi32, #tpu.memory_space<vmem>> -> memref<1x64xi32, #tpu.memory_space<vmem>>
      %dma_wait3A_1513 = tpu.memref_squeeze %dma_wait3A_1512 : memref<1x64xi32, #tpu.memory_space<vmem>> -> memref<64xi32, #tpu.memory_space<vmem>>
      %dma_wait3A_1514 = arith.constant 0 : i32
      %dma_wait3A_1515 = arith.constant 0 : i32
      %dma_wait3A_1516 = tpu.memref_slice %arg4[%dma_wait3A_1514, %dma_wait3A_1515] : memref<102049x64xf32, #tpu.memory_space<hbm>> -> memref<102049x64xf32, #tpu.memory_space<hbm>>
      %dma_wait3A_1517 = tpu.memref_slice %arg11[%dma_wait3A_1506] : memref<8x!tpu.dma_semaphore, #tpu.memory_space<semaphore_mem>> -> memref<1x!tpu.dma_semaphore, #tpu.memory_space<semaphore_mem>>
      %dma_wait3A_1518 = tpu.memref_squeeze %dma_wait3A_1517 : memref<1x!tpu.dma_semaphore, #tpu.memory_space<semaphore_mem>> -> memref<!tpu.dma_semaphore, #tpu.memory_space<semaphore_mem>>
      tpu.wait_indirect_dma semaphore(%dma_wait3A_1518 : memref<!tpu.dma_semaphore, #tpu.memory_space<semaphore_mem>>) src(%dma_wait3A_1516 : memref<102049x64xf32, #tpu.memory_space<hbm>>) dst(%dma_wait3A_1510 : memref<64x64xf32, #tpu.memory_space<vmem>>)
      %mul3A_1519 = arith.constant 208 : i32
      %mul3A_1520 = arith.muli %add3A, %mul3A_1519 : i32
      %add3A_1521 = arith.addi %mul3A_1520, %add3A_1503 : i32
      %mul3A_1522 = arith.constant 64 : i32
      %mul3A_1523 = arith.muli %add3A_1521, %mul3A_1522 : i32
      %dma_start3A_1524 = arith.constant 5 : i32
      %dma_start3A_1525 = arith.constant 5 : i32
      %dma_start3A_1526 = arith.constant 0 : i32
      %dma_start3A_1527 = arith.constant 0 : i32
      %dma_start3A_1528 = tpu.memref_slice %arg9[%dma_start3A_1524, %dma_start3A_1526, %dma_start3A_1527] : memref<8x64x64xf32, #tpu.memory_space<vmem>> -> memref<1x64x64xf32, #tpu.memory_space<vmem>>
      %dma_start3A_1529 = tpu.memref_squeeze %dma_start3A_1528 : memref<1x64x64xf32, #tpu.memory_space<vmem>> -> memref<64x64xf32, #tpu.memory_space<vmem>>
      %dma_start3A_1530 = arith.constant 0 : i32
      %dma_start3A_1531 = tpu.memref_slice %arg5[%mul3A_1523, %dma_start3A_1530] : memref<425984x64xf32, #tpu.memory_space<hbm>> -> memref<64x64xf32, #tpu.memory_space<hbm>>
      %dma_start3A_1532 = tpu.memref_slice %arg12[%dma_start3A_1525] : memref<8x!tpu.dma_semaphore, #tpu.memory_space<semaphore_mem>> -> memref<1x!tpu.dma_semaphore, #tpu.memory_space<semaphore_mem>>
      %dma_start3A_1533 = tpu.memref_squeeze %dma_start3A_1532 : memref<1x!tpu.dma_semaphore, #tpu.memory_space<semaphore_mem>> -> memref<!tpu.dma_semaphore, #tpu.memory_space<semaphore_mem>>
      %dma_start3A_1534 = arith.constant 0 : i32
      %dma_start3A_1535 = tpu.memref_slice %arg5[%mul3A_1523, %dma_start3A_1534] : memref<425984x64xf32, #tpu.memory_space<hbm>> -> memref<64x64xf32, #tpu.memory_space<hbm>>
      %dma_start3A_1536 = arith.constant 0 : i32
      %dma_start3A_1537 = arith.constant 0 : i32
      %dma_start3A_1538 = tpu.memref_slice %arg9[%dma_start3A_1524, %dma_start3A_1536, %dma_start3A_1537] : memref<8x64x64xf32, #tpu.memory_space<vmem>> -> memref<1x64x64xf32, #tpu.memory_space<vmem>>
      %dma_start3A_1539 = tpu.memref_squeeze %dma_start3A_1538 : memref<1x64x64xf32, #tpu.memory_space<vmem>> -> memref<64x64xf32, #tpu.memory_space<vmem>>
      tpu.enqueue_dma source(%dma_start3A_1539 : memref<64x64xf32, #tpu.memory_space<vmem>>) target(%dma_start3A_1535 : memref<64x64xf32, #tpu.memory_space<hbm>>) target_semaphore(%dma_start3A_1533 : memref<!tpu.dma_semaphore, #tpu.memory_space<semaphore_mem>>)
      %add3A_1540 = arith.constant 4 : i32
      %add3A_1541 = arith.addi %add3A_1503, %add3A_1540 : i32
      %lt3A_1542 = arith.constant 208 : i32
      %lt3A_1543 = arith.cmpi slt, %add3A_1541, %lt3A_1542 : i32
      %convert_element_type3A_1544 = arith.extui %lt3A_1543 : i1 to i32
      %cond3A_1545 = arith.constant 0 : i32
      %cond3A_1546 = arith.cmpi ne, %convert_element_type3A_1544, %cond3A_1545 : i32
      scf.if %cond3A_1546 {
        %dma_wait3A_1658 = arith.constant 1 : i32
        %dma_wait3A_1659 = arith.constant 1 : i32
        %dma_wait3A_1660 = arith.constant 0 : i32
        %dma_wait3A_1661 = tpu.memref_slice %arg8[%dma_wait3A_1658, %dma_wait3A_1660] : memref<8x64xi32, #tpu.memory_space<vmem>> -> memref<1x64xi32, #tpu.memory_space<vmem>>
        %dma_wait3A_1662 = tpu.memref_squeeze %dma_wait3A_1661 : memref<1x64xi32, #tpu.memory_space<vmem>> -> memref<64xi32, #tpu.memory_space<vmem>>
        %dma_wait3A_1663 = arith.constant 0 : i32
        %dma_wait3A_1664 = tpu.memref_slice %arg6[%add3A_1541, %dma_wait3A_1663] : memref<208x64xi32, #tpu.memory_space<vmem>> -> memref<1x64xi32, #tpu.memory_space<vmem>>
        %dma_wait3A_1665 = tpu.memref_squeeze %dma_wait3A_1664 : memref<1x64xi32, #tpu.memory_space<vmem>> -> memref<64xi32, #tpu.memory_space<vmem>>
        %dma_wait3A_1666 = arith.constant 0 : i32
        %dma_wait3A_1667 = tpu.memref_slice %arg7[%dma_wait3A_1666] : memref<1000001xi32, #tpu.memory_space<vmem_shared>> -> memref<1000001xi32, #tpu.memory_space<vmem_shared>>
        %dma_wait3A_1668 = tpu.memref_slice %arg10[%dma_wait3A_1659] : memref<8x!tpu.dma_semaphore, #tpu.memory_space<semaphore_mem>> -> memref<1x!tpu.dma_semaphore, #tpu.memory_space<semaphore_mem>>
        %dma_wait3A_1669 = tpu.memref_squeeze %dma_wait3A_1668 : memref<1x!tpu.dma_semaphore, #tpu.memory_space<semaphore_mem>> -> memref<!tpu.dma_semaphore, #tpu.memory_space<semaphore_mem>>
        tpu.wait_indirect_dma semaphore(%dma_wait3A_1669 : memref<!tpu.dma_semaphore, #tpu.memory_space<semaphore_mem>>) src(%dma_wait3A_1667 : memref<1000001xi32, #tpu.memory_space<vmem_shared>>) dst(%dma_wait3A_1662 : memref<64xi32, #tpu.memory_space<vmem>>)
        %get3A_1670 = arith.constant 1 : i32
        %get3A_1671 = arith.index_cast %get3A_1670 : i32 to index
        %get3A_1672 = arith.constant 0 : index
        %get3A_1673 = tpu.vector_load %arg8[%get3A_1671, %get3A_1672] {strides = array<i32>} : memref<8x64xi32, #tpu.memory_space<vmem>>, vector<16xi32>,
        %mul3A_1674 = arith.constant 64 : i32
        %mul3A_1675 = arith.muli %add3A_1541, %mul3A_1674 : i32
        %add3A_1676 = arith.constant 0 : i32
        %add3A_1677 = arith.addi %mul3A_1675, %add3A_1676 : i32
        %add3A_1678 = vector.broadcast %add3A_1677 : i32 to vector<16xi32>
        %add3A_1679 = arith.addi %add3A_1678, %iota3A : vector<16xi32>
        %mul3A_1680 = arith.constant 997 : i32
        %mul3A_1681 = arith.muli %add3A, %mul3A_1680 : i32
        %add3A_1682 = vector.broadcast %mul3A_1681 : i32 to vector<16xi32>
        %add3A_1683 = arith.addi %add3A_1679, %add3A_1682 : vector<16xi32>
        %and3A_1684 = arith.constant 2047 : i32
        %and3A_1685 = vector.broadcast %and3A_1684 : i32 to vector<16xi32>
        %and3A_1686 = arith.andi %add3A_1683, %and3A_1685 : vector<16xi32>
        %eq3A_1687 = arith.constant 100000 : i32
        %eq3A_1688 = vector.broadcast %eq3A_1687 : i32 to vector<16xi32>
        %eq3A_1689 = arith.cmpi eq, %get3A_1673, %eq3A_1688 : vector<16xi32>
        %add3A_1690 = arith.constant 100001 : i32
        %add3A_1691 = vector.broadcast %add3A_1690 : i32 to vector<16xi32>
        %add3A_1692 = arith.addi %add3A_1691, %and3A_1686 : vector<16xi32>
        %select_n3A_1693 = arith.select %eq3A_1689, %add3A_1692, %get3A_1673 : vector<16xi1>, vector<16xi32>
        %swap3A_1694 = arith.constant 1 : i32
        %swap3A_1695 = arith.index_cast %swap3A_1694 : i32 to index
        %swap3A_1696 = arith.constant 0 : index
        %swap3A_1697 = tpu.vector_load %arg8[%swap3A_1695, %swap3A_1696] {strides = array<i32>} : memref<8x64xi32, #tpu.memory_space<vmem>>, vector<16xi32>,
        tpu.vector_store %arg8[%swap3A_1695, %swap3A_1696], %select_n3A_1693 {strides = array<i32>} : memref<8x64xi32, #tpu.memory_space<vmem>>, vector<16xi32>,
        %get3A_1698 = arith.constant 1 : i32
        %get3A_1699 = arith.index_cast %get3A_1698 : i32 to index
        %get3A_1700 = arith.constant 16 : index
        %get3A_1701 = tpu.vector_load %arg8[%get3A_1699, %get3A_1700] {strides = array<i32>} : memref<8x64xi32, #tpu.memory_space<vmem>>, vector<16xi32>,
        %mul3A_1702 = arith.constant 64 : i32
        %mul3A_1703 = arith.muli %add3A_1541, %mul3A_1702 : i32
        %add3A_1704 = arith.constant 16 : i32
        %add3A_1705 = arith.addi %mul3A_1703, %add3A_1704 : i32
        %add3A_1706 = vector.broadcast %add3A_1705 : i32 to vector<16xi32>
        %add3A_1707 = arith.addi %add3A_1706, %iota3A : vector<16xi32>
        %mul3A_1708 = arith.constant 997 : i32
        %mul3A_1709 = arith.muli %add3A, %mul3A_1708 : i32
        %add3A_1710 = vector.broadcast %mul3A_1709 : i32 to vector<16xi32>
        %add3A_1711 = arith.addi %add3A_1707, %add3A_1710 : vector<16xi32>
        %and3A_1712 = arith.constant 2047 : i32
        %and3A_1713 = vector.broadcast %and3A_1712 : i32 to vector<16xi32>
        %and3A_1714 = arith.andi %add3A_1711, %and3A_1713 : vector<16xi32>
        %eq3A_1715 = arith.constant 100000 : i32
        %eq3A_1716 = vector.broadcast %eq3A_1715 : i32 to vector<16xi32>
        %eq3A_1717 = arith.cmpi eq, %get3A_1701, %eq3A_1716 : vector<16xi32>
        %add3A_1718 = arith.constant 100001 : i32
        %add3A_1719 = vector.broadcast %add3A_1718 : i32 to vector<16xi32>
        %add3A_1720 = arith.addi %add3A_1719, %and3A_1714 : vector<16xi32>
        %select_n3A_1721 = arith.select %eq3A_1717, %add3A_1720, %get3A_1701 : vector<16xi1>, vector<16xi32>
        %swap3A_1722 = arith.constant 1 : i32
        %swap3A_1723 = arith.index_cast %swap3A_1722 : i32 to index
        %swap3A_1724 = arith.constant 16 : index
        %swap3A_1725 = tpu.vector_load %arg8[%swap3A_1723, %swap3A_1724] {strides = array<i32>} : memref<8x64xi32, #tpu.memory_space<vmem>>, vector<16xi32>,
        tpu.vector_store %arg8[%swap3A_1723, %swap3A_1724], %select_n3A_1721 {strides = array<i32>} : memref<8x64xi32, #tpu.memory_space<vmem>>, vector<16xi32>,
        %get3A_1726 = arith.constant 1 : i32
        %get3A_1727 = arith.index_cast %get3A_1726 : i32 to index
        %get3A_1728 = arith.constant 32 : index
        %get3A_1729 = tpu.vector_load %arg8[%get3A_1727, %get3A_1728] {strides = array<i32>} : memref<8x64xi32, #tpu.memory_space<vmem>>, vector<16xi32>,
        %mul3A_1730 = arith.constant 64 : i32
        %mul3A_1731 = arith.muli %add3A_1541, %mul3A_1730 : i32
        %add3A_1732 = arith.constant 32 : i32
        %add3A_1733 = arith.addi %mul3A_1731, %add3A_1732 : i32
        %add3A_1734 = vector.broadcast %add3A_1733 : i32 to vector<16xi32>
        %add3A_1735 = arith.addi %add3A_1734, %iota3A : vector<16xi32>
        %mul3A_1736 = arith.constant 997 : i32
        %mul3A_1737 = arith.muli %add3A, %mul3A_1736 : i32
        %add3A_1738 = vector.broadcast %mul3A_1737 : i32 to vector<16xi32>
        %add3A_1739 = arith.addi %add3A_1735, %add3A_1738 : vector<16xi32>
        %and3A_1740 = arith.constant 2047 : i32
        %and3A_1741 = vector.broadcast %and3A_1740 : i32 to vector<16xi32>
        %and3A_1742 = arith.andi %add3A_1739, %and3A_1741 : vector<16xi32>
        %eq3A_1743 = arith.constant 100000 : i32
        %eq3A_1744 = vector.broadcast %eq3A_1743 : i32 to vector<16xi32>
        %eq3A_1745 = arith.cmpi eq, %get3A_1729, %eq3A_1744 : vector<16xi32>
        %add3A_1746 = arith.constant 100001 : i32
        %add3A_1747 = vector.broadcast %add3A_1746 : i32 to vector<16xi32>
        %add3A_1748 = arith.addi %add3A_1747, %and3A_1742 : vector<16xi32>
        %select_n3A_1749 = arith.select %eq3A_1745, %add3A_1748, %get3A_1729 : vector<16xi1>, vector<16xi32>
        %swap3A_1750 = arith.constant 1 : i32
        %swap3A_1751 = arith.index_cast %swap3A_1750 : i32 to index
        %swap3A_1752 = arith.constant 32 : index
        %swap3A_1753 = tpu.vector_load %arg8[%swap3A_1751, %swap3A_1752] {strides = array<i32>} : memref<8x64xi32, #tpu.memory_space<vmem>>, vector<16xi32>,
        tpu.vector_store %arg8[%swap3A_1751, %swap3A_1752], %select_n3A_1749 {strides = array<i32>} : memref<8x64xi32, #tpu.memory_space<vmem>>, vector<16xi32>,
        %get3A_1754 = arith.constant 1 : i32
        %get3A_1755 = arith.index_cast %get3A_1754 : i32 to index
        %get3A_1756 = arith.constant 48 : index
        %get3A_1757 = tpu.vector_load %arg8[%get3A_1755, %get3A_1756] {strides = array<i32>} : memref<8x64xi32, #tpu.memory_space<vmem>>, vector<16xi32>,
        %mul3A_1758 = arith.constant 64 : i32
        %mul3A_1759 = arith.muli %add3A_1541, %mul3A_1758 : i32
        %add3A_1760 = arith.constant 48 : i32
        %add3A_1761 = arith.addi %mul3A_1759, %add3A_1760 : i32
        %add3A_1762 = vector.broadcast %add3A_1761 : i32 to vector<16xi32>
        %add3A_1763 = arith.addi %add3A_1762, %iota3A : vector<16xi32>
        %mul3A_1764 = arith.constant 997 : i32
        %mul3A_1765 = arith.muli %add3A, %mul3A_1764 : i32
        %add3A_1766 = vector.broadcast %mul3A_1765 : i32 to vector<16xi32>
        %add3A_1767 = arith.addi %add3A_1763, %add3A_1766 : vector<16xi32>
        %and3A_1768 = arith.constant 2047 : i32
        %and3A_1769 = vector.broadcast %and3A_1768 : i32 to vector<16xi32>
        %and3A_1770 = arith.andi %add3A_1767, %and3A_1769 : vector<16xi32>
        %eq3A_1771 = arith.constant 100000 : i32
        %eq3A_1772 = vector.broadcast %eq3A_1771 : i32 to vector<16xi32>
        %eq3A_1773 = arith.cmpi eq, %get3A_1757, %eq3A_1772 : vector<16xi32>
        %add3A_1774 = arith.constant 100001 : i32
        %add3A_1775 = vector.broadcast %add3A_1774 : i32 to vector<16xi32>
        %add3A_1776 = arith.addi %add3A_1775, %and3A_1770 : vector<16xi32>
        %select_n3A_1777 = arith.select %eq3A_1773, %add3A_1776, %get3A_1757 : vector<16xi1>, vector<16xi32>
        %swap3A_1778 = arith.constant 1 : i32
        %swap3A_1779 = arith.index_cast %swap3A_1778 : i32 to index
        %swap3A_1780 = arith.constant 48 : index
        %swap3A_1781 = tpu.vector_load %arg8[%swap3A_1779, %swap3A_1780] {strides = array<i32>} : memref<8x64xi32, #tpu.memory_space<vmem>>, vector<16xi32>,
        tpu.vector_store %arg8[%swap3A_1779, %swap3A_1780], %select_n3A_1777 {strides = array<i32>} : memref<8x64xi32, #tpu.memory_space<vmem>>, vector<16xi32>,
        %ge3A = arith.constant 4 : i32
        %ge3A_1782 = arith.cmpi sge, %add3A_1503, %ge3A : i32
        %convert_element_type3A_1783 = arith.extui %ge3A_1782 : i1 to i32
        %cond3A_1784 = arith.constant 0 : i32
        %cond3A_1785 = arith.cmpi ne, %convert_element_type3A_1783, %cond3A_1784 : i32
        scf.if %cond3A_1785 {
          %sub3A = arith.constant 4 : i32
          %sub3A_1801 = arith.subi %add3A_1503, %sub3A : i32
          %mul3A_1802 = arith.constant 208 : i32
          %mul3A_1803 = arith.muli %add3A, %mul3A_1802 : i32
          %add3A_1804 = arith.addi %mul3A_1803, %sub3A_1801 : i32
          %mul3A_1805 = arith.constant 64 : i32
          %mul3A_1806 = arith.muli %add3A_1804, %mul3A_1805 : i32
          %dma_wait3A_1807 = arith.constant 1 : i32
          %dma_wait3A_1808 = arith.constant 1 : i32
          %dma_wait3A_1809 = arith.constant 0 : i32
          %dma_wait3A_1810 = arith.constant 0 : i32
          %dma_wait3A_1811 = tpu.memref_slice %arg9[%dma_wait3A_1807, %dma_wait3A_1809, %dma_wait3A_1810] : memref<8x64x64xf32, #tpu.memory_space<vmem>> -> memref<1x64x64xf32, #tpu.memory_space<vmem>>
          %dma_wait3A_1812 = tpu.memref_squeeze %dma_wait3A_1811 : memref<1x64x64xf32, #tpu.memory_space<vmem>> -> memref<64x64xf32, #tpu.memory_space<vmem>>
          %dma_wait3A_1813 = arith.constant 0 : i32
          %dma_wait3A_1814 = tpu.memref_slice %arg5[%mul3A_1806, %dma_wait3A_1813] : memref<425984x64xf32, #tpu.memory_space<hbm>> -> memref<64x64xf32, #tpu.memory_space<hbm>>
          %dma_wait3A_1815 = tpu.memref_slice %arg12[%dma_wait3A_1808] : memref<8x!tpu.dma_semaphore, #tpu.memory_space<semaphore_mem>> -> memref<1x!tpu.dma_semaphore, #tpu.memory_space<semaphore_mem>>
          %dma_wait3A_1816 = tpu.memref_squeeze %dma_wait3A_1815 : memref<1x!tpu.dma_semaphore, #tpu.memory_space<semaphore_mem>> -> memref<!tpu.dma_semaphore, #tpu.memory_space<semaphore_mem>>
          %dma_wait3A_1817 = arith.constant 0 : i32
          %dma_wait3A_1818 = tpu.memref_slice %arg5[%mul3A_1806, %dma_wait3A_1817] : memref<425984x64xf32, #tpu.memory_space<hbm>> -> memref<64x64xf32, #tpu.memory_space<hbm>>
          %dma_wait3A_1819 = arith.constant 0 : i32
          %dma_wait3A_1820 = arith.constant 0 : i32
          %dma_wait3A_1821 = tpu.memref_slice %arg9[%dma_wait3A_1807, %dma_wait3A_1819, %dma_wait3A_1820] : memref<8x64x64xf32, #tpu.memory_space<vmem>> -> memref<1x64x64xf32, #tpu.memory_space<vmem>>
          %dma_wait3A_1822 = tpu.memref_squeeze %dma_wait3A_1821 : memref<1x64x64xf32, #tpu.memory_space<vmem>> -> memref<64x64xf32, #tpu.memory_space<vmem>>
          tpu.wait_dma2 semaphore(%dma_wait3A_1816 : memref<!tpu.dma_semaphore, #tpu.memory_space<semaphore_mem>>) src(%dma_wait3A_1822 : memref<64x64xf32, #tpu.memory_space<vmem>>) dst(%dma_wait3A_1818 : memref<64x64xf32, #tpu.memory_space<hbm>>)
        } else {
        }
        %dma_start3A_1786 = arith.constant 1 : i32
        %dma_start3A_1787 = arith.constant 1 : i32
        %dma_start3A_1788 = arith.constant 1 : i32
        %dma_start3A_1789 = arith.constant 0 : i32
        %dma_start3A_1790 = arith.constant 0 : i32
        %dma_start3A_1791 = tpu.memref_slice %arg9[%dma_start3A_1787, %dma_start3A_1789, %dma_start3A_1790] : memref<8x64x64xf32, #tpu.memory_space<vmem>> -> memref<1x64x64xf32, #tpu.memory_space<vmem>>
        %dma_start3A_1792 = tpu.memref_squeeze %dma_start3A_1791 : memref<1x64x64xf32, #tpu.memory_space<vmem>> -> memref<64x64xf32, #tpu.memory_space<vmem>>
        %dma_start3A_1793 = arith.constant 0 : i32
        %dma_start3A_1794 = tpu.memref_slice %arg8[%dma_start3A_1786, %dma_start3A_1793] : memref<8x64xi32, #tpu.memory_space<vmem>> -> memref<1x64xi32, #tpu.memory_space<vmem>>
        %dma_start3A_1795 = tpu.memref_squeeze %dma_start3A_1794 : memref<1x64xi32, #tpu.memory_space<vmem>> -> memref<64xi32, #tpu.memory_space<vmem>>
        %dma_start3A_1796 = arith.constant 0 : i32
        %dma_start3A_1797 = arith.constant 0 : i32
        %dma_start3A_1798 = tpu.memref_slice %arg4[%dma_start3A_1796, %dma_start3A_1797] : memref<102049x64xf32, #tpu.memory_space<hbm>> -> memref<102049x64xf32, #tpu.memory_space<hbm>>
        %dma_start3A_1799 = tpu.memref_slice %arg11[%dma_start3A_1788] : memref<8x!tpu.dma_semaphore, #tpu.memory_space<semaphore_mem>> -> memref<1x!tpu.dma_semaphore, #tpu.memory_space<semaphore_mem>>
        %dma_start3A_1800 = tpu.memref_squeeze %dma_start3A_1799 : memref<1x!tpu.dma_semaphore, #tpu.memory_space<semaphore_mem>> -> memref<!tpu.dma_semaphore, #tpu.memory_space<semaphore_mem>>
        tpu.enqueue_indirect_dma source(%dma_start3A_1798 : memref<102049x64xf32, #tpu.memory_space<hbm>>) target(%dma_start3A_1792 : memref<64x64xf32, #tpu.memory_space<vmem>>) offsets(%dma_start3A_1795 : memref<64xi32, #tpu.memory_space<vmem>>) semaphore(%dma_start3A_1800 : memref<!tpu.dma_semaphore, #tpu.memory_space<semaphore_mem>>)
      } else {
      }
      %add3A_1547 = arith.constant 8 : i32
      %add3A_1548 = arith.addi %add3A_1503, %add3A_1547 : i32
      %lt3A_1549 = arith.constant 208 : i32
      %lt3A_1550 = arith.cmpi slt, %add3A_1548, %lt3A_1549 : i32
      %convert_element_type3A_1551 = arith.extui %lt3A_1550 : i1 to i32
      %cond3A_1552 = arith.constant 0 : i32
      %cond3A_1553 = arith.cmpi ne, %convert_element_type3A_1551, %cond3A_1552 : i32
      scf.if %cond3A_1553 {
        %get3A_1658 = arith.index_cast %add3A_1548 : i32 to index
        %get3A_1659 = arith.constant 0 : index
        %get3A_1660 = tpu.vector_load %arg6[%get3A_1658, %get3A_1659] {strides = array<i32>} : memref<208x64xi32, #tpu.memory_space<vmem>>, vector<16xi32>,
        %max3A_1661 = arith.constant 0 : i32
        %max3A_1662 = vector.broadcast %max3A_1661 : i32 to vector<16xi32>
        %max3A_1663 = arith.maxsi %get3A_1660, %max3A_1662 : vector<16xi32>
        %min3A_1664 = arith.constant 1000000 : i32
        %min3A_1665 = vector.broadcast %min3A_1664 : i32 to vector<16xi32>
        %min3A_1666 = arith.minsi %max3A_1663, %min3A_1665 : vector<16xi32>
        %swap3A_1667 = arith.index_cast %add3A_1548 : i32 to index
        %swap3A_1668 = arith.constant 0 : index
        %swap3A_1669 = tpu.vector_load %arg6[%swap3A_1667, %swap3A_1668] {strides = array<i32>} : memref<208x64xi32, #tpu.memory_space<vmem>>, vector<16xi32>,
        tpu.vector_store %arg6[%swap3A_1667, %swap3A_1668], %min3A_1666 {strides = array<i32>} : memref<208x64xi32, #tpu.memory_space<vmem>>, vector<16xi32>,
        %get3A_1670 = arith.index_cast %add3A_1548 : i32 to index
        %get3A_1671 = arith.constant 16 : index
        %get3A_1672 = tpu.vector_load %arg6[%get3A_1670, %get3A_1671] {strides = array<i32>} : memref<208x64xi32, #tpu.memory_space<vmem>>, vector<16xi32>,
        %max3A_1673 = arith.constant 0 : i32
        %max3A_1674 = vector.broadcast %max3A_1673 : i32 to vector<16xi32>
        %max3A_1675 = arith.maxsi %get3A_1672, %max3A_1674 : vector<16xi32>
        %min3A_1676 = arith.constant 1000000 : i32
        %min3A_1677 = vector.broadcast %min3A_1676 : i32 to vector<16xi32>
        %min3A_1678 = arith.minsi %max3A_1675, %min3A_1677 : vector<16xi32>
        %swap3A_1679 = arith.index_cast %add3A_1548 : i32 to index
        %swap3A_1680 = arith.constant 16 : index
        %swap3A_1681 = tpu.vector_load %arg6[%swap3A_1679, %swap3A_1680] {strides = array<i32>} : memref<208x64xi32, #tpu.memory_space<vmem>>, vector<16xi32>,
        tpu.vector_store %arg6[%swap3A_1679, %swap3A_1680], %min3A_1678 {strides = array<i32>} : memref<208x64xi32, #tpu.memory_space<vmem>>, vector<16xi32>,
        %get3A_1682 = arith.index_cast %add3A_1548 : i32 to index
        %get3A_1683 = arith.constant 32 : index
        %get3A_1684 = tpu.vector_load %arg6[%get3A_1682, %get3A_1683] {strides = array<i32>} : memref<208x64xi32, #tpu.memory_space<vmem>>, vector<16xi32>,
        %max3A_1685 = arith.constant 0 : i32
        %max3A_1686 = vector.broadcast %max3A_1685 : i32 to vector<16xi32>
        %max3A_1687 = arith.maxsi %get3A_1684, %max3A_1686 : vector<16xi32>
        %min3A_1688 = arith.constant 1000000 : i32
        %min3A_1689 = vector.broadcast %min3A_1688 : i32 to vector<16xi32>
        %min3A_1690 = arith.minsi %max3A_1687, %min3A_1689 : vector<16xi32>
        %swap3A_1691 = arith.index_cast %add3A_1548 : i32 to index
        %swap3A_1692 = arith.constant 32 : index
        %swap3A_1693 = tpu.vector_load %arg6[%swap3A_1691, %swap3A_1692] {strides = array<i32>} : memref<208x64xi32, #tpu.memory_space<vmem>>, vector<16xi32>,
        tpu.vector_store %arg6[%swap3A_1691, %swap3A_1692], %min3A_1690 {strides = array<i32>} : memref<208x64xi32, #tpu.memory_space<vmem>>, vector<16xi32>,
        %get3A_1694 = arith.index_cast %add3A_1548 : i32 to index
        %get3A_1695 = arith.constant 48 : index
        %get3A_1696 = tpu.vector_load %arg6[%get3A_1694, %get3A_1695] {strides = array<i32>} : memref<208x64xi32, #tpu.memory_space<vmem>>, vector<16xi32>,
        %max3A_1697 = arith.constant 0 : i32
        %max3A_1698 = vector.broadcast %max3A_1697 : i32 to vector<16xi32>
        %max3A_1699 = arith.maxsi %get3A_1696, %max3A_1698 : vector<16xi32>
        %min3A_1700 = arith.constant 1000000 : i32
        %min3A_1701 = vector.broadcast %min3A_1700 : i32 to vector<16xi32>
        %min3A_1702 = arith.minsi %max3A_1699, %min3A_1701 : vector<16xi32>
        %swap3A_1703 = arith.index_cast %add3A_1548 : i32 to index
        %swap3A_1704 = arith.constant 48 : index
        %swap3A_1705 = tpu.vector_load %arg6[%swap3A_1703, %swap3A_1704] {strides = array<i32>} : memref<208x64xi32, #tpu.memory_space<vmem>>, vector<16xi32>,
        tpu.vector_store %arg6[%swap3A_1703, %swap3A_1704], %min3A_1702 {strides = array<i32>} : memref<208x64xi32, #tpu.memory_space<vmem>>, vector<16xi32>,
        %dma_start3A_1706 = arith.constant 5 : i32
        %dma_start3A_1707 = arith.constant 5 : i32
        %dma_start3A_1708 = arith.constant 0 : i32
        %dma_start3A_1709 = tpu.memref_slice %arg8[%dma_start3A_1706, %dma_start3A_1708] : memref<8x64xi32, #tpu.memory_space<vmem>> -> memref<1x64xi32, #tpu.memory_space<vmem>>
        %dma_start3A_1710 = tpu.memref_squeeze %dma_start3A_1709 : memref<1x64xi32, #tpu.memory_space<vmem>> -> memref<64xi32, #tpu.memory_space<vmem>>
        %dma_start3A_1711 = arith.constant 0 : i32
        %dma_start3A_1712 = tpu.memref_slice %arg6[%add3A_1548, %dma_start3A_1711] : memref<208x64xi32, #tpu.memory_space<vmem>> -> memref<1x64xi32, #tpu.memory_space<vmem>>
        %dma_start3A_1713 = tpu.memref_squeeze %dma_start3A_1712 : memref<1x64xi32, #tpu.memory_space<vmem>> -> memref<64xi32, #tpu.memory_space<vmem>>
        %dma_start3A_1714 = arith.constant 0 : i32
        %dma_start3A_1715 = tpu.memref_slice %arg7[%dma_start3A_1714] : memref<1000001xi32, #tpu.memory_space<vmem_shared>> -> memref<1000001xi32, #tpu.memory_space<vmem_shared>>
        %dma_start3A_1716 = tpu.memref_slice %arg10[%dma_start3A_1707] : memref<8x!tpu.dma_semaphore, #tpu.memory_space<semaphore_mem>> -> memref<1x!tpu.dma_semaphore, #tpu.memory_space<semaphore_mem>>
        %dma_start3A_1717 = tpu.memref_squeeze %dma_start3A_1716 : memref<1x!tpu.dma_semaphore, #tpu.memory_space<semaphore_mem>> -> memref<!tpu.dma_semaphore, #tpu.memory_space<semaphore_mem>>
        tpu.enqueue_indirect_dma source(%dma_start3A_1715 : memref<1000001xi32, #tpu.memory_space<vmem_shared>>) target(%dma_start3A_1710 : memref<64xi32, #tpu.memory_space<vmem>>) offsets(%dma_start3A_1713 : memref<64xi32, #tpu.memory_space<vmem>>) semaphore(%dma_start3A_1717 : memref<!tpu.dma_semaphore, #tpu.memory_space<semaphore_mem>>)
      } else {
      }
      %add3A_1554 = arith.constant 6 : i32
      %add3A_1555 = arith.addi %mul3A_1242, %add3A_1554 : i32
      %dma_wait3A_1556 = arith.constant 6 : i32
      %dma_wait3A_1557 = arith.constant 6 : i32
      %dma_wait3A_1558 = arith.constant 6 : i32
      %dma_wait3A_1559 = arith.constant 0 : i32
      %dma_wait3A_1560 = arith.constant 0 : i32
      %dma_wait3A_1561 = tpu.memref_slice %arg9[%dma_wait3A_1557, %dma_wait3A_1559, %dma_wait3A_1560] : memref<8x64x64xf32, #tpu.memory_space<vmem>> -> memref<1x64x64xf32, #tpu.memory_space<vmem>>
      %dma_wait3A_1562 = tpu.memref_squeeze %dma_wait3A_1561 : memref<1x64x64xf32, #tpu.memory_space<vmem>> -> memref<64x64xf32, #tpu.memory_space<vmem>>
      %dma_wait3A_1563 = arith.constant 0 : i32
      %dma_wait3A_1564 = tpu.memref_slice %arg8[%dma_wait3A_1556, %dma_wait3A_1563] : memref<8x64xi32, #tpu.memory_space<vmem>> -> memref<1x64xi32, #tpu.memory_space<vmem>>
      %dma_wait3A_1565 = tpu.memref_squeeze %dma_wait3A_1564 : memref<1x64xi32, #tpu.memory_space<vmem>> -> memref<64xi32, #tpu.memory_space<vmem>>
      %dma_wait3A_1566 = arith.constant 0 : i32
      %dma_wait3A_1567 = arith.constant 0 : i32
      %dma_wait3A_1568 = tpu.memref_slice %arg4[%dma_wait3A_1566, %dma_wait3A_1567] : memref<102049x64xf32, #tpu.memory_space<hbm>> -> memref<102049x64xf32, #tpu.memory_space<hbm>>
      %dma_wait3A_1569 = tpu.memref_slice %arg11[%dma_wait3A_1558] : memref<8x!tpu.dma_semaphore, #tpu.memory_space<semaphore_mem>> -> memref<1x!tpu.dma_semaphore, #tpu.memory_space<semaphore_mem>>
      %dma_wait3A_1570 = tpu.memref_squeeze %dma_wait3A_1569 : memref<1x!tpu.dma_semaphore, #tpu.memory_space<semaphore_mem>> -> memref<!tpu.dma_semaphore, #tpu.memory_space<semaphore_mem>>
      tpu.wait_indirect_dma semaphore(%dma_wait3A_1570 : memref<!tpu.dma_semaphore, #tpu.memory_space<semaphore_mem>>) src(%dma_wait3A_1568 : memref<102049x64xf32, #tpu.memory_space<hbm>>) dst(%dma_wait3A_1562 : memref<64x64xf32, #tpu.memory_space<vmem>>)
      %mul3A_1571 = arith.constant 208 : i32
      %mul3A_1572 = arith.muli %add3A, %mul3A_1571 : i32
      %add3A_1573 = arith.addi %mul3A_1572, %add3A_1555 : i32
      %mul3A_1574 = arith.constant 64 : i32
      %mul3A_1575 = arith.muli %add3A_1573, %mul3A_1574 : i32
      %dma_start3A_1576 = arith.constant 6 : i32
      %dma_start3A_1577 = arith.constant 6 : i32
      %dma_start3A_1578 = arith.constant 0 : i32
      %dma_start3A_1579 = arith.constant 0 : i32
      %dma_start3A_1580 = tpu.memref_slice %arg9[%dma_start3A_1576, %dma_start3A_1578, %dma_start3A_1579] : memref<8x64x64xf32, #tpu.memory_space<vmem>> -> memref<1x64x64xf32, #tpu.memory_space<vmem>>
      %dma_start3A_1581 = tpu.memref_squeeze %dma_start3A_1580 : memref<1x64x64xf32, #tpu.memory_space<vmem>> -> memref<64x64xf32, #tpu.memory_space<vmem>>
      %dma_start3A_1582 = arith.constant 0 : i32
      %dma_start3A_1583 = tpu.memref_slice %arg5[%mul3A_1575, %dma_start3A_1582] : memref<425984x64xf32, #tpu.memory_space<hbm>> -> memref<64x64xf32, #tpu.memory_space<hbm>>
      %dma_start3A_1584 = tpu.memref_slice %arg12[%dma_start3A_1577] : memref<8x!tpu.dma_semaphore, #tpu.memory_space<semaphore_mem>> -> memref<1x!tpu.dma_semaphore, #tpu.memory_space<semaphore_mem>>
      %dma_start3A_1585 = tpu.memref_squeeze %dma_start3A_1584 : memref<1x!tpu.dma_semaphore, #tpu.memory_space<semaphore_mem>> -> memref<!tpu.dma_semaphore, #tpu.memory_space<semaphore_mem>>
      %dma_start3A_1586 = arith.constant 0 : i32
      %dma_start3A_1587 = tpu.memref_slice %arg5[%mul3A_1575, %dma_start3A_1586] : memref<425984x64xf32, #tpu.memory_space<hbm>> -> memref<64x64xf32, #tpu.memory_space<hbm>>
      %dma_start3A_1588 = arith.constant 0 : i32
      %dma_start3A_1589 = arith.constant 0 : i32
      %dma_start3A_1590 = tpu.memref_slice %arg9[%dma_start3A_1576, %dma_start3A_1588, %dma_start3A_1589] : memref<8x64x64xf32, #tpu.memory_space<vmem>> -> memref<1x64x64xf32, #tpu.memory_space<vmem>>
      %dma_start3A_1591 = tpu.memref_squeeze %dma_start3A_1590 : memref<1x64x64xf32, #tpu.memory_space<vmem>> -> memref<64x64xf32, #tpu.memory_space<vmem>>
      tpu.enqueue_dma source(%dma_start3A_1591 : memref<64x64xf32, #tpu.memory_space<vmem>>) target(%dma_start3A_1587 : memref<64x64xf32, #tpu.memory_space<hbm>>) target_semaphore(%dma_start3A_1585 : memref<!tpu.dma_semaphore, #tpu.memory_space<semaphore_mem>>)
      %add3A_1592 = arith.constant 4 : i32
      %add3A_1593 = arith.addi %add3A_1555, %add3A_1592 : i32
      %lt3A_1594 = arith.constant 208 : i32
      %lt3A_1595 = arith.cmpi slt, %add3A_1593, %lt3A_1594 : i32
      %convert_element_type3A_1596 = arith.extui %lt3A_1595 : i1 to i32
      %cond3A_1597 = arith.constant 0 : i32
      %cond3A_1598 = arith.cmpi ne, %convert_element_type3A_1596, %cond3A_1597 : i32
      scf.if %cond3A_1598 {
        %dma_wait3A_1658 = arith.constant 2 : i32
        %dma_wait3A_1659 = arith.constant 2 : i32
        %dma_wait3A_1660 = arith.constant 0 : i32
        %dma_wait3A_1661 = tpu.memref_slice %arg8[%dma_wait3A_1658, %dma_wait3A_1660] : memref<8x64xi32, #tpu.memory_space<vmem>> -> memref<1x64xi32, #tpu.memory_space<vmem>>
        %dma_wait3A_1662 = tpu.memref_squeeze %dma_wait3A_1661 : memref<1x64xi32, #tpu.memory_space<vmem>> -> memref<64xi32, #tpu.memory_space<vmem>>
        %dma_wait3A_1663 = arith.constant 0 : i32
        %dma_wait3A_1664 = tpu.memref_slice %arg6[%add3A_1593, %dma_wait3A_1663] : memref<208x64xi32, #tpu.memory_space<vmem>> -> memref<1x64xi32, #tpu.memory_space<vmem>>
        %dma_wait3A_1665 = tpu.memref_squeeze %dma_wait3A_1664 : memref<1x64xi32, #tpu.memory_space<vmem>> -> memref<64xi32, #tpu.memory_space<vmem>>
        %dma_wait3A_1666 = arith.constant 0 : i32
        %dma_wait3A_1667 = tpu.memref_slice %arg7[%dma_wait3A_1666] : memref<1000001xi32, #tpu.memory_space<vmem_shared>> -> memref<1000001xi32, #tpu.memory_space<vmem_shared>>
        %dma_wait3A_1668 = tpu.memref_slice %arg10[%dma_wait3A_1659] : memref<8x!tpu.dma_semaphore, #tpu.memory_space<semaphore_mem>> -> memref<1x!tpu.dma_semaphore, #tpu.memory_space<semaphore_mem>>
        %dma_wait3A_1669 = tpu.memref_squeeze %dma_wait3A_1668 : memref<1x!tpu.dma_semaphore, #tpu.memory_space<semaphore_mem>> -> memref<!tpu.dma_semaphore, #tpu.memory_space<semaphore_mem>>
        tpu.wait_indirect_dma semaphore(%dma_wait3A_1669 : memref<!tpu.dma_semaphore, #tpu.memory_space<semaphore_mem>>) src(%dma_wait3A_1667 : memref<1000001xi32, #tpu.memory_space<vmem_shared>>) dst(%dma_wait3A_1662 : memref<64xi32, #tpu.memory_space<vmem>>)
        %get3A_1670 = arith.constant 2 : i32
        %get3A_1671 = arith.index_cast %get3A_1670 : i32 to index
        %get3A_1672 = arith.constant 0 : index
        %get3A_1673 = tpu.vector_load %arg8[%get3A_1671, %get3A_1672] {strides = array<i32>} : memref<8x64xi32, #tpu.memory_space<vmem>>, vector<16xi32>,
        %mul3A_1674 = arith.constant 64 : i32
        %mul3A_1675 = arith.muli %add3A_1593, %mul3A_1674 : i32
        %add3A_1676 = arith.constant 0 : i32
        %add3A_1677 = arith.addi %mul3A_1675, %add3A_1676 : i32
        %add3A_1678 = vector.broadcast %add3A_1677 : i32 to vector<16xi32>
        %add3A_1679 = arith.addi %add3A_1678, %iota3A : vector<16xi32>
        %mul3A_1680 = arith.constant 997 : i32
        %mul3A_1681 = arith.muli %add3A, %mul3A_1680 : i32
        %add3A_1682 = vector.broadcast %mul3A_1681 : i32 to vector<16xi32>
        %add3A_1683 = arith.addi %add3A_1679, %add3A_1682 : vector<16xi32>
        %and3A_1684 = arith.constant 2047 : i32
        %and3A_1685 = vector.broadcast %and3A_1684 : i32 to vector<16xi32>
        %and3A_1686 = arith.andi %add3A_1683, %and3A_1685 : vector<16xi32>
        %eq3A_1687 = arith.constant 100000 : i32
        %eq3A_1688 = vector.broadcast %eq3A_1687 : i32 to vector<16xi32>
        %eq3A_1689 = arith.cmpi eq, %get3A_1673, %eq3A_1688 : vector<16xi32>
        %add3A_1690 = arith.constant 100001 : i32
        %add3A_1691 = vector.broadcast %add3A_1690 : i32 to vector<16xi32>
        %add3A_1692 = arith.addi %add3A_1691, %and3A_1686 : vector<16xi32>
        %select_n3A_1693 = arith.select %eq3A_1689, %add3A_1692, %get3A_1673 : vector<16xi1>, vector<16xi32>
        %swap3A_1694 = arith.constant 2 : i32
        %swap3A_1695 = arith.index_cast %swap3A_1694 : i32 to index
        %swap3A_1696 = arith.constant 0 : index
        %swap3A_1697 = tpu.vector_load %arg8[%swap3A_1695, %swap3A_1696] {strides = array<i32>} : memref<8x64xi32, #tpu.memory_space<vmem>>, vector<16xi32>,
        tpu.vector_store %arg8[%swap3A_1695, %swap3A_1696], %select_n3A_1693 {strides = array<i32>} : memref<8x64xi32, #tpu.memory_space<vmem>>, vector<16xi32>,
        %get3A_1698 = arith.constant 2 : i32
        %get3A_1699 = arith.index_cast %get3A_1698 : i32 to index
        %get3A_1700 = arith.constant 16 : index
        %get3A_1701 = tpu.vector_load %arg8[%get3A_1699, %get3A_1700] {strides = array<i32>} : memref<8x64xi32, #tpu.memory_space<vmem>>, vector<16xi32>,
        %mul3A_1702 = arith.constant 64 : i32
        %mul3A_1703 = arith.muli %add3A_1593, %mul3A_1702 : i32
        %add3A_1704 = arith.constant 16 : i32
        %add3A_1705 = arith.addi %mul3A_1703, %add3A_1704 : i32
        %add3A_1706 = vector.broadcast %add3A_1705 : i32 to vector<16xi32>
        %add3A_1707 = arith.addi %add3A_1706, %iota3A : vector<16xi32>
        %mul3A_1708 = arith.constant 997 : i32
        %mul3A_1709 = arith.muli %add3A, %mul3A_1708 : i32
        %add3A_1710 = vector.broadcast %mul3A_1709 : i32 to vector<16xi32>
        %add3A_1711 = arith.addi %add3A_1707, %add3A_1710 : vector<16xi32>
        %and3A_1712 = arith.constant 2047 : i32
        %and3A_1713 = vector.broadcast %and3A_1712 : i32 to vector<16xi32>
        %and3A_1714 = arith.andi %add3A_1711, %and3A_1713 : vector<16xi32>
        %eq3A_1715 = arith.constant 100000 : i32
        %eq3A_1716 = vector.broadcast %eq3A_1715 : i32 to vector<16xi32>
        %eq3A_1717 = arith.cmpi eq, %get3A_1701, %eq3A_1716 : vector<16xi32>
        %add3A_1718 = arith.constant 100001 : i32
        %add3A_1719 = vector.broadcast %add3A_1718 : i32 to vector<16xi32>
        %add3A_1720 = arith.addi %add3A_1719, %and3A_1714 : vector<16xi32>
        %select_n3A_1721 = arith.select %eq3A_1717, %add3A_1720, %get3A_1701 : vector<16xi1>, vector<16xi32>
        %swap3A_1722 = arith.constant 2 : i32
        %swap3A_1723 = arith.index_cast %swap3A_1722 : i32 to index
        %swap3A_1724 = arith.constant 16 : index
        %swap3A_1725 = tpu.vector_load %arg8[%swap3A_1723, %swap3A_1724] {strides = array<i32>} : memref<8x64xi32, #tpu.memory_space<vmem>>, vector<16xi32>,
        tpu.vector_store %arg8[%swap3A_1723, %swap3A_1724], %select_n3A_1721 {strides = array<i32>} : memref<8x64xi32, #tpu.memory_space<vmem>>, vector<16xi32>,
        %get3A_1726 = arith.constant 2 : i32
        %get3A_1727 = arith.index_cast %get3A_1726 : i32 to index
        %get3A_1728 = arith.constant 32 : index
        %get3A_1729 = tpu.vector_load %arg8[%get3A_1727, %get3A_1728] {strides = array<i32>} : memref<8x64xi32, #tpu.memory_space<vmem>>, vector<16xi32>,
        %mul3A_1730 = arith.constant 64 : i32
        %mul3A_1731 = arith.muli %add3A_1593, %mul3A_1730 : i32
        %add3A_1732 = arith.constant 32 : i32
        %add3A_1733 = arith.addi %mul3A_1731, %add3A_1732 : i32
        %add3A_1734 = vector.broadcast %add3A_1733 : i32 to vector<16xi32>
        %add3A_1735 = arith.addi %add3A_1734, %iota3A : vector<16xi32>
        %mul3A_1736 = arith.constant 997 : i32
        %mul3A_1737 = arith.muli %add3A, %mul3A_1736 : i32
        %add3A_1738 = vector.broadcast %mul3A_1737 : i32 to vector<16xi32>
        %add3A_1739 = arith.addi %add3A_1735, %add3A_1738 : vector<16xi32>
        %and3A_1740 = arith.constant 2047 : i32
        %and3A_1741 = vector.broadcast %and3A_1740 : i32 to vector<16xi32>
        %and3A_1742 = arith.andi %add3A_1739, %and3A_1741 : vector<16xi32>
        %eq3A_1743 = arith.constant 100000 : i32
        %eq3A_1744 = vector.broadcast %eq3A_1743 : i32 to vector<16xi32>
        %eq3A_1745 = arith.cmpi eq, %get3A_1729, %eq3A_1744 : vector<16xi32>
        %add3A_1746 = arith.constant 100001 : i32
        %add3A_1747 = vector.broadcast %add3A_1746 : i32 to vector<16xi32>
        %add3A_1748 = arith.addi %add3A_1747, %and3A_1742 : vector<16xi32>
        %select_n3A_1749 = arith.select %eq3A_1745, %add3A_1748, %get3A_1729 : vector<16xi1>, vector<16xi32>
        %swap3A_1750 = arith.constant 2 : i32
        %swap3A_1751 = arith.index_cast %swap3A_1750 : i32 to index
        %swap3A_1752 = arith.constant 32 : index
        %swap3A_1753 = tpu.vector_load %arg8[%swap3A_1751, %swap3A_1752] {strides = array<i32>} : memref<8x64xi32, #tpu.memory_space<vmem>>, vector<16xi32>,
        tpu.vector_store %arg8[%swap3A_1751, %swap3A_1752], %select_n3A_1749 {strides = array<i32>} : memref<8x64xi32, #tpu.memory_space<vmem>>, vector<16xi32>,
        %get3A_1754 = arith.constant 2 : i32
        %get3A_1755 = arith.index_cast %get3A_1754 : i32 to index
        %get3A_1756 = arith.constant 48 : index
        %get3A_1757 = tpu.vector_load %arg8[%get3A_1755, %get3A_1756] {strides = array<i32>} : memref<8x64xi32, #tpu.memory_space<vmem>>, vector<16xi32>,
        %mul3A_1758 = arith.constant 64 : i32
        %mul3A_1759 = arith.muli %add3A_1593, %mul3A_1758 : i32
        %add3A_1760 = arith.constant 48 : i32
        %add3A_1761 = arith.addi %mul3A_1759, %add3A_1760 : i32
        %add3A_1762 = vector.broadcast %add3A_1761 : i32 to vector<16xi32>
        %add3A_1763 = arith.addi %add3A_1762, %iota3A : vector<16xi32>
        %mul3A_1764 = arith.constant 997 : i32
        %mul3A_1765 = arith.muli %add3A, %mul3A_1764 : i32
        %add3A_1766 = vector.broadcast %mul3A_1765 : i32 to vector<16xi32>
        %add3A_1767 = arith.addi %add3A_1763, %add3A_1766 : vector<16xi32>
        %and3A_1768 = arith.constant 2047 : i32
        %and3A_1769 = vector.broadcast %and3A_1768 : i32 to vector<16xi32>
        %and3A_1770 = arith.andi %add3A_1767, %and3A_1769 : vector<16xi32>
        %eq3A_1771 = arith.constant 100000 : i32
        %eq3A_1772 = vector.broadcast %eq3A_1771 : i32 to vector<16xi32>
        %eq3A_1773 = arith.cmpi eq, %get3A_1757, %eq3A_1772 : vector<16xi32>
        %add3A_1774 = arith.constant 100001 : i32
        %add3A_1775 = vector.broadcast %add3A_1774 : i32 to vector<16xi32>
        %add3A_1776 = arith.addi %add3A_1775, %and3A_1770 : vector<16xi32>
        %select_n3A_1777 = arith.select %eq3A_1773, %add3A_1776, %get3A_1757 : vector<16xi1>, vector<16xi32>
        %swap3A_1778 = arith.constant 2 : i32
        %swap3A_1779 = arith.index_cast %swap3A_1778 : i32 to index
        %swap3A_1780 = arith.constant 48 : index
        %swap3A_1781 = tpu.vector_load %arg8[%swap3A_1779, %swap3A_1780] {strides = array<i32>} : memref<8x64xi32, #tpu.memory_space<vmem>>, vector<16xi32>,
        tpu.vector_store %arg8[%swap3A_1779, %swap3A_1780], %select_n3A_1777 {strides = array<i32>} : memref<8x64xi32, #tpu.memory_space<vmem>>, vector<16xi32>,
        %ge3A = arith.constant 4 : i32
        %ge3A_1782 = arith.cmpi sge, %add3A_1555, %ge3A : i32
        %convert_element_type3A_1783 = arith.extui %ge3A_1782 : i1 to i32
        %cond3A_1784 = arith.constant 0 : i32
        %cond3A_1785 = arith.cmpi ne, %convert_element_type3A_1783, %cond3A_1784 : i32
        scf.if %cond3A_1785 {
          %sub3A = arith.constant 4 : i32
          %sub3A_1801 = arith.subi %add3A_1555, %sub3A : i32
          %mul3A_1802 = arith.constant 208 : i32
          %mul3A_1803 = arith.muli %add3A, %mul3A_1802 : i32
          %add3A_1804 = arith.addi %mul3A_1803, %sub3A_1801 : i32
          %mul3A_1805 = arith.constant 64 : i32
          %mul3A_1806 = arith.muli %add3A_1804, %mul3A_1805 : i32
          %dma_wait3A_1807 = arith.constant 2 : i32
          %dma_wait3A_1808 = arith.constant 2 : i32
          %dma_wait3A_1809 = arith.constant 0 : i32
          %dma_wait3A_1810 = arith.constant 0 : i32
          %dma_wait3A_1811 = tpu.memref_slice %arg9[%dma_wait3A_1807, %dma_wait3A_1809, %dma_wait3A_1810] : memref<8x64x64xf32, #tpu.memory_space<vmem>> -> memref<1x64x64xf32, #tpu.memory_space<vmem>>
          %dma_wait3A_1812 = tpu.memref_squeeze %dma_wait3A_1811 : memref<1x64x64xf32, #tpu.memory_space<vmem>> -> memref<64x64xf32, #tpu.memory_space<vmem>>
          %dma_wait3A_1813 = arith.constant 0 : i32
          %dma_wait3A_1814 = tpu.memref_slice %arg5[%mul3A_1806, %dma_wait3A_1813] : memref<425984x64xf32, #tpu.memory_space<hbm>> -> memref<64x64xf32, #tpu.memory_space<hbm>>
          %dma_wait3A_1815 = tpu.memref_slice %arg12[%dma_wait3A_1808] : memref<8x!tpu.dma_semaphore, #tpu.memory_space<semaphore_mem>> -> memref<1x!tpu.dma_semaphore, #tpu.memory_space<semaphore_mem>>
          %dma_wait3A_1816 = tpu.memref_squeeze %dma_wait3A_1815 : memref<1x!tpu.dma_semaphore, #tpu.memory_space<semaphore_mem>> -> memref<!tpu.dma_semaphore, #tpu.memory_space<semaphore_mem>>
          %dma_wait3A_1817 = arith.constant 0 : i32
          %dma_wait3A_1818 = tpu.memref_slice %arg5[%mul3A_1806, %dma_wait3A_1817] : memref<425984x64xf32, #tpu.memory_space<hbm>> -> memref<64x64xf32, #tpu.memory_space<hbm>>
          %dma_wait3A_1819 = arith.constant 0 : i32
          %dma_wait3A_1820 = arith.constant 0 : i32
          %dma_wait3A_1821 = tpu.memref_slice %arg9[%dma_wait3A_1807, %dma_wait3A_1819, %dma_wait3A_1820] : memref<8x64x64xf32, #tpu.memory_space<vmem>> -> memref<1x64x64xf32, #tpu.memory_space<vmem>>
          %dma_wait3A_1822 = tpu.memref_squeeze %dma_wait3A_1821 : memref<1x64x64xf32, #tpu.memory_space<vmem>> -> memref<64x64xf32, #tpu.memory_space<vmem>>
          tpu.wait_dma2 semaphore(%dma_wait3A_1816 : memref<!tpu.dma_semaphore, #tpu.memory_space<semaphore_mem>>) src(%dma_wait3A_1822 : memref<64x64xf32, #tpu.memory_space<vmem>>) dst(%dma_wait3A_1818 : memref<64x64xf32, #tpu.memory_space<hbm>>)
        } else {
        }
        %dma_start3A_1786 = arith.constant 2 : i32
        %dma_start3A_1787 = arith.constant 2 : i32
        %dma_start3A_1788 = arith.constant 2 : i32
        %dma_start3A_1789 = arith.constant 0 : i32
        %dma_start3A_1790 = arith.constant 0 : i32
        %dma_start3A_1791 = tpu.memref_slice %arg9[%dma_start3A_1787, %dma_start3A_1789, %dma_start3A_1790] : memref<8x64x64xf32, #tpu.memory_space<vmem>> -> memref<1x64x64xf32, #tpu.memory_space<vmem>>
        %dma_start3A_1792 = tpu.memref_squeeze %dma_start3A_1791 : memref<1x64x64xf32, #tpu.memory_space<vmem>> -> memref<64x64xf32, #tpu.memory_space<vmem>>
        %dma_start3A_1793 = arith.constant 0 : i32
        %dma_start3A_1794 = tpu.memref_slice %arg8[%dma_start3A_1786, %dma_start3A_1793] : memref<8x64xi32, #tpu.memory_space<vmem>> -> memref<1x64xi32, #tpu.memory_space<vmem>>
        %dma_start3A_1795 = tpu.memref_squeeze %dma_start3A_1794 : memref<1x64xi32, #tpu.memory_space<vmem>> -> memref<64xi32, #tpu.memory_space<vmem>>
        %dma_start3A_1796 = arith.constant 0 : i32
        %dma_start3A_1797 = arith.constant 0 : i32
        %dma_start3A_1798 = tpu.memref_slice %arg4[%dma_start3A_1796, %dma_start3A_1797] : memref<102049x64xf32, #tpu.memory_space<hbm>> -> memref<102049x64xf32, #tpu.memory_space<hbm>>
        %dma_start3A_1799 = tpu.memref_slice %arg11[%dma_start3A_1788] : memref<8x!tpu.dma_semaphore, #tpu.memory_space<semaphore_mem>> -> memref<1x!tpu.dma_semaphore, #tpu.memory_space<semaphore_mem>>
        %dma_start3A_1800 = tpu.memref_squeeze %dma_start3A_1799 : memref<1x!tpu.dma_semaphore, #tpu.memory_space<semaphore_mem>> -> memref<!tpu.dma_semaphore, #tpu.memory_space<semaphore_mem>>
        tpu.enqueue_indirect_dma source(%dma_start3A_1798 : memref<102049x64xf32, #tpu.memory_space<hbm>>) target(%dma_start3A_1792 : memref<64x64xf32, #tpu.memory_space<vmem>>) offsets(%dma_start3A_1795 : memref<64xi32, #tpu.memory_space<vmem>>) semaphore(%dma_start3A_1800 : memref<!tpu.dma_semaphore, #tpu.memory_space<semaphore_mem>>)
      } else {
      }
      %add3A_1599 = arith.constant 8 : i32
      %add3A_1600 = arith.addi %add3A_1555, %add3A_1599 : i32
      %lt3A_1601 = arith.constant 208 : i32
      %lt3A_1602 = arith.cmpi slt, %add3A_1600, %lt3A_1601 : i32
      %convert_element_type3A_1603 = arith.extui %lt3A_1602 : i1 to i32
      %cond3A_1604 = arith.constant 0 : i32
      %cond3A_1605 = arith.cmpi ne, %convert_element_type3A_1603, %cond3A_1604 : i32
      scf.if %cond3A_1605 {
        %get3A_1658 = arith.index_cast %add3A_1600 : i32 to index
        %get3A_1659 = arith.constant 0 : index
        %get3A_1660 = tpu.vector_load %arg6[%get3A_1658, %get3A_1659] {strides = array<i32>} : memref<208x64xi32, #tpu.memory_space<vmem>>, vector<16xi32>,
        %max3A_1661 = arith.constant 0 : i32
        %max3A_1662 = vector.broadcast %max3A_1661 : i32 to vector<16xi32>
        %max3A_1663 = arith.maxsi %get3A_1660, %max3A_1662 : vector<16xi32>
        %min3A_1664 = arith.constant 1000000 : i32
        %min3A_1665 = vector.broadcast %min3A_1664 : i32 to vector<16xi32>
        %min3A_1666 = arith.minsi %max3A_1663, %min3A_1665 : vector<16xi32>
        %swap3A_1667 = arith.index_cast %add3A_1600 : i32 to index
        %swap3A_1668 = arith.constant 0 : index
        %swap3A_1669 = tpu.vector_load %arg6[%swap3A_1667, %swap3A_1668] {strides = array<i32>} : memref<208x64xi32, #tpu.memory_space<vmem>>, vector<16xi32>,
        tpu.vector_store %arg6[%swap3A_1667, %swap3A_1668], %min3A_1666 {strides = array<i32>} : memref<208x64xi32, #tpu.memory_space<vmem>>, vector<16xi32>,
        %get3A_1670 = arith.index_cast %add3A_1600 : i32 to index
        %get3A_1671 = arith.constant 16 : index
        %get3A_1672 = tpu.vector_load %arg6[%get3A_1670, %get3A_1671] {strides = array<i32>} : memref<208x64xi32, #tpu.memory_space<vmem>>, vector<16xi32>,
        %max3A_1673 = arith.constant 0 : i32
        %max3A_1674 = vector.broadcast %max3A_1673 : i32 to vector<16xi32>
        %max3A_1675 = arith.maxsi %get3A_1672, %max3A_1674 : vector<16xi32>
        %min3A_1676 = arith.constant 1000000 : i32
        %min3A_1677 = vector.broadcast %min3A_1676 : i32 to vector<16xi32>
        %min3A_1678 = arith.minsi %max3A_1675, %min3A_1677 : vector<16xi32>
        %swap3A_1679 = arith.index_cast %add3A_1600 : i32 to index
        %swap3A_1680 = arith.constant 16 : index
        %swap3A_1681 = tpu.vector_load %arg6[%swap3A_1679, %swap3A_1680] {strides = array<i32>} : memref<208x64xi32, #tpu.memory_space<vmem>>, vector<16xi32>,
        tpu.vector_store %arg6[%swap3A_1679, %swap3A_1680], %min3A_1678 {strides = array<i32>} : memref<208x64xi32, #tpu.memory_space<vmem>>, vector<16xi32>,
        %get3A_1682 = arith.index_cast %add3A_1600 : i32 to index
        %get3A_1683 = arith.constant 32 : index
        %get3A_1684 = tpu.vector_load %arg6[%get3A_1682, %get3A_1683] {strides = array<i32>} : memref<208x64xi32, #tpu.memory_space<vmem>>, vector<16xi32>,
        %max3A_1685 = arith.constant 0 : i32
        %max3A_1686 = vector.broadcast %max3A_1685 : i32 to vector<16xi32>
        %max3A_1687 = arith.maxsi %get3A_1684, %max3A_1686 : vector<16xi32>
        %min3A_1688 = arith.constant 1000000 : i32
        %min3A_1689 = vector.broadcast %min3A_1688 : i32 to vector<16xi32>
        %min3A_1690 = arith.minsi %max3A_1687, %min3A_1689 : vector<16xi32>
        %swap3A_1691 = arith.index_cast %add3A_1600 : i32 to index
        %swap3A_1692 = arith.constant 32 : index
        %swap3A_1693 = tpu.vector_load %arg6[%swap3A_1691, %swap3A_1692] {strides = array<i32>} : memref<208x64xi32, #tpu.memory_space<vmem>>, vector<16xi32>,
        tpu.vector_store %arg6[%swap3A_1691, %swap3A_1692], %min3A_1690 {strides = array<i32>} : memref<208x64xi32, #tpu.memory_space<vmem>>, vector<16xi32>,
        %get3A_1694 = arith.index_cast %add3A_1600 : i32 to index
        %get3A_1695 = arith.constant 48 : index
        %get3A_1696 = tpu.vector_load %arg6[%get3A_1694, %get3A_1695] {strides = array<i32>} : memref<208x64xi32, #tpu.memory_space<vmem>>, vector<16xi32>,
        %max3A_1697 = arith.constant 0 : i32
        %max3A_1698 = vector.broadcast %max3A_1697 : i32 to vector<16xi32>
        %max3A_1699 = arith.maxsi %get3A_1696, %max3A_1698 : vector<16xi32>
        %min3A_1700 = arith.constant 1000000 : i32
        %min3A_1701 = vector.broadcast %min3A_1700 : i32 to vector<16xi32>
        %min3A_1702 = arith.minsi %max3A_1699, %min3A_1701 : vector<16xi32>
        %swap3A_1703 = arith.index_cast %add3A_1600 : i32 to index
        %swap3A_1704 = arith.constant 48 : index
        %swap3A_1705 = tpu.vector_load %arg6[%swap3A_1703, %swap3A_1704] {strides = array<i32>} : memref<208x64xi32, #tpu.memory_space<vmem>>, vector<16xi32>,
        tpu.vector_store %arg6[%swap3A_1703, %swap3A_1704], %min3A_1702 {strides = array<i32>} : memref<208x64xi32, #tpu.memory_space<vmem>>, vector<16xi32>,
        %dma_start3A_1706 = arith.constant 6 : i32
        %dma_start3A_1707 = arith.constant 6 : i32
        %dma_start3A_1708 = arith.constant 0 : i32
        %dma_start3A_1709 = tpu.memref_slice %arg8[%dma_start3A_1706, %dma_start3A_1708] : memref<8x64xi32, #tpu.memory_space<vmem>> -> memref<1x64xi32, #tpu.memory_space<vmem>>
        %dma_start3A_1710 = tpu.memref_squeeze %dma_start3A_1709 : memref<1x64xi32, #tpu.memory_space<vmem>> -> memref<64xi32, #tpu.memory_space<vmem>>
        %dma_start3A_1711 = arith.constant 0 : i32
        %dma_start3A_1712 = tpu.memref_slice %arg6[%add3A_1600, %dma_start3A_1711] : memref<208x64xi32, #tpu.memory_space<vmem>> -> memref<1x64xi32, #tpu.memory_space<vmem>>
        %dma_start3A_1713 = tpu.memref_squeeze %dma_start3A_1712 : memref<1x64xi32, #tpu.memory_space<vmem>> -> memref<64xi32, #tpu.memory_space<vmem>>
        %dma_start3A_1714 = arith.constant 0 : i32
        %dma_start3A_1715 = tpu.memref_slice %arg7[%dma_start3A_1714] : memref<1000001xi32, #tpu.memory_space<vmem_shared>> -> memref<1000001xi32, #tpu.memory_space<vmem_shared>>
        %dma_start3A_1716 = tpu.memref_slice %arg10[%dma_start3A_1707] : memref<8x!tpu.dma_semaphore, #tpu.memory_space<semaphore_mem>> -> memref<1x!tpu.dma_semaphore, #tpu.memory_space<semaphore_mem>>
        %dma_start3A_1717 = tpu.memref_squeeze %dma_start3A_1716 : memref<1x!tpu.dma_semaphore, #tpu.memory_space<semaphore_mem>> -> memref<!tpu.dma_semaphore, #tpu.memory_space<semaphore_mem>>
        tpu.enqueue_indirect_dma source(%dma_start3A_1715 : memref<1000001xi32, #tpu.memory_space<vmem_shared>>) target(%dma_start3A_1710 : memref<64xi32, #tpu.memory_space<vmem>>) offsets(%dma_start3A_1713 : memref<64xi32, #tpu.memory_space<vmem>>) semaphore(%dma_start3A_1717 : memref<!tpu.dma_semaphore, #tpu.memory_space<semaphore_mem>>)
      } else {
      }
      %add3A_1606 = arith.constant 7 : i32
      %add3A_1607 = arith.addi %mul3A_1242, %add3A_1606 : i32
      %dma_wait3A_1608 = arith.constant 7 : i32
      %dma_wait3A_1609 = arith.constant 7 : i32
      %dma_wait3A_1610 = arith.constant 7 : i32
      %dma_wait3A_1611 = arith.constant 0 : i32
      %dma_wait3A_1612 = arith.constant 0 : i32
      %dma_wait3A_1613 = tpu.memref_slice %arg9[%dma_wait3A_1609, %dma_wait3A_1611, %dma_wait3A_1612] : memref<8x64x64xf32, #tpu.memory_space<vmem>> -> memref<1x64x64xf32, #tpu.memory_space<vmem>>
      %dma_wait3A_1614 = tpu.memref_squeeze %dma_wait3A_1613 : memref<1x64x64xf32, #tpu.memory_space<vmem>> -> memref<64x64xf32, #tpu.memory_space<vmem>>
      %dma_wait3A_1615 = arith.constant 0 : i32
      %dma_wait3A_1616 = tpu.memref_slice %arg8[%dma_wait3A_1608, %dma_wait3A_1615] : memref<8x64xi32, #tpu.memory_space<vmem>> -> memref<1x64xi32, #tpu.memory_space<vmem>>
      %dma_wait3A_1617 = tpu.memref_squeeze %dma_wait3A_1616 : memref<1x64xi32, #tpu.memory_space<vmem>> -> memref<64xi32, #tpu.memory_space<vmem>>
      %dma_wait3A_1618 = arith.constant 0 : i32
      %dma_wait3A_1619 = arith.constant 0 : i32
      %dma_wait3A_1620 = tpu.memref_slice %arg4[%dma_wait3A_1618, %dma_wait3A_1619] : memref<102049x64xf32, #tpu.memory_space<hbm>> -> memref<102049x64xf32, #tpu.memory_space<hbm>>
      %dma_wait3A_1621 = tpu.memref_slice %arg11[%dma_wait3A_1610] : memref<8x!tpu.dma_semaphore, #tpu.memory_space<semaphore_mem>> -> memref<1x!tpu.dma_semaphore, #tpu.memory_space<semaphore_mem>>
      %dma_wait3A_1622 = tpu.memref_squeeze %dma_wait3A_1621 : memref<1x!tpu.dma_semaphore, #tpu.memory_space<semaphore_mem>> -> memref<!tpu.dma_semaphore, #tpu.memory_space<semaphore_mem>>
      tpu.wait_indirect_dma semaphore(%dma_wait3A_1622 : memref<!tpu.dma_semaphore, #tpu.memory_space<semaphore_mem>>) src(%dma_wait3A_1620 : memref<102049x64xf32, #tpu.memory_space<hbm>>) dst(%dma_wait3A_1614 : memref<64x64xf32, #tpu.memory_space<vmem>>)
      %mul3A_1623 = arith.constant 208 : i32
      %mul3A_1624 = arith.muli %add3A, %mul3A_1623 : i32
      %add3A_1625 = arith.addi %mul3A_1624, %add3A_1607 : i32
      %mul3A_1626 = arith.constant 64 : i32
      %mul3A_1627 = arith.muli %add3A_1625, %mul3A_1626 : i32
      %dma_start3A_1628 = arith.constant 7 : i32
      %dma_start3A_1629 = arith.constant 7 : i32
      %dma_start3A_1630 = arith.constant 0 : i32
      %dma_start3A_1631 = arith.constant 0 : i32
      %dma_start3A_1632 = tpu.memref_slice %arg9[%dma_start3A_1628, %dma_start3A_1630, %dma_start3A_1631] : memref<8x64x64xf32, #tpu.memory_space<vmem>> -> memref<1x64x64xf32, #tpu.memory_space<vmem>>
      %dma_start3A_1633 = tpu.memref_squeeze %dma_start3A_1632 : memref<1x64x64xf32, #tpu.memory_space<vmem>> -> memref<64x64xf32, #tpu.memory_space<vmem>>
      %dma_start3A_1634 = arith.constant 0 : i32
      %dma_start3A_1635 = tpu.memref_slice %arg5[%mul3A_1627, %dma_start3A_1634] : memref<425984x64xf32, #tpu.memory_space<hbm>> -> memref<64x64xf32, #tpu.memory_space<hbm>>
      %dma_start3A_1636 = tpu.memref_slice %arg12[%dma_start3A_1629] : memref<8x!tpu.dma_semaphore, #tpu.memory_space<semaphore_mem>> -> memref<1x!tpu.dma_semaphore, #tpu.memory_space<semaphore_mem>>
      %dma_start3A_1637 = tpu.memref_squeeze %dma_start3A_1636 : memref<1x!tpu.dma_semaphore, #tpu.memory_space<semaphore_mem>> -> memref<!tpu.dma_semaphore, #tpu.memory_space<semaphore_mem>>
      %dma_start3A_1638 = arith.constant 0 : i32
      %dma_start3A_1639 = tpu.memref_slice %arg5[%mul3A_1627, %dma_start3A_1638] : memref<425984x64xf32, #tpu.memory_space<hbm>> -> memref<64x64xf32, #tpu.memory_space<hbm>>
      %dma_start3A_1640 = arith.constant 0 : i32
      %dma_start3A_1641 = arith.constant 0 : i32
      %dma_start3A_1642 = tpu.memref_slice %arg9[%dma_start3A_1628, %dma_start3A_1640, %dma_start3A_1641] : memref<8x64x64xf32, #tpu.memory_space<vmem>> -> memref<1x64x64xf32, #tpu.memory_space<vmem>>
      %dma_start3A_1643 = tpu.memref_squeeze %dma_start3A_1642 : memref<1x64x64xf32, #tpu.memory_space<vmem>> -> memref<64x64xf32, #tpu.memory_space<vmem>>
      tpu.enqueue_dma source(%dma_start3A_1643 : memref<64x64xf32, #tpu.memory_space<vmem>>) target(%dma_start3A_1639 : memref<64x64xf32, #tpu.memory_space<hbm>>) target_semaphore(%dma_start3A_1637 : memref<!tpu.dma_semaphore, #tpu.memory_space<semaphore_mem>>)
      %add3A_1644 = arith.constant 4 : i32
      %add3A_1645 = arith.addi %add3A_1607, %add3A_1644 : i32
      %lt3A_1646 = arith.constant 208 : i32
      %lt3A_1647 = arith.cmpi slt, %add3A_1645, %lt3A_1646 : i32
      %convert_element_type3A_1648 = arith.extui %lt3A_1647 : i1 to i32
      %cond3A_1649 = arith.constant 0 : i32
      %cond3A_1650 = arith.cmpi ne, %convert_element_type3A_1648, %cond3A_1649 : i32
      scf.if %cond3A_1650 {
        %dma_wait3A_1658 = arith.constant 3 : i32
        %dma_wait3A_1659 = arith.constant 3 : i32
        %dma_wait3A_1660 = arith.constant 0 : i32
        %dma_wait3A_1661 = tpu.memref_slice %arg8[%dma_wait3A_1658, %dma_wait3A_1660] : memref<8x64xi32, #tpu.memory_space<vmem>> -> memref<1x64xi32, #tpu.memory_space<vmem>>
        %dma_wait3A_1662 = tpu.memref_squeeze %dma_wait3A_1661 : memref<1x64xi32, #tpu.memory_space<vmem>> -> memref<64xi32, #tpu.memory_space<vmem>>
        %dma_wait3A_1663 = arith.constant 0 : i32
        %dma_wait3A_1664 = tpu.memref_slice %arg6[%add3A_1645, %dma_wait3A_1663] : memref<208x64xi32, #tpu.memory_space<vmem>> -> memref<1x64xi32, #tpu.memory_space<vmem>>
        %dma_wait3A_1665 = tpu.memref_squeeze %dma_wait3A_1664 : memref<1x64xi32, #tpu.memory_space<vmem>> -> memref<64xi32, #tpu.memory_space<vmem>>
        %dma_wait3A_1666 = arith.constant 0 : i32
        %dma_wait3A_1667 = tpu.memref_slice %arg7[%dma_wait3A_1666] : memref<1000001xi32, #tpu.memory_space<vmem_shared>> -> memref<1000001xi32, #tpu.memory_space<vmem_shared>>
        %dma_wait3A_1668 = tpu.memref_slice %arg10[%dma_wait3A_1659] : memref<8x!tpu.dma_semaphore, #tpu.memory_space<semaphore_mem>> -> memref<1x!tpu.dma_semaphore, #tpu.memory_space<semaphore_mem>>
        %dma_wait3A_1669 = tpu.memref_squeeze %dma_wait3A_1668 : memref<1x!tpu.dma_semaphore, #tpu.memory_space<semaphore_mem>> -> memref<!tpu.dma_semaphore, #tpu.memory_space<semaphore_mem>>
        tpu.wait_indirect_dma semaphore(%dma_wait3A_1669 : memref<!tpu.dma_semaphore, #tpu.memory_space<semaphore_mem>>) src(%dma_wait3A_1667 : memref<1000001xi32, #tpu.memory_space<vmem_shared>>) dst(%dma_wait3A_1662 : memref<64xi32, #tpu.memory_space<vmem>>)
        %get3A_1670 = arith.constant 3 : i32
        %get3A_1671 = arith.index_cast %get3A_1670 : i32 to index
        %get3A_1672 = arith.constant 0 : index
        %get3A_1673 = tpu.vector_load %arg8[%get3A_1671, %get3A_1672] {strides = array<i32>} : memref<8x64xi32, #tpu.memory_space<vmem>>, vector<16xi32>,
        %mul3A_1674 = arith.constant 64 : i32
        %mul3A_1675 = arith.muli %add3A_1645, %mul3A_1674 : i32
        %add3A_1676 = arith.constant 0 : i32
        %add3A_1677 = arith.addi %mul3A_1675, %add3A_1676 : i32
        %add3A_1678 = vector.broadcast %add3A_1677 : i32 to vector<16xi32>
        %add3A_1679 = arith.addi %add3A_1678, %iota3A : vector<16xi32>
        %mul3A_1680 = arith.constant 997 : i32
        %mul3A_1681 = arith.muli %add3A, %mul3A_1680 : i32
        %add3A_1682 = vector.broadcast %mul3A_1681 : i32 to vector<16xi32>
        %add3A_1683 = arith.addi %add3A_1679, %add3A_1682 : vector<16xi32>
        %and3A_1684 = arith.constant 2047 : i32
        %and3A_1685 = vector.broadcast %and3A_1684 : i32 to vector<16xi32>
        %and3A_1686 = arith.andi %add3A_1683, %and3A_1685 : vector<16xi32>
        %eq3A_1687 = arith.constant 100000 : i32
        %eq3A_1688 = vector.broadcast %eq3A_1687 : i32 to vector<16xi32>
        %eq3A_1689 = arith.cmpi eq, %get3A_1673, %eq3A_1688 : vector<16xi32>
        %add3A_1690 = arith.constant 100001 : i32
        %add3A_1691 = vector.broadcast %add3A_1690 : i32 to vector<16xi32>
        %add3A_1692 = arith.addi %add3A_1691, %and3A_1686 : vector<16xi32>
        %select_n3A_1693 = arith.select %eq3A_1689, %add3A_1692, %get3A_1673 : vector<16xi1>, vector<16xi32>
        %swap3A_1694 = arith.constant 3 : i32
        %swap3A_1695 = arith.index_cast %swap3A_1694 : i32 to index
        %swap3A_1696 = arith.constant 0 : index
        %swap3A_1697 = tpu.vector_load %arg8[%swap3A_1695, %swap3A_1696] {strides = array<i32>} : memref<8x64xi32, #tpu.memory_space<vmem>>, vector<16xi32>,
        tpu.vector_store %arg8[%swap3A_1695, %swap3A_1696], %select_n3A_1693 {strides = array<i32>} : memref<8x64xi32, #tpu.memory_space<vmem>>, vector<16xi32>,
        %get3A_1698 = arith.constant 3 : i32
        %get3A_1699 = arith.index_cast %get3A_1698 : i32 to index
        %get3A_1700 = arith.constant 16 : index
        %get3A_1701 = tpu.vector_load %arg8[%get3A_1699, %get3A_1700] {strides = array<i32>} : memref<8x64xi32, #tpu.memory_space<vmem>>, vector<16xi32>,
        %mul3A_1702 = arith.constant 64 : i32
        %mul3A_1703 = arith.muli %add3A_1645, %mul3A_1702 : i32
        %add3A_1704 = arith.constant 16 : i32
        %add3A_1705 = arith.addi %mul3A_1703, %add3A_1704 : i32
        %add3A_1706 = vector.broadcast %add3A_1705 : i32 to vector<16xi32>
        %add3A_1707 = arith.addi %add3A_1706, %iota3A : vector<16xi32>
        %mul3A_1708 = arith.constant 997 : i32
        %mul3A_1709 = arith.muli %add3A, %mul3A_1708 : i32
        %add3A_1710 = vector.broadcast %mul3A_1709 : i32 to vector<16xi32>
        %add3A_1711 = arith.addi %add3A_1707, %add3A_1710 : vector<16xi32>
        %and3A_1712 = arith.constant 2047 : i32
        %and3A_1713 = vector.broadcast %and3A_1712 : i32 to vector<16xi32>
        %and3A_1714 = arith.andi %add3A_1711, %and3A_1713 : vector<16xi32>
        %eq3A_1715 = arith.constant 100000 : i32
        %eq3A_1716 = vector.broadcast %eq3A_1715 : i32 to vector<16xi32>
        %eq3A_1717 = arith.cmpi eq, %get3A_1701, %eq3A_1716 : vector<16xi32>
        %add3A_1718 = arith.constant 100001 : i32
        %add3A_1719 = vector.broadcast %add3A_1718 : i32 to vector<16xi32>
        %add3A_1720 = arith.addi %add3A_1719, %and3A_1714 : vector<16xi32>
        %select_n3A_1721 = arith.select %eq3A_1717, %add3A_1720, %get3A_1701 : vector<16xi1>, vector<16xi32>
        %swap3A_1722 = arith.constant 3 : i32
        %swap3A_1723 = arith.index_cast %swap3A_1722 : i32 to index
        %swap3A_1724 = arith.constant 16 : index
        %swap3A_1725 = tpu.vector_load %arg8[%swap3A_1723, %swap3A_1724] {strides = array<i32>} : memref<8x64xi32, #tpu.memory_space<vmem>>, vector<16xi32>,
        tpu.vector_store %arg8[%swap3A_1723, %swap3A_1724], %select_n3A_1721 {strides = array<i32>} : memref<8x64xi32, #tpu.memory_space<vmem>>, vector<16xi32>,
        %get3A_1726 = arith.constant 3 : i32
        %get3A_1727 = arith.index_cast %get3A_1726 : i32 to index
        %get3A_1728 = arith.constant 32 : index
        %get3A_1729 = tpu.vector_load %arg8[%get3A_1727, %get3A_1728] {strides = array<i32>} : memref<8x64xi32, #tpu.memory_space<vmem>>, vector<16xi32>,
        %mul3A_1730 = arith.constant 64 : i32
        %mul3A_1731 = arith.muli %add3A_1645, %mul3A_1730 : i32
        %add3A_1732 = arith.constant 32 : i32
        %add3A_1733 = arith.addi %mul3A_1731, %add3A_1732 : i32
        %add3A_1734 = vector.broadcast %add3A_1733 : i32 to vector<16xi32>
        %add3A_1735 = arith.addi %add3A_1734, %iota3A : vector<16xi32>
        %mul3A_1736 = arith.constant 997 : i32
        %mul3A_1737 = arith.muli %add3A, %mul3A_1736 : i32
        %add3A_1738 = vector.broadcast %mul3A_1737 : i32 to vector<16xi32>
        %add3A_1739 = arith.addi %add3A_1735, %add3A_1738 : vector<16xi32>
        %and3A_1740 = arith.constant 2047 : i32
        %and3A_1741 = vector.broadcast %and3A_1740 : i32 to vector<16xi32>
        %and3A_1742 = arith.andi %add3A_1739, %and3A_1741 : vector<16xi32>
        %eq3A_1743 = arith.constant 100000 : i32
        %eq3A_1744 = vector.broadcast %eq3A_1743 : i32 to vector<16xi32>
        %eq3A_1745 = arith.cmpi eq, %get3A_1729, %eq3A_1744 : vector<16xi32>
        %add3A_1746 = arith.constant 100001 : i32
        %add3A_1747 = vector.broadcast %add3A_1746 : i32 to vector<16xi32>
        %add3A_1748 = arith.addi %add3A_1747, %and3A_1742 : vector<16xi32>
        %select_n3A_1749 = arith.select %eq3A_1745, %add3A_1748, %get3A_1729 : vector<16xi1>, vector<16xi32>
        %swap3A_1750 = arith.constant 3 : i32
        %swap3A_1751 = arith.index_cast %swap3A_1750 : i32 to index
        %swap3A_1752 = arith.constant 32 : index
        %swap3A_1753 = tpu.vector_load %arg8[%swap3A_1751, %swap3A_1752] {strides = array<i32>} : memref<8x64xi32, #tpu.memory_space<vmem>>, vector<16xi32>,
        tpu.vector_store %arg8[%swap3A_1751, %swap3A_1752], %select_n3A_1749 {strides = array<i32>} : memref<8x64xi32, #tpu.memory_space<vmem>>, vector<16xi32>,
        %get3A_1754 = arith.constant 3 : i32
        %get3A_1755 = arith.index_cast %get3A_1754 : i32 to index
        %get3A_1756 = arith.constant 48 : index
        %get3A_1757 = tpu.vector_load %arg8[%get3A_1755, %get3A_1756] {strides = array<i32>} : memref<8x64xi32, #tpu.memory_space<vmem>>, vector<16xi32>,
        %mul3A_1758 = arith.constant 64 : i32
        %mul3A_1759 = arith.muli %add3A_1645, %mul3A_1758 : i32
        %add3A_1760 = arith.constant 48 : i32
        %add3A_1761 = arith.addi %mul3A_1759, %add3A_1760 : i32
        %add3A_1762 = vector.broadcast %add3A_1761 : i32 to vector<16xi32>
        %add3A_1763 = arith.addi %add3A_1762, %iota3A : vector<16xi32>
        %mul3A_1764 = arith.constant 997 : i32
        %mul3A_1765 = arith.muli %add3A, %mul3A_1764 : i32
        %add3A_1766 = vector.broadcast %mul3A_1765 : i32 to vector<16xi32>
        %add3A_1767 = arith.addi %add3A_1763, %add3A_1766 : vector<16xi32>
        %and3A_1768 = arith.constant 2047 : i32
        %and3A_1769 = vector.broadcast %and3A_1768 : i32 to vector<16xi32>
        %and3A_1770 = arith.andi %add3A_1767, %and3A_1769 : vector<16xi32>
        %eq3A_1771 = arith.constant 100000 : i32
        %eq3A_1772 = vector.broadcast %eq3A_1771 : i32 to vector<16xi32>
        %eq3A_1773 = arith.cmpi eq, %get3A_1757, %eq3A_1772 : vector<16xi32>
        %add3A_1774 = arith.constant 100001 : i32
        %add3A_1775 = vector.broadcast %add3A_1774 : i32 to vector<16xi32>
        %add3A_1776 = arith.addi %add3A_1775, %and3A_1770 : vector<16xi32>
        %select_n3A_1777 = arith.select %eq3A_1773, %add3A_1776, %get3A_1757 : vector<16xi1>, vector<16xi32>
        %swap3A_1778 = arith.constant 3 : i32
        %swap3A_1779 = arith.index_cast %swap3A_1778 : i32 to index
        %swap3A_1780 = arith.constant 48 : index
        %swap3A_1781 = tpu.vector_load %arg8[%swap3A_1779, %swap3A_1780] {strides = array<i32>} : memref<8x64xi32, #tpu.memory_space<vmem>>, vector<16xi32>,
        tpu.vector_store %arg8[%swap3A_1779, %swap3A_1780], %select_n3A_1777 {strides = array<i32>} : memref<8x64xi32, #tpu.memory_space<vmem>>, vector<16xi32>,
        %ge3A = arith.constant 4 : i32
        %ge3A_1782 = arith.cmpi sge, %add3A_1607, %ge3A : i32
        %convert_element_type3A_1783 = arith.extui %ge3A_1782 : i1 to i32
        %cond3A_1784 = arith.constant 0 : i32
        %cond3A_1785 = arith.cmpi ne, %convert_element_type3A_1783, %cond3A_1784 : i32
        scf.if %cond3A_1785 {
          %sub3A = arith.constant 4 : i32
          %sub3A_1801 = arith.subi %add3A_1607, %sub3A : i32
          %mul3A_1802 = arith.constant 208 : i32
          %mul3A_1803 = arith.muli %add3A, %mul3A_1802 : i32
          %add3A_1804 = arith.addi %mul3A_1803, %sub3A_1801 : i32
          %mul3A_1805 = arith.constant 64 : i32
          %mul3A_1806 = arith.muli %add3A_1804, %mul3A_1805 : i32
          %dma_wait3A_1807 = arith.constant 3 : i32
          %dma_wait3A_1808 = arith.constant 3 : i32
          %dma_wait3A_1809 = arith.constant 0 : i32
          %dma_wait3A_1810 = arith.constant 0 : i32
          %dma_wait3A_1811 = tpu.memref_slice %arg9[%dma_wait3A_1807, %dma_wait3A_1809, %dma_wait3A_1810] : memref<8x64x64xf32, #tpu.memory_space<vmem>> -> memref<1x64x64xf32, #tpu.memory_space<vmem>>
          %dma_wait3A_1812 = tpu.memref_squeeze %dma_wait3A_1811 : memref<1x64x64xf32, #tpu.memory_space<vmem>> -> memref<64x64xf32, #tpu.memory_space<vmem>>
          %dma_wait3A_1813 = arith.constant 0 : i32
          %dma_wait3A_1814 = tpu.memref_slice %arg5[%mul3A_1806, %dma_wait3A_1813] : memref<425984x64xf32, #tpu.memory_space<hbm>> -> memref<64x64xf32, #tpu.memory_space<hbm>>
          %dma_wait3A_1815 = tpu.memref_slice %arg12[%dma_wait3A_1808] : memref<8x!tpu.dma_semaphore, #tpu.memory_space<semaphore_mem>> -> memref<1x!tpu.dma_semaphore, #tpu.memory_space<semaphore_mem>>
          %dma_wait3A_1816 = tpu.memref_squeeze %dma_wait3A_1815 : memref<1x!tpu.dma_semaphore, #tpu.memory_space<semaphore_mem>> -> memref<!tpu.dma_semaphore, #tpu.memory_space<semaphore_mem>>
          %dma_wait3A_1817 = arith.constant 0 : i32
          %dma_wait3A_1818 = tpu.memref_slice %arg5[%mul3A_1806, %dma_wait3A_1817] : memref<425984x64xf32, #tpu.memory_space<hbm>> -> memref<64x64xf32, #tpu.memory_space<hbm>>
          %dma_wait3A_1819 = arith.constant 0 : i32
          %dma_wait3A_1820 = arith.constant 0 : i32
          %dma_wait3A_1821 = tpu.memref_slice %arg9[%dma_wait3A_1807, %dma_wait3A_1819, %dma_wait3A_1820] : memref<8x64x64xf32, #tpu.memory_space<vmem>> -> memref<1x64x64xf32, #tpu.memory_space<vmem>>
          %dma_wait3A_1822 = tpu.memref_squeeze %dma_wait3A_1821 : memref<1x64x64xf32, #tpu.memory_space<vmem>> -> memref<64x64xf32, #tpu.memory_space<vmem>>
          tpu.wait_dma2 semaphore(%dma_wait3A_1816 : memref<!tpu.dma_semaphore, #tpu.memory_space<semaphore_mem>>) src(%dma_wait3A_1822 : memref<64x64xf32, #tpu.memory_space<vmem>>) dst(%dma_wait3A_1818 : memref<64x64xf32, #tpu.memory_space<hbm>>)
        } else {
        }
        %dma_start3A_1786 = arith.constant 3 : i32
        %dma_start3A_1787 = arith.constant 3 : i32
        %dma_start3A_1788 = arith.constant 3 : i32
        %dma_start3A_1789 = arith.constant 0 : i32
        %dma_start3A_1790 = arith.constant 0 : i32
        %dma_start3A_1791 = tpu.memref_slice %arg9[%dma_start3A_1787, %dma_start3A_1789, %dma_start3A_1790] : memref<8x64x64xf32, #tpu.memory_space<vmem>> -> memref<1x64x64xf32, #tpu.memory_space<vmem>>
        %dma_start3A_1792 = tpu.memref_squeeze %dma_start3A_1791 : memref<1x64x64xf32, #tpu.memory_space<vmem>> -> memref<64x64xf32, #tpu.memory_space<vmem>>
        %dma_start3A_1793 = arith.constant 0 : i32
        %dma_start3A_1794 = tpu.memref_slice %arg8[%dma_start3A_1786, %dma_start3A_1793] : memref<8x64xi32, #tpu.memory_space<vmem>> -> memref<1x64xi32, #tpu.memory_space<vmem>>
        %dma_start3A_1795 = tpu.memref_squeeze %dma_start3A_1794 : memref<1x64xi32, #tpu.memory_space<vmem>> -> memref<64xi32, #tpu.memory_space<vmem>>
        %dma_start3A_1796 = arith.constant 0 : i32
        %dma_start3A_1797 = arith.constant 0 : i32
        %dma_start3A_1798 = tpu.memref_slice %arg4[%dma_start3A_1796, %dma_start3A_1797] : memref<102049x64xf32, #tpu.memory_space<hbm>> -> memref<102049x64xf32, #tpu.memory_space<hbm>>
        %dma_start3A_1799 = tpu.memref_slice %arg11[%dma_start3A_1788] : memref<8x!tpu.dma_semaphore, #tpu.memory_space<semaphore_mem>> -> memref<1x!tpu.dma_semaphore, #tpu.memory_space<semaphore_mem>>
        %dma_start3A_1800 = tpu.memref_squeeze %dma_start3A_1799 : memref<1x!tpu.dma_semaphore, #tpu.memory_space<semaphore_mem>> -> memref<!tpu.dma_semaphore, #tpu.memory_space<semaphore_mem>>
        tpu.enqueue_indirect_dma source(%dma_start3A_1798 : memref<102049x64xf32, #tpu.memory_space<hbm>>) target(%dma_start3A_1792 : memref<64x64xf32, #tpu.memory_space<vmem>>) offsets(%dma_start3A_1795 : memref<64xi32, #tpu.memory_space<vmem>>) semaphore(%dma_start3A_1800 : memref<!tpu.dma_semaphore, #tpu.memory_space<semaphore_mem>>)
      } else {
      }
      %add3A_1651 = arith.constant 8 : i32
      %add3A_1652 = arith.addi %add3A_1607, %add3A_1651 : i32
      %lt3A_1653 = arith.constant 208 : i32
      %lt3A_1654 = arith.cmpi slt, %add3A_1652, %lt3A_1653 : i32
      %convert_element_type3A_1655 = arith.extui %lt3A_1654 : i1 to i32
      %cond3A_1656 = arith.constant 0 : i32
      %cond3A_1657 = arith.cmpi ne, %convert_element_type3A_1655, %cond3A_1656 : i32
      scf.if %cond3A_1657 {
        %get3A_1658 = arith.index_cast %add3A_1652 : i32 to index
        %get3A_1659 = arith.constant 0 : index
        %get3A_1660 = tpu.vector_load %arg6[%get3A_1658, %get3A_1659] {strides = array<i32>} : memref<208x64xi32, #tpu.memory_space<vmem>>, vector<16xi32>,
        %max3A_1661 = arith.constant 0 : i32
        %max3A_1662 = vector.broadcast %max3A_1661 : i32 to vector<16xi32>
        %max3A_1663 = arith.maxsi %get3A_1660, %max3A_1662 : vector<16xi32>
        %min3A_1664 = arith.constant 1000000 : i32
        %min3A_1665 = vector.broadcast %min3A_1664 : i32 to vector<16xi32>
        %min3A_1666 = arith.minsi %max3A_1663, %min3A_1665 : vector<16xi32>
        %swap3A_1667 = arith.index_cast %add3A_1652 : i32 to index
        %swap3A_1668 = arith.constant 0 : index
        %swap3A_1669 = tpu.vector_load %arg6[%swap3A_1667, %swap3A_1668] {strides = array<i32>} : memref<208x64xi32, #tpu.memory_space<vmem>>, vector<16xi32>,
        tpu.vector_store %arg6[%swap3A_1667, %swap3A_1668], %min3A_1666 {strides = array<i32>} : memref<208x64xi32, #tpu.memory_space<vmem>>, vector<16xi32>,
        %get3A_1670 = arith.index_cast %add3A_1652 : i32 to index
        %get3A_1671 = arith.constant 16 : index
        %get3A_1672 = tpu.vector_load %arg6[%get3A_1670, %get3A_1671] {strides = array<i32>} : memref<208x64xi32, #tpu.memory_space<vmem>>, vector<16xi32>,
        %max3A_1673 = arith.constant 0 : i32
        %max3A_1674 = vector.broadcast %max3A_1673 : i32 to vector<16xi32>
        %max3A_1675 = arith.maxsi %get3A_1672, %max3A_1674 : vector<16xi32>
        %min3A_1676 = arith.constant 1000000 : i32
        %min3A_1677 = vector.broadcast %min3A_1676 : i32 to vector<16xi32>
        %min3A_1678 = arith.minsi %max3A_1675, %min3A_1677 : vector<16xi32>
        %swap3A_1679 = arith.index_cast %add3A_1652 : i32 to index
        %swap3A_1680 = arith.constant 16 : index
        %swap3A_1681 = tpu.vector_load %arg6[%swap3A_1679, %swap3A_1680] {strides = array<i32>} : memref<208x64xi32, #tpu.memory_space<vmem>>, vector<16xi32>,
        tpu.vector_store %arg6[%swap3A_1679, %swap3A_1680], %min3A_1678 {strides = array<i32>} : memref<208x64xi32, #tpu.memory_space<vmem>>, vector<16xi32>,
        %get3A_1682 = arith.index_cast %add3A_1652 : i32 to index
        %get3A_1683 = arith.constant 32 : index
        %get3A_1684 = tpu.vector_load %arg6[%get3A_1682, %get3A_1683] {strides = array<i32>} : memref<208x64xi32, #tpu.memory_space<vmem>>, vector<16xi32>,
        %max3A_1685 = arith.constant 0 : i32
        %max3A_1686 = vector.broadcast %max3A_1685 : i32 to vector<16xi32>
        %max3A_1687 = arith.maxsi %get3A_1684, %max3A_1686 : vector<16xi32>
        %min3A_1688 = arith.constant 1000000 : i32
        %min3A_1689 = vector.broadcast %min3A_1688 : i32 to vector<16xi32>
        %min3A_1690 = arith.minsi %max3A_1687, %min3A_1689 : vector<16xi32>
        %swap3A_1691 = arith.index_cast %add3A_1652 : i32 to index
        %swap3A_1692 = arith.constant 32 : index
        %swap3A_1693 = tpu.vector_load %arg6[%swap3A_1691, %swap3A_1692] {strides = array<i32>} : memref<208x64xi32, #tpu.memory_space<vmem>>, vector<16xi32>,
        tpu.vector_store %arg6[%swap3A_1691, %swap3A_1692], %min3A_1690 {strides = array<i32>} : memref<208x64xi32, #tpu.memory_space<vmem>>, vector<16xi32>,
        %get3A_1694 = arith.index_cast %add3A_1652 : i32 to index
        %get3A_1695 = arith.constant 48 : index
        %get3A_1696 = tpu.vector_load %arg6[%get3A_1694, %get3A_1695] {strides = array<i32>} : memref<208x64xi32, #tpu.memory_space<vmem>>, vector<16xi32>,
        %max3A_1697 = arith.constant 0 : i32
        %max3A_1698 = vector.broadcast %max3A_1697 : i32 to vector<16xi32>
        %max3A_1699 = arith.maxsi %get3A_1696, %max3A_1698 : vector<16xi32>
        %min3A_1700 = arith.constant 1000000 : i32
        %min3A_1701 = vector.broadcast %min3A_1700 : i32 to vector<16xi32>
        %min3A_1702 = arith.minsi %max3A_1699, %min3A_1701 : vector<16xi32>
        %swap3A_1703 = arith.index_cast %add3A_1652 : i32 to index
        %swap3A_1704 = arith.constant 48 : index
        %swap3A_1705 = tpu.vector_load %arg6[%swap3A_1703, %swap3A_1704] {strides = array<i32>} : memref<208x64xi32, #tpu.memory_space<vmem>>, vector<16xi32>,
        tpu.vector_store %arg6[%swap3A_1703, %swap3A_1704], %min3A_1702 {strides = array<i32>} : memref<208x64xi32, #tpu.memory_space<vmem>>, vector<16xi32>,
        %dma_start3A_1706 = arith.constant 7 : i32
        %dma_start3A_1707 = arith.constant 7 : i32
        %dma_start3A_1708 = arith.constant 0 : i32
        %dma_start3A_1709 = tpu.memref_slice %arg8[%dma_start3A_1706, %dma_start3A_1708] : memref<8x64xi32, #tpu.memory_space<vmem>> -> memref<1x64xi32, #tpu.memory_space<vmem>>
        %dma_start3A_1710 = tpu.memref_squeeze %dma_start3A_1709 : memref<1x64xi32, #tpu.memory_space<vmem>> -> memref<64xi32, #tpu.memory_space<vmem>>
        %dma_start3A_1711 = arith.constant 0 : i32
        %dma_start3A_1712 = tpu.memref_slice %arg6[%add3A_1652, %dma_start3A_1711] : memref<208x64xi32, #tpu.memory_space<vmem>> -> memref<1x64xi32, #tpu.memory_space<vmem>>
        %dma_start3A_1713 = tpu.memref_squeeze %dma_start3A_1712 : memref<1x64xi32, #tpu.memory_space<vmem>> -> memref<64xi32, #tpu.memory_space<vmem>>
        %dma_start3A_1714 = arith.constant 0 : i32
        %dma_start3A_1715 = tpu.memref_slice %arg7[%dma_start3A_1714] : memref<1000001xi32, #tpu.memory_space<vmem_shared>> -> memref<1000001xi32, #tpu.memory_space<vmem_shared>>
        %dma_start3A_1716 = tpu.memref_slice %arg10[%dma_start3A_1707] : memref<8x!tpu.dma_semaphore, #tpu.memory_space<semaphore_mem>> -> memref<1x!tpu.dma_semaphore, #tpu.memory_space<semaphore_mem>>
        %dma_start3A_1717 = tpu.memref_squeeze %dma_start3A_1716 : memref<1x!tpu.dma_semaphore, #tpu.memory_space<semaphore_mem>> -> memref<!tpu.dma_semaphore, #tpu.memory_space<semaphore_mem>>
        tpu.enqueue_indirect_dma source(%dma_start3A_1715 : memref<1000001xi32, #tpu.memory_space<vmem_shared>>) target(%dma_start3A_1710 : memref<64xi32, #tpu.memory_space<vmem>>) offsets(%dma_start3A_1713 : memref<64xi32, #tpu.memory_space<vmem>>) semaphore(%dma_start3A_1717 : memref<!tpu.dma_semaphore, #tpu.memory_space<semaphore_mem>>)
      } else {
      }
    }
    %scan3A_1063 = arith.constant 26 : i32
    %mul3A_1064 = arith.constant 208 : i32
    %mul3A_1065 = arith.muli %add3A, %mul3A_1064 : i32
    %add3A_1066 = arith.constant 200 : i32
    %add3A_1067 = arith.addi %mul3A_1065, %add3A_1066 : i32
    %mul3A_1068 = arith.constant 64 : i32
    %mul3A_1069 = arith.muli %add3A_1067, %mul3A_1068 : i32
    %dma_wait3A_1070 = arith.constant 0 : i32
    %dma_wait3A_1071 = arith.constant 0 : i32
    %dma_wait3A_1072 = arith.constant 0 : i32
    %dma_wait3A_1073 = arith.constant 0 : i32
    %dma_wait3A_1074 = tpu.memref_slice %arg9[%dma_wait3A_1070, %dma_wait3A_1072, %dma_wait3A_1073] : memref<8x64x64xf32, #tpu.memory_space<vmem>> -> memref<1x64x64xf32, #tpu.memory_space<vmem>>
    %dma_wait3A_1075 = tpu.memref_squeeze %dma_wait3A_1074 : memref<1x64x64xf32, #tpu.memory_space<vmem>> -> memref<64x64xf32, #tpu.memory_space<vmem>>
    %dma_wait3A_1076 = arith.constant 0 : i32
    %dma_wait3A_1077 = tpu.memref_slice %arg5[%mul3A_1069, %dma_wait3A_1076] : memref<425984x64xf32, #tpu.memory_space<hbm>> -> memref<64x64xf32, #tpu.memory_space<hbm>>
    %dma_wait3A_1078 = tpu.memref_slice %arg12[%dma_wait3A_1071] : memref<8x!tpu.dma_semaphore, #tpu.memory_space<semaphore_mem>> -> memref<1x!tpu.dma_semaphore, #tpu.memory_space<semaphore_mem>>
    %dma_wait3A_1079 = tpu.memref_squeeze %dma_wait3A_1078 : memref<1x!tpu.dma_semaphore, #tpu.memory_space<semaphore_mem>> -> memref<!tpu.dma_semaphore, #tpu.memory_space<semaphore_mem>>
    %dma_wait3A_1080 = arith.constant 0 : i32
    %dma_wait3A_1081 = tpu.memref_slice %arg5[%mul3A_1069, %dma_wait3A_1080] : memref<425984x64xf32, #tpu.memory_space<hbm>> -> memref<64x64xf32, #tpu.memory_space<hbm>>
    %dma_wait3A_1082 = arith.constant 0 : i32
    %dma_wait3A_1083 = arith.constant 0 : i32
    %dma_wait3A_1084 = tpu.memref_slice %arg9[%dma_wait3A_1070, %dma_wait3A_1082, %dma_wait3A_1083] : memref<8x64x64xf32, #tpu.memory_space<vmem>> -> memref<1x64x64xf32, #tpu.memory_space<vmem>>
    %dma_wait3A_1085 = tpu.memref_squeeze %dma_wait3A_1084 : memref<1x64x64xf32, #tpu.memory_space<vmem>> -> memref<64x64xf32, #tpu.memory_space<vmem>>
    tpu.wait_dma2 semaphore(%dma_wait3A_1079 : memref<!tpu.dma_semaphore, #tpu.memory_space<semaphore_mem>>) src(%dma_wait3A_1085 : memref<64x64xf32, #tpu.memory_space<vmem>>) dst(%dma_wait3A_1081 : memref<64x64xf32, #tpu.memory_space<hbm>>)
    %mul3A_1086 = arith.constant 208 : i32
    %mul3A_1087 = arith.muli %add3A, %mul3A_1086 : i32
    %add3A_1088 = arith.constant 201 : i32
    %add3A_1089 = arith.addi %mul3A_1087, %add3A_1088 : i32
    %mul3A_1090 = arith.constant 64 : i32
    %mul3A_1091 = arith.muli %add3A_1089, %mul3A_1090 : i32
    %dma_wait3A_1092 = arith.constant 1 : i32
    %dma_wait3A_1093 = arith.constant 1 : i32
    %dma_wait3A_1094 = arith.constant 0 : i32
    %dma_wait3A_1095 = arith.constant 0 : i32
    %dma_wait3A_1096 = tpu.memref_slice %arg9[%dma_wait3A_1092, %dma_wait3A_1094, %dma_wait3A_1095] : memref<8x64x64xf32, #tpu.memory_space<vmem>> -> memref<1x64x64xf32, #tpu.memory_space<vmem>>
    %dma_wait3A_1097 = tpu.memref_squeeze %dma_wait3A_1096 : memref<1x64x64xf32, #tpu.memory_space<vmem>> -> memref<64x64xf32, #tpu.memory_space<vmem>>
    %dma_wait3A_1098 = arith.constant 0 : i32
    %dma_wait3A_1099 = tpu.memref_slice %arg5[%mul3A_1091, %dma_wait3A_1098] : memref<425984x64xf32, #tpu.memory_space<hbm>> -> memref<64x64xf32, #tpu.memory_space<hbm>>
    %dma_wait3A_1100 = tpu.memref_slice %arg12[%dma_wait3A_1093] : memref<8x!tpu.dma_semaphore, #tpu.memory_space<semaphore_mem>> -> memref<1x!tpu.dma_semaphore, #tpu.memory_space<semaphore_mem>>
    %dma_wait3A_1101 = tpu.memref_squeeze %dma_wait3A_1100 : memref<1x!tpu.dma_semaphore, #tpu.memory_space<semaphore_mem>> -> memref<!tpu.dma_semaphore, #tpu.memory_space<semaphore_mem>>
    %dma_wait3A_1102 = arith.constant 0 : i32
    %dma_wait3A_1103 = tpu.memref_slice %arg5[%mul3A_1091, %dma_wait3A_1102] : memref<425984x64xf32, #tpu.memory_space<hbm>> -> memref<64x64xf32, #tpu.memory_space<hbm>>
    %dma_wait3A_1104 = arith.constant 0 : i32
    %dma_wait3A_1105 = arith.constant 0 : i32
    %dma_wait3A_1106 = tpu.memref_slice %arg9[%dma_wait3A_1092, %dma_wait3A_1104, %dma_wait3A_1105] : memref<8x64x64xf32, #tpu.memory_space<vmem>> -> memref<1x64x64xf32, #tpu.memory_space<vmem>>
    %dma_wait3A_1107 = tpu.memref_squeeze %dma_wait3A_1106 : memref<1x64x64xf32, #tpu.memory_space<vmem>> -> memref<64x64xf32, #tpu.memory_space<vmem>>
    tpu.wait_dma2 semaphore(%dma_wait3A_1101 : memref<!tpu.dma_semaphore, #tpu.memory_space<semaphore_mem>>) src(%dma_wait3A_1107 : memref<64x64xf32, #tpu.memory_space<vmem>>) dst(%dma_wait3A_1103 : memref<64x64xf32, #tpu.memory_space<hbm>>)
    %mul3A_1108 = arith.constant 208 : i32
    %mul3A_1109 = arith.muli %add3A, %mul3A_1108 : i32
    %add3A_1110 = arith.constant 202 : i32
    %add3A_1111 = arith.addi %mul3A_1109, %add3A_1110 : i32
    %mul3A_1112 = arith.constant 64 : i32
    %mul3A_1113 = arith.muli %add3A_1111, %mul3A_1112 : i32
    %dma_wait3A_1114 = arith.constant 2 : i32
    %dma_wait3A_1115 = arith.constant 2 : i32
    %dma_wait3A_1116 = arith.constant 0 : i32
    %dma_wait3A_1117 = arith.constant 0 : i32
    %dma_wait3A_1118 = tpu.memref_slice %arg9[%dma_wait3A_1114, %dma_wait3A_1116, %dma_wait3A_1117] : memref<8x64x64xf32, #tpu.memory_space<vmem>> -> memref<1x64x64xf32, #tpu.memory_space<vmem>>
    %dma_wait3A_1119 = tpu.memref_squeeze %dma_wait3A_1118 : memref<1x64x64xf32, #tpu.memory_space<vmem>> -> memref<64x64xf32, #tpu.memory_space<vmem>>
    %dma_wait3A_1120 = arith.constant 0 : i32
    %dma_wait3A_1121 = tpu.memref_slice %arg5[%mul3A_1113, %dma_wait3A_1120] : memref<425984x64xf32, #tpu.memory_space<hbm>> -> memref<64x64xf32, #tpu.memory_space<hbm>>
    %dma_wait3A_1122 = tpu.memref_slice %arg12[%dma_wait3A_1115] : memref<8x!tpu.dma_semaphore, #tpu.memory_space<semaphore_mem>> -> memref<1x!tpu.dma_semaphore, #tpu.memory_space<semaphore_mem>>
    %dma_wait3A_1123 = tpu.memref_squeeze %dma_wait3A_1122 : memref<1x!tpu.dma_semaphore, #tpu.memory_space<semaphore_mem>> -> memref<!tpu.dma_semaphore, #tpu.memory_space<semaphore_mem>>
    %dma_wait3A_1124 = arith.constant 0 : i32
    %dma_wait3A_1125 = tpu.memref_slice %arg5[%mul3A_1113, %dma_wait3A_1124] : memref<425984x64xf32, #tpu.memory_space<hbm>> -> memref<64x64xf32, #tpu.memory_space<hbm>>
    %dma_wait3A_1126 = arith.constant 0 : i32
    %dma_wait3A_1127 = arith.constant 0 : i32
    %dma_wait3A_1128 = tpu.memref_slice %arg9[%dma_wait3A_1114, %dma_wait3A_1126, %dma_wait3A_1127] : memref<8x64x64xf32, #tpu.memory_space<vmem>> -> memref<1x64x64xf32, #tpu.memory_space<vmem>>
    %dma_wait3A_1129 = tpu.memref_squeeze %dma_wait3A_1128 : memref<1x64x64xf32, #tpu.memory_space<vmem>> -> memref<64x64xf32, #tpu.memory_space<vmem>>
    tpu.wait_dma2 semaphore(%dma_wait3A_1123 : memref<!tpu.dma_semaphore, #tpu.memory_space<semaphore_mem>>) src(%dma_wait3A_1129 : memref<64x64xf32, #tpu.memory_space<vmem>>) dst(%dma_wait3A_1125 : memref<64x64xf32, #tpu.memory_space<hbm>>)
    %mul3A_1130 = arith.constant 208 : i32
    %mul3A_1131 = arith.muli %add3A, %mul3A_1130 : i32
    %add3A_1132 = arith.constant 203 : i32
    %add3A_1133 = arith.addi %mul3A_1131, %add3A_1132 : i32
    %mul3A_1134 = arith.constant 64 : i32
    %mul3A_1135 = arith.muli %add3A_1133, %mul3A_1134 : i32
    %dma_wait3A_1136 = arith.constant 3 : i32
    %dma_wait3A_1137 = arith.constant 3 : i32
    %dma_wait3A_1138 = arith.constant 0 : i32
    %dma_wait3A_1139 = arith.constant 0 : i32
    %dma_wait3A_1140 = tpu.memref_slice %arg9[%dma_wait3A_1136, %dma_wait3A_1138, %dma_wait3A_1139] : memref<8x64x64xf32, #tpu.memory_space<vmem>> -> memref<1x64x64xf32, #tpu.memory_space<vmem>>
    %dma_wait3A_1141 = tpu.memref_squeeze %dma_wait3A_1140 : memref<1x64x64xf32, #tpu.memory_space<vmem>> -> memref<64x64xf32, #tpu.memory_space<vmem>>
    %dma_wait3A_1142 = arith.constant 0 : i32
    %dma_wait3A_1143 = tpu.memref_slice %arg5[%mul3A_1135, %dma_wait3A_1142] : memref<425984x64xf32, #tpu.memory_space<hbm>> -> memref<64x64xf32, #tpu.memory_space<hbm>>
    %dma_wait3A_1144 = tpu.memref_slice %arg12[%dma_wait3A_1137] : memref<8x!tpu.dma_semaphore, #tpu.memory_space<semaphore_mem>> -> memref<1x!tpu.dma_semaphore, #tpu.memory_space<semaphore_mem>>
    %dma_wait3A_1145 = tpu.memref_squeeze %dma_wait3A_1144 : memref<1x!tpu.dma_semaphore, #tpu.memory_space<semaphore_mem>> -> memref<!tpu.dma_semaphore, #tpu.memory_space<semaphore_mem>>
    %dma_wait3A_1146 = arith.constant 0 : i32
    %dma_wait3A_1147 = tpu.memref_slice %arg5[%mul3A_1135, %dma_wait3A_1146] : memref<425984x64xf32, #tpu.memory_space<hbm>> -> memref<64x64xf32, #tpu.memory_space<hbm>>
    %dma_wait3A_1148 = arith.constant 0 : i32
    %dma_wait3A_1149 = arith.constant 0 : i32
    %dma_wait3A_1150 = tpu.memref_slice %arg9[%dma_wait3A_1136, %dma_wait3A_1148, %dma_wait3A_1149] : memref<8x64x64xf32, #tpu.memory_space<vmem>> -> memref<1x64x64xf32, #tpu.memory_space<vmem>>
    %dma_wait3A_1151 = tpu.memref_squeeze %dma_wait3A_1150 : memref<1x64x64xf32, #tpu.memory_space<vmem>> -> memref<64x64xf32, #tpu.memory_space<vmem>>
    tpu.wait_dma2 semaphore(%dma_wait3A_1145 : memref<!tpu.dma_semaphore, #tpu.memory_space<semaphore_mem>>) src(%dma_wait3A_1151 : memref<64x64xf32, #tpu.memory_space<vmem>>) dst(%dma_wait3A_1147 : memref<64x64xf32, #tpu.memory_space<hbm>>)
    %mul3A_1152 = arith.constant 208 : i32
    %mul3A_1153 = arith.muli %add3A, %mul3A_1152 : i32
    %add3A_1154 = arith.constant 204 : i32
    %add3A_1155 = arith.addi %mul3A_1153, %add3A_1154 : i32
    %mul3A_1156 = arith.constant 64 : i32
    %mul3A_1157 = arith.muli %add3A_1155, %mul3A_1156 : i32
    %dma_wait3A_1158 = arith.constant 4 : i32
    %dma_wait3A_1159 = arith.constant 4 : i32
    %dma_wait3A_1160 = arith.constant 0 : i32
    %dma_wait3A_1161 = arith.constant 0 : i32
    %dma_wait3A_1162 = tpu.memref_slice %arg9[%dma_wait3A_1158, %dma_wait3A_1160, %dma_wait3A_1161] : memref<8x64x64xf32, #tpu.memory_space<vmem>> -> memref<1x64x64xf32, #tpu.memory_space<vmem>>
    %dma_wait3A_1163 = tpu.memref_squeeze %dma_wait3A_1162 : memref<1x64x64xf32, #tpu.memory_space<vmem>> -> memref<64x64xf32, #tpu.memory_space<vmem>>
    %dma_wait3A_1164 = arith.constant 0 : i32
    %dma_wait3A_1165 = tpu.memref_slice %arg5[%mul3A_1157, %dma_wait3A_1164] : memref<425984x64xf32, #tpu.memory_space<hbm>> -> memref<64x64xf32, #tpu.memory_space<hbm>>
    %dma_wait3A_1166 = tpu.memref_slice %arg12[%dma_wait3A_1159] : memref<8x!tpu.dma_semaphore, #tpu.memory_space<semaphore_mem>> -> memref<1x!tpu.dma_semaphore, #tpu.memory_space<semaphore_mem>>
    %dma_wait3A_1167 = tpu.memref_squeeze %dma_wait3A_1166 : memref<1x!tpu.dma_semaphore, #tpu.memory_space<semaphore_mem>> -> memref<!tpu.dma_semaphore, #tpu.memory_space<semaphore_mem>>
    %dma_wait3A_1168 = arith.constant 0 : i32
    %dma_wait3A_1169 = tpu.memref_slice %arg5[%mul3A_1157, %dma_wait3A_1168] : memref<425984x64xf32, #tpu.memory_space<hbm>> -> memref<64x64xf32, #tpu.memory_space<hbm>>
    %dma_wait3A_1170 = arith.constant 0 : i32
    %dma_wait3A_1171 = arith.constant 0 : i32
    %dma_wait3A_1172 = tpu.memref_slice %arg9[%dma_wait3A_1158, %dma_wait3A_1170, %dma_wait3A_1171] : memref<8x64x64xf32, #tpu.memory_space<vmem>> -> memref<1x64x64xf32, #tpu.memory_space<vmem>>
    %dma_wait3A_1173 = tpu.memref_squeeze %dma_wait3A_1172 : memref<1x64x64xf32, #tpu.memory_space<vmem>> -> memref<64x64xf32, #tpu.memory_space<vmem>>
    tpu.wait_dma2 semaphore(%dma_wait3A_1167 : memref<!tpu.dma_semaphore, #tpu.memory_space<semaphore_mem>>) src(%dma_wait3A_1173 : memref<64x64xf32, #tpu.memory_space<vmem>>) dst(%dma_wait3A_1169 : memref<64x64xf32, #tpu.memory_space<hbm>>)
    %mul3A_1174 = arith.constant 208 : i32
    %mul3A_1175 = arith.muli %add3A, %mul3A_1174 : i32
    %add3A_1176 = arith.constant 205 : i32
    %add3A_1177 = arith.addi %mul3A_1175, %add3A_1176 : i32
    %mul3A_1178 = arith.constant 64 : i32
    %mul3A_1179 = arith.muli %add3A_1177, %mul3A_1178 : i32
    %dma_wait3A_1180 = arith.constant 5 : i32
    %dma_wait3A_1181 = arith.constant 5 : i32
    %dma_wait3A_1182 = arith.constant 0 : i32
    %dma_wait3A_1183 = arith.constant 0 : i32
    %dma_wait3A_1184 = tpu.memref_slice %arg9[%dma_wait3A_1180, %dma_wait3A_1182, %dma_wait3A_1183] : memref<8x64x64xf32, #tpu.memory_space<vmem>> -> memref<1x64x64xf32, #tpu.memory_space<vmem>>
    %dma_wait3A_1185 = tpu.memref_squeeze %dma_wait3A_1184 : memref<1x64x64xf32, #tpu.memory_space<vmem>> -> memref<64x64xf32, #tpu.memory_space<vmem>>
    %dma_wait3A_1186 = arith.constant 0 : i32
    %dma_wait3A_1187 = tpu.memref_slice %arg5[%mul3A_1179, %dma_wait3A_1186] : memref<425984x64xf32, #tpu.memory_space<hbm>> -> memref<64x64xf32, #tpu.memory_space<hbm>>
    %dma_wait3A_1188 = tpu.memref_slice %arg12[%dma_wait3A_1181] : memref<8x!tpu.dma_semaphore, #tpu.memory_space<semaphore_mem>> -> memref<1x!tpu.dma_semaphore, #tpu.memory_space<semaphore_mem>>
    %dma_wait3A_1189 = tpu.memref_squeeze %dma_wait3A_1188 : memref<1x!tpu.dma_semaphore, #tpu.memory_space<semaphore_mem>> -> memref<!tpu.dma_semaphore, #tpu.memory_space<semaphore_mem>>
    %dma_wait3A_1190 = arith.constant 0 : i32
    %dma_wait3A_1191 = tpu.memref_slice %arg5[%mul3A_1179, %dma_wait3A_1190] : memref<425984x64xf32, #tpu.memory_space<hbm>> -> memref<64x64xf32, #tpu.memory_space<hbm>>
    %dma_wait3A_1192 = arith.constant 0 : i32
    %dma_wait3A_1193 = arith.constant 0 : i32
    %dma_wait3A_1194 = tpu.memref_slice %arg9[%dma_wait3A_1180, %dma_wait3A_1192, %dma_wait3A_1193] : memref<8x64x64xf32, #tpu.memory_space<vmem>> -> memref<1x64x64xf32, #tpu.memory_space<vmem>>
    %dma_wait3A_1195 = tpu.memref_squeeze %dma_wait3A_1194 : memref<1x64x64xf32, #tpu.memory_space<vmem>> -> memref<64x64xf32, #tpu.memory_space<vmem>>
    tpu.wait_dma2 semaphore(%dma_wait3A_1189 : memref<!tpu.dma_semaphore, #tpu.memory_space<semaphore_mem>>) src(%dma_wait3A_1195 : memref<64x64xf32, #tpu.memory_space<vmem>>) dst(%dma_wait3A_1191 : memref<64x64xf32, #tpu.memory_space<hbm>>)
    %mul3A_1196 = arith.constant 208 : i32
    %mul3A_1197 = arith.muli %add3A, %mul3A_1196 : i32
    %add3A_1198 = arith.constant 206 : i32
    %add3A_1199 = arith.addi %mul3A_1197, %add3A_1198 : i32
    %mul3A_1200 = arith.constant 64 : i32
    %mul3A_1201 = arith.muli %add3A_1199, %mul3A_1200 : i32
    %dma_wait3A_1202 = arith.constant 6 : i32
    %dma_wait3A_1203 = arith.constant 6 : i32
    %dma_wait3A_1204 = arith.constant 0 : i32
    %dma_wait3A_1205 = arith.constant 0 : i32
    %dma_wait3A_1206 = tpu.memref_slice %arg9[%dma_wait3A_1202, %dma_wait3A_1204, %dma_wait3A_1205] : memref<8x64x64xf32, #tpu.memory_space<vmem>> -> memref<1x64x64xf32, #tpu.memory_space<vmem>>
    %dma_wait3A_1207 = tpu.memref_squeeze %dma_wait3A_1206 : memref<1x64x64xf32, #tpu.memory_space<vmem>> -> memref<64x64xf32, #tpu.memory_space<vmem>>
    %dma_wait3A_1208 = arith.constant 0 : i32
    %dma_wait3A_1209 = tpu.memref_slice %arg5[%mul3A_1201, %dma_wait3A_1208] : memref<425984x64xf32, #tpu.memory_space<hbm>> -> memref<64x64xf32, #tpu.memory_space<hbm>>
    %dma_wait3A_1210 = tpu.memref_slice %arg12[%dma_wait3A_1203] : memref<8x!tpu.dma_semaphore, #tpu.memory_space<semaphore_mem>> -> memref<1x!tpu.dma_semaphore, #tpu.memory_space<semaphore_mem>>
    %dma_wait3A_1211 = tpu.memref_squeeze %dma_wait3A_1210 : memref<1x!tpu.dma_semaphore, #tpu.memory_space<semaphore_mem>> -> memref<!tpu.dma_semaphore, #tpu.memory_space<semaphore_mem>>
    %dma_wait3A_1212 = arith.constant 0 : i32
    %dma_wait3A_1213 = tpu.memref_slice %arg5[%mul3A_1201, %dma_wait3A_1212] : memref<425984x64xf32, #tpu.memory_space<hbm>> -> memref<64x64xf32, #tpu.memory_space<hbm>>
    %dma_wait3A_1214 = arith.constant 0 : i32
    %dma_wait3A_1215 = arith.constant 0 : i32
    %dma_wait3A_1216 = tpu.memref_slice %arg9[%dma_wait3A_1202, %dma_wait3A_1214, %dma_wait3A_1215] : memref<8x64x64xf32, #tpu.memory_space<vmem>> -> memref<1x64x64xf32, #tpu.memory_space<vmem>>
    %dma_wait3A_1217 = tpu.memref_squeeze %dma_wait3A_1216 : memref<1x64x64xf32, #tpu.memory_space<vmem>> -> memref<64x64xf32, #tpu.memory_space<vmem>>
    tpu.wait_dma2 semaphore(%dma_wait3A_1211 : memref<!tpu.dma_semaphore, #tpu.memory_space<semaphore_mem>>) src(%dma_wait3A_1217 : memref<64x64xf32, #tpu.memory_space<vmem>>) dst(%dma_wait3A_1213 : memref<64x64xf32, #tpu.memory_space<hbm>>)
    %mul3A_1218 = arith.constant 208 : i32
    %mul3A_1219 = arith.muli %add3A, %mul3A_1218 : i32
    %add3A_1220 = arith.constant 207 : i32
    %add3A_1221 = arith.addi %mul3A_1219, %add3A_1220 : i32
    %mul3A_1222 = arith.constant 64 : i32
    %mul3A_1223 = arith.muli %add3A_1221, %mul3A_1222 : i32
    %dma_wait3A_1224 = arith.constant 7 : i32
    %dma_wait3A_1225 = arith.constant 7 : i32
    %dma_wait3A_1226 = arith.constant 0 : i32
    %dma_wait3A_1227 = arith.constant 0 : i32
    %dma_wait3A_1228 = tpu.memref_slice %arg9[%dma_wait3A_1224, %dma_wait3A_1226, %dma_wait3A_1227] : memref<8x64x64xf32, #tpu.memory_space<vmem>> -> memref<1x64x64xf32, #tpu.memory_space<vmem>>
    %dma_wait3A_1229 = tpu.memref_squeeze %dma_wait3A_1228 : memref<1x64x64xf32, #tpu.memory_space<vmem>> -> memref<64x64xf32, #tpu.memory_space<vmem>>
    %dma_wait3A_1230 = arith.constant 0 : i32
    %dma_wait3A_1231 = tpu.memref_slice %arg5[%mul3A_1223, %dma_wait3A_1230] : memref<425984x64xf32, #tpu.memory_space<hbm>> -> memref<64x64xf32, #tpu.memory_space<hbm>>
    %dma_wait3A_1232 = tpu.memref_slice %arg12[%dma_wait3A_1225] : memref<8x!tpu.dma_semaphore, #tpu.memory_space<semaphore_mem>> -> memref<1x!tpu.dma_semaphore, #tpu.memory_space<semaphore_mem>>
    %dma_wait3A_1233 = tpu.memref_squeeze %dma_wait3A_1232 : memref<1x!tpu.dma_semaphore, #tpu.memory_space<semaphore_mem>> -> memref<!tpu.dma_semaphore, #tpu.memory_space<semaphore_mem>>
    %dma_wait3A_1234 = arith.constant 0 : i32
    %dma_wait3A_1235 = tpu.memref_slice %arg5[%mul3A_1223, %dma_wait3A_1234] : memref<425984x64xf32, #tpu.memory_space<hbm>> -> memref<64x64xf32, #tpu.memory_space<hbm>>
    %dma_wait3A_1236 = arith.constant 0 : i32
    %dma_wait3A_1237 = arith.constant 0 : i32
    %dma_wait3A_1238 = tpu.memref_slice %arg9[%dma_wait3A_1224, %dma_wait3A_1236, %dma_wait3A_1237] : memref<8x64x64xf32, #tpu.memory_space<vmem>> -> memref<1x64x64xf32, #tpu.memory_space<vmem>>
    %dma_wait3A_1239 = tpu.memref_squeeze %dma_wait3A_1238 : memref<1x64x64xf32, #tpu.memory_space<vmem>> -> memref<64x64xf32, #tpu.memory_space<vmem>>
    tpu.wait_dma2 semaphore(%dma_wait3A_1233 : memref<!tpu.dma_semaphore, #tpu.memory_space<semaphore_mem>>) src(%dma_wait3A_1239 : memref<64x64xf32, #tpu.memory_space<vmem>>) dst(%dma_wait3A_1235 : memref<64x64xf32, #tpu.memory_space<hbm>>)
    return
  }
}

</mosaic_0001>

<sc_bundles>
// kernel: _lookup.3.cloned.1.call-start
scs
__scs_entry_jumppad:
0x0: {  	(pc) =	sbr.rel $0x88, $3  }
0x1: {  	(tag) =	ssettag $0x0;
	lr =	simm.s32 $0x1  }
0x2: {  	[smem:$0x3F9E] =	sst lr;
	_ =	strace $0xD0000000  }
0x3: {  	_ = 	snop  }
0x4: {  	_ = 	snop  }
0x5: {  	_ = 	snop  }
0x6: {  	_ = 	snop  }
0x7: {  	_ = 	snop  }
__scs_overlays_trampoline_lowered:
0x8: {  	[smem:$0x3FAD] =	sst s0  }
0x9: {  	[smem:$0x3FAE] =	sst s1  }
0xa: {  	[smem:$0x3FAF] =	sst s2  }
0xb: {  	[smem:$0x3FB0] =	sst s3  }
0xc: {  	[smem:$0x3FB1] =	sst s4  }
0xd: {  	[smem:$0x3FB2] =	sst s5  }
0xe: {  	[smem:$0x3FB3] =	sst s6  }
0xf: {  	[smem:$0x3FB4] =	sst s7  }
0x10: {  	[smem:$0x3FB5] =	sst s8  }
0x11: {  	[smem:$0x3FB6] =	sst s9;
	s0 =	simm.s32 @!p0 $0x0  }
0x12: {  	s1 =	sld [smem:$0x3F9C];
	s0 =	simm.s32 @p0 $0x1  }
0x13: {  	[smem:$0x3FB7] =	sst s0;
	s0 =	simm.s32 @!p1 $0x0  }
0x14: {  	s2 =	sld [smem:$0x3F9B];
	s0 =	simm.s32 @p1 $0x1  }
0x15: {  	[smem:$0x3FB8] =	sst s0;
	s0 =	simm.s32 @!p2 $0x0  }
0x16: {  	s3 =	sld [smem:$0x3FDB];
	s0 =	simm.s32 @p2 $0x1  }
0x17: {  	s4 =	simm.s32 $0x1BF5;
	[smem:$0x3FBA] =	sst s0  }
0x18: {  	s0 =	sld [smem:$0x3F9D];
	_ =	swait.ge [sflag:s4], $0x0  }
0x19: {  	s7 =	sld [smem:$0x3F9E]  }
0x1a: {  	s8 =	sadd.s32 $0xFFFFE003, lr  }
0x1b: {  	s9 =	sadd.s32 $0xFFFFFEF7, lr;
	s5 =	simm.s32 $0xFFFFFFFF;
	p2 =	slt.u32 s8, $0xFFFFF086  }
0x1c: {  	p1 =	slt.u32 s9, $0xF7A;
	s5 =	simm.s32 @!p2 $0x0  }
0x1d: {  	s5 =	simm.s32 @p1 $0x1;
	p0 =	seq.s32 s7, s2  }
0x1e: {  	s7 =	smul.u32 @!p0 $0xF7A, s2;
	p2 =	seq.s32 @!p0 s5, $0x0  }
0x1f: {  	s9 =	smul.u32 $0xF7A, s1;
	s8 =	simm.s32 @!p0 $0x1BF5;
	p2 =	por !p2, p0  }
0x20: {  	[sflag:s8] =	ssyncset.s32 @!p0 $0xFFFFF086;
	s6 =	sadd.s32 @!p0 s3, s7;
	s7 =	simm.s32 @!p0 $0x108  }
0x21: {  	s3 =	sadd.s32 s3, s9;
	s6 =	sadd.s32 @!p0 $0x88, s6;
	s7 =	simm.s32 @p2 $0x1082  }
0x22: {  	[simem:s7], [sflag:s8] =	dma.local @!p0 [hbm:s6], $0xF7A  }
0x23: {  	s9 =	sor.u32 $0xD0000000, s2;
	s6 =	simm.s32 $0x108;
	_ =	swait.ge @!p0 [sflag:s8], $0x0  }
0x24: {  	s3 =	sadd.s32 $0x88, s3;
	s6 =	simm.s32 @!p1 $0x1082;
	[sflag:s4] =	ssyncset.s32 $0xFFFFF086  }
0x25: {  	[simem:s6], [sflag:s4] =	dma.local [hbm:s3], $0xF7A  }
0x26: {  	[smem:$0x3F9E] =	sst s1;
	(tag) =	ssettag s2;
	_ =	strace s9  }
0x27: {  	s1 =	sld [smem:$0x3FAE]  }
0x28: {  	s2 =	sld [smem:$0x3FAF]  }
0x29: {  	s4 =	sld [smem:$0x3FB1]  }
0x2a: {  	p0 =	seq.s32 s5, $0x0;
	s5 =	sld [smem:$0x3FB2]  }
0x2b: {  	s6 =	sld [smem:$0x3FB3]  }
0x2c: {  	s7 =	sld [smem:$0x3FB4]  }
0x2d: {  	s3 =	simm.s32 $0x108;
	s8 =	sld [smem:$0x3FB5]  }
0x2e: {  	s3 =	simm.s32 @!p0 $0x1082;
	s9 =	sld [smem:$0x3FB6]  }
0x2f: {  	lr =	sadd.s32 s0, s3;
	s0 =	sld [smem:$0x3FAD]  }
0x30: {  	s3 =	sld [smem:$0x3FB0]  }
0x31: {  	[smem:$0x3FB9] =	sst s10  }
0x32: {  	s10 =	sld [smem:$0x3FB7];
	_ =	sdelay $0x3  }
0x33: {  	p0 =	seq.s32 s10, $0x1;
	s10 =	sld [smem:$0x3FB9];
	_ =	sdelay $0x3  }
0x34: {  	[smem:$0x3FB9] =	sst s10  }
0x35: {  	s10 =	sld [smem:$0x3FB8];
	_ =	sdelay $0x3  }
0x36: {  	p1 =	seq.s32 s10, $0x1;
	s10 =	sld [smem:$0x3FB9];
	_ =	sdelay $0x3  }
0x37: {  	[smem:$0x3FB9] =	sst s10  }
0x38: {  	s10 =	sld [smem:$0x3FBA]  }
0x39: {  	_ = 	snop;
	(pc) =	sbr.ind lr, $3  }
0x3a: {  	_ = 	snop  }
0x3b: {  	_ = 	snop  }
0x3c: {  	p2 =	seq.s32 s10, $0x1;
	s10 =	sld [smem:$0x3FB9]  }
0x3d: {  	_ =	shalt  }
0x3e: {  	_ =	shalt  }
0x3f: {  	_ =	shalt  }
0x40: {  	_ =	shalt  }
0x41: {  	_ =	shalt  }
0x42: {  	_ =	shalt  }
0x43: {  	_ =	shalt  }
0x44: {  	_ =	shalt  }
0x45: {  	_ =	shalt  }
0x46: {  	_ =	shalt  }
0x47: {  	_ =	shalt  }
0x48: {  	_ =	shalt  }
0x49: {  	_ =	shalt  }
0x4a: {  	_ =	shalt  }
0x4b: {  	_ =	shalt  }
0x4c: {  	_ =	shalt  }
0x4d: {  	_ =	shalt  }
0x4e: {  	_ =	shalt  }
0x4f: {  	_ =	shalt  }
0x50: {  	_ =	shalt  }
0x51: {  	_ =	shalt  }
0x52: {  	_ =	shalt  }
0x53: {  	_ =	shalt  }
0x54: {  	_ =	shalt  }
0x55: {  	_ =	shalt  }
0x56: {  	_ =	shalt  }
0x57: {  	_ =	shalt  }
0x58: {  	_ =	shalt  }
0x59: {  	_ =	shalt  }
0x5a: {  	_ =	shalt  }
0x5b: {  	_ =	shalt  }
0x5c: {  	_ =	shalt  }
0x5d: {  	_ =	shalt  }
0x5e: {  	_ =	shalt  }
0x5f: {  	_ =	shalt  }
0x60: {  	_ =	shalt  }
0x61: {  	_ =	shalt  }
0x62: {  	_ =	shalt  }
0x63: {  	_ =	shalt  }
0x64: {  	_ =	shalt  }
0x65: {  	_ =	shalt  }
0x66: {  	_ =	shalt  }
0x67: {  	_ =	shalt  }
0x68: {  	_ =	shalt  }
0x69: {  	_ =	shalt  }
0x6a: {  	_ =	shalt  }
0x6b: {  	_ =	shalt  }
0x6c: {  	_ =	shalt  }
0x6d: {  	_ =	shalt  }
0x6e: {  	_ =	shalt  }
0x6f: {  	_ =	shalt  }
0x70: {  	_ =	shalt  }
0x71: {  	_ =	shalt  }
0x72: {  	_ =	shalt  }
0x73: {  	_ =	shalt  }
0x74: {  	_ =	shalt  }
0x75: {  	_ =	shalt  }
0x76: {  	_ =	shalt  }
0x77: {  	_ =	shalt  }
0x78: {  	_ =	shalt  }
0x79: {  	_ =	shalt  }
0x7a: {  	_ =	shalt  }
0x7b: {  	_ =	shalt  }
0x7c: {  	_ =	shalt  }
0x7d: {  	_ =	shalt  }
0x7e: {  	_ =	shalt  }
0x7f: {  	_ =	shalt  }
0x80: {  	_ =	shalt  }
0x81: {  	_ =	shalt  }
0x82: {  	_ =	shalt  }
0x83: {  	_ =	shalt  }
0x84: {  	_ =	shalt  }
0x85: {  	_ =	shalt  }
0x86: {  	_ =	shalt  }
0x87: {  	_ =	shalt  }
.Lfunc_end0:
.L_simem_size_0:
called_computation.1_lowered:
.L_overlay_start_0:
0x88: {  	s2 =	sld [smem:$0x3FD9]  }
0x89: {  	s3 =	sld [smem:$0x3FFE];
	_ =	sdelay $0x1  }
0x8a: {  	s1 =	srdreg.scid  }
0x8b: {  	s0 =	sand.u32 $0x1, s1  }
0x8c: {  	s17 =	sshll.u32 s0, $0xA;
	s2 =	sadd.s32 s3, s2  }
0x8d: {  	s2 =	sadd.s32 s2, s17  }
0x8e: {  	[smem:$0x3FC5] =	sst s2  }
0x8f: {  	_ = 	snop  }
0x90: {  	s2 =	sld [smem:$0x3FC8]  }
0x91: {  	s18 =	sld [smem:$0x3FD0];
	(tm) =	ssettm $0x1  }
0x92: {  	s4 =	sld [smem:$0x3FFB];
	_ =	sdelay $0x3  }
0x93: {  	_ =	strace s4  }
0x94: {  	s4 =	sld [smem:$0x3FFC];
	_ =	sdelay $0x3  }
0x95: {  	_ =	strace s4  }
0x96: {  	s4 =	sld [smem:$0x3FFD];
	_ =	sdelay $0x3  }
0x97: {  	_ =	strace s4  }
0x98: {  	_ =	strace $0x8FFFFFFF  }
0x99: {  	s19 =	sld [smem:$0x3FDB];
	_ =	sdelay $0x1  }
0x9a: {  	s5 =	simm.s32 $_scs_section_size  }
0x9b: {  	s6 =	simm.s32 $_size__tile_overlayer_lowered;
	s7 =	simm.s32 $_tile_overlayer_lowered  }
0x9c: {  	s22 =	simm.s32 $0x1BFF;
	s21 =	sshll.u32 s7, $0x1;
	s4 =	sadd.s32 s5, s19  }
0x9d: {  	s8 =	simm.s32 $0x0;
	s20 =	sshll.u32 s6, $0x1;
	s6 =	sadd.s32 s21, s4  }
0x9e: {  	[timem:s8], [sflag:s22] =	dma.local [hbm:s6], s20  }
0x9f: {  	_ =	swait.ge [sflag:s22], s20  }
0xa0: {  	s5 =	ssub.s32 $0x0, s20;
	[sflag:s22] =	ssyncset.done $0x0  }
0xa1: {  	[sflag:s22] =	ssyncadd.s32 s5;
	_ =	sdelay $0x1  }
0xa2: {  	s23 =	simm.s32 $0x1B8B  }
0xa3: {  	_ =	swait.ge [sflag:s23], $0x1  }
0xa4: {  	[sflag:s23] =	ssyncset.done $0x0  }
0xa5: {  	s25 =	simm.s32 $0x1B8E;
	s24 =	sld [smem:$0x3FFE];
	[sflag:s23] =	ssyncadd.s32 $0xFFFFFFFF  }
0xa6: {  	s26 =	simm.s32 $execute0_lowered;
	[smem:$0x3FD2] =	sst s25  }
0xa7: {  	s6 =	sshll.u32 s26, $0x1;
	_ =	strace $0x80000046;
	[dreg:$0x1] =	wrdreg $0xFFFFFFFF  }
0xa8: {  	s28 =	simm.s32 $_size_execute0_lowered;
	s4 =	sadd.s32 s4, s6;
	[dreg:$0x0] =	wrdreg $0x0  }
0xa9: {  	s6 =	sshll.u32 s28, $0x1;
	[dreg:$0x2] =	wrdreg s4  }
0xaa: {  	[dreg:$0x3] =	wrdreg s6  }
0xab: {  	[dreg:$0x4] =	wrdreg $0xC0  }
0xac: {  	_ =	task [dreg:s8], $0x5FFFF  }
0xad: {  	[dreg:$0x1] =	wrdreg $0xFFFFFFFF  }
0xae: {  	[dreg:$0x0] =	wrdreg $0x60  }
0xaf: {  	[dreg:$0x2] =	wrdreg s24  }
0xb0: {  	[dreg:$0x3] =	wrdreg s2  }
0xb1: {  	[dreg:$0x4] =	wrdreg s18  }
0xb2: {  	[dreg:$0x5] =	wrdreg $0x34000  }
0xb3: {  	[dreg:$0x6] =	wrdreg $0x9  }
0xb4: {  	_ =	task.clear_ibuf [dreg:s8], $0x7FFFF;
	_ =	strace $0x90000046  }
0xb5: {  	s29 =	simm.s32 $0x9;
	_ =	strace $0x80000048  }
0xb6: {  	_ =	swait.ge [sflag:s29], $0x1  }
0xb7: {  	[sflag:s29] =	ssyncadd.s32 $0xFFFFFFFF  }
0xb8: {  	_ =	strace $0x90000048  }
0xb9: {  	_ =	sfence  }
0xba: {  	s30 =	sld [smem:$0x0];
	_ =	sdelay $0x2  }
0xbb: {  	s31 =	sshll.u32 s1, $0xD;
	s1 =	sshrl.u32 s1, $0x2  }
0xbc: {  	s3 =	sand.u32 $0x4000, s31;
	s1 =	sadd.s32 s1, s30  }
0xbd: {  	s0 =	sor.u32 s3, s0;
	s1 =	sshll.u32 s1, $0x11  }
0xbe: {  	s0 =	sor.u32 s1, s0  }
0xbf: {  	s0 =	sadd.s32 $0x8F2B, s0  }
0xc0: {  	[sflag:s0] =	ssyncadd.remote.s32 $0x1  }
0xc1: {  	_ =	sfence.sel $0xFFFF  }
0xc2: {  	[dreg:$0x0] =	wrdreg $0xFFFFFFFF;
	(pc) =	sbr.abs _section_cstart, $3  }
0xc3: {  	[dreg:$0x1] =	wrdreg $0xFFFFFFFF  }
0xc4: {  	_ =	task.clear_ibuf [dreg:s8], $0x2FFFF;
	_ =	strace $0x9FFFFFFF  }
0xc5: {  	(tm) =	ssettm $0x7FFFFFFF  }
tec
execute0_lowered:
.L_overlay_start_1:
0x0: {  	(tag) =	ssettag $0x1  }
0x1: {  	s0 =	srdreg.scid;
	s1 =	stileid.u32;
	v0 =	vlaneseq.u32  }
0x2: {  	s0 =	sand.u32 $0x1, s0;
	s3 =	sshll.u32 s1, $0x1;
	v2 =	vor.u32 $0x10, v0;
	v3 =	vor.u32 $0x20, v0;
	v4 =	vor.u32 $0x30, v0  }
0x3: {  	v5 =	vor.u32 $0x40, v0;
	v6 =	vor.u32 $0x50, v0;
	v7 =	vor.u32 $0x60, v0;
	s4 =	sor.u32 s0, s3  }
0x4: {  	v8 =	vor.u32 $0x70, v0;
	v9 =	vor.u32 $0x80, v0;
	v10 =	vor.u32 $0x90, v0;
	s6 =	smul.u32 $0x680, s4  }
0x5: {  	v11 =	vor.u32 $0xA0, v0;
	v12 =	vor.u32 $0xB0, v0;
	v13 =	vor.u32 $0xC0, v0;
	s4 =	smul.u32 $0x3E5, s4  }
0x6: {  	s2 =	rddreg [dreg:$0x0];
	s5 =	simm.s32 $0x0;
	s16 =	simm.s32 $0x40;
	v14 =	vor.u32 $0xD0, v0;
	v15 =	vor.u32 $0xE0, v0;
	v16 =	vor.u32 $0xF0, v0  }
0x7: {  	s30 =	simm.s32 $0x9;
	s14 =	simm.s32 $0xA;
	s15 =	simm.s32 $0x6;
	v1 =	vadd.s32 s4, v0;
	v2 =	vadd.s32 s4, v2;
	v3 =	vadd.s32 s4, v3  }
0x8: {  	s18 =	simm.s32 $0x17A28;
	s20 =	simm.s32 $0xB;
	s17 =	simm.s32 $0x18A28;
	v4 =	vadd.s32 s4, v4;
	v5 =	vadd.s32 s4, v5;
	v6 =	vadd.s32 s4, v6  }
0x9: {  	s29 =	simm.s32 $0x19A28;
	s31 =	simm.s32 $0xD;
	s7 =	smul.u32 $0x1A0, s1;
	v7 =	vadd.s32 s4, v7;
	v8 =	vadd.s32 s4, v8;
	v9 =	vadd.s32 s4, v9  }
0xa: {  	s19 =	simm.s32 $0xF;
	[smem:$0x7FF] =	sst s5;
	s24 =	smul.u32 $0x34000, s1;
	v10 =	vadd.s32 s4, v10;
	v11 =	vadd.s32 s4, v11;
	v12 =	vadd.s32 s4, v12  }
0xb: {  	p0 =	sne.s32 s1, $0x0;
	s8 =	ssub.s32 $0x2, s0;
	s9 =	smul.u32 $0xD0, s0;
	v13 =	vadd.s32 s4, v13;
	v14 =	vadd.s32 s4, v14;
	v15 =	vadd.s32 s4, v15  }
0xc: {  	s3 =	rddreg [dreg:$0x3];
	s0 =	smul.u32 $0x1A000, s0;
	s11 =	sshrl.u32 s8, $0x1;
	v16 =	vadd.s32 s4, v16;
	v1 =	vand.u32 $0x7FF, v1;
	v2 =	vand.u32 $0x7FF, v2  }
0xd: {  	_ =	strace $0x80000047;
	s21 =	ssub.s32 s8, s11;
	s7 =	sadd.s32 s9, s7;
	v3 =	vand.u32 $0x7FF, v3;
	v4 =	vand.u32 $0x7FF, v4;
	v5 =	vand.u32 $0x7FF, v5  }
0xe: {  	s0 =	sadd.s32 s0, s24;
	s9 =	simm.s32 $0x16A28;
	s10 =	sadd.s32 s6, s2;
	v6 =	vand.u32 $0x7FF, v6;
	v7 =	vand.u32 $0x7FF, v7;
	v8 =	vand.u32 $0x7FF, v8  }
0xf: {  	s6 =	sadd.s32 $0xD800, s2;
	s2 =	smax.u32 s21, $0x1;
	[dreg:$0xb] =	wrdreg s0;
	v9 =	vand.u32 $0x7FF, v9;
	v10 =	vand.u32 $0x7FF, v10;
	v11 =	vand.u32 $0x7FF, v11  }
0x10: {  	s24 =	simm.s32 $0xC;
	s23 =	sshll.u32 s7, $0x9;
	[dreg:$0x7] =	wrdreg s2;
	v12 =	vand.u32 $0x7FF, v12;
	v13 =	vand.u32 $0x7FF, v13;
	v14 =	vand.u32 $0x7FF, v14  }
0x11: {  	s8 =	simm.s32 $0x0;
	s0 =	sshrl.u32 @!p0 s3, $0x3;
	[dreg:$0x6] =	wrdreg s23;
	v15 =	vand.u32 $0x7FF, v15;
	v16 =	vand.u32 $0x7FF, v16;
	v1 =	vadd.s32 $0x186A1, v1  }
.Ltmp0:
0x12: {  	s22 =	sadd.s32 $0x800, s10;
	[dreg:$0xc] =	wrdreg s0;
	v2 =	vadd.s32 $0x186A1, v2;
	v3 =	vadd.s32 $0x186A1, v3;
	v4 =	vadd.s32 $0x186A1, v4;
	(pc) =	sbr.rel .LBB2_1-.Ltmp0, $4  }
0x13: {  	s7 =	simm.s32 $0x5;
	s25 =	sor.u32 $0x400, s23;
	[dreg:$0x5] =	wrdreg s22;
	v5 =	vadd.s32 $0x186A1, v5;
	v6 =	vadd.s32 $0x186A1, v6;
	v7 =	vadd.s32 $0x186A1, v7  }
0x14: {  	s26 =	sor.u32 $0xC00, s23;
	s28 =	sor.u32 $0x800, s23;
	[dreg:$0x8] =	wrdreg s25;
	v8 =	vadd.s32 $0x186A1, v8;
	v9 =	vadd.s32 $0x186A1, v9;
	v10 =	vadd.s32 $0x186A1, v10  }
0x15: {  	s0 =	simm.s32 $0xE;
	s23 =	simm.s32 $0x10;
	[dreg:$0x9] =	wrdreg s26;
	v11 =	vadd.s32 $0x186A1, v11;
	v12 =	vadd.s32 $0x186A1, v12;
	v13 =	vadd.s32 $0x186A1, v13  }
0x16: {  	[dreg:$0xa] =	wrdreg s28;
	s22 =	simm.s32 $0x7;
	s26 =	simm.s32 $0x8;
	v14 =	vadd.s32 $0x186A1, v14;
	v15 =	vadd.s32 $0x186A1, v15;
	v16 =	vadd.s32 $0x186A1, v16  }
.LBB2_15:
0x17: {  	s1 =	simm.s32 $0x11  }
0x18: {  	_ =	swait.ge [sflag:s1], $0x1000  }
0x19: {  	[sflag:s1] =	ssyncset.done $0x0  }
0x1a: {  	s10 =	simm.s32 $0x12;
	[sflag:s1] =	ssyncadd.s32 $0xFFFFF000  }
0x1b: {  	_ =	swait.ge [sflag:s10], $0x1000  }
0x1c: {  	[sflag:s10] =	ssyncset.done $0x0  }
0x1d: {  	s11 =	simm.s32 $0x13;
	[sflag:s10] =	ssyncadd.s32 $0xFFFFF000  }
0x1e: {  	_ =	swait.ge [sflag:s11], $0x1000  }
0x1f: {  	[sflag:s11] =	ssyncset.done $0x0  }
0x20: {  	s12 =	simm.s32 $0x14;
	[sflag:s11] =	ssyncadd.s32 $0xFFFFF000  }
0x21: {  	_ =	swait.ge [sflag:s12], $0x1000  }
0x22: {  	[sflag:s12] =	ssyncset.done $0x0  }
0x23: {  	s13 =	simm.s32 $0x15;
	[sflag:s12] =	ssyncadd.s32 $0xFFFFF000  }
0x24: {  	_ =	swait.ge [sflag:s13], $0x1000  }
0x25: {  	[sflag:s13] =	ssyncset.done $0x0  }
0x26: {  	s21 =	simm.s32 $0x16;
	[sflag:s13] =	ssyncadd.s32 $0xFFFFF000  }
0x27: {  	_ =	swait.ge [sflag:s21], $0x1000  }
0x28: {  	[sflag:s21] =	ssyncset.done $0x0  }
0x29: {  	s25 =	simm.s32 $0x17;
	[sflag:s21] =	ssyncadd.s32 $0xFFFFF000  }
0x2a: {  	_ =	swait.ge [sflag:s25], $0x1000  }
0x2b: {  	[sflag:s25] =	ssyncset.done $0x0  }
0x2c: {  	s2 =	simm.s32 $0x18;
	[sflag:s25] =	ssyncadd.s32 $0xFFFFF000  }
0x2d: {  	_ =	swait.ge [sflag:s2], $0x1000  }
0x2e: {  	s8 =	rddreg [dreg:$0xd]  }
0x2f: {  	s28 =	rddreg [dreg:$0x7];
	s8 =	sadd.s32 $0x1, s8  }
0x30: {  	p1 =	sne.s32 s8, s28  }
.Ltmp1:
0x31: {  	_ = 	snop;
	(pc) =	sbr.rel @!p1 .LBB2_16-.Ltmp1, $3  }
0x32: {  	_ =	sdelay $0x1  }
0x33: {  	[sflag:s2] =	ssyncset.done $0x0  }
0x34: {  	[sflag:s2] =	ssyncadd.s32 $0xFFFFF000  }
.LBB2_1:
0x35: {  	[dreg:$0xd] =	wrdreg s8  }
0x36: {  	s2 =	rddreg [dreg:$0x1]  }
0x37: {  	s1 =	simm.s32 @!p0 $0x1C19;
	s8 =	rddreg [dreg:$0xc]  }
0x38: {  	[spmem:s8], [sflag:s1] =	dma.local @!p0 [hbm:s2], $0x1E849  }
0x39: {  	s1 =	simm.s32 @!p0 $0x19  }
0x3a: {  	_ =	swait.ge @!p0 [sflag:s1], $0x1E849  }
0x3b: {  	[sflag:s1] =	ssyncset.done @!p0 $0x0  }
0x3c: {  	s10 =	simm.s32 $0x19;
	s8 =	rddreg [dreg:$0x5];
	[sflag:s1] =	ssyncadd.s32 @!p0 $0xFFFE17B7  }
0x3d: {  	[tilespmem:s5], [sflag:$0x19] =	stream.linear.gather [hbm4b:s8+s5], $0x3400, $0x38;
	[tilespmem:$0x1AA28] =	vst v63  }
0x3e: {  	_ =	swait.ge [sflag:s10], $0x3400  }
0x3f: {  	[sflag:s10] =	ssyncset.done $0x0  }
0x40: {  	[sflag:s10] =	ssyncadd.s32 $0xFFFFCC00  }
0x41: {  	[bflag:$0x0] =	sbarrier.arrive $0xFFFF  }
0x42: {  	v17 =	vld [tilespmem:$0x0]  }
0x43: {  	v18 =	vld [tilespmem:$0x10]  }
0x44: {  	v19 =	vld [tilespmem:$0x20]  }
0x45: {  	v20 =	vld [tilespmem:$0x30];
	_ =	sdelay $0x1  }
0x46: {  	vm0 =	vgt.s32 v17, $0x0  }
0x47: {  	vm5 =	vgt.s32 v18, $0x0;
	v17 =	vnsel vm0, $0x0, v17  }
0x48: {  	vm6 =	vgt.s32 v19, $0x0;
	v18 =	vnsel vm5, $0x0, v18;
	v17 =	vmin.u32 v17, $0xF4240  }
0x49: {  	vm7 =	vgt.s32 v20, $0x0;
	[tilespmem:$0x0] =	vst v17;
	v17 =	vmin.u32 v18, $0xF4240;
	v18 =	vnsel vm6, $0x0, v19  }
0x4a: {  	[tilespmem:$0x10] =	vst v17;
	v17 =	vmin.u32 v18, $0xF4240;
	v18 =	vnsel vm7, $0x0, v20  }
0x4b: {  	[tilespmem:$0x20] =	vst v17;
	v17 =	vmin.u32 v18, $0xF4240  }
0x4c: {  	s1 =	simm.s32 $0x12828;
	[tilespmem:$0x30] =	vst v17  }
0x4d: {  	[tilespmem:s1], [sflag:$0x1] =	stream.indirect.gather [spmem:s3], $0x1, s5, s16, $0xb8;
	[tilespmem:$0x1AA28] =	vst v63  }
0x4e: {  	v17 =	vld [tilespmem:$0x40]  }
0x4f: {  	v18 =	vld [tilespmem:$0x50]  }
0x50: {  	v19 =	vld [tilespmem:$0x60]  }
0x51: {  	v53 =	vld [tilespmem:$0x70];
	_ =	sdelay $0x1  }
0x52: {  	vm8 =	vgt.s32 v17, $0x0  }
0x53: {  	vm9 =	vgt.s32 v18, $0x0;
	v17 =	vnsel vm8, $0x0, v17  }
0x54: {  	vm10 =	vgt.s32 v19, $0x0;
	v18 =	vnsel vm9, $0x0, v18;
	v17 =	vmin.u32 v17, $0xF4240  }
0x55: {  	vm11 =	vgt.s32 v53, $0x0;
	[tilespmem:$0x40] =	vst v17;
	v17 =	vmin.u32 v18, $0xF4240;
	v18 =	vnsel vm10, $0x0, v19  }
0x56: {  	[tilespmem:$0x50] =	vst v17;
	v17 =	vmin.u32 v18, $0xF4240;
	v18 =	vnsel vm11, $0x0, v53  }
0x57: {  	[tilespmem:$0x60] =	vst v17;
	v17 =	vmin.u32 v18, $0xF4240  }
0x58: {  	s2 =	simm.s32 $0x12868;
	[tilespmem:$0x70] =	vst v17  }
0x59: {  	[tilespmem:s2], [sflag:$0x2] =	stream.indirect.gather [spmem:s3], $0x1, s16, s16, $0xb8;
	[tilespmem:$0x1AA28] =	vst v63  }
0x5a: {  	v17 =	vld [tilespmem:$0x80]  }
0x5b: {  	v18 =	vld [tilespmem:$0x90]  }
0x5c: {  	v19 =	vld [tilespmem:$0xA0]  }
0x5d: {  	v54 =	vld [tilespmem:$0xB0];
	_ =	sdelay $0x1  }
0x5e: {  	vm12 =	vgt.s32 v17, $0x0  }
0x5f: {  	vm13 =	vgt.s32 v18, $0x0;
	v17 =	vnsel vm12, $0x0, v17  }
0x60: {  	vm14 =	vgt.s32 v19, $0x0;
	v18 =	vnsel vm13, $0x0, v18;
	v17 =	vmin.u32 v17, $0xF4240  }
0x61: {  	vm15 =	vgt.s32 v54, $0x0;
	[tilespmem:$0x80] =	vst v17;
	v17 =	vmin.u32 v18, $0xF4240;
	v18 =	vnsel vm14, $0x0, v19  }
0x62: {  	[tilespmem:$0x90] =	vst v17;
	v17 =	vmin.u32 v18, $0xF4240;
	v18 =	vnsel vm15, $0x0, v54  }
0x63: {  	[tilespmem:$0xA0] =	vst v17;
	v17 =	vmin.u32 v18, $0xF4240  }
0x64: {  	s11 =	simm.s32 $0x80;
	s10 =	simm.s32 $0x128A8;
	[tilespmem:$0xB0] =	vst v17  }
0x65: {  	[tilespmem:s10], [sflag:$0x3] =	stream.indirect.gather [spmem:s3], $0x1, s11, s16, $0xb8;
	[tilespmem:$0x1AA28] =	vst v63  }
0x66: {  	v17 =	vld [tilespmem:$0xC0]  }
0x67: {  	v18 =	vld [tilespmem:$0xD0]  }
0x68: {  	v19 =	vld [tilespmem:$0xE0]  }
0x69: {  	v55 =	vld [tilespmem:$0xF0];
	_ =	sdelay $0x1  }
0x6a: {  	vm4 =	vgt.s32 v17, $0x0  }
0x6b: {  	vm5 =	vgt.s32 v18, $0x0;
	v17 =	vnsel vm4, $0x0, v17  }
0x6c: {  	vm6 =	vgt.s32 v19, $0x0;
	v18 =	vnsel vm5, $0x0, v18;
	v17 =	vmin.u32 v17, $0xF4240  }
0x6d: {  	vm7 =	vgt.s32 v55, $0x0;
	[tilespmem:$0xC0] =	vst v17;
	v17 =	vmin.u32 v18, $0xF4240;
	v18 =	vnsel vm6, $0x0, v19  }
0x6e: {  	[tilespmem:$0xD0] =	vst v17;
	v17 =	vmin.u32 v18, $0xF4240;
	v18 =	vnsel vm7, $0x0, v55  }
0x6f: {  	[tilespmem:$0xE0] =	vst v17;
	v17 =	vmin.u32 v18, $0xF4240  }
0x70: {  	s12 =	simm.s32 $0xC0;
	s11 =	simm.s32 $0x128E8;
	[tilespmem:$0xF0] =	vst v17  }
0x71: {  	[tilespmem:s11], [sflag:$0x4] =	stream.indirect.gather [spmem:s3], $0x1, s12, s16, $0xb8;
	[tilespmem:$0x1AA28] =	vst v63  }
0x72: {  	v17 =	vld [tilespmem:$0x100]  }
0x73: {  	v18 =	vld [tilespmem:$0x110]  }
0x74: {  	v19 =	vld [tilespmem:$0x120]  }
0x75: {  	v56 =	vld [tilespmem:$0x130];
	_ =	sdelay $0x1  }
0x76: {  	vm8 =	vgt.s32 v17, $0x0  }
0x77: {  	vm9 =	vgt.s32 v18, $0x0;
	v17 =	vnsel vm8, $0x0, v17  }
0x78: {  	vm10 =	vgt.s32 v19, $0x0;
	v18 =	vnsel vm9, $0x0, v18;
	v17 =	vmin.u32 v17, $0xF4240  }
0x79: {  	vm11 =	vgt.s32 v56, $0x0;
	[tilespmem:$0x100] =	vst v17;
	v17 =	vmin.u32 v18, $0xF4240;
	v18 =	vnsel vm10, $0x0, v19  }
0x7a: {  	[tilespmem:$0x110] =	vst v17;
	v17 =	vmin.u32 v18, $0xF4240;
	v18 =	vnsel vm11, $0x0, v56  }
0x7b: {  	[tilespmem:$0x120] =	vst v17;
	v17 =	vmin.u32 v18, $0xF4240  }
0x7c: {  	s13 =	simm.s32 $0x100;
	s12 =	simm.s32 $0x12928;
	[tilespmem:$0x130] =	vst v17  }
0x7d: {  	[tilespmem:s12], [sflag:$0x5] =	stream.indirect.gather [spmem:s3], $0x1, s13, s16, $0xb8;
	[tilespmem:$0x1AA28] =	vst v63  }
0x7e: {  	v17 =	vld [tilespmem:$0x140]  }
0x7f: {  	v18 =	vld [tilespmem:$0x150]  }
0x80: {  	v19 =	vld [tilespmem:$0x160]  }
0x81: {  	v57 =	vld [tilespmem:$0x170];
	_ =	sdelay $0x1  }
0x82: {  	vm12 =	vgt.s32 v17, $0x0  }
0x83: {  	vm13 =	vgt.s32 v18, $0x0;
	v17 =	vnsel vm12, $0x0, v17  }
0x84: {  	vm14 =	vgt.s32 v19, $0x0;
	v18 =	vnsel vm13, $0x0, v18;
	v17 =	vmin.u32 v17, $0xF4240  }
0x85: {  	vm15 =	vgt.s32 v57, $0x0;
	[tilespmem:$0x140] =	vst v17;
	v17 =	vmin.u32 v18, $0xF4240;
	v18 =	vnsel vm14, $0x0, v19  }
0x86: {  	[tilespmem:$0x150] =	vst v17;
	v17 =	vmin.u32 v18, $0xF4240;
	v18 =	vnsel vm15, $0x0, v57  }
0x87: {  	[tilespmem:$0x160] =	vst v17;
	v17 =	vmin.u32 v18, $0xF4240  }
0x88: {  	s21 =	simm.s32 $0x140;
	s25 =	simm.s32 $0x12968;
	[tilespmem:$0x170] =	vst v17  }
0x89: {  	[tilespmem:s25], [sflag:$0x6] =	stream.indirect.gather [spmem:s3], $0x1, s21, s16, $0xb8;
	[tilespmem:$0x1AA28] =	vst v63  }
0x8a: {  	v17 =	vld [tilespmem:$0x180]  }
0x8b: {  	v18 =	vld [tilespmem:$0x190]  }
0x8c: {  	v19 =	vld [tilespmem:$0x1A0]  }
0x8d: {  	v58 =	vld [tilespmem:$0x1B0];
	_ =	sdelay $0x1  }
0x8e: {  	vm4 =	vgt.s32 v17, $0x0  }
0x8f: {  	vm5 =	vgt.s32 v18, $0x0;
	v17 =	vnsel vm4, $0x0, v17  }
0x90: {  	vm6 =	vgt.s32 v19, $0x0;
	v18 =	vnsel vm5, $0x0, v18;
	v17 =	vmin.u32 v17, $0xF4240  }
0x91: {  	vm7 =	vgt.s32 v58, $0x0;
	[tilespmem:$0x180] =	vst v17;
	v17 =	vmin.u32 v18, $0xF4240;
	v18 =	vnsel vm6, $0x0, v19  }
0x92: {  	[tilespmem:$0x190] =	vst v17;
	v17 =	vmin.u32 v18, $0xF4240;
	v18 =	vnsel vm7, $0x0, v58  }
0x93: {  	[tilespmem:$0x1A0] =	vst v17;
	v17 =	vmin.u32 v18, $0xF4240  }
0x94: {  	s12 =	simm.s32 $0x180;
	s13 =	simm.s32 $0x129A8;
	[tilespmem:$0x1B0] =	vst v17  }
0x95: {  	[tilespmem:s13], [sflag:$0x7] =	stream.indirect.gather [spmem:s3], $0x1, s12, s16, $0xb8;
	[tilespmem:$0x1AA28] =	vst v63  }
0x96: {  	v17 =	vld [tilespmem:$0x1C0]  }
0x97: {  	v18 =	vld [tilespmem:$0x1D0]  }
0x98: {  	v19 =	vld [tilespmem:$0x1E0]  }
0x99: {  	v59 =	vld [tilespmem:$0x1F0];
	_ =	sdelay $0x1  }
0x9a: {  	vm8 =	vgt.s32 v17, $0x0  }
0x9b: {  	vm9 =	vgt.s32 v18, $0x0;
	v17 =	vnsel vm8, $0x0, v17  }
0x9c: {  	vm10 =	vgt.s32 v19, $0x0;
	v18 =	vnsel vm9, $0x0, v18;
	v17 =	vmin.u32 v17, $0xF4240  }
0x9d: {  	vm11 =	vgt.s32 v59, $0x0;
	[tilespmem:$0x1C0] =	vst v17;
	v17 =	vmin.u32 v18, $0xF4240;
	v18 =	vnsel vm10, $0x0, v19  }
0x9e: {  	[tilespmem:$0x1D0] =	vst v17;
	v17 =	vmin.u32 v18, $0xF4240;
	v18 =	vnsel vm11, $0x0, v59  }
0x9f: {  	[tilespmem:$0x1E0] =	vst v17;
	v17 =	vmin.u32 v18, $0xF4240  }
0xa0: {  	s21 =	simm.s32 $0x1C0;
	s25 =	simm.s32 $0x129E8;
	s13 =	simm.s32 $0x1;
	[tilespmem:$0x1F0] =	vst v17  }
0xa1: {  	[tilespmem:s25], [sflag:$0x8] =	stream.indirect.gather [spmem:s3], $0x1, s21, s16, $0xb8;
	[tilespmem:$0x1AA28] =	vst v63  }
0xa2: {  	_ =	swait.ge [sflag:s13], $0x40  }
0xa3: {  	[sflag:s13] =	ssyncset.done $0x0  }
0xa4: {  	[sflag:s13] =	ssyncadd.s32 $0xFFFFFFC0  }
0xa5: {  	v17 =	vld [tilespmem:$0x12828]  }
0xa6: {  	v18 =	vld [tilespmem:$0x12838]  }
0xa7: {  	v19 =	vld [tilespmem:$0x12848]  }
0xa8: {  	v60 =	vld [tilespmem:$0x12858];
	_ =	sdelay $0x1  }
0xa9: {  	vm12 =	veq.s32 v17, $0x186A0  }
0xaa: {  	vm13 =	veq.s32 v18, $0x186A0;
	v17 =	vsel vm12, v1, v17  }
0xab: {  	vm14 =	veq.s32 v19, $0x186A0;
	[tilespmem:$0x12828] =	vst v17;
	v17 =	vsel vm13, v2, v18  }
0xac: {  	vm15 =	veq.s32 v60, $0x186A0;
	[tilespmem:$0x12838] =	vst v17;
	v17 =	vsel vm14, v3, v19  }
0xad: {  	[tilespmem:$0x12848] =	vst v17;
	v17 =	vsel vm15, v4, v60  }
0xae: {  	s21 =	simm.s32 $0x12A28;
	s25 =	simm.s32 $0x2;
	[tilespmem:$0x12858] =	vst v17  }
0xaf: {  	[tilespmem:s21], [sflag:$0x9] =	stream.indirect.gather [hbm4b:s6+s16], $0x40, s1, s16, $0xb8;
	[tilespmem:$0x1AA28] =	vst v63  }
0xb0: {  	_ =	swait.ge [sflag:s25], $0x40  }
0xb1: {  	[sflag:s25] =	ssyncset.done $0x0  }
0xb2: {  	[sflag:s25] =	ssyncadd.s32 $0xFFFFFFC0  }
0xb3: {  	v17 =	vld [tilespmem:$0x12868]  }
0xb4: {  	v18 =	vld [tilespmem:$0x12878]  }
0xb5: {  	v19 =	vld [tilespmem:$0x12888]  }
0xb6: {  	v61 =	vld [tilespmem:$0x12898];
	_ =	sdelay $0x1  }
0xb7: {  	vm4 =	veq.s32 v17, $0x186A0  }
0xb8: {  	vm5 =	veq.s32 v18, $0x186A0;
	v17 =	vsel vm4, v5, v17  }
0xb9: {  	vm6 =	veq.s32 v19, $0x186A0;
	[tilespmem:$0x12868] =	vst v17;
	v17 =	vsel vm5, v6, v18  }
0xba: {  	vm7 =	veq.s32 v61, $0x186A0;
	[tilespmem:$0x12878] =	vst v17;
	v17 =	vsel vm6, v7, v19  }
0xbb: {  	[tilespmem:$0x12888] =	vst v17;
	v17 =	vsel vm7, v8, v61  }
0xbc: {  	s8 =	simm.s32 $0x13A28;
	s12 =	simm.s32 $0x3;
	[tilespmem:$0x12898] =	vst v17  }
0xbd: {  	[tilespmem:s8], [sflag:$0xA] =	stream.indirect.gather [hbm4b:s6+s16], $0x40, s2, s16, $0xb8;
	[tilespmem:$0x1AA28] =	vst v63  }
0xbe: {  	_ =	swait.ge [sflag:s12], $0x40  }
0xbf: {  	[sflag:s12] =	ssyncset.done $0x0  }
0xc0: {  	[sflag:s12] =	ssyncadd.s32 $0xFFFFFFC0  }
0xc1: {  	v17 =	vld [tilespmem:$0x128A8]  }
0xc2: {  	v18 =	vld [tilespmem:$0x128B8]  }
0xc3: {  	v19 =	vld [tilespmem:$0x128C8]  }
0xc4: {  	v62 =	vld [tilespmem:$0x128D8];
	_ =	sdelay $0x1  }
0xc5: {  	vm8 =	veq.s32 v17, $0x186A0  }
0xc6: {  	vm9 =	veq.s32 v18, $0x186A0;
	v17 =	vsel vm8, v9, v17  }
0xc7: {  	vm10 =	veq.s32 v19, $0x186A0;
	[tilespmem:$0x128A8] =	vst v17;
	v17 =	vsel vm9, v10, v18  }
0xc8: {  	vm11 =	veq.s32 v62, $0x186A0;
	[tilespmem:$0x128B8] =	vst v17;
	v17 =	vsel vm10, v11, v19  }
0xc9: {  	[tilespmem:$0x128C8] =	vst v17;
	v17 =	vsel vm11, v12, v62  }
0xca: {  	s13 =	simm.s32 $0x14A28;
	s21 =	simm.s32 $0x4;
	[tilespmem:$0x128D8] =	vst v17  }
0xcb: {  	[tilespmem:s13], [sflag:$0xB] =	stream.indirect.gather [hbm4b:s6+s16], $0x40, s10, s16, $0xb8;
	[tilespmem:$0x1AA28] =	vst v63  }
0xcc: {  	_ =	swait.ge [sflag:s21], $0x40  }
0xcd: {  	[sflag:s21] =	ssyncset.done $0x0  }
0xce: {  	[sflag:s21] =	ssyncadd.s32 $0xFFFFFFC0  }
0xcf: {  	v17 =	vld [tilespmem:$0x128E8]  }
0xd0: {  	v18 =	vld [tilespmem:$0x128F8]  }
0xd1: {  	v19 =	vld [tilespmem:$0x12908]  }
0xd2: {  	v63 =	vld [tilespmem:$0x12918];
	_ =	sdelay $0x1  }
0xd3: {  	vm12 =	veq.s32 v17, $0x186A0  }
0xd4: {  	vm13 =	veq.s32 v18, $0x186A0;
	v17 =	vsel vm12, v13, v17  }
.Ltmp2:
0xd5: {  	vm14 =	veq.s32 v19, $0x186A0;
	[tilespmem:$0x128E8] =	vst v17;
	v17 =	vsel vm13, v14, v18;
	(pc) =	sbr.rel .LBB2_2-.Ltmp2, $4  }
0xd6: {  	vm15 =	veq.s32 v63, $0x186A0;
	[tilespmem:$0x128F8] =	vst v17;
	v17 =	vsel vm14, v15, v19  }
0xd7: {  	s28 =	simm.s32 $0x2F0;
	s1 =	simm.s32 $0x240;
	[tilespmem:$0x12908] =	vst v17;
	v17 =	vsel vm15, v16, v63  }
0xd8: {  	s25 =	simm.s32 $0x15A28;
	s2 =	simm.s32 $0x8;
	s21 =	rddreg [dreg:$0x2];
	[tilespmem:$0x12918] =	vst v17  }
0xd9: {  	[tilespmem:s25], [sflag:$0xC] =	stream.indirect.gather [hbm4b:s6+s16], $0x40, s11, s16, $0xb8;
	[tilespmem:$0x1AA28] =	vst v63  }
.LBB2_14:
0xda: {  	s28 =	sadd.s32 $0x200, s28  }
0xdb: {  	p1 =	sne.s32 s28, $0x36F0  }
.Ltmp3:
0xdc: {  	_ = 	snop;
	(pc) =	sbr.rel @!p1 .LBB2_15-.Ltmp3, $2  }
0xdd: {  	_ =	sdelay $0x2  }
0xde: {  	s21 =	sadd.s32 $0x1000, s21;
	s2 =	sadd.s32 $0x8, s2;
	s1 =	sadd.s32 $0x200, s1  }
.LBB2_2:
0xdf: {  	_ =	swait.ge [sflag:s30], $0x1000  }
0xe0: {  	[sflag:s30] =	ssyncset.done $0x0;
	s8 =	rddreg [dreg:$0xb]  }
0xe1: {  	s10 =	simm.s32 $0x12A28;
	[sflag:s30] =	ssyncadd.s32 $0xFFFFF000;
	s8 =	sadd.s32 s21, s8  }
0xe2: {  	[hbm4b:s8+s5] =	stream.linear.scatter [tilespmem:s10], [sflag:$0x11], $0x1000, $0x38;
	[tilespmem:$0x1AA28] =	vst v63  }
0xe3: {  	_ =	swait.ge [sflag:s7], $0x40  }
0xe4: {  	[sflag:s7] =	ssyncset.done $0x0  }
0xe5: {  	[sflag:s7] =	ssyncadd.s32 $0xFFFFFFC0  }
0xe6: {  	v17 =	vld [tilespmem:$0x12928]  }
0xe7: {  	s25 =	sadd.s32 s4, s28  }
0xe8: {  	s10 =	sadd.s32 $0xFFFFFE10, s25;
	v18 =	vld [tilespmem:$0x12938]  }
0xe9: {  	v19 =	vadd.s32 s10, v0  }
0xea: {  	s11 =	sadd.s32 $0xFFFFFE20, s25;
	v19 =	vand.u32 $0x7FF, v19;
	v20 =	vld [tilespmem:$0x12948]  }
0xeb: {  	v21 =	vadd.s32 s11, v0;
	v19 =	vadd.s32 $0x186A1, v19;
	v22 =	vld [tilespmem:$0x12958];
	vm0 =	veq.s32 v17, $0x186A0  }
0xec: {  	s12 =	sadd.s32 $0xFFFFFE30, s25;
	v17 =	vsel vm0, v19, v17;
	v19 =	vand.u32 $0x7FF, v21  }
0xed: {  	p1 =	sne.s32 s28, $0x2F0;
	s13 =	sadd.s32 $0xFFFFFE40, s25;
	v62 =	vadd.s32 s12, v0;
	vm13 =	veq.s32 v18, $0x186A0;
	v19 =	vadd.s32 $0x186A1, v19  }
.Ltmp4:
0xee: {  	v63 =	vadd.s32 s13, v0;
	v18 =	vsel vm13, v19, v18;
	v19 =	vand.u32 $0x7FF, v62;
	(pc) =	sbr.rel @p1 .LBB2_4-.Ltmp4, $4  }
0xef: {  	vm14 =	veq.s32 v20, $0x186A0;
	[tilespmem:$0x12928] =	vst v17;
	v17 =	vadd.s32 $0x186A1, v19;
	v19 =	vand.u32 $0x7FF, v63  }
0xf0: {  	vm15 =	veq.s32 v22, $0x186A0;
	[tilespmem:$0x12938] =	vst v18;
	v17 =	vsel vm14, v17, v20;
	v18 =	vadd.s32 $0x186A1, v19  }
0xf1: {  	[tilespmem:$0x12948] =	vst v17;
	v17 =	vsel vm15, v18, v22  }
0xf2: {  	[tilespmem:$0x12958] =	vst v17  }
.Ltmp5:
0xf3: {  	(pc) =	sbr.rel .LBB2_5-.Ltmp5, $3  }
0xf4: {  	_ =	sdelay $0x1  }
0xf5: {  	s8 =	simm.s32 $0x12928;
	s10 =	simm.s32 $0x8  }
0xf6: {  	[tilespmem:s9], [sflag:$0xD] =	stream.indirect.gather [hbm4b:s6+s16], $0x40, s8, s16, $0xb8;
	[tilespmem:$0x1AA28] =	vst v63  }
.LBB2_4:
0xf7: {  	p2 =	seq.s32 s28, $0x34F0  }
.Ltmp6:
0xf8: {  	s8 =	simm.s32 $0x15;
	(pc) =	sbr.rel @p2 .LBB2_6-.Ltmp6, $4  }
0xf9: {  	_ =	swait.ge [sflag:s8], $0x1000  }
0xfa: {  	s13 =	simm.s32 $0x12928;
	[sflag:s8] =	ssyncset.done $0x0  }
0xfb: {  	p1 =	por $0x1, $0x1;
	s10 =	smov.u32 s2;
	[sflag:s8] =	ssyncadd.s32 $0xFFFFF000  }
0xfc: {  	[tilespmem:s9], [sflag:$0xD] =	stream.indirect.gather [hbm4b:s6+s16], $0x40, s13, s16, $0xb8;
	[tilespmem:$0x1AA28] =	vst v63  }
.LBB2_5:
0xfd: {  	s8 =	sshll.u32 s10, $0x8  }
0xfe: {  	s8 =	sshra.s32 s8, $0x2  }
0xff: {  	v17 =	vld [tilespmem:s8+$0x0]  }
0x100: {  	v18 =	vld [tilespmem:s8+$0x10]  }
0x101: {  	v19 =	vld [tilespmem:s8+$0x20]  }
0x102: {  	v20 =	vld [tilespmem:s8+$0x30];
	_ =	sdelay $0x1  }
0x103: {  	vm0 =	vgt.s32 v17, $0x0  }
0x104: {  	vm13 =	vgt.s32 v18, $0x0;
	v17 =	vnsel vm0, $0x0, v17  }
0x105: {  	vm14 =	vgt.s32 v19, $0x0;
	v18 =	vnsel vm13, $0x0, v18;
	v17 =	vmin.u32 v17, $0xF4240  }
0x106: {  	vm15 =	vgt.s32 v20, $0x0;
	[tilespmem:s8+$0x0] =	vst v17;
	v17 =	vmin.u32 v18, $0xF4240;
	v18 =	vnsel vm14, $0x0, v19  }
0x107: {  	[tilespmem:s8+$0x10] =	vst v17;
	v17 =	vnsel vm15, $0x0, v20;
	v18 =	vmin.u32 v18, $0xF4240  }
0x108: {  	[tilespmem:s8+$0x20] =	vst v18;
	v17 =	vmin.u32 v17, $0xF4240  }
0x109: {  	s11 =	simm.s32 $0x12828;
	p1 =	por $0x0, $0x0;
	[tilespmem:s8+$0x30] =	vst v17  }
0x10a: {  	[tilespmem:s11], [sflag:$0x1] =	stream.indirect.gather [spmem:s3], $0x1, s8, s16, $0xb8;
	[tilespmem:$0x1AA28] =	vst v63  }
.LBB2_6:
0x10b: {  	_ =	swait.ge [sflag:s14], $0x1000  }
0x10c: {  	s8 =	rddreg [dreg:$0x6]  }
0x10d: {  	[sflag:s14] =	ssyncset.done $0x0;
	s8 =	sadd.s32 s21, s8  }
0x10e: {  	s12 =	simm.s32 $0x13A28;
	[sflag:s14] =	ssyncadd.s32 $0xFFFFF000;
	s11 =	sadd.s32 $0x200, s8  }
0x10f: {  	[hbm4b:s11+s5] =	stream.linear.scatter [tilespmem:s12], [sflag:$0x12], $0x1000, $0x38;
	[tilespmem:$0x1AA28] =	vst v63  }
0x110: {  	_ =	swait.ge [sflag:s15], $0x40  }
0x111: {  	[sflag:s15] =	ssyncset.done $0x0  }
0x112: {  	[sflag:s15] =	ssyncadd.s32 $0xFFFFFFC0  }
0x113: {  	v17 =	vld [tilespmem:$0x12968];
	_ =	sdelay $0x1  }
0x114: {  	s12 =	sadd.s32 $0xFFFFFE50, s25;
	v18 =	vld [tilespmem:$0x12978]  }
0x115: {  	v19 =	vadd.s32 s12, v0  }
0x116: {  	s13 =	sadd.s32 $0xFFFFFE60, s25;
	v19 =	vand.u32 $0x7FF, v19;
	v20 =	vld [tilespmem:$0x12988]  }
0x117: {  	v21 =	vadd.s32 s13, v0;
	v19 =	vadd.s32 $0x186A1, v19;
	v22 =	vld [tilespmem:$0x12998];
	vm0 =	veq.s32 v17, $0x186A0  }
0x118: {  	s12 =	sadd.s32 $0xFFFFFE70, s25;
	v17 =	vsel vm0, v19, v17;
	v19 =	vand.u32 $0x7FF, v21  }
0x119: {  	s13 =	sadd.s32 $0xFFFFFE80, s25;
	v52 =	vadd.s32 s12, v0;
	vm5 =	veq.s32 v18, $0x186A0;
	v19 =	vadd.s32 $0x186A1, v19  }
0x11a: {  	v53 =	vadd.s32 s13, v0;
	v18 =	vsel vm5, v19, v18;
	v19 =	vand.u32 $0x7FF, v52  }
0x11b: {  	vm6 =	veq.s32 v20, $0x186A0;
	[tilespmem:$0x12968] =	vst v17;
	v17 =	vadd.s32 $0x186A1, v19;
	v19 =	vand.u32 $0x7FF, v53  }
0x11c: {  	vm7 =	veq.s32 v22, $0x186A0;
	[tilespmem:$0x12978] =	vst v18;
	v17 =	vsel vm6, v17, v20;
	v18 =	vadd.s32 $0x186A1, v19  }
0x11d: {  	p2 =	seq.s32 s28, $0x2F0;
	[tilespmem:$0x12988] =	vst v17;
	v17 =	vsel vm7, v18, v22  }
0x11e: {  	s11 =	simm.s32 @!p2 $0x16;
	[tilespmem:$0x12998] =	vst v17  }
0x11f: {  	_ =	swait.ge @!p2 [sflag:s11], $0x1000  }
0x120: {  	[sflag:s11] =	ssyncset.done @!p2 $0x0  }
0x121: {  	s12 =	simm.s32 $0x12968;
	[sflag:s11] =	ssyncadd.s32 @!p2 $0xFFFFF000  }
0x122: {  	[tilespmem:s18], [sflag:$0xE] =	stream.indirect.gather [hbm4b:s6+s16], $0x40, s12, s16, $0xb8;
	[tilespmem:$0x1AA28] =	vst v63  }
0x123: {  	v17 =	vld @!p1 [tilespmem:s1+$0x0];
	_ =	sdelay $0x4  }
0x124: {  	vm0 =	vgt.s32 @!p1 v17, $0x0  }
0x125: {  	v17 =	vnsel @!p1 vm0, $0x0, v17  }
0x126: {  	v17 =	vmin.u32 @!p1 v17, $0xF4240  }
0x127: {  	[tilespmem:s1+$0x0] =	vst @!p1 v17;
	v17 =	vld @!p1 [tilespmem:s1+$0x10];
	_ =	sdelay $0x4  }
0x128: {  	vm0 =	vgt.s32 @!p1 v17, $0x0  }
0x129: {  	v17 =	vnsel @!p1 vm0, $0x0, v17  }
0x12a: {  	v17 =	vmin.u32 @!p1 v17, $0xF4240  }
0x12b: {  	[tilespmem:s1+$0x10] =	vst @!p1 v17;
	v17 =	vld @!p1 [tilespmem:s1+$0x20];
	_ =	sdelay $0x4  }
0x12c: {  	vm0 =	vgt.s32 @!p1 v17, $0x0  }
0x12d: {  	v17 =	vnsel @!p1 vm0, $0x0, v17  }
0x12e: {  	v17 =	vmin.u32 @!p1 v17, $0xF4240  }
0x12f: {  	[tilespmem:s1+$0x20] =	vst @!p1 v17;
	v17 =	vld @!p1 [tilespmem:s1+$0x30];
	_ =	sdelay $0x4  }
0x130: {  	vm0 =	vgt.s32 @!p1 v17, $0x0  }
0x131: {  	v17 =	vnsel @!p1 vm0, $0x0, v17  }
0x132: {  	v17 =	vmin.u32 @!p1 v17, $0xF4240  }
0x133: {  	s11 =	simm.s32 @!p1 $0x40;
	s12 =	simm.s32 @!p1 $0x12868;
	[tilespmem:s1+$0x30] =	vst @!p1 v17  }
0x134: {  	[tilespmem:s12], [sflag:$0x2] =	stream.indirect.gather @!p1 [spmem:s3], $0x1, s1, s11, $0xb8;
	[tilespmem:$0x1AA28] =	vst v63  }
0x135: {  	_ =	swait.ge [sflag:s20], $0x1000  }
0x136: {  	[sflag:s20] =	ssyncset.done $0x0;
	s13 =	rddreg [dreg:$0x8]  }
0x137: {  	[sflag:s20] =	ssyncadd.s32 $0xFFFFF000;
	s12 =	sadd.s32 s21, s13;
	s13 =	simm.s32 $0x14A28  }
0x138: {  	[hbm4b:s12+s5] =	stream.linear.scatter [tilespmem:s13], [sflag:$0x13], $0x1000, $0x38;
	[tilespmem:$0x1AA28] =	vst v63  }
0x139: {  	_ =	swait.ge [sflag:s22], $0x40  }
0x13a: {  	[sflag:s22] =	ssyncset.done $0x0  }
0x13b: {  	[sflag:s22] =	ssyncadd.s32 $0xFFFFFFC0  }
0x13c: {  	v17 =	vld [tilespmem:$0x129A8];
	_ =	sdelay $0x1  }
0x13d: {  	s13 =	sadd.s32 $0xFFFFFE90, s25;
	v18 =	vld [tilespmem:$0x129B8]  }
0x13e: {  	v19 =	vadd.s32 s13, v0  }
0x13f: {  	s13 =	sadd.s32 $0xFFFFFEA0, s25;
	v19 =	vand.u32 $0x7FF, v19;
	v54 =	vld [tilespmem:$0x129C8]  }
0x140: {  	v55 =	vadd.s32 s13, v0;
	v19 =	vadd.s32 $0x186A1, v19;
	v56 =	vld [tilespmem:$0x129D8];
	vm8 =	veq.s32 v17, $0x186A0  }
0x141: {  	s13 =	sadd.s32 $0xFFFFFEB0, s25;
	v17 =	vsel vm8, v19, v17;
	v19 =	vand.u32 $0x7FF, v55  }
0x142: {  	v57 =	vadd.s32 s13, v0;
	s13 =	sadd.s32 $0xFFFFFEC0, s25;
	vm9 =	veq.s32 v18, $0x186A0;
	v19 =	vadd.s32 $0x186A1, v19  }
0x143: {  	v58 =	vadd.s32 s13, v0;
	v18 =	vsel vm9, v19, v18;
	v19 =	vand.u32 $0x7FF, v57  }
0x144: {  	vm10 =	veq.s32 v54, $0x186A0;
	[tilespmem:$0x129A8] =	vst v17;
	v17 =	vadd.s32 $0x186A1, v19;
	v19 =	vand.u32 $0x7FF, v58  }
0x145: {  	vm11 =	veq.s32 v56, $0x186A0;
	[tilespmem:$0x129B8] =	vst v18;
	v17 =	vsel vm10, v17, v54;
	v18 =	vadd.s32 $0x186A1, v19  }
0x146: {  	[tilespmem:$0x129C8] =	vst v17;
	v17 =	vsel vm11, v18, v56  }
0x147: {  	s12 =	simm.s32 @!p2 $0x17;
	[tilespmem:$0x129D8] =	vst v17  }
0x148: {  	_ =	swait.ge @!p2 [sflag:s12], $0x1000  }
0x149: {  	[sflag:s12] =	ssyncset.done @!p2 $0x0  }
0x14a: {  	s13 =	simm.s32 $0x129A8;
	[sflag:s12] =	ssyncadd.s32 @!p2 $0xFFFFF000  }
0x14b: {  	[tilespmem:s17], [sflag:$0xF] =	stream.indirect.gather [hbm4b:s6+s16], $0x40, s13, s16, $0xb8;
	[tilespmem:$0x1AA28] =	vst v63  }
0x14c: {  	v17 =	vld @!p1 [tilespmem:s1+$0x40];
	_ =	sdelay $0x4  }
0x14d: {  	vm0 =	vgt.s32 @!p1 v17, $0x0  }
0x14e: {  	v17 =	vnsel @!p1 vm0, $0x0, v17  }
0x14f: {  	v17 =	vmin.u32 @!p1 v17, $0xF4240  }
0x150: {  	[tilespmem:s1+$0x40] =	vst @!p1 v17;
	v17 =	vld @!p1 [tilespmem:s1+$0x50];
	_ =	sdelay $0x4  }
0x151: {  	vm0 =	vgt.s32 @!p1 v17, $0x0  }
0x152: {  	v17 =	vnsel @!p1 vm0, $0x0, v17  }
0x153: {  	v17 =	vmin.u32 @!p1 v17, $0xF4240  }
0x154: {  	[tilespmem:s1+$0x50] =	vst @!p1 v17;
	v17 =	vld @!p1 [tilespmem:s1+$0x60];
	_ =	sdelay $0x4  }
0x155: {  	vm0 =	vgt.s32 @!p1 v17, $0x0  }
0x156: {  	v17 =	vnsel @!p1 vm0, $0x0, v17  }
0x157: {  	v17 =	vmin.u32 @!p1 v17, $0xF4240  }
0x158: {  	[tilespmem:s1+$0x60] =	vst @!p1 v17;
	v17 =	vld @!p1 [tilespmem:s1+$0x70];
	_ =	sdelay $0x4  }
0x159: {  	vm0 =	vgt.s32 @!p1 v17, $0x0  }
0x15a: {  	v17 =	vnsel @!p1 vm0, $0x0, v17  }
0x15b: {  	v17 =	vmin.u32 @!p1 v17, $0xF4240  }
0x15c: {  	s12 =	sadd.s32 @!p1 $0x40, s1;
	s13 =	simm.s32 @!p1 $0x128A8;
	[tilespmem:s1+$0x70] =	vst @!p1 v17  }
0x15d: {  	[tilespmem:s13], [sflag:$0x3] =	stream.indirect.gather @!p1 [spmem:s3], $0x1, s12, s11, $0xb8;
	[tilespmem:$0x1AA28] =	vst v63  }
0x15e: {  	_ =	swait.ge [sflag:s24], $0x1000  }
0x15f: {  	[sflag:s24] =	ssyncset.done $0x0  }
0x160: {  	s12 =	sadd.s32 $0x600, s8;
	s13 =	simm.s32 $0x15A28;
	[sflag:s24] =	ssyncadd.s32 $0xFFFFF000  }
0x161: {  	[hbm4b:s12+s5] =	stream.linear.scatter [tilespmem:s13], [sflag:$0x14], $0x1000, $0x38;
	[tilespmem:$0x1AA28] =	vst v63  }
0x162: {  	_ =	swait.ge [sflag:s26], $0x40  }
0x163: {  	[sflag:s26] =	ssyncset.done $0x0  }
0x164: {  	[sflag:s26] =	ssyncadd.s32 $0xFFFFFFC0  }
0x165: {  	v17 =	vld [tilespmem:$0x129E8];
	_ =	sdelay $0x1  }
0x166: {  	s12 =	sadd.s32 $0xFFFFFED0, s25;
	v18 =	vld [tilespmem:$0x129F8]  }
0x167: {  	v19 =	vadd.s32 s12, v0  }
0x168: {  	s13 =	sadd.s32 $0xFFFFFEE0, s25;
	v19 =	vand.u32 $0x7FF, v19;
	v59 =	vld [tilespmem:$0x12A08]  }
0x169: {  	v60 =	vadd.s32 s13, v0;
	v19 =	vadd.s32 $0x186A1, v19;
	v61 =	vld [tilespmem:$0x12A18];
	vm12 =	veq.s32 v17, $0x186A0  }
0x16a: {  	s12 =	sadd.s32 $0xFFFFFEF0, s25;
	v17 =	vsel vm12, v19, v17;
	v19 =	vand.u32 $0x7FF, v60  }
0x16b: {  	s13 =	sadd.s32 $0xFFFFFF00, s25;
	v62 =	vadd.s32 s12, v0;
	vm13 =	veq.s32 v18, $0x186A0;
	v19 =	vadd.s32 $0x186A1, v19  }
0x16c: {  	v63 =	vadd.s32 s13, v0;
	v18 =	vsel vm13, v19, v18;
	v19 =	vand.u32 $0x7FF, v62  }
0x16d: {  	vm14 =	veq.s32 v59, $0x186A0;
	[tilespmem:$0x129E8] =	vst v17;
	v17 =	vadd.s32 $0x186A1, v19;
	v19 =	vand.u32 $0x7FF, v63  }
0x16e: {  	vm15 =	veq.s32 v61, $0x186A0;
	[tilespmem:$0x129F8] =	vst v18;
	v17 =	vsel vm14, v17, v59;
	v18 =	vadd.s32 $0x186A1, v19  }
0x16f: {  	[tilespmem:$0x12A08] =	vst v17;
	v17 =	vsel vm15, v18, v61  }
.Ltmp7:
0x170: {  	s11 =	simm.s32 @!p2 $0x18;
	[tilespmem:$0x12A18] =	vst v17;
	(pc) =	sbr.rel @!p1 .LBB2_7-.Ltmp7, $4  }
0x171: {  	_ =	swait.ge @!p2 [sflag:s11], $0x1000  }
0x172: {  	[sflag:s11] =	ssyncset.done @!p2 $0x0;
	s13 =	rddreg [dreg:$0xa]  }
0x173: {  	s12 =	simm.s32 $0x129E8;
	[sflag:s11] =	ssyncadd.s32 @!p2 $0xFFFFF000;
	s11 =	sadd.s32 s21, s13  }
0x174: {  	[tilespmem:s29], [sflag:$0x10] =	stream.indirect.gather [hbm4b:s6+s16], $0x40, s12, s16, $0xb8;
	[tilespmem:$0x1AA28] =	vst v63  }
.Ltmp8:
0x175: {  	(pc) =	sbr.rel .LBB2_9-.Ltmp8, $4  }
0x176: {  	_ =	swait.ge [sflag:s31], $0x1000  }
0x177: {  	[sflag:s31] =	ssyncset.done $0x0  }
0x178: {  	[sflag:s31] =	ssyncadd.s32 $0xFFFFF000  }
0x179: {  	[hbm4b:s11+s5] =	stream.linear.scatter [tilespmem:s9], [sflag:$0x15], $0x1000, $0x38;
	[tilespmem:$0x1AA28] =	vst v63  }
.LBB2_7:
0x17a: {  	v17 =	vld [tilespmem:s1+$0x80];
	_ =	sdelay $0x4  }
0x17b: {  	vm0 =	vgt.s32 v17, $0x0  }
0x17c: {  	v17 =	vnsel vm0, $0x0, v17  }
0x17d: {  	v17 =	vmin.u32 v17, $0xF4240  }
0x17e: {  	[tilespmem:s1+$0x80] =	vst v17;
	v17 =	vld [tilespmem:s1+$0x90];
	_ =	sdelay $0x4  }
0x17f: {  	vm5 =	vgt.s32 v17, $0x0  }
0x180: {  	v17 =	vnsel vm5, $0x0, v17  }
0x181: {  	v17 =	vmin.u32 v17, $0xF4240  }
0x182: {  	[tilespmem:s1+$0x90] =	vst v17;
	v17 =	vld [tilespmem:s1+$0xA0];
	_ =	sdelay $0x4  }
0x183: {  	vm6 =	vgt.s32 v17, $0x0  }
0x184: {  	v17 =	vnsel vm6, $0x0, v17  }
0x185: {  	v17 =	vmin.u32 v17, $0xF4240  }
0x186: {  	[tilespmem:s1+$0xA0] =	vst v17;
	v17 =	vld [tilespmem:s1+$0xB0];
	_ =	sdelay $0x4  }
0x187: {  	vm7 =	vgt.s32 v17, $0x0  }
0x188: {  	v17 =	vnsel vm7, $0x0, v17  }
0x189: {  	v17 =	vmin.u32 v17, $0xF4240  }
0x18a: {  	s12 =	sadd.s32 $0x80, s1;
	s13 =	simm.s32 $0x128E8;
	[tilespmem:s1+$0xB0] =	vst v17  }
0x18b: {  	[tilespmem:s13], [sflag:$0x4] =	stream.indirect.gather [spmem:s3], $0x1, s12, s16, $0xb8;
	[tilespmem:$0x1AA28] =	vst v63  }
0x18c: {  	_ =	swait.ge [sflag:s31], $0x1000  }
0x18d: {  	[sflag:s31] =	ssyncset.done $0x0  }
0x18e: {  	s13 =	simm.s32 $0x1;
	[sflag:s31] =	ssyncadd.s32 $0xFFFFF000  }
0x18f: {  	[hbm4b:s11+s5] =	stream.linear.scatter [tilespmem:s9], [sflag:$0x15], $0x1000, $0x38;
	[tilespmem:$0x1AA28] =	vst v63  }
0x190: {  	_ =	swait.ge [sflag:s13], $0x40  }
0x191: {  	[sflag:s13] =	ssyncset.done $0x0  }
0x192: {  	[sflag:s13] =	ssyncadd.s32 $0xFFFFFFC0  }
0x193: {  	v17 =	vld [tilespmem:$0x12828]  }
0x194: {  	s10 =	sshll.u32 s10, $0x6  }
0x195: {  	s10 =	sadd.s32 s4, s10;
	v18 =	vld [tilespmem:$0x12838]  }
0x196: {  	v19 =	vadd.s32 s10, v0  }
0x197: {  	v19 =	vand.u32 $0x7FF, v19;
	s12 =	sadd.s32 $0x10, s10;
	v20 =	vld [tilespmem:$0x12848]  }
0x198: {  	v19 =	vadd.s32 $0x186A1, v19;
	v21 =	vadd.s32 s12, v0;
	v22 =	vld [tilespmem:$0x12858];
	vm8 =	veq.s32 v17, $0x186A0  }
0x199: {  	s13 =	sadd.s32 $0x20, s10;
	v17 =	vsel vm8, v19, v17;
	v19 =	vand.u32 $0x7FF, v21  }
0x19a: {  	s10 =	sadd.s32 $0x30, s10;
	v62 =	vadd.s32 s13, v0;
	vm9 =	veq.s32 v18, $0x186A0;
	v19 =	vadd.s32 $0x186A1, v19  }
0x19b: {  	v63 =	vadd.s32 s10, v0;
	v18 =	vsel vm9, v19, v18;
	v19 =	vand.u32 $0x7FF, v62  }
0x19c: {  	vm10 =	veq.s32 v20, $0x186A0;
	[tilespmem:$0x12828] =	vst v17;
	v17 =	vadd.s32 $0x186A1, v19;
	v19 =	vand.u32 $0x7FF, v63  }
0x19d: {  	vm11 =	veq.s32 v22, $0x186A0;
	[tilespmem:$0x12838] =	vst v18;
	v17 =	vsel vm10, v17, v20;
	v18 =	vadd.s32 $0x186A1, v19  }
0x19e: {  	[tilespmem:$0x12848] =	vst v17;
	v17 =	vsel vm11, v18, v22  }
0x19f: {  	s11 =	simm.s32 $0x11;
	[tilespmem:$0x12858] =	vst v17  }
0x1a0: {  	_ =	swait.ge [sflag:s11], $0x1000  }
0x1a1: {  	[sflag:s11] =	ssyncset.done $0x0  }
0x1a2: {  	s12 =	simm.s32 $0x12828;
	s13 =	simm.s32 $0x12A28;
	[sflag:s11] =	ssyncadd.s32 $0xFFFFF000  }
0x1a3: {  	[tilespmem:s13], [sflag:$0x9] =	stream.indirect.gather [hbm4b:s6+s16], $0x40, s12, s16, $0xb8;
	[tilespmem:$0x1AA28] =	vst v63  }
0x1a4: {  	v17 =	vld [tilespmem:s1+$0xC0];
	_ =	sdelay $0x4  }
0x1a5: {  	vm12 =	vgt.s32 v17, $0x0  }
0x1a6: {  	v17 =	vnsel vm12, $0x0, v17  }
0x1a7: {  	v17 =	vmin.u32 v17, $0xF4240  }
0x1a8: {  	[tilespmem:s1+$0xC0] =	vst v17;
	v17 =	vld [tilespmem:s1+$0xD0];
	_ =	sdelay $0x4  }
0x1a9: {  	vm13 =	vgt.s32 v17, $0x0  }
0x1aa: {  	v17 =	vnsel vm13, $0x0, v17  }
0x1ab: {  	v17 =	vmin.u32 v17, $0xF4240  }
0x1ac: {  	[tilespmem:s1+$0xD0] =	vst v17;
	v17 =	vld [tilespmem:s1+$0xE0];
	_ =	sdelay $0x4  }
0x1ad: {  	vm14 =	vgt.s32 v17, $0x0  }
0x1ae: {  	v17 =	vnsel vm14, $0x0, v17  }
0x1af: {  	v17 =	vmin.u32 v17, $0xF4240  }
0x1b0: {  	[tilespmem:s1+$0xE0] =	vst v17;
	v17 =	vld [tilespmem:s1+$0xF0];
	_ =	sdelay $0x4  }
0x1b1: {  	vm15 =	vgt.s32 v17, $0x0  }
0x1b2: {  	v17 =	vnsel vm15, $0x0, v17  }
0x1b3: {  	v17 =	vmin.u32 v17, $0xF4240  }
0x1b4: {  	s12 =	sadd.s32 $0xC0, s1;
	s13 =	simm.s32 $0x12928;
	[tilespmem:s1+$0xF0] =	vst v17  }
0x1b5: {  	[tilespmem:s13], [sflag:$0x5] =	stream.indirect.gather [spmem:s3], $0x1, s12, s16, $0xb8;
	[tilespmem:$0x1AA28] =	vst v63  }
.LBB2_9:
.Ltmp9:
0x1b6: {  	_ =	swait.ge [sflag:s0], $0x1000;
	(pc) =	sbr.rel @!p1 .LBB2_10-.Ltmp9, $4  }
0x1b7: {  	[sflag:s0] =	ssyncset.done $0x0  }
0x1b8: {  	s10 =	sadd.s32 $0xA00, s8;
	s13 =	rddreg [dreg:$0x9];
	[sflag:s0] =	ssyncadd.s32 $0xFFFFF000  }
0x1b9: {  	[hbm4b:s10+s5] =	stream.linear.scatter [tilespmem:s18], [sflag:$0x16], $0x1000, $0x38;
	[tilespmem:$0x1AA28] =	vst v63  }
0x1ba: {  	s10 =	sadd.s32 s21, s13  }
.Ltmp10:
0x1bb: {  	(pc) =	sbr.rel .LBB2_12-.Ltmp10, $4  }
0x1bc: {  	_ =	swait.ge [sflag:s19], $0x1000  }
0x1bd: {  	[sflag:s19] =	ssyncset.done $0x0  }
0x1be: {  	[sflag:s19] =	ssyncadd.s32 $0xFFFFF000  }
0x1bf: {  	[hbm4b:s10+s5] =	stream.linear.scatter [tilespmem:s17], [sflag:$0x17], $0x1000, $0x38;
	[tilespmem:$0x1AA28] =	vst v63  }
.LBB2_10:
0x1c0: {  	s11 =	simm.s32 $0x2  }
0x1c1: {  	_ =	swait.ge [sflag:s11], $0x40  }
0x1c2: {  	[sflag:s11] =	ssyncset.done $0x0  }
0x1c3: {  	[sflag:s11] =	ssyncadd.s32 $0xFFFFFFC0  }
0x1c4: {  	v17 =	vld [tilespmem:$0x12868];
	_ =	sdelay $0x1  }
0x1c5: {  	s12 =	sadd.s32 $0xFFFFFF50, s25;
	v18 =	vld [tilespmem:$0x12878]  }
0x1c6: {  	v19 =	vadd.s32 s12, v0  }
0x1c7: {  	s13 =	sadd.s32 $0xFFFFFF60, s25;
	v19 =	vand.u32 $0x7FF, v19;
	v20 =	vld [tilespmem:$0x12888]  }
0x1c8: {  	v21 =	vadd.s32 s13, v0;
	v19 =	vadd.s32 $0x186A1, v19;
	v22 =	vld [tilespmem:$0x12898];
	vm0 =	veq.s32 v17, $0x186A0  }
0x1c9: {  	s12 =	sadd.s32 $0xFFFFFF70, s25;
	v17 =	vsel vm0, v19, v17;
	v19 =	vand.u32 $0x7FF, v21  }
0x1ca: {  	s13 =	sadd.s32 $0xFFFFFF80, s25;
	v57 =	vadd.s32 s12, v0;
	vm13 =	veq.s32 v18, $0x186A0;
	v19 =	vadd.s32 $0x186A1, v19  }
0x1cb: {  	v58 =	vadd.s32 s13, v0;
	v18 =	vsel vm13, v19, v18;
	v19 =	vand.u32 $0x7FF, v57  }
0x1cc: {  	vm14 =	veq.s32 v20, $0x186A0;
	[tilespmem:$0x12868] =	vst v17;
	v17 =	vadd.s32 $0x186A1, v19;
	v19 =	vand.u32 $0x7FF, v58  }
0x1cd: {  	vm15 =	veq.s32 v22, $0x186A0;
	[tilespmem:$0x12878] =	vst v18;
	v17 =	vsel vm14, v17, v20;
	v18 =	vadd.s32 $0x186A1, v19  }
0x1ce: {  	[tilespmem:$0x12888] =	vst v17;
	v17 =	vsel vm15, v18, v22  }
0x1cf: {  	s12 =	simm.s32 $0x12;
	[tilespmem:$0x12898] =	vst v17  }
0x1d0: {  	_ =	swait.ge [sflag:s12], $0x1000  }
0x1d1: {  	[sflag:s12] =	ssyncset.done $0x0  }
0x1d2: {  	s13 =	simm.s32 $0x12868;
	[sflag:s12] =	ssyncadd.s32 $0xFFFFF000;
	s12 =	simm.s32 $0x13A28  }
0x1d3: {  	[tilespmem:s12], [sflag:$0xA] =	stream.indirect.gather [hbm4b:s6+s16], $0x40, s13, s16, $0xb8;
	[tilespmem:$0x1AA28] =	vst v63  }
0x1d4: {  	v17 =	vld [tilespmem:s1+$0x100];
	_ =	sdelay $0x4  }
0x1d5: {  	vm4 =	vgt.s32 v17, $0x0  }
0x1d6: {  	v17 =	vnsel vm4, $0x0, v17  }
0x1d7: {  	v17 =	vmin.u32 v17, $0xF4240  }
0x1d8: {  	[tilespmem:s1+$0x100] =	vst v17;
	v17 =	vld [tilespmem:s1+$0x110];
	_ =	sdelay $0x4  }
0x1d9: {  	vm5 =	vgt.s32 v17, $0x0  }
0x1da: {  	v17 =	vnsel vm5, $0x0, v17  }
0x1db: {  	v17 =	vmin.u32 v17, $0xF4240  }
0x1dc: {  	[tilespmem:s1+$0x110] =	vst v17;
	v17 =	vld [tilespmem:s1+$0x120];
	_ =	sdelay $0x4  }
0x1dd: {  	vm6 =	vgt.s32 v17, $0x0  }
0x1de: {  	v17 =	vnsel vm6, $0x0, v17  }
0x1df: {  	v17 =	vmin.u32 v17, $0xF4240  }
0x1e0: {  	[tilespmem:s1+$0x120] =	vst v17;
	v17 =	vld [tilespmem:s1+$0x130];
	_ =	sdelay $0x4  }
0x1e1: {  	vm7 =	vgt.s32 v17, $0x0  }
0x1e2: {  	v17 =	vnsel vm7, $0x0, v17  }
0x1e3: {  	v17 =	vmin.u32 v17, $0xF4240  }
0x1e4: {  	s12 =	sadd.s32 $0x100, s1;
	s13 =	simm.s32 $0x12968;
	[tilespmem:s1+$0x130] =	vst v17  }
0x1e5: {  	[tilespmem:s13], [sflag:$0x6] =	stream.indirect.gather [spmem:s3], $0x1, s12, s16, $0xb8;
	[tilespmem:$0x1AA28] =	vst v63  }
0x1e6: {  	_ =	swait.ge [sflag:s19], $0x1000  }
0x1e7: {  	[sflag:s19] =	ssyncset.done $0x0  }
0x1e8: {  	s12 =	simm.s32 $0x3;
	[sflag:s19] =	ssyncadd.s32 $0xFFFFF000  }
0x1e9: {  	[hbm4b:s10+s5] =	stream.linear.scatter [tilespmem:s17], [sflag:$0x17], $0x1000, $0x38;
	[tilespmem:$0x1AA28] =	vst v63  }
0x1ea: {  	_ =	swait.ge [sflag:s12], $0x40  }
0x1eb: {  	[sflag:s12] =	ssyncset.done $0x0  }
0x1ec: {  	[sflag:s12] =	ssyncadd.s32 $0xFFFFFFC0  }
0x1ed: {  	v17 =	vld [tilespmem:$0x128A8];
	_ =	sdelay $0x1  }
0x1ee: {  	s13 =	sadd.s32 $0xFFFFFF90, s25;
	v18 =	vld [tilespmem:$0x128B8]  }
0x1ef: {  	v19 =	vadd.s32 s13, v0  }
0x1f0: {  	s11 =	sadd.s32 $0xFFFFFFA0, s25;
	v19 =	vand.u32 $0x7FF, v19;
	v59 =	vld [tilespmem:$0x128C8]  }
0x1f1: {  	v60 =	vadd.s32 s11, v0;
	v19 =	vadd.s32 $0x186A1, v19;
	v61 =	vld [tilespmem:$0x128D8];
	vm8 =	veq.s32 v17, $0x186A0  }
0x1f2: {  	s12 =	sadd.s32 $0xFFFFFFB0, s25;
	v17 =	vsel vm8, v19, v17;
	v19 =	vand.u32 $0x7FF, v60  }
0x1f3: {  	s13 =	sadd.s32 $0xFFFFFFC0, s25;
	v62 =	vadd.s32 s12, v0;
	vm9 =	veq.s32 v18, $0x186A0;
	v19 =	vadd.s32 $0x186A1, v19  }
0x1f4: {  	v63 =	vadd.s32 s13, v0;
	v18 =	vsel vm9, v19, v18;
	v19 =	vand.u32 $0x7FF, v62  }
0x1f5: {  	vm10 =	veq.s32 v59, $0x186A0;
	[tilespmem:$0x128A8] =	vst v17;
	v17 =	vadd.s32 $0x186A1, v19;
	v19 =	vand.u32 $0x7FF, v63  }
0x1f6: {  	vm11 =	veq.s32 v61, $0x186A0;
	[tilespmem:$0x128B8] =	vst v18;
	v17 =	vsel vm10, v17, v59;
	v18 =	vadd.s32 $0x186A1, v19  }
0x1f7: {  	[tilespmem:$0x128C8] =	vst v17;
	v17 =	vsel vm11, v18, v61  }
0x1f8: {  	s11 =	simm.s32 $0x13;
	[tilespmem:$0x128D8] =	vst v17  }
0x1f9: {  	_ =	swait.ge [sflag:s11], $0x1000  }
0x1fa: {  	[sflag:s11] =	ssyncset.done $0x0  }
0x1fb: {  	s13 =	simm.s32 $0x14A28;
	s12 =	simm.s32 $0x128A8;
	[sflag:s11] =	ssyncadd.s32 $0xFFFFF000  }
0x1fc: {  	[tilespmem:s13], [sflag:$0xB] =	stream.indirect.gather [hbm4b:s6+s16], $0x40, s12, s16, $0xb8;
	[tilespmem:$0x1AA28] =	vst v63  }
0x1fd: {  	v17 =	vld [tilespmem:s1+$0x140];
	_ =	sdelay $0x4  }
0x1fe: {  	vm12 =	vgt.s32 v17, $0x0  }
0x1ff: {  	v17 =	vnsel vm12, $0x0, v17  }
0x200: {  	v17 =	vmin.u32 v17, $0xF4240  }
0x201: {  	[tilespmem:s1+$0x140] =	vst v17;
	v17 =	vld [tilespmem:s1+$0x150];
	_ =	sdelay $0x4  }
0x202: {  	vm13 =	vgt.s32 v17, $0x0  }
0x203: {  	v17 =	vnsel vm13, $0x0, v17  }
0x204: {  	v17 =	vmin.u32 v17, $0xF4240  }
0x205: {  	[tilespmem:s1+$0x150] =	vst v17;
	v17 =	vld [tilespmem:s1+$0x160];
	_ =	sdelay $0x4  }
0x206: {  	vm14 =	vgt.s32 v17, $0x0  }
0x207: {  	v17 =	vnsel vm14, $0x0, v17  }
0x208: {  	v17 =	vmin.u32 v17, $0xF4240  }
0x209: {  	[tilespmem:s1+$0x160] =	vst v17;
	v17 =	vld [tilespmem:s1+$0x170];
	_ =	sdelay $0x4  }
0x20a: {  	vm15 =	vgt.s32 v17, $0x0  }
0x20b: {  	v17 =	vnsel vm15, $0x0, v17  }
0x20c: {  	v17 =	vmin.u32 v17, $0xF4240  }
0x20d: {  	s12 =	sadd.s32 $0x140, s1;
	s13 =	simm.s32 $0x129A8;
	[tilespmem:s1+$0x170] =	vst v17  }
0x20e: {  	[tilespmem:s13], [sflag:$0x7] =	stream.indirect.gather [spmem:s3], $0x1, s12, s16, $0xb8;
	[tilespmem:$0x1AA28] =	vst v63  }
.LBB2_12:
.Ltmp11:
0x20f: {  	(pc) =	sbr.rel @p1 .LBB2_14-.Ltmp11, $4  }
0x210: {  	_ =	swait.ge [sflag:s23], $0x1000  }
0x211: {  	[sflag:s23] =	ssyncset.done $0x0  }
0x212: {  	s8 =	sadd.s32 $0xE00, s8;
	[sflag:s23] =	ssyncadd.s32 $0xFFFFF000  }
0x213: {  	[hbm4b:s8+s5] =	stream.linear.scatter [tilespmem:s29], [sflag:$0x18], $0x1000, $0x38;
	[tilespmem:$0x1AA28] =	vst v63  }
0x214: {  	s8 =	simm.s32 $0x4  }
0x215: {  	_ =	swait.ge [sflag:s8], $0x40  }
0x216: {  	[sflag:s8] =	ssyncset.done $0x0  }
0x217: {  	[sflag:s8] =	ssyncadd.s32 $0xFFFFFFC0  }
0x218: {  	v17 =	vld [tilespmem:$0x128E8];
	_ =	sdelay $0x1  }
0x219: {  	s12 =	sadd.s32 $0xFFFFFFD0, s25;
	v18 =	vld [tilespmem:$0x128F8]  }
0x21a: {  	v19 =	vadd.s32 s12, v0  }
0x21b: {  	s13 =	sadd.s32 $0xFFFFFFE0, s25;
	v19 =	vand.u32 $0x7FF, v19;
	v20 =	vld [tilespmem:$0x12908]  }
0x21c: {  	v21 =	vadd.s32 s13, v0;
	v19 =	vadd.s32 $0x186A1, v19;
	v22 =	vld [tilespmem:$0x12918];
	vm0 =	veq.s32 v17, $0x186A0  }
0x21d: {  	s10 =	sadd.s32 $0xFFFFFFF0, s25;
	v17 =	vsel vm0, v19, v17;
	v19 =	vand.u32 $0x7FF, v21  }
0x21e: {  	v62 =	vadd.s32 s10, v0;
	vm9 =	veq.s32 v18, $0x186A0;
	v19 =	vadd.s32 $0x186A1, v19  }
0x21f: {  	v63 =	vadd.s32 s25, v0;
	v18 =	vsel vm9, v19, v18;
	v19 =	vand.u32 $0x7FF, v62  }
0x220: {  	vm10 =	veq.s32 v20, $0x186A0;
	[tilespmem:$0x128E8] =	vst v17;
	v17 =	vadd.s32 $0x186A1, v19;
	v19 =	vand.u32 $0x7FF, v63  }
0x221: {  	vm11 =	veq.s32 v22, $0x186A0;
	[tilespmem:$0x128F8] =	vst v18;
	v17 =	vsel vm10, v17, v20;
	v18 =	vadd.s32 $0x186A1, v19  }
0x222: {  	[tilespmem:$0x12908] =	vst v17;
	v17 =	vsel vm11, v18, v22  }
0x223: {  	s11 =	simm.s32 $0x14;
	[tilespmem:$0x12918] =	vst v17  }
0x224: {  	_ =	swait.ge [sflag:s11], $0x1000  }
0x225: {  	[sflag:s11] =	ssyncset.done $0x0  }
0x226: {  	s12 =	simm.s32 $0x128E8;
	s10 =	simm.s32 $0x15A28;
	[sflag:s11] =	ssyncadd.s32 $0xFFFFF000  }
0x227: {  	[tilespmem:s10], [sflag:$0xC] =	stream.indirect.gather [hbm4b:s6+s16], $0x40, s12, s16, $0xb8;
	[tilespmem:$0x1AA28] =	vst v63  }
0x228: {  	v17 =	vld [tilespmem:s1+$0x180];
	_ =	sdelay $0x4  }
0x229: {  	vm12 =	vgt.s32 v17, $0x0  }
0x22a: {  	v17 =	vnsel vm12, $0x0, v17  }
0x22b: {  	v17 =	vmin.u32 v17, $0xF4240  }
0x22c: {  	[tilespmem:s1+$0x180] =	vst v17;
	v17 =	vld [tilespmem:s1+$0x190];
	_ =	sdelay $0x4  }
0x22d: {  	vm13 =	vgt.s32 v17, $0x0  }
0x22e: {  	v17 =	vnsel vm13, $0x0, v17  }
0x22f: {  	v17 =	vmin.u32 v17, $0xF4240  }
0x230: {  	[tilespmem:s1+$0x190] =	vst v17;
	v17 =	vld [tilespmem:s1+$0x1A0];
	_ =	sdelay $0x4  }
0x231: {  	vm14 =	vgt.s32 v17, $0x0  }
0x232: {  	v17 =	vnsel vm14, $0x0, v17  }
0x233: {  	v17 =	vmin.u32 v17, $0xF4240  }
0x234: {  	[tilespmem:s1+$0x1A0] =	vst v17;
	v17 =	vld [tilespmem:s1+$0x1B0];
	_ =	sdelay $0x4  }
.Ltmp12:
0x235: {  	vm15 =	vgt.s32 v17, $0x0;
	(pc) =	sbr.rel .LBB2_14-.Ltmp12, $4  }
0x236: {  	v17 =	vnsel vm15, $0x0, v17  }
0x237: {  	v17 =	vmin.u32 v17, $0xF4240  }
0x238: {  	s25 =	simm.s32 $0x129E8;
	s13 =	sadd.s32 $0x180, s1;
	[tilespmem:s1+$0x1B0] =	vst v17  }
0x239: {  	[tilespmem:s25], [sflag:$0x8] =	stream.indirect.gather [spmem:s3], $0x1, s13, s16, $0xb8;
	[tilespmem:$0x1AA28] =	vst v63  }
.LBB2_16:
0x23a: {  	_ =	sfence.sel $0x180000  }
0x23b: {  	[bflag:$0x0] =	sbarrier.arrive $0xFFFF  }
0x23c: {  	_ =	strace $0x90000047  }
0x23d: {  	[bflag:$0x2] =	sbarrier.arrive $0xFFFF  }
0x23e: {  	s0 =	rddreg [dreg:$0x4]  }
0x23f: {  	s0 =	sadd.s32 @!p0 $0x100000, s0  }
0x240: {  	[sflag:s0] =	ssyncadd.tile.s32 @!p0 $0x1;
	_ =	shalt  }
.Lfunc_end2:
_tile_overlayer_lowered:
.L_overlay_start_2:
0x241: {  	(tag) =	ssettag $0x2  }
0x242: {  	s0 =	rddreg [dreg:$0x0];
	s2 =	stileid.u32  }
0x243: {  	s1 =	rddreg [dreg:$0x1];
	p0 =	sne.s32 s2, $0x0  }
0x244: {  	s3 =	rddreg [dreg:$0x2];
	[bflag:$0x3] =	sbarrier.arrive $0xFFFF;
	s2 =	simm.s32 @!p0 $0x1C19  }
0x245: {  	[timem:s3], [sflag:s2] =	dma.local @!p0 [hbm:s0], s1  }
0x246: {  	s0 =	simm.s32 @!p0 $0x19  }
0x247: {  	_ =	swait.ge @!p0 [sflag:s0], s1  }
0x248: {  	s1 =	ssub.s32 @!p0 $0x0, s1;
	[sflag:s0] =	ssyncset.done @!p0 $0x0  }
0x249: {  	[sflag:s0] =	ssyncadd.s32 @!p0 s1  }
0x24a: {  	[bflag:$0x3] =	sbarrier.arrive $0xFFFF  }
0x24b: {  	_ =	shalt  }

// kernel: sparse-core-data-format-call.cloned.1.call-start
scs
called_computation_lowered:
.L_overlay_start_0:
0x0: {  	s2 =	sld [smem:$0x3FD9]  }
0x1: {  	s3 =	sld [smem:$0x3FFE];
	_ =	sdelay $0x1  }
0x2: {  	s1 =	srdreg.scid  }
0x3: {  	s0 =	sand.u32 $0x1, s1  }
0x4: {  	s18 =	sshll.u32 s0, $0xA;
	s2 =	sadd.s32 s3, s2  }
0x5: {  	s2 =	sadd.s32 s2, s18  }
0x6: {  	[smem:$0x3FC5] =	sst s2  }
0x7: {  	_ = 	snop  }
0x8: {  	s2 =	sld [smem:$0x3FD0];
	(tm) =	ssettm $0x1  }
0x9: {  	s19 =	sld [smem:$0x3FFB];
	_ =	sdelay $0x3  }
0xa: {  	_ =	strace s19  }
0xb: {  	s3 =	sld [smem:$0x3FFC];
	_ =	sdelay $0x3  }
0xc: {  	_ =	strace s3  }
0xd: {  	s3 =	sld [smem:$0x3FFD];
	_ =	sdelay $0x3  }
0xe: {  	_ =	strace s3  }
0xf: {  	_ =	strace $0x8FFFFFFF  }
0x10: {  	s20 =	sld [smem:$0x3FDB];
	_ =	sdelay $0x1  }
0x11: {  	s4 =	simm.s32 $_scs_section_size  }
0x12: {  	s5 =	simm.s32 $_size__tile_overlayer_lowered;
	s6 =	simm.s32 $_tile_overlayer_lowered  }
0x13: {  	s23 =	simm.s32 $0x1BFF;
	s22 =	sshll.u32 s6, $0x1;
	s3 =	sadd.s32 s4, s20  }
0x14: {  	s7 =	simm.s32 $0x0;
	s21 =	sshll.u32 s5, $0x1;
	s5 =	sadd.s32 s22, s3  }
0x15: {  	[timem:s7], [sflag:s23] =	dma.local [hbm:s5], s21  }
0x16: {  	_ =	swait.ge [sflag:s23], s21  }
0x17: {  	s4 =	ssub.s32 $0x0, s21;
	[sflag:s23] =	ssyncset.done $0x0  }
0x18: {  	[sflag:s23] =	ssyncadd.s32 s4;
	_ =	sdelay $0x1  }
0x19: {  	s24 =	simm.s32 $0x1B8B  }
0x1a: {  	_ =	swait.ge [sflag:s24], $0x1  }
0x1b: {  	[sflag:s24] =	ssyncset.done $0x0  }
0x1c: {  	s26 =	simm.s32 $0x1B8E;
	s25 =	sld [smem:$0x3FFE];
	[sflag:s24] =	ssyncadd.s32 $0xFFFFFFFF  }
0x1d: {  	s27 =	simm.s32 $execute0_lowered;
	[smem:$0x3FD2] =	sst s26  }
0x1e: {  	s5 =	sshll.u32 s27, $0x1;
	_ =	strace $0x80000049;
	[dreg:$0x1] =	wrdreg $0xFFFFFFFF  }
0x1f: {  	s28 =	simm.s32 $_size_execute0_lowered;
	s3 =	sadd.s32 s3, s5;
	[dreg:$0x0] =	wrdreg $0x0  }
0x20: {  	s5 =	sshll.u32 s28, $0x1;
	[dreg:$0x2] =	wrdreg s3  }
0x21: {  	[dreg:$0x3] =	wrdreg s5  }
0x22: {  	[dreg:$0x4] =	wrdreg $0xC0  }
0x23: {  	_ =	task [dreg:s7], $0x5FFFF  }
0x24: {  	[dreg:$0x1] =	wrdreg $0xFFFFFFFF  }
0x25: {  	[dreg:$0x0] =	wrdreg $0x60  }
0x26: {  	[dreg:$0x2] =	wrdreg s25  }
0x27: {  	[dreg:$0x3] =	wrdreg s2  }
0x28: {  	[dreg:$0x4] =	wrdreg $0x9  }
0x29: {  	_ =	task.clear_ibuf [dreg:s7], $0x5FFFF;
	_ =	strace $0x90000049  }
0x2a: {  	s29 =	simm.s32 $0x9;
	_ =	strace $0x8000004B  }
0x2b: {  	_ =	swait.ge [sflag:s29], $0x1  }
0x2c: {  	[sflag:s29] =	ssyncadd.s32 $0xFFFFFFFF  }
0x2d: {  	_ =	strace $0x9000004B  }
0x2e: {  	_ =	sfence  }
0x2f: {  	s30 =	sld [smem:$0x0];
	_ =	sdelay $0x2  }
0x30: {  	s31 =	sshll.u32 s1, $0xD;
	s1 =	sshrl.u32 s1, $0x2  }
0x31: {  	s3 =	sand.u32 $0x4000, s31;
	s1 =	sadd.s32 s1, s30  }
0x32: {  	s0 =	sor.u32 s3, s0;
	s1 =	sshll.u32 s1, $0x11  }
0x33: {  	s0 =	sor.u32 s1, s0  }
0x34: {  	s0 =	sadd.s32 $0x8F2B, s0  }
0x35: {  	[sflag:s0] =	ssyncadd.remote.s32 $0x1  }
0x36: {  	_ =	sfence.sel $0xFFFF  }
0x37: {  	[dreg:$0x0] =	wrdreg $0xFFFFFFFF;
	(pc) =	sbr.abs _section_cstart, $3  }
0x38: {  	[dreg:$0x1] =	wrdreg $0xFFFFFFFF  }
0x39: {  	_ =	task.clear_ibuf [dreg:s7], $0x2FFFF;
	_ =	strace $0x9FFFFFFF  }
0x3a: {  	(tm) =	ssettm $0x7FFFFFFF  }
0x3b: {  	_ =	shalt  }
tec
execute0_lowered:
.L_overlay_start_1:
0x0: {  	(tag) =	ssettag $0x1  }
0x1: {  	s0 =	srdreg.scid  }
0x2: {  	s1 =	sshll.u32 s0, $0x4  }
0x3: {  	s4 =	rddreg [dreg:$0x0];
	s0 =	stileid.u32;
	s1 =	sand.u32 $0x10, s1  }
0x4: {  	s2 =	rddreg [dreg:$0x1];
	s7 =	simm.s32 $0x1;
	s1 =	sor.u32 s0, s1  }
0x5: {  	s8 =	simm.s32 $0x2;
	s11 =	simm.s32 $0x0;
	s3 =	sshll.u32 s1, $0x7  }
0x6: {  	s10 =	simm.s32 $0x0;
	s4 =	sadd.s32 $0x800, s4;
	s6 =	ssub.s32 $0x68000, s3  }
.Ltmp0:
0x7: {  	s1 =	rddreg [dreg:$0x2];
	s5 =	sand.u32 $0xF80, s6;
	(pc) =	sbr.rel .LBB1_1-.Ltmp0, $4  }
0x8: {  	_ =	strace $0x8000004A;
	s9 =	smov.u32 s3;
	p0 =	sne.s32 s5, $0x0  }
0x9: {  	s6 =	sshrl.u32 s6, $0xC;
	s5 =	simm.s32 $0x1;
	s7 =	simm.s32 @!p0 $0x0  }
0xa: {  	[sflag:s5] =	ssyncpa.u1 $0x0;
	p0 =	por $0x0, $0x0;
	s6 =	sadd.s32 s7, s6  }
0xb: {  	[sflag:s8] =	ssyncpa.u1 $0x0;
	s8 =	simm.s32 $0x340000;
	s7 =	sadd.s32 $0x1, s6  }
.LBB1_4:
0xc: {  	s14 =	sshll.u32 s11, $0x3  }
0xd: {  	s30 =	sand.u32 $0x7F, s11;
	s15 =	sand.u32 $0xFFFFFC00, s14  }
0xe: {  	s11 =	sor.u32 s30, s15  }
0xf: {  	s15 =	smulhi.u32 $0x4EC4EC4F, s11  }
0x10: {  	s14 =	smulhi.u32 $0x4EC4EC4F, s14  }
0x11: {  	s15 =	sshrl.u32 s15, $0x11  }
0x12: {  	s14 =	sshrl.u32 s14, $0x11;
	s15 =	smul.u32 $0x68000, s15  }
0x13: {  	s14 =	sand.u32 $0x3F, s14  }
0x14: {  	s14 =	smul.u32 $0xD000, s14;
	s11 =	ssub.s32 s11, s15  }
0x15: {  	[tilespmem:s13+$0x810 ss:$0x81] =	vst.msk $0xffff, v2;
	s15 =	sand.u32 $0x7, s11  }
0x16: {  	[tilespmem:s13+$0x1020 ss:$0x81] =	vst.msk $0xffff, v0;
	s14 =	sadd.s32 s2, s14;
	s11 =	sshrl.u32 s11, $0x3;
	s15 =	sshll.u32 s15, $0x12  }
0x17: {  	[tilespmem:s13+$0x0 ss:$0x81] =	vst.msk $0xffff, v1;
	s11 =	sadd.s32 s11, s14;
	s31 =	sor.u32 $0x400, s15  }
0x18: {  	[hbm4b:s11+s31] =	stream.strided.scatter [tilespmem:s12], [sflag:$0x2], $0x2000, s8, s31, $0x20;
	[tilespmem:$0x8080] =	vst v63  }
.LBB1_5:
0x19: {  	s13 =	sadd.s32 $0x1000, s9  }
0x1a: {  	p2 =	sgt.s32 s13, $0x67FFF  }
0x1b: {  	s13 =	smov.u32 @p2 s3;
	p2 =	sne.s32 s10, s7  }
.Ltmp1:
0x1c: {  	p1 =	slt.u32 s10, $0x2;
	(pc) =	sbr.rel @!p2 .LBB1_6-.Ltmp1, $4  }
0x1d: {  	s12 =	simm.s32 @!p1 $0x2  }
0x1e: {  	s14 =	sadd.s32 $0x1, s10;
	_ =	swait.ge @!p1 [sflag:s12], $0x2000  }
0x1f: {  	s11 =	smov.u32 s9;
	p0 =	por !p0, !p0;
	[sflag:s12] =	ssyncset.done @!p1 $0x0  }
0x20: {  	s10 =	smov.u32 s14;
	s9 =	smov.u32 s13;
	[sflag:s12] =	ssyncadd.s32 @!p1 $0xFFFFE000  }
.LBB1_1:
0x21: {  	p1 =	sge.u32 s10, s6  }
0x22: {  	s12 =	sand.u32 @!p1 $0x1FFFFFF, s9  }
0x23: {  	s13 =	smulhi.u32 @!p1 $0x2762763, s12;
	_ =	sdelay $0x1  }
0x24: {  	s13 =	sshrl.u32 @!p1 s13, $0xC  }
0x25: {  	s13 =	smul.u32 @!p1 $0x68000, s13;
	_ =	sdelay $0x1  }
0x26: {  	s31 =	sadd.s32 $0xFFFFFFFF, s10;
	s14 =	sxor.u32 @!p1 $0xFFFFFFFF, s10;
	s12 =	ssub.s32 @!p1 s12, s13  }
0x27: {  	s15 =	simm.s32 @!p1 $0x80;
	s14 =	sshll.u32 @!p1 s14, $0xD;
	s12 =	sshll.u32 @!p1 s12, $0x4  }
0x28: {  	s13 =	sand.u32 @!p1 $0x2000, s14;
	s14 =	simm.s32 @!p1 $0x40;
	s12 =	sadd.s32 @!p1 s4, s12  }
0x29: {  	[tilespmem:s13], [sflag:$0x1] =	stream.strided.gather @!p1 [hbm4b:s12+s14], $0x2000, s15, s14, $0x38;
	[tilespmem:$0x8080] =	vst v63  }
0x2a: {  	p1 =	sge.u32 s31, s6  }
.Ltmp2:
0x2b: {  	_ = 	snop;
	(pc) =	sbr.rel @p1 .LBB1_5-.Ltmp2, $1  }
0x2c: {  	_ =	sdelay $0x3  }
0x2d: {  	s12 =	simm.s32 $0x1  }
0x2e: {  	_ =	swait.ge [sflag:s5], $0x2000;
	s12 =	simm.s32 @!p0 $0x0  }
0x2f: {  	[sflag:s5] =	ssyncset.done $0x0;
	s13 =	sshll.u32 s12, $0xD  }
0x30: {  	[sflag:s5] =	ssyncadd.s32 $0xFFFFE000;
	s16 =	sor.u32 $0x20, s13  }
0x31: {  	s12 =	smul.u32 $0x8100, s12;
	v3 =	vld [tilespmem:s16+$0x10]  }
0x32: {  	s30 =	sand.u32 $0x1, s10;
	v2 =	vld [tilespmem:s16+$0xFFFFFFF0]  }
0x33: {  	s13 =	smul.u32 $0x8100, s30;
	s12 =	sshrl.u32 s12, $0x2;
	v0 =	vld [tilespmem:s16+$0x0]  }
0x34: {  	v1 =	vld [tilespmem:s16+$0xFFFFFFE0];
	s14 =	sor.u32 $0x4000, s12  }
0x35: {  	s31 =	sshrl.u32 s13, $0x2;
	s13 =	sadd.s32 $0x0, s14  }
0x36: {  	s15 =	simm.s32 $0x4;
	s16 =	sadd.s32 $0x40, s16;
	s12 =	sor.u32 $0x4000, s31;
	[tilespmem:s13+$0x1830 ss:$0x81] =	vst.msk $0xffff, v3  }
.LBB1_3:
0x37: {  	v3 =	vld [tilespmem:s16+$0x10];
	p1 =	sne.s32 s15, $0x1FC;
	[tilespmem:s13+$0x810 ss:$0x81] =	vst.msk $0xffff, v2;
	s17 =	smov.u32 s15;
	s15 =	sadd.s32 $0x4, s15  }
.Ltmp3:
0x38: {  	v2 =	vld [tilespmem:s16+$0xFFFFFFF0];
	[tilespmem:s13+$0x1020 ss:$0x81] =	vst.msk $0xffff, v0;
	(pc) =	sbr.rel @p1 .LBB1_3-.Ltmp3, $4  }
0x39: {  	v0 =	vld [tilespmem:s16+$0x0];
	[tilespmem:s13+$0x0 ss:$0x81] =	vst.msk $0xffff, v1  }
0x3a: {  	s13 =	sshra.s32 s17, $0x2;
	v1 =	vld [tilespmem:s16+$0xFFFFFFE0]  }
0x3b: {  	s13 =	sadd.s32 s13, s14  }
0x3c: {  	s16 =	sadd.s32 $0x40, s16;
	[tilespmem:s13+$0x1830 ss:$0x81] =	vst.msk $0xffff, v3  }
.Ltmp4:
0x3d: {  	_ = 	snop;
	(pc) =	sbr.rel .LBB1_4-.Ltmp4, $1  }
0x3e: {  	_ =	sdelay $0x3  }
.LBB1_6:
0x3f: {  	_ =	sfence.sel $0x180000  }
0x40: {  	s2 =	simm.s32 $0x1;
	[bflag:$0x0] =	sbarrier.arrive $0xFFFF  }
0x41: {  	s31 =	simm.s32 $0x2;
	[sflag:s2] =	ssyncpa.u1 $0x1  }
0x42: {  	[sflag:s31] =	ssyncpa.u1 $0x1  }
0x43: {  	p0 =	sne.s32 s0, $0x0;
	_ =	strace $0x9000004A  }
0x44: {  	s0 =	sadd.s32 @!p0 $0x100000, s1;
	[bflag:$0x2] =	sbarrier.arrive $0xFFFF  }
0x45: {  	[sflag:s0] =	ssyncadd.tile.s32 @!p0 $0x1;
	_ =	shalt  }
.Lfunc_end1:
_tile_overlayer_lowered:
.L_overlay_start_2:
0x46: {  	(tag) =	ssettag $0x2  }
0x47: {  	s0 =	rddreg [dreg:$0x0];
	s2 =	stileid.u32  }
0x48: {  	s1 =	rddreg [dreg:$0x1];
	p0 =	sne.s32 s2, $0x0  }
0x49: {  	s3 =	rddreg [dreg:$0x2];
	[bflag:$0x3] =	sbarrier.arrive $0xFFFF;
	s2 =	simm.s32 @!p0 $0x1C01  }
0x4a: {  	[timem:s3], [sflag:s2] =	dma.local @!p0 [hbm:s0], s1  }
0x4b: {  	s0 =	simm.s32 @!p0 $0x1  }
0x4c: {  	_ =	swait.ge @!p0 [sflag:s0], s1  }
0x4d: {  	s1 =	ssub.s32 @!p0 $0x0, s1;
	[sflag:s0] =	ssyncset.done @!p0 $0x0  }
0x4e: {  	[sflag:s0] =	ssyncadd.s32 @!p0 s1  }
0x4f: {  	[bflag:$0x3] =	sbarrier.arrive $0xFFFF  }
0x50: {  	_ =	shalt  }

</sc_bundles>
